<compile_context>
chip_gen: v7x
topology: tpu7x:2x2x1
jax: 0.10.2.dev20260603
libtpu: 0.0.44.dev20260713+nightly
codegen_flags: <defaults>
</compile_context>

<pallas_src>
import functools
from math import sqrt

import jax
import jax.numpy as jnp
from jax import lax
from jax.experimental import pallas as pl
from jax.experimental.pallas import tpu as pltpu
from jax.experimental.pallas import tpu_sc as plsc

L = 16
NC, NS = 2, 16
NW = NC * NS
CH = 16
NBUF = 5
LOOKAHEAD = 3
BT = 2
G = 8


def _build_sc(B, S, V, D):
    P = S // NW
    NCH = P // CH
    NV = D // L
    T = NCH * B
    scale = float(sqrt(D))
    mesh = plsc.VectorSubcoreMesh(core_axis_name="c", subcore_axis_name="s")

    @functools.partial(
        pl.kernel,
        out_type=jax.ShapeDtypeStruct((B * S, D), jnp.float32),
        mesh=mesh,
        scratch_types=[
            pltpu.VMEM((B, P), jnp.int32),
            [pltpu.VMEM((CH, D), jnp.float32) for _ in range(2)],
            [pltpu.VMEM((CH, D), jnp.float32) for _ in range(NBUF)],
            pltpu.SemaphoreType.DMA,
            pltpu.SemaphoreType.DMA,
            pltpu.SemaphoreType.DMA,
        ],
    )
    def k(xf_hbm, table_hbm, pe_hbm, out_hbm, idx_v, pe_v, gbuf, gsem, wsem, psem):
        wid = lax.axis_index("s") * NC + lax.axis_index("c")
        pos_base = wid * P

        for b in range(B):
            pltpu.sync_copy(xf_hbm.at[pl.ds(b * S + pos_base, P)], idx_v.at[b])

        def row_base(t):
            c, b = divmod(t, B)
            return b * S + pos_base + c * CH

        def start_gather(t):
            c, b = divmod(t, B)
            return pltpu.async_copy(
                table_hbm.at[idx_v.at[b, pl.ds(c * CH, CH)]],
                gbuf[t % NBUF], gsem)

        def start_pe(c):
            return pltpu.async_copy(
                pe_hbm.at[pl.ds(pos_base + c * CH, CH)], pe_v[c % 2], psem)

        pe_copies = [start_pe(0)]
        gathers = [start_gather(t) for t in range(LOOKAHEAD)]
        writes = []

        for t in range(T):
            c, b = divmod(t, B)
            if b == 0:
                pe_copies[c].wait()
                if c + 1 < NCH:
                    pe_copies.append(start_pe(c + 1))
            gathers[t].wait()
            g = gbuf[t % NBUF]
            p = pe_v[c % 2]

            def body(j, _, g=g, p=p):
                sl = pl.ds(j * L, L)
                for r in range(CH):
                    g[r, sl] = g[r, sl] * scale + p[r, sl]
                return _

            lax.fori_loop(0, NV, body, 0)
            writes.append(pltpu.async_copy(
                g, out_hbm.at[pl.ds(row_base(t), CH)], wsem))
            if t + LOOKAHEAD < T:
                prev = t + LOOKAHEAD - NBUF
                if prev >= 0:
                    writes[prev].wait()
                gathers.append(start_gather(t + LOOKAHEAD))
        for t in range(max(0, T - NBUF), T):
            writes[t].wait()

    return k


def _build_tc(NR, S, V, D):
    scale = float(sqrt(D))
    CHT = 16
    NB2 = 4
    LA = 3
    NCHT = NR // CHT

    def body(idx_ref, table, pe_ref, out, gbuf, obuf, gsem, wsem):
        t = pl.program_id(0)

        def issue(c, slot):
            for j in range(CHT):
                pltpu.make_async_copy(
                    table.at[pl.ds(idx_ref[c * CHT + j], 1)],
                    gbuf.at[slot, pl.ds(j, 1)], gsem.at[slot]).start()

        @pl.when(t == 0)
        def _prime():
            for c in range(LA):
                issue(c, c)

        slot = lax.rem(t, NB2)
        pltpu.make_async_copy(
            table.at[pl.ds(0, CHT)], gbuf.at[slot], gsem.at[slot]).wait()

        oslot = lax.rem(t, 2)

        @pl.when(t >= 2)
        def _drain_write():
            pltpu.make_async_copy(
                obuf.at[0], out.at[pl.ds(0, CHT)], wsem.at[oslot]).wait()

        pos = lax.rem(t * CHT, S)
        obuf[oslot] = gbuf[slot] * scale + pe_ref[pl.ds(pos, CHT), :]
        pltpu.make_async_copy(
            obuf.at[oslot], out.at[pl.ds(t * CHT, CHT)], wsem.at[oslot]).start()

        @pl.when(t + LA < NCHT)
        def _next():
            issue(t + LA, lax.rem(t + LA, NB2))

        @pl.when(t == NCHT - 1)
        def _final_drain():
            for o in range(2):
                pltpu.make_async_copy(
                    obuf.at[0], out.at[pl.ds(0, CHT)], wsem.at[o]).wait()

    return pl.pallas_call(
        body,
        grid_spec=pltpu.PrefetchScalarGridSpec(
            num_scalar_prefetch=1,
            grid=(NCHT,),
            in_specs=[
                pl.BlockSpec(memory_space=pltpu.MemorySpace.HBM),
                pl.BlockSpec((S, D), lambda i, idx_ref: (0, 0)),
            ],
            out_specs=pl.BlockSpec(memory_space=pltpu.MemorySpace.HBM),
            scratch_shapes=[
                pltpu.VMEM((NB2, CHT, D), jnp.float32),
                pltpu.VMEM((2, CHT, D), jnp.float32),
                pltpu.SemaphoreType.DMA((NB2,)),
                pltpu.SemaphoreType.DMA((2,)),
            ],
        ),
        out_shape=jax.ShapeDtypeStruct((NR, D), jnp.float32),
        compiler_params=pltpu.CompilerParams(
            dimension_semantics=("arbitrary",)),
    )


def kernel(x, embed_table, pe):
    B, S = x.shape
    V, D = embed_table.shape
    xf = x.reshape(B * S).astype(jnp.int32)
    pe2 = pe.reshape(pe.shape[-2], pe.shape[-1])[:S]

    parts = []
    if BT > 0:
        tc = _build_tc(BT * S, S, V, D)
        parts.append(tc(xf[: BT * S], embed_table, pe2))
    if BT < B:
        sc = _build_sc(B - BT, S, V, D)
        parts.append(sc(xf[BT * S:], embed_table, pe2))
    out = parts[0] if len(parts) == 1 else jnp.concatenate(parts, axis=0)
    return out.reshape(B, S, D)

# --- scband reference (transcript-rebuilt; emitter-appended) ---
"""Pipeline reference for scband-positional-embedding-33337536151663 (READ-ONLY COPY).

The authoritative reference and input builder live on the scoring server;
editing this copy changes nothing except your own understanding.
"""

import jax, jax.numpy as jnp
import numpy as np
from math import log, sqrt

VOCAB = 100000
D_MODEL = 1024
MAX_LEN = 2048
BATCH = 4
SEQ = 2048


def _make_pe(max_len, d_model):
    position = np.arange(0, max_len, dtype=np.float32)[:, None]
    div_term = np.exp(np.arange(0, d_model, 2, dtype=np.float32) * -(log(10000.0) / d_model))
    pe = np.zeros((max_len, d_model), dtype=np.float32)
    pe[:, 0::2] = np.sin(position * div_term)
    pe[:, 1::2] = np.cos(position * div_term)
    return jnp.asarray(pe[None, :, :])  # [1, max_len, d_model]


def setup_inputs(seed: int = 0) -> dict:
    key = jax.random.key(seed)
    k1, k2 = jax.random.split(key)
    x = jax.random.randint(k1, (BATCH, SEQ), 0, VOCAB, dtype=jnp.int64)
    embed_table = jax.random.normal(k2, (VOCAB, D_MODEL), dtype=jnp.float32)
    pe = _make_pe(MAX_LEN, D_MODEL)
    return {"x": x, "embed_table": embed_table, "pe": pe}


def reference(x, embed_table, pe):
    # ScaledEmbedding: gather + scale by sqrt(d_model)
    emb = jnp.take(embed_table, x, axis=0) * sqrt(D_MODEL)
    # PositionalEncoding: add fixed sinusoidal buffer (dropout_prob=0 -> identity)
    out = emb + pe[:, : x.shape[1]]
    return out

if __name__ == "__main__":
    import jax
    _d = setup_inputs()
    print(jax.jit(kernel)(*tuple(_d.values())))

</pallas_src>

<mosaic_0001>
#map = affine_map<(d0, d1) -> (0)>
#map1 = affine_map<(d0, d1) -> (0, 0)>
module attributes {stable_mosaic.version = 14 : i64} {
  func.func @k(%arg0: i32, %arg1: i32, %arg2: memref<4096xi32, #tpu.memory_space<hbm>>, %arg3: memref<100000x1024xf32, #tpu.memory_space<hbm>>, %arg4: memref<2048x1024xf32, #tpu.memory_space<hbm>>, %arg5: memref<4096x1024xf32, #tpu.memory_space<hbm>>, %arg6: memref<2x64xi32, #tpu.memory_space<vmem>>, %arg7: memref<16x1024xf32, #tpu.memory_space<vmem>>, %arg8: memref<16x1024xf32, #tpu.memory_space<vmem>>, %arg9: memref<16x1024xf32, #tpu.memory_space<vmem>>, %arg10: memref<16x1024xf32, #tpu.memory_space<vmem>>, %arg11: memref<16x1024xf32, #tpu.memory_space<vmem>>, %arg12: memref<16x1024xf32, #tpu.memory_space<vmem>>, %arg13: memref<16x1024xf32, #tpu.memory_space<vmem>>, %arg14: memref<!tpu.dma_semaphore, #tpu.memory_space<semaphore_mem>>, %arg15: memref<!tpu.dma_semaphore, #tpu.memory_space<semaphore_mem>>, %arg16: memref<!tpu.dma_semaphore, #tpu.memory_space<semaphore_mem>>) attributes {dimension_semantics = [#tpu.dimension_semantics<core_parallel>, #tpu.dimension_semantics<subcore_parallel>], iteration_bounds = array<i64: 2, 16>, scalar_prefetch = 0 : i64, scratch_operands = 11 : i64, tpu.core_type = #tpu.core_type<sc_vector_subcore>, window_params = [{transform_indices = #map}, {transform_indices = #map1}, {transform_indices = #map1}, {transform_indices = #map1}]} {
    %mul3A = arith.constant 2 : i32
    %mul3A_0 = arith.muli %arg1, %mul3A : i32
    %add3A = arith.addi %mul3A_0, %arg0 : i32
    %mul3A_1 = arith.constant 64 : i32
    %mul3A_2 = arith.muli %add3A, %mul3A_1 : i32
    %add3A_3 = arith.constant 0 : i32
    %add3A_4 = arith.addi %add3A_3, %mul3A_2 : i32
    %run_scoped3A = arith.constant 0 : i32
    "tpu.region"() ({
      %run_scoped3A_301 = tpu.sem_alloc : memref<!tpu.dma_semaphore, #tpu.memory_space<semaphore_mem>>
      %dma_start3A_302 = arith.constant 0 : i32
      %dma_start3A_303 = tpu.memref_slice %arg6[%run_scoped3A, %dma_start3A_302] : memref<2x64xi32, #tpu.memory_space<vmem>> -> memref<1x64xi32, #tpu.memory_space<vmem>>
      %dma_start3A_304 = tpu.memref_squeeze %dma_start3A_303 : memref<1x64xi32, #tpu.memory_space<vmem>> -> memref<64xi32, #tpu.memory_space<vmem>>
      %dma_start3A_305 = tpu.memref_slice %arg2[%add3A_4] : memref<4096xi32, #tpu.memory_space<hbm>> -> memref<64xi32, #tpu.memory_space<hbm>>
      %dma_start3A_306 = arith.constant 0 : i32
      %dma_start3A_307 = tpu.memref_slice %arg6[%run_scoped3A, %dma_start3A_306] : memref<2x64xi32, #tpu.memory_space<vmem>> -> memref<1x64xi32, #tpu.memory_space<vmem>>
      %dma_start3A_308 = tpu.memref_squeeze %dma_start3A_307 : memref<1x64xi32, #tpu.memory_space<vmem>> -> memref<64xi32, #tpu.memory_space<vmem>>
      %dma_start3A_309 = tpu.memref_slice %arg2[%add3A_4] : memref<4096xi32, #tpu.memory_space<hbm>> -> memref<64xi32, #tpu.memory_space<hbm>>
      tpu.enqueue_dma source(%dma_start3A_309 : memref<64xi32, #tpu.memory_space<hbm>>) target(%dma_start3A_308 : memref<64xi32, #tpu.memory_space<vmem>>) target_semaphore(%run_scoped3A_301 : memref<!tpu.dma_semaphore, #tpu.memory_space<semaphore_mem>>)
      %dma_wait3A_310 = arith.constant 0 : i32
      %dma_wait3A_311 = tpu.memref_slice %arg6[%run_scoped3A, %dma_wait3A_310] : memref<2x64xi32, #tpu.memory_space<vmem>> -> memref<1x64xi32, #tpu.memory_space<vmem>>
      %dma_wait3A_312 = tpu.memref_squeeze %dma_wait3A_311 : memref<1x64xi32, #tpu.memory_space<vmem>> -> memref<64xi32, #tpu.memory_space<vmem>>
      %dma_wait3A_313 = tpu.memref_slice %arg2[%add3A_4] : memref<4096xi32, #tpu.memory_space<hbm>> -> memref<64xi32, #tpu.memory_space<hbm>>
      %dma_wait3A_314 = arith.constant 0 : i32
      %dma_wait3A_315 = tpu.memref_slice %arg6[%run_scoped3A, %dma_wait3A_314] : memref<2x64xi32, #tpu.memory_space<vmem>> -> memref<1x64xi32, #tpu.memory_space<vmem>>
      %dma_wait3A_316 = tpu.memref_squeeze %dma_wait3A_315 : memref<1x64xi32, #tpu.memory_space<vmem>> -> memref<64xi32, #tpu.memory_space<vmem>>
      %dma_wait3A_317 = tpu.memref_slice %arg2[%add3A_4] : memref<4096xi32, #tpu.memory_space<hbm>> -> memref<64xi32, #tpu.memory_space<hbm>>
      tpu.wait_dma2 semaphore(%run_scoped3A_301 : memref<!tpu.dma_semaphore, #tpu.memory_space<semaphore_mem>>) src(%dma_wait3A_317 : memref<64xi32, #tpu.memory_space<hbm>>) dst(%dma_wait3A_316 : memref<64xi32, #tpu.memory_space<vmem>>)
      tpu.yield
    }) : () -> ()
    %add3A_5 = arith.constant 2048 : i32
    %add3A_6 = arith.addi %add3A_5, %mul3A_2 : i32
    %run_scoped3A_7 = arith.constant 1 : i32
    "tpu.region"() ({
      %run_scoped3A_301 = tpu.sem_alloc : memref<!tpu.dma_semaphore, #tpu.memory_space<semaphore_mem>>
      %dma_start3A_302 = arith.constant 0 : i32
      %dma_start3A_303 = tpu.memref_slice %arg6[%run_scoped3A_7, %dma_start3A_302] : memref<2x64xi32, #tpu.memory_space<vmem>> -> memref<1x64xi32, #tpu.memory_space<vmem>>
      %dma_start3A_304 = tpu.memref_squeeze %dma_start3A_303 : memref<1x64xi32, #tpu.memory_space<vmem>> -> memref<64xi32, #tpu.memory_space<vmem>>
      %dma_start3A_305 = tpu.memref_slice %arg2[%add3A_6] : memref<4096xi32, #tpu.memory_space<hbm>> -> memref<64xi32, #tpu.memory_space<hbm>>
      %dma_start3A_306 = arith.constant 0 : i32
      %dma_start3A_307 = tpu.memref_slice %arg6[%run_scoped3A_7, %dma_start3A_306] : memref<2x64xi32, #tpu.memory_space<vmem>> -> memref<1x64xi32, #tpu.memory_space<vmem>>
      %dma_start3A_308 = tpu.memref_squeeze %dma_start3A_307 : memref<1x64xi32, #tpu.memory_space<vmem>> -> memref<64xi32, #tpu.memory_space<vmem>>
      %dma_start3A_309 = tpu.memref_slice %arg2[%add3A_6] : memref<4096xi32, #tpu.memory_space<hbm>> -> memref<64xi32, #tpu.memory_space<hbm>>
      tpu.enqueue_dma source(%dma_start3A_309 : memref<64xi32, #tpu.memory_space<hbm>>) target(%dma_start3A_308 : memref<64xi32, #tpu.memory_space<vmem>>) target_semaphore(%run_scoped3A_301 : memref<!tpu.dma_semaphore, #tpu.memory_space<semaphore_mem>>)
      %dma_wait3A_310 = arith.constant 0 : i32
      %dma_wait3A_311 = tpu.memref_slice %arg6[%run_scoped3A_7, %dma_wait3A_310] : memref<2x64xi32, #tpu.memory_space<vmem>> -> memref<1x64xi32, #tpu.memory_space<vmem>>
      %dma_wait3A_312 = tpu.memref_squeeze %dma_wait3A_311 : memref<1x64xi32, #tpu.memory_space<vmem>> -> memref<64xi32, #tpu.memory_space<vmem>>
      %dma_wait3A_313 = tpu.memref_slice %arg2[%add3A_6] : memref<4096xi32, #tpu.memory_space<hbm>> -> memref<64xi32, #tpu.memory_space<hbm>>
      %dma_wait3A_314 = arith.constant 0 : i32
      %dma_wait3A_315 = tpu.memref_slice %arg6[%run_scoped3A_7, %dma_wait3A_314] : memref<2x64xi32, #tpu.memory_space<vmem>> -> memref<1x64xi32, #tpu.memory_space<vmem>>
      %dma_wait3A_316 = tpu.memref_squeeze %dma_wait3A_315 : memref<1x64xi32, #tpu.memory_space<vmem>> -> memref<64xi32, #tpu.memory_space<vmem>>
      %dma_wait3A_317 = tpu.memref_slice %arg2[%add3A_6] : memref<4096xi32, #tpu.memory_space<hbm>> -> memref<64xi32, #tpu.memory_space<hbm>>
      tpu.wait_dma2 semaphore(%run_scoped3A_301 : memref<!tpu.dma_semaphore, #tpu.memory_space<semaphore_mem>>) src(%dma_wait3A_317 : memref<64xi32, #tpu.memory_space<hbm>>) dst(%dma_wait3A_316 : memref<64xi32, #tpu.memory_space<vmem>>)
      tpu.yield
    }) : () -> ()
    %add3A_8 = arith.constant 0 : i32
    %add3A_9 = arith.addi %mul3A_2, %add3A_8 : i32
    %dma_start3A = arith.constant 0 : i32
    %dma_start3A_10 = tpu.memref_slice %arg4[%add3A_9, %dma_start3A] : memref<2048x1024xf32, #tpu.memory_space<hbm>> -> memref<16x1024xf32, #tpu.memory_space<hbm>>
    %dma_start3A_11 = arith.constant 0 : i32
    %dma_start3A_12 = tpu.memref_slice %arg4[%add3A_9, %dma_start3A_11] : memref<2048x1024xf32, #tpu.memory_space<hbm>> -> memref<16x1024xf32, #tpu.memory_space<hbm>>
    tpu.enqueue_dma source(%dma_start3A_12 : memref<16x1024xf32, #tpu.memory_space<hbm>>) target(%arg7 : memref<16x1024xf32, #tpu.memory_space<vmem>>) target_semaphore(%arg16 : memref<!tpu.dma_semaphore, #tpu.memory_space<semaphore_mem>>)
    %dma_start3A_13 = arith.constant 0 : i32
    %dma_start3A_14 = arith.constant 0 : i32
    %dma_start3A_15 = tpu.memref_slice %arg6[%dma_start3A_13, %dma_start3A_14] : memref<2x64xi32, #tpu.memory_space<vmem>> -> memref<1x16xi32, #tpu.memory_space<vmem>>
    %dma_start3A_16 = tpu.memref_squeeze %dma_start3A_15 : memref<1x16xi32, #tpu.memory_space<vmem>> -> memref<16xi32, #tpu.memory_space<vmem>>
    %dma_start3A_17 = arith.constant 0 : i32
    %dma_start3A_18 = arith.constant 0 : i32
    %dma_start3A_19 = tpu.memref_slice %arg3[%dma_start3A_17, %dma_start3A_18] : memref<100000x1024xf32, #tpu.memory_space<hbm>> -> memref<100000x1024xf32, #tpu.memory_space<hbm>>
    tpu.enqueue_indirect_dma source(%dma_start3A_19 : memref<100000x1024xf32, #tpu.memory_space<hbm>>) target(%arg9 : memref<16x1024xf32, #tpu.memory_space<vmem>>) offsets(%dma_start3A_16 : memref<16xi32, #tpu.memory_space<vmem>>) semaphore(%arg14 : memref<!tpu.dma_semaphore, #tpu.memory_space<semaphore_mem>>)
    %dma_start3A_20 = arith.constant 1 : i32
    %dma_start3A_21 = arith.constant 0 : i32
    %dma_start3A_22 = tpu.memref_slice %arg6[%dma_start3A_20, %dma_start3A_21] : memref<2x64xi32, #tpu.memory_space<vmem>> -> memref<1x16xi32, #tpu.memory_space<vmem>>
    %dma_start3A_23 = tpu.memref_squeeze %dma_start3A_22 : memref<1x16xi32, #tpu.memory_space<vmem>> -> memref<16xi32, #tpu.memory_space<vmem>>
    %dma_start3A_24 = arith.constant 0 : i32
    %dma_start3A_25 = arith.constant 0 : i32
    %dma_start3A_26 = tpu.memref_slice %arg3[%dma_start3A_24, %dma_start3A_25] : memref<100000x1024xf32, #tpu.memory_space<hbm>> -> memref<100000x1024xf32, #tpu.memory_space<hbm>>
    tpu.enqueue_indirect_dma source(%dma_start3A_26 : memref<100000x1024xf32, #tpu.memory_space<hbm>>) target(%arg10 : memref<16x1024xf32, #tpu.memory_space<vmem>>) offsets(%dma_start3A_23 : memref<16xi32, #tpu.memory_space<vmem>>) semaphore(%arg14 : memref<!tpu.dma_semaphore, #tpu.memory_space<semaphore_mem>>)
    %dma_start3A_27 = arith.constant 0 : i32
    %dma_start3A_28 = arith.constant 16 : i32
    %dma_start3A_29 = tpu.memref_slice %arg6[%dma_start3A_27, %dma_start3A_28] : memref<2x64xi32, #tpu.memory_space<vmem>> -> memref<1x16xi32, #tpu.memory_space<vmem>>
    %dma_start3A_30 = tpu.memref_squeeze %dma_start3A_29 : memref<1x16xi32, #tpu.memory_space<vmem>> -> memref<16xi32, #tpu.memory_space<vmem>>
    %dma_start3A_31 = arith.constant 0 : i32
    %dma_start3A_32 = arith.constant 0 : i32
    %dma_start3A_33 = tpu.memref_slice %arg3[%dma_start3A_31, %dma_start3A_32] : memref<100000x1024xf32, #tpu.memory_space<hbm>> -> memref<100000x1024xf32, #tpu.memory_space<hbm>>
    tpu.enqueue_indirect_dma source(%dma_start3A_33 : memref<100000x1024xf32, #tpu.memory_space<hbm>>) target(%arg11 : memref<16x1024xf32, #tpu.memory_space<vmem>>) offsets(%dma_start3A_30 : memref<16xi32, #tpu.memory_space<vmem>>) semaphore(%arg14 : memref<!tpu.dma_semaphore, #tpu.memory_space<semaphore_mem>>)
    %dma_wait3A = arith.constant 0 : i32
    %dma_wait3A_34 = tpu.memref_slice %arg4[%add3A_9, %dma_wait3A] : memref<2048x1024xf32, #tpu.memory_space<hbm>> -> memref<16x1024xf32, #tpu.memory_space<hbm>>
    %dma_wait3A_35 = arith.constant 0 : i32
    %dma_wait3A_36 = tpu.memref_slice %arg4[%add3A_9, %dma_wait3A_35] : memref<2048x1024xf32, #tpu.memory_space<hbm>> -> memref<16x1024xf32, #tpu.memory_space<hbm>>
    tpu.wait_dma2 semaphore(%arg16 : memref<!tpu.dma_semaphore, #tpu.memory_space<semaphore_mem>>) src(%dma_wait3A_36 : memref<16x1024xf32, #tpu.memory_space<hbm>>) dst(%arg7 : memref<16x1024xf32, #tpu.memory_space<vmem>>)
    %add3A_37 = arith.constant 16 : i32
    %add3A_38 = arith.addi %mul3A_2, %add3A_37 : i32
    %dma_start3A_39 = arith.constant 0 : i32
    %dma_start3A_40 = tpu.memref_slice %arg4[%add3A_38, %dma_start3A_39] : memref<2048x1024xf32, #tpu.memory_space<hbm>> -> memref<16x1024xf32, #tpu.memory_space<hbm>>
    %dma_start3A_41 = arith.constant 0 : i32
    %dma_start3A_42 = tpu.memref_slice %arg4[%add3A_38, %dma_start3A_41] : memref<2048x1024xf32, #tpu.memory_space<hbm>> -> memref<16x1024xf32, #tpu.memory_space<hbm>>
    tpu.enqueue_dma source(%dma_start3A_42 : memref<16x1024xf32, #tpu.memory_space<hbm>>) target(%arg8 : memref<16x1024xf32, #tpu.memory_space<vmem>>) target_semaphore(%arg16 : memref<!tpu.dma_semaphore, #tpu.memory_space<semaphore_mem>>)
    %dma_wait3A_43 = arith.constant 0 : i32
    %dma_wait3A_44 = arith.constant 0 : i32
    %dma_wait3A_45 = tpu.memref_slice %arg6[%dma_wait3A_43, %dma_wait3A_44] : memref<2x64xi32, #tpu.memory_space<vmem>> -> memref<1x16xi32, #tpu.memory_space<vmem>>
    %dma_wait3A_46 = tpu.memref_squeeze %dma_wait3A_45 : memref<1x16xi32, #tpu.memory_space<vmem>> -> memref<16xi32, #tpu.memory_space<vmem>>
    %dma_wait3A_47 = arith.constant 0 : i32
    %dma_wait3A_48 = arith.constant 0 : i32
    %dma_wait3A_49 = tpu.memref_slice %arg3[%dma_wait3A_47, %dma_wait3A_48] : memref<100000x1024xf32, #tpu.memory_space<hbm>> -> memref<100000x1024xf32, #tpu.memory_space<hbm>>
    tpu.wait_indirect_dma semaphore(%arg14 : memref<!tpu.dma_semaphore, #tpu.memory_space<semaphore_mem>>) src(%dma_wait3A_49 : memref<100000x1024xf32, #tpu.memory_space<hbm>>) dst(%arg9 : memref<16x1024xf32, #tpu.memory_space<vmem>>)
    %scan3A = arith.constant 0 : i32
    %scan3A_50 = arith.constant 0 : i32
    %scan3A_51 = arith.constant 64 : i32
    %scan3A_52 = arith.addi %scan3A_50, %scan3A_51 : i32
    %scan3A_53 = arith.constant 1 : i32
    scf.for %scan3A_301 = %scan3A_50 to %scan3A_52 step %scan3A_53  : i32 {
      %mul3A_302 = arith.constant 16 : i32
      %mul3A_303 = arith.muli %scan3A_301, %mul3A_302 : i32
      %get3A = arith.constant 0 : i32
      %get3A_304 = arith.index_cast %get3A : i32 to index
      %get3A_305 = arith.index_cast %mul3A_303 : i32 to index
      %get3A_306 = tpu.vector_load %arg9[%get3A_304, %get3A_305] {strides = array<i32>} : memref<16x1024xf32, #tpu.memory_space<vmem>>, vector<1x16xf32>,
      %get3A_307 = vector.shape_cast %get3A_306 : vector<1x16xf32> to vector<16xf32>
      %mul3A_308 = arith.constant 3.200000e+01 : f32
      %mul3A_309 = vector.broadcast %mul3A_308 : f32 to vector<16xf32>
      %mul3A_310 = arith.mulf %get3A_307, %mul3A_309 : vector<16xf32>
      %get3A_311 = arith.constant 0 : i32
      %get3A_312 = arith.index_cast %get3A_311 : i32 to index
      %get3A_313 = arith.index_cast %mul3A_303 : i32 to index
      %get3A_314 = tpu.vector_load %arg7[%get3A_312, %get3A_313] {strides = array<i32>} : memref<16x1024xf32, #tpu.memory_space<vmem>>, vector<1x16xf32>,
      %get3A_315 = vector.shape_cast %get3A_314 : vector<1x16xf32> to vector<16xf32>
      %add3A_316 = arith.addf %mul3A_310, %get3A_315 : vector<16xf32>
      %swap3A = arith.constant 0 : i32
      %swap3A_317 = arith.index_cast %swap3A : i32 to index
      %swap3A_318 = arith.index_cast %mul3A_303 : i32 to index
      %swap3A_319 = tpu.vector_load %arg9[%swap3A_317, %swap3A_318] {strides = array<i32>} : memref<16x1024xf32, #tpu.memory_space<vmem>>, vector<1x16xf32>,
      %swap3A_320 = vector.shape_cast %swap3A_319 : vector<1x16xf32> to vector<16xf32>
      %swap3A_321 = vector.shape_cast %add3A_316 : vector<16xf32> to vector<1x16xf32>
      tpu.vector_store %arg9[%swap3A_317, %swap3A_318], %swap3A_321 {strides = array<i32>} : memref<16x1024xf32, #tpu.memory_space<vmem>>, vector<1x16xf32>,
      %get3A_322 = arith.constant 1 : i32
      %get3A_323 = arith.index_cast %get3A_322 : i32 to index
      %get3A_324 = arith.index_cast %mul3A_303 : i32 to index
      %get3A_325 = tpu.vector_load %arg9[%get3A_323, %get3A_324] {strides = array<i32>} : memref<16x1024xf32, #tpu.memory_space<vmem>>, vector<1x16xf32>,
      %get3A_326 = vector.shape_cast %get3A_325 : vector<1x16xf32> to vector<16xf32>
      %mul3A_327 = arith.constant 3.200000e+01 : f32
      %mul3A_328 = vector.broadcast %mul3A_327 : f32 to vector<16xf32>
      %mul3A_329 = arith.mulf %get3A_326, %mul3A_328 : vector<16xf32>
      %get3A_330 = arith.constant 1 : i32
      %get3A_331 = arith.index_cast %get3A_330 : i32 to index
      %get3A_332 = arith.index_cast %mul3A_303 : i32 to index
      %get3A_333 = tpu.vector_load %arg7[%get3A_331, %get3A_332] {strides = array<i32>} : memref<16x1024xf32, #tpu.memory_space<vmem>>, vector<1x16xf32>,
      %get3A_334 = vector.shape_cast %get3A_333 : vector<1x16xf32> to vector<16xf32>
      %add3A_335 = arith.addf %mul3A_329, %get3A_334 : vector<16xf32>
      %swap3A_336 = arith.constant 1 : i32
      %swap3A_337 = arith.index_cast %swap3A_336 : i32 to index
      %swap3A_338 = arith.index_cast %mul3A_303 : i32 to index
      %swap3A_339 = tpu.vector_load %arg9[%swap3A_337, %swap3A_338] {strides = array<i32>} : memref<16x1024xf32, #tpu.memory_space<vmem>>, vector<1x16xf32>,
      %swap3A_340 = vector.shape_cast %swap3A_339 : vector<1x16xf32> to vector<16xf32>
      %swap3A_341 = vector.shape_cast %add3A_335 : vector<16xf32> to vector<1x16xf32>
      tpu.vector_store %arg9[%swap3A_337, %swap3A_338], %swap3A_341 {strides = array<i32>} : memref<16x1024xf32, #tpu.memory_space<vmem>>, vector<1x16xf32>,
      %get3A_342 = arith.constant 2 : i32
      %get3A_343 = arith.index_cast %get3A_342 : i32 to index
      %get3A_344 = arith.index_cast %mul3A_303 : i32 to index
      %get3A_345 = tpu.vector_load %arg9[%get3A_343, %get3A_344] {strides = array<i32>} : memref<16x1024xf32, #tpu.memory_space<vmem>>, vector<1x16xf32>,
      %get3A_346 = vector.shape_cast %get3A_345 : vector<1x16xf32> to vector<16xf32>
      %mul3A_347 = arith.constant 3.200000e+01 : f32
      %mul3A_348 = vector.broadcast %mul3A_347 : f32 to vector<16xf32>
      %mul3A_349 = arith.mulf %get3A_346, %mul3A_348 : vector<16xf32>
      %get3A_350 = arith.constant 2 : i32
      %get3A_351 = arith.index_cast %get3A_350 : i32 to index
      %get3A_352 = arith.index_cast %mul3A_303 : i32 to index
      %get3A_353 = tpu.vector_load %arg7[%get3A_351, %get3A_352] {strides = array<i32>} : memref<16x1024xf32, #tpu.memory_space<vmem>>, vector<1x16xf32>,
      %get3A_354 = vector.shape_cast %get3A_353 : vector<1x16xf32> to vector<16xf32>
      %add3A_355 = arith.addf %mul3A_349, %get3A_354 : vector<16xf32>
      %swap3A_356 = arith.constant 2 : i32
      %swap3A_357 = arith.index_cast %swap3A_356 : i32 to index
      %swap3A_358 = arith.index_cast %mul3A_303 : i32 to index
      %swap3A_359 = tpu.vector_load %arg9[%swap3A_357, %swap3A_358] {strides = array<i32>} : memref<16x1024xf32, #tpu.memory_space<vmem>>, vector<1x16xf32>,
      %swap3A_360 = vector.shape_cast %swap3A_359 : vector<1x16xf32> to vector<16xf32>
      %swap3A_361 = vector.shape_cast %add3A_355 : vector<16xf32> to vector<1x16xf32>
      tpu.vector_store %arg9[%swap3A_357, %swap3A_358], %swap3A_361 {strides = array<i32>} : memref<16x1024xf32, #tpu.memory_space<vmem>>, vector<1x16xf32>,
      %get3A_362 = arith.constant 3 : i32
      %get3A_363 = arith.index_cast %get3A_362 : i32 to index
      %get3A_364 = arith.index_cast %mul3A_303 : i32 to index
      %get3A_365 = tpu.vector_load %arg9[%get3A_363, %get3A_364] {strides = array<i32>} : memref<16x1024xf32, #tpu.memory_space<vmem>>, vector<1x16xf32>,
      %get3A_366 = vector.shape_cast %get3A_365 : vector<1x16xf32> to vector<16xf32>
      %mul3A_367 = arith.constant 3.200000e+01 : f32
      %mul3A_368 = vector.broadcast %mul3A_367 : f32 to vector<16xf32>
      %mul3A_369 = arith.mulf %get3A_366, %mul3A_368 : vector<16xf32>
      %get3A_370 = arith.constant 3 : i32
      %get3A_371 = arith.index_cast %get3A_370 : i32 to index
      %get3A_372 = arith.index_cast %mul3A_303 : i32 to index
      %get3A_373 = tpu.vector_load %arg7[%get3A_371, %get3A_372] {strides = array<i32>} : memref<16x1024xf32, #tpu.memory_space<vmem>>, vector<1x16xf32>,
      %get3A_374 = vector.shape_cast %get3A_373 : vector<1x16xf32> to vector<16xf32>
      %add3A_375 = arith.addf %mul3A_369, %get3A_374 : vector<16xf32>
      %swap3A_376 = arith.constant 3 : i32
      %swap3A_377 = arith.index_cast %swap3A_376 : i32 to index
      %swap3A_378 = arith.index_cast %mul3A_303 : i32 to index
      %swap3A_379 = tpu.vector_load %arg9[%swap3A_377, %swap3A_378] {strides = array<i32>} : memref<16x1024xf32, #tpu.memory_space<vmem>>, vector<1x16xf32>,
      %swap3A_380 = vector.shape_cast %swap3A_379 : vector<1x16xf32> to vector<16xf32>
      %swap3A_381 = vector.shape_cast %add3A_375 : vector<16xf32> to vector<1x16xf32>
      tpu.vector_store %arg9[%swap3A_377, %swap3A_378], %swap3A_381 {strides = array<i32>} : memref<16x1024xf32, #tpu.memory_space<vmem>>, vector<1x16xf32>,
      %get3A_382 = arith.constant 4 : i32
      %get3A_383 = arith.index_cast %get3A_382 : i32 to index
      %get3A_384 = arith.index_cast %mul3A_303 : i32 to index
      %get3A_385 = tpu.vector_load %arg9[%get3A_383, %get3A_384] {strides = array<i32>} : memref<16x1024xf32, #tpu.memory_space<vmem>>, vector<1x16xf32>,
      %get3A_386 = vector.shape_cast %get3A_385 : vector<1x16xf32> to vector<16xf32>
      %mul3A_387 = arith.constant 3.200000e+01 : f32
      %mul3A_388 = vector.broadcast %mul3A_387 : f32 to vector<16xf32>
      %mul3A_389 = arith.mulf %get3A_386, %mul3A_388 : vector<16xf32>
      %get3A_390 = arith.constant 4 : i32
      %get3A_391 = arith.index_cast %get3A_390 : i32 to index
      %get3A_392 = arith.index_cast %mul3A_303 : i32 to index
      %get3A_393 = tpu.vector_load %arg7[%get3A_391, %get3A_392] {strides = array<i32>} : memref<16x1024xf32, #tpu.memory_space<vmem>>, vector<1x16xf32>,
      %get3A_394 = vector.shape_cast %get3A_393 : vector<1x16xf32> to vector<16xf32>
      %add3A_395 = arith.addf %mul3A_389, %get3A_394 : vector<16xf32>
      %swap3A_396 = arith.constant 4 : i32
      %swap3A_397 = arith.index_cast %swap3A_396 : i32 to index
      %swap3A_398 = arith.index_cast %mul3A_303 : i32 to index
      %swap3A_399 = tpu.vector_load %arg9[%swap3A_397, %swap3A_398] {strides = array<i32>} : memref<16x1024xf32, #tpu.memory_space<vmem>>, vector<1x16xf32>,
      %swap3A_400 = vector.shape_cast %swap3A_399 : vector<1x16xf32> to vector<16xf32>
      %swap3A_401 = vector.shape_cast %add3A_395 : vector<16xf32> to vector<1x16xf32>
      tpu.vector_store %arg9[%swap3A_397, %swap3A_398], %swap3A_401 {strides = array<i32>} : memref<16x1024xf32, #tpu.memory_space<vmem>>, vector<1x16xf32>,
      %get3A_402 = arith.constant 5 : i32
      %get3A_403 = arith.index_cast %get3A_402 : i32 to index
      %get3A_404 = arith.index_cast %mul3A_303 : i32 to index
      %get3A_405 = tpu.vector_load %arg9[%get3A_403, %get3A_404] {strides = array<i32>} : memref<16x1024xf32, #tpu.memory_space<vmem>>, vector<1x16xf32>,
      %get3A_406 = vector.shape_cast %get3A_405 : vector<1x16xf32> to vector<16xf32>
      %mul3A_407 = arith.constant 3.200000e+01 : f32
      %mul3A_408 = vector.broadcast %mul3A_407 : f32 to vector<16xf32>
      %mul3A_409 = arith.mulf %get3A_406, %mul3A_408 : vector<16xf32>
      %get3A_410 = arith.constant 5 : i32
      %get3A_411 = arith.index_cast %get3A_410 : i32 to index
      %get3A_412 = arith.index_cast %mul3A_303 : i32 to index
      %get3A_413 = tpu.vector_load %arg7[%get3A_411, %get3A_412] {strides = array<i32>} : memref<16x1024xf32, #tpu.memory_space<vmem>>, vector<1x16xf32>,
      %get3A_414 = vector.shape_cast %get3A_413 : vector<1x16xf32> to vector<16xf32>
      %add3A_415 = arith.addf %mul3A_409, %get3A_414 : vector<16xf32>
      %swap3A_416 = arith.constant 5 : i32
      %swap3A_417 = arith.index_cast %swap3A_416 : i32 to index
      %swap3A_418 = arith.index_cast %mul3A_303 : i32 to index
      %swap3A_419 = tpu.vector_load %arg9[%swap3A_417, %swap3A_418] {strides = array<i32>} : memref<16x1024xf32, #tpu.memory_space<vmem>>, vector<1x16xf32>,
      %swap3A_420 = vector.shape_cast %swap3A_419 : vector<1x16xf32> to vector<16xf32>
      %swap3A_421 = vector.shape_cast %add3A_415 : vector<16xf32> to vector<1x16xf32>
      tpu.vector_store %arg9[%swap3A_417, %swap3A_418], %swap3A_421 {strides = array<i32>} : memref<16x1024xf32, #tpu.memory_space<vmem>>, vector<1x16xf32>,
      %get3A_422 = arith.constant 6 : i32
      %get3A_423 = arith.index_cast %get3A_422 : i32 to index
      %get3A_424 = arith.index_cast %mul3A_303 : i32 to index
      %get3A_425 = tpu.vector_load %arg9[%get3A_423, %get3A_424] {strides = array<i32>} : memref<16x1024xf32, #tpu.memory_space<vmem>>, vector<1x16xf32>,
      %get3A_426 = vector.shape_cast %get3A_425 : vector<1x16xf32> to vector<16xf32>
      %mul3A_427 = arith.constant 3.200000e+01 : f32
      %mul3A_428 = vector.broadcast %mul3A_427 : f32 to vector<16xf32>
      %mul3A_429 = arith.mulf %get3A_426, %mul3A_428 : vector<16xf32>
      %get3A_430 = arith.constant 6 : i32
      %get3A_431 = arith.index_cast %get3A_430 : i32 to index
      %get3A_432 = arith.index_cast %mul3A_303 : i32 to index
      %get3A_433 = tpu.vector_load %arg7[%get3A_431, %get3A_432] {strides = array<i32>} : memref<16x1024xf32, #tpu.memory_space<vmem>>, vector<1x16xf32>,
      %get3A_434 = vector.shape_cast %get3A_433 : vector<1x16xf32> to vector<16xf32>
      %add3A_435 = arith.addf %mul3A_429, %get3A_434 : vector<16xf32>
      %swap3A_436 = arith.constant 6 : i32
      %swap3A_437 = arith.index_cast %swap3A_436 : i32 to index
      %swap3A_438 = arith.index_cast %mul3A_303 : i32 to index
      %swap3A_439 = tpu.vector_load %arg9[%swap3A_437, %swap3A_438] {strides = array<i32>} : memref<16x1024xf32, #tpu.memory_space<vmem>>, vector<1x16xf32>,
      %swap3A_440 = vector.shape_cast %swap3A_439 : vector<1x16xf32> to vector<16xf32>
      %swap3A_441 = vector.shape_cast %add3A_435 : vector<16xf32> to vector<1x16xf32>
      tpu.vector_store %arg9[%swap3A_437, %swap3A_438], %swap3A_441 {strides = array<i32>} : memref<16x1024xf32, #tpu.memory_space<vmem>>, vector<1x16xf32>,
      %get3A_442 = arith.constant 7 : i32
      %get3A_443 = arith.index_cast %get3A_442 : i32 to index
      %get3A_444 = arith.index_cast %mul3A_303 : i32 to index
      %get3A_445 = tpu.vector_load %arg9[%get3A_443, %get3A_444] {strides = array<i32>} : memref<16x1024xf32, #tpu.memory_space<vmem>>, vector<1x16xf32>,
      %get3A_446 = vector.shape_cast %get3A_445 : vector<1x16xf32> to vector<16xf32>
      %mul3A_447 = arith.constant 3.200000e+01 : f32
      %mul3A_448 = vector.broadcast %mul3A_447 : f32 to vector<16xf32>
      %mul3A_449 = arith.mulf %get3A_446, %mul3A_448 : vector<16xf32>
      %get3A_450 = arith.constant 7 : i32
      %get3A_451 = arith.index_cast %get3A_450 : i32 to index
      %get3A_452 = arith.index_cast %mul3A_303 : i32 to index
      %get3A_453 = tpu.vector_load %arg7[%get3A_451, %get3A_452] {strides = array<i32>} : memref<16x1024xf32, #tpu.memory_space<vmem>>, vector<1x16xf32>,
      %get3A_454 = vector.shape_cast %get3A_453 : vector<1x16xf32> to vector<16xf32>
      %add3A_455 = arith.addf %mul3A_449, %get3A_454 : vector<16xf32>
      %swap3A_456 = arith.constant 7 : i32
      %swap3A_457 = arith.index_cast %swap3A_456 : i32 to index
      %swap3A_458 = arith.index_cast %mul3A_303 : i32 to index
      %swap3A_459 = tpu.vector_load %arg9[%swap3A_457, %swap3A_458] {strides = array<i32>} : memref<16x1024xf32, #tpu.memory_space<vmem>>, vector<1x16xf32>,
      %swap3A_460 = vector.shape_cast %swap3A_459 : vector<1x16xf32> to vector<16xf32>
      %swap3A_461 = vector.shape_cast %add3A_455 : vector<16xf32> to vector<1x16xf32>
      tpu.vector_store %arg9[%swap3A_457, %swap3A_458], %swap3A_461 {strides = array<i32>} : memref<16x1024xf32, #tpu.memory_space<vmem>>, vector<1x16xf32>,
      %get3A_462 = arith.constant 8 : i32
      %get3A_463 = arith.index_cast %get3A_462 : i32 to index
      %get3A_464 = arith.index_cast %mul3A_303 : i32 to index
      %get3A_465 = tpu.vector_load %arg9[%get3A_463, %get3A_464] {strides = array<i32>} : memref<16x1024xf32, #tpu.memory_space<vmem>>, vector<1x16xf32>,
      %get3A_466 = vector.shape_cast %get3A_465 : vector<1x16xf32> to vector<16xf32>
      %mul3A_467 = arith.constant 3.200000e+01 : f32
      %mul3A_468 = vector.broadcast %mul3A_467 : f32 to vector<16xf32>
      %mul3A_469 = arith.mulf %get3A_466, %mul3A_468 : vector<16xf32>
      %get3A_470 = arith.constant 8 : i32
      %get3A_471 = arith.index_cast %get3A_470 : i32 to index
      %get3A_472 = arith.index_cast %mul3A_303 : i32 to index
      %get3A_473 = tpu.vector_load %arg7[%get3A_471, %get3A_472] {strides = array<i32>} : memref<16x1024xf32, #tpu.memory_space<vmem>>, vector<1x16xf32>,
      %get3A_474 = vector.shape_cast %get3A_473 : vector<1x16xf32> to vector<16xf32>
      %add3A_475 = arith.addf %mul3A_469, %get3A_474 : vector<16xf32>
      %swap3A_476 = arith.constant 8 : i32
      %swap3A_477 = arith.index_cast %swap3A_476 : i32 to index
      %swap3A_478 = arith.index_cast %mul3A_303 : i32 to index
      %swap3A_479 = tpu.vector_load %arg9[%swap3A_477, %swap3A_478] {strides = array<i32>} : memref<16x1024xf32, #tpu.memory_space<vmem>>, vector<1x16xf32>,
      %swap3A_480 = vector.shape_cast %swap3A_479 : vector<1x16xf32> to vector<16xf32>
      %swap3A_481 = vector.shape_cast %add3A_475 : vector<16xf32> to vector<1x16xf32>
      tpu.vector_store %arg9[%swap3A_477, %swap3A_478], %swap3A_481 {strides = array<i32>} : memref<16x1024xf32, #tpu.memory_space<vmem>>, vector<1x16xf32>,
      %get3A_482 = arith.constant 9 : i32
      %get3A_483 = arith.index_cast %get3A_482 : i32 to index
      %get3A_484 = arith.index_cast %mul3A_303 : i32 to index
      %get3A_485 = tpu.vector_load %arg9[%get3A_483, %get3A_484] {strides = array<i32>} : memref<16x1024xf32, #tpu.memory_space<vmem>>, vector<1x16xf32>,
      %get3A_486 = vector.shape_cast %get3A_485 : vector<1x16xf32> to vector<16xf32>
      %mul3A_487 = arith.constant 3.200000e+01 : f32
      %mul3A_488 = vector.broadcast %mul3A_487 : f32 to vector<16xf32>
      %mul3A_489 = arith.mulf %get3A_486, %mul3A_488 : vector<16xf32>
      %get3A_490 = arith.constant 9 : i32
      %get3A_491 = arith.index_cast %get3A_490 : i32 to index
      %get3A_492 = arith.index_cast %mul3A_303 : i32 to index
      %get3A_493 = tpu.vector_load %arg7[%get3A_491, %get3A_492] {strides = array<i32>} : memref<16x1024xf32, #tpu.memory_space<vmem>>, vector<1x16xf32>,
      %get3A_494 = vector.shape_cast %get3A_493 : vector<1x16xf32> to vector<16xf32>
      %add3A_495 = arith.addf %mul3A_489, %get3A_494 : vector<16xf32>
      %swap3A_496 = arith.constant 9 : i32
      %swap3A_497 = arith.index_cast %swap3A_496 : i32 to index
      %swap3A_498 = arith.index_cast %mul3A_303 : i32 to index
      %swap3A_499 = tpu.vector_load %arg9[%swap3A_497, %swap3A_498] {strides = array<i32>} : memref<16x1024xf32, #tpu.memory_space<vmem>>, vector<1x16xf32>,
      %swap3A_500 = vector.shape_cast %swap3A_499 : vector<1x16xf32> to vector<16xf32>
      %swap3A_501 = vector.shape_cast %add3A_495 : vector<16xf32> to vector<1x16xf32>
      tpu.vector_store %arg9[%swap3A_497, %swap3A_498], %swap3A_501 {strides = array<i32>} : memref<16x1024xf32, #tpu.memory_space<vmem>>, vector<1x16xf32>,
      %get3A_502 = arith.constant 10 : i32
      %get3A_503 = arith.index_cast %get3A_502 : i32 to index
      %get3A_504 = arith.index_cast %mul3A_303 : i32 to index
      %get3A_505 = tpu.vector_load %arg9[%get3A_503, %get3A_504] {strides = array<i32>} : memref<16x1024xf32, #tpu.memory_space<vmem>>, vector<1x16xf32>,
      %get3A_506 = vector.shape_cast %get3A_505 : vector<1x16xf32> to vector<16xf32>
      %mul3A_507 = arith.constant 3.200000e+01 : f32
      %mul3A_508 = vector.broadcast %mul3A_507 : f32 to vector<16xf32>
      %mul3A_509 = arith.mulf %get3A_506, %mul3A_508 : vector<16xf32>
      %get3A_510 = arith.constant 10 : i32
      %get3A_511 = arith.index_cast %get3A_510 : i32 to index
      %get3A_512 = arith.index_cast %mul3A_303 : i32 to index
      %get3A_513 = tpu.vector_load %arg7[%get3A_511, %get3A_512] {strides = array<i32>} : memref<16x1024xf32, #tpu.memory_space<vmem>>, vector<1x16xf32>,
      %get3A_514 = vector.shape_cast %get3A_513 : vector<1x16xf32> to vector<16xf32>
      %add3A_515 = arith.addf %mul3A_509, %get3A_514 : vector<16xf32>
      %swap3A_516 = arith.constant 10 : i32
      %swap3A_517 = arith.index_cast %swap3A_516 : i32 to index
      %swap3A_518 = arith.index_cast %mul3A_303 : i32 to index
      %swap3A_519 = tpu.vector_load %arg9[%swap3A_517, %swap3A_518] {strides = array<i32>} : memref<16x1024xf32, #tpu.memory_space<vmem>>, vector<1x16xf32>,
      %swap3A_520 = vector.shape_cast %swap3A_519 : vector<1x16xf32> to vector<16xf32>
      %swap3A_521 = vector.shape_cast %add3A_515 : vector<16xf32> to vector<1x16xf32>
      tpu.vector_store %arg9[%swap3A_517, %swap3A_518], %swap3A_521 {strides = array<i32>} : memref<16x1024xf32, #tpu.memory_space<vmem>>, vector<1x16xf32>,
      %get3A_522 = arith.constant 11 : i32
      %get3A_523 = arith.index_cast %get3A_522 : i32 to index
      %get3A_524 = arith.index_cast %mul3A_303 : i32 to index
      %get3A_525 = tpu.vector_load %arg9[%get3A_523, %get3A_524] {strides = array<i32>} : memref<16x1024xf32, #tpu.memory_space<vmem>>, vector<1x16xf32>,
      %get3A_526 = vector.shape_cast %get3A_525 : vector<1x16xf32> to vector<16xf32>
      %mul3A_527 = arith.constant 3.200000e+01 : f32
      %mul3A_528 = vector.broadcast %mul3A_527 : f32 to vector<16xf32>
      %mul3A_529 = arith.mulf %get3A_526, %mul3A_528 : vector<16xf32>
      %get3A_530 = arith.constant 11 : i32
      %get3A_531 = arith.index_cast %get3A_530 : i32 to index
      %get3A_532 = arith.index_cast %mul3A_303 : i32 to index
      %get3A_533 = tpu.vector_load %arg7[%get3A_531, %get3A_532] {strides = array<i32>} : memref<16x1024xf32, #tpu.memory_space<vmem>>, vector<1x16xf32>,
      %get3A_534 = vector.shape_cast %get3A_533 : vector<1x16xf32> to vector<16xf32>
      %add3A_535 = arith.addf %mul3A_529, %get3A_534 : vector<16xf32>
      %swap3A_536 = arith.constant 11 : i32
      %swap3A_537 = arith.index_cast %swap3A_536 : i32 to index
      %swap3A_538 = arith.index_cast %mul3A_303 : i32 to index
      %swap3A_539 = tpu.vector_load %arg9[%swap3A_537, %swap3A_538] {strides = array<i32>} : memref<16x1024xf32, #tpu.memory_space<vmem>>, vector<1x16xf32>,
      %swap3A_540 = vector.shape_cast %swap3A_539 : vector<1x16xf32> to vector<16xf32>
      %swap3A_541 = vector.shape_cast %add3A_535 : vector<16xf32> to vector<1x16xf32>
      tpu.vector_store %arg9[%swap3A_537, %swap3A_538], %swap3A_541 {strides = array<i32>} : memref<16x1024xf32, #tpu.memory_space<vmem>>, vector<1x16xf32>,
      %get3A_542 = arith.constant 12 : i32
      %get3A_543 = arith.index_cast %get3A_542 : i32 to index
      %get3A_544 = arith.index_cast %mul3A_303 : i32 to index
      %get3A_545 = tpu.vector_load %arg9[%get3A_543, %get3A_544] {strides = array<i32>} : memref<16x1024xf32, #tpu.memory_space<vmem>>, vector<1x16xf32>,
      %get3A_546 = vector.shape_cast %get3A_545 : vector<1x16xf32> to vector<16xf32>
      %mul3A_547 = arith.constant 3.200000e+01 : f32
      %mul3A_548 = vector.broadcast %mul3A_547 : f32 to vector<16xf32>
      %mul3A_549 = arith.mulf %get3A_546, %mul3A_548 : vector<16xf32>
      %get3A_550 = arith.constant 12 : i32
      %get3A_551 = arith.index_cast %get3A_550 : i32 to index
      %get3A_552 = arith.index_cast %mul3A_303 : i32 to index
      %get3A_553 = tpu.vector_load %arg7[%get3A_551, %get3A_552] {strides = array<i32>} : memref<16x1024xf32, #tpu.memory_space<vmem>>, vector<1x16xf32>,
      %get3A_554 = vector.shape_cast %get3A_553 : vector<1x16xf32> to vector<16xf32>
      %add3A_555 = arith.addf %mul3A_549, %get3A_554 : vector<16xf32>
      %swap3A_556 = arith.constant 12 : i32
      %swap3A_557 = arith.index_cast %swap3A_556 : i32 to index
      %swap3A_558 = arith.index_cast %mul3A_303 : i32 to index
      %swap3A_559 = tpu.vector_load %arg9[%swap3A_557, %swap3A_558] {strides = array<i32>} : memref<16x1024xf32, #tpu.memory_space<vmem>>, vector<1x16xf32>,
      %swap3A_560 = vector.shape_cast %swap3A_559 : vector<1x16xf32> to vector<16xf32>
      %swap3A_561 = vector.shape_cast %add3A_555 : vector<16xf32> to vector<1x16xf32>
      tpu.vector_store %arg9[%swap3A_557, %swap3A_558], %swap3A_561 {strides = array<i32>} : memref<16x1024xf32, #tpu.memory_space<vmem>>, vector<1x16xf32>,
      %get3A_562 = arith.constant 13 : i32
      %get3A_563 = arith.index_cast %get3A_562 : i32 to index
      %get3A_564 = arith.index_cast %mul3A_303 : i32 to index
      %get3A_565 = tpu.vector_load %arg9[%get3A_563, %get3A_564] {strides = array<i32>} : memref<16x1024xf32, #tpu.memory_space<vmem>>, vector<1x16xf32>,
      %get3A_566 = vector.shape_cast %get3A_565 : vector<1x16xf32> to vector<16xf32>
      %mul3A_567 = arith.constant 3.200000e+01 : f32
      %mul3A_568 = vector.broadcast %mul3A_567 : f32 to vector<16xf32>
      %mul3A_569 = arith.mulf %get3A_566, %mul3A_568 : vector<16xf32>
      %get3A_570 = arith.constant 13 : i32
      %get3A_571 = arith.index_cast %get3A_570 : i32 to index
      %get3A_572 = arith.index_cast %mul3A_303 : i32 to index
      %get3A_573 = tpu.vector_load %arg7[%get3A_571, %get3A_572] {strides = array<i32>} : memref<16x1024xf32, #tpu.memory_space<vmem>>, vector<1x16xf32>,
      %get3A_574 = vector.shape_cast %get3A_573 : vector<1x16xf32> to vector<16xf32>
      %add3A_575 = arith.addf %mul3A_569, %get3A_574 : vector<16xf32>
      %swap3A_576 = arith.constant 13 : i32
      %swap3A_577 = arith.index_cast %swap3A_576 : i32 to index
      %swap3A_578 = arith.index_cast %mul3A_303 : i32 to index
      %swap3A_579 = tpu.vector_load %arg9[%swap3A_577, %swap3A_578] {strides = array<i32>} : memref<16x1024xf32, #tpu.memory_space<vmem>>, vector<1x16xf32>,
      %swap3A_580 = vector.shape_cast %swap3A_579 : vector<1x16xf32> to vector<16xf32>
      %swap3A_581 = vector.shape_cast %add3A_575 : vector<16xf32> to vector<1x16xf32>
      tpu.vector_store %arg9[%swap3A_577, %swap3A_578], %swap3A_581 {strides = array<i32>} : memref<16x1024xf32, #tpu.memory_space<vmem>>, vector<1x16xf32>,
      %get3A_582 = arith.constant 14 : i32
      %get3A_583 = arith.index_cast %get3A_582 : i32 to index
      %get3A_584 = arith.index_cast %mul3A_303 : i32 to index
      %get3A_585 = tpu.vector_load %arg9[%get3A_583, %get3A_584] {strides = array<i32>} : memref<16x1024xf32, #tpu.memory_space<vmem>>, vector<1x16xf32>,
      %get3A_586 = vector.shape_cast %get3A_585 : vector<1x16xf32> to vector<16xf32>
      %mul3A_587 = arith.constant 3.200000e+01 : f32
      %mul3A_588 = vector.broadcast %mul3A_587 : f32 to vector<16xf32>
      %mul3A_589 = arith.mulf %get3A_586, %mul3A_588 : vector<16xf32>
      %get3A_590 = arith.constant 14 : i32
      %get3A_591 = arith.index_cast %get3A_590 : i32 to index
      %get3A_592 = arith.index_cast %mul3A_303 : i32 to index
      %get3A_593 = tpu.vector_load %arg7[%get3A_591, %get3A_592] {strides = array<i32>} : memref<16x1024xf32, #tpu.memory_space<vmem>>, vector<1x16xf32>,
      %get3A_594 = vector.shape_cast %get3A_593 : vector<1x16xf32> to vector<16xf32>
      %add3A_595 = arith.addf %mul3A_589, %get3A_594 : vector<16xf32>
      %swap3A_596 = arith.constant 14 : i32
      %swap3A_597 = arith.index_cast %swap3A_596 : i32 to index
      %swap3A_598 = arith.index_cast %mul3A_303 : i32 to index
      %swap3A_599 = tpu.vector_load %arg9[%swap3A_597, %swap3A_598] {strides = array<i32>} : memref<16x1024xf32, #tpu.memory_space<vmem>>, vector<1x16xf32>,
      %swap3A_600 = vector.shape_cast %swap3A_599 : vector<1x16xf32> to vector<16xf32>
      %swap3A_601 = vector.shape_cast %add3A_595 : vector<16xf32> to vector<1x16xf32>
      tpu.vector_store %arg9[%swap3A_597, %swap3A_598], %swap3A_601 {strides = array<i32>} : memref<16x1024xf32, #tpu.memory_space<vmem>>, vector<1x16xf32>,
      %get3A_602 = arith.constant 15 : i32
      %get3A_603 = arith.index_cast %get3A_602 : i32 to index
      %get3A_604 = arith.index_cast %mul3A_303 : i32 to index
      %get3A_605 = tpu.vector_load %arg9[%get3A_603, %get3A_604] {strides = array<i32>} : memref<16x1024xf32, #tpu.memory_space<vmem>>, vector<1x16xf32>,
      %get3A_606 = vector.shape_cast %get3A_605 : vector<1x16xf32> to vector<16xf32>
      %mul3A_607 = arith.constant 3.200000e+01 : f32
      %mul3A_608 = vector.broadcast %mul3A_607 : f32 to vector<16xf32>
      %mul3A_609 = arith.mulf %get3A_606, %mul3A_608 : vector<16xf32>
      %get3A_610 = arith.constant 15 : i32
      %get3A_611 = arith.index_cast %get3A_610 : i32 to index
      %get3A_612 = arith.index_cast %mul3A_303 : i32 to index
      %get3A_613 = tpu.vector_load %arg7[%get3A_611, %get3A_612] {strides = array<i32>} : memref<16x1024xf32, #tpu.memory_space<vmem>>, vector<1x16xf32>,
      %get3A_614 = vector.shape_cast %get3A_613 : vector<1x16xf32> to vector<16xf32>
      %add3A_615 = arith.addf %mul3A_609, %get3A_614 : vector<16xf32>
      %swap3A_616 = arith.constant 15 : i32
      %swap3A_617 = arith.index_cast %swap3A_616 : i32 to index
      %swap3A_618 = arith.index_cast %mul3A_303 : i32 to index
      %swap3A_619 = tpu.vector_load %arg9[%swap3A_617, %swap3A_618] {strides = array<i32>} : memref<16x1024xf32, #tpu.memory_space<vmem>>, vector<1x16xf32>,
      %swap3A_620 = vector.shape_cast %swap3A_619 : vector<1x16xf32> to vector<16xf32>
      %swap3A_621 = vector.shape_cast %add3A_615 : vector<16xf32> to vector<1x16xf32>
      tpu.vector_store %arg9[%swap3A_617, %swap3A_618], %swap3A_621 {strides = array<i32>} : memref<16x1024xf32, #tpu.memory_space<vmem>>, vector<1x16xf32>,
    }
    %scan3A_54 = arith.constant 64 : i32
    %add3A_55 = arith.constant 0 : i32
    %add3A_56 = arith.addi %add3A_55, %mul3A_2 : i32
    %add3A_57 = arith.constant 0 : i32
    %add3A_58 = arith.addi %add3A_56, %add3A_57 : i32
    %dma_start3A_59 = arith.constant 0 : i32
    %dma_start3A_60 = tpu.memref_slice %arg5[%add3A_58, %dma_start3A_59] : memref<4096x1024xf32, #tpu.memory_space<hbm>> -> memref<16x1024xf32, #tpu.memory_space<hbm>>
    %dma_start3A_61 = arith.constant 0 : i32
    %dma_start3A_62 = tpu.memref_slice %arg5[%add3A_58, %dma_start3A_61] : memref<4096x1024xf32, #tpu.memory_space<hbm>> -> memref<16x1024xf32, #tpu.memory_space<hbm>>
    tpu.enqueue_dma source(%arg9 : memref<16x1024xf32, #tpu.memory_space<vmem>>) target(%dma_start3A_62 : memref<16x1024xf32, #tpu.memory_space<hbm>>) target_semaphore(%arg15 : memref<!tpu.dma_semaphore, #tpu.memory_space<semaphore_mem>>)
    %dma_start3A_63 = arith.constant 1 : i32
    %dma_start3A_64 = arith.constant 16 : i32
    %dma_start3A_65 = tpu.memref_slice %arg6[%dma_start3A_63, %dma_start3A_64] : memref<2x64xi32, #tpu.memory_space<vmem>> -> memref<1x16xi32, #tpu.memory_space<vmem>>
    %dma_start3A_66 = tpu.memref_squeeze %dma_start3A_65 : memref<1x16xi32, #tpu.memory_space<vmem>> -> memref<16xi32, #tpu.memory_space<vmem>>
    %dma_start3A_67 = arith.constant 0 : i32
    %dma_start3A_68 = arith.constant 0 : i32
    %dma_start3A_69 = tpu.memref_slice %arg3[%dma_start3A_67, %dma_start3A_68] : memref<100000x1024xf32, #tpu.memory_space<hbm>> -> memref<100000x1024xf32, #tpu.memory_space<hbm>>
    tpu.enqueue_indirect_dma source(%dma_start3A_69 : memref<100000x1024xf32, #tpu.memory_space<hbm>>) target(%arg12 : memref<16x1024xf32, #tpu.memory_space<vmem>>) offsets(%dma_start3A_66 : memref<16xi32, #tpu.memory_space<vmem>>) semaphore(%arg14 : memref<!tpu.dma_semaphore, #tpu.memory_space<semaphore_mem>>)
    %dma_wait3A_70 = arith.constant 1 : i32
    %dma_wait3A_71 = arith.constant 0 : i32
    %dma_wait3A_72 = tpu.memref_slice %arg6[%dma_wait3A_70, %dma_wait3A_71] : memref<2x64xi32, #tpu.memory_space<vmem>> -> memref<1x16xi32, #tpu.memory_space<vmem>>
    %dma_wait3A_73 = tpu.memref_squeeze %dma_wait3A_72 : memref<1x16xi32, #tpu.memory_space<vmem>> -> memref<16xi32, #tpu.memory_space<vmem>>
    %dma_wait3A_74 = arith.constant 0 : i32
    %dma_wait3A_75 = arith.constant 0 : i32
    %dma_wait3A_76 = tpu.memref_slice %arg3[%dma_wait3A_74, %dma_wait3A_75] : memref<100000x1024xf32, #tpu.memory_space<hbm>> -> memref<100000x1024xf32, #tpu.memory_space<hbm>>
    tpu.wait_indirect_dma semaphore(%arg14 : memref<!tpu.dma_semaphore, #tpu.memory_space<semaphore_mem>>) src(%dma_wait3A_76 : memref<100000x1024xf32, #tpu.memory_space<hbm>>) dst(%arg10 : memref<16x1024xf32, #tpu.memory_space<vmem>>)
    %scan3A_77 = arith.constant 0 : i32
    %scan3A_78 = arith.constant 0 : i32
    %scan3A_79 = arith.constant 64 : i32
    %scan3A_80 = arith.addi %scan3A_78, %scan3A_79 : i32
    %scan3A_81 = arith.constant 1 : i32
    scf.for %scan3A_301 = %scan3A_78 to %scan3A_80 step %scan3A_81  : i32 {
      %mul3A_302 = arith.constant 16 : i32
      %mul3A_303 = arith.muli %scan3A_301, %mul3A_302 : i32
      %get3A = arith.constant 0 : i32
      %get3A_304 = arith.index_cast %get3A : i32 to index
      %get3A_305 = arith.index_cast %mul3A_303 : i32 to index
      %get3A_306 = tpu.vector_load %arg10[%get3A_304, %get3A_305] {strides = array<i32>} : memref<16x1024xf32, #tpu.memory_space<vmem>>, vector<1x16xf32>,
      %get3A_307 = vector.shape_cast %get3A_306 : vector<1x16xf32> to vector<16xf32>
      %mul3A_308 = arith.constant 3.200000e+01 : f32
      %mul3A_309 = vector.broadcast %mul3A_308 : f32 to vector<16xf32>
      %mul3A_310 = arith.mulf %get3A_307, %mul3A_309 : vector<16xf32>
      %get3A_311 = arith.constant 0 : i32
      %get3A_312 = arith.index_cast %get3A_311 : i32 to index
      %get3A_313 = arith.index_cast %mul3A_303 : i32 to index
      %get3A_314 = tpu.vector_load %arg7[%get3A_312, %get3A_313] {strides = array<i32>} : memref<16x1024xf32, #tpu.memory_space<vmem>>, vector<1x16xf32>,
      %get3A_315 = vector.shape_cast %get3A_314 : vector<1x16xf32> to vector<16xf32>
      %add3A_316 = arith.addf %mul3A_310, %get3A_315 : vector<16xf32>
      %swap3A = arith.constant 0 : i32
      %swap3A_317 = arith.index_cast %swap3A : i32 to index
      %swap3A_318 = arith.index_cast %mul3A_303 : i32 to index
      %swap3A_319 = tpu.vector_load %arg10[%swap3A_317, %swap3A_318] {strides = array<i32>} : memref<16x1024xf32, #tpu.memory_space<vmem>>, vector<1x16xf32>,
      %swap3A_320 = vector.shape_cast %swap3A_319 : vector<1x16xf32> to vector<16xf32>
      %swap3A_321 = vector.shape_cast %add3A_316 : vector<16xf32> to vector<1x16xf32>
      tpu.vector_store %arg10[%swap3A_317, %swap3A_318], %swap3A_321 {strides = array<i32>} : memref<16x1024xf32, #tpu.memory_space<vmem>>, vector<1x16xf32>,
      %get3A_322 = arith.constant 1 : i32
      %get3A_323 = arith.index_cast %get3A_322 : i32 to index
      %get3A_324 = arith.index_cast %mul3A_303 : i32 to index
      %get3A_325 = tpu.vector_load %arg10[%get3A_323, %get3A_324] {strides = array<i32>} : memref<16x1024xf32, #tpu.memory_space<vmem>>, vector<1x16xf32>,
      %get3A_326 = vector.shape_cast %get3A_325 : vector<1x16xf32> to vector<16xf32>
      %mul3A_327 = arith.constant 3.200000e+01 : f32
      %mul3A_328 = vector.broadcast %mul3A_327 : f32 to vector<16xf32>
      %mul3A_329 = arith.mulf %get3A_326, %mul3A_328 : vector<16xf32>
      %get3A_330 = arith.constant 1 : i32
      %get3A_331 = arith.index_cast %get3A_330 : i32 to index
      %get3A_332 = arith.index_cast %mul3A_303 : i32 to index
      %get3A_333 = tpu.vector_load %arg7[%get3A_331, %get3A_332] {strides = array<i32>} : memref<16x1024xf32, #tpu.memory_space<vmem>>, vector<1x16xf32>,
      %get3A_334 = vector.shape_cast %get3A_333 : vector<1x16xf32> to vector<16xf32>
      %add3A_335 = arith.addf %mul3A_329, %get3A_334 : vector<16xf32>
      %swap3A_336 = arith.constant 1 : i32
      %swap3A_337 = arith.index_cast %swap3A_336 : i32 to index
      %swap3A_338 = arith.index_cast %mul3A_303 : i32 to index
      %swap3A_339 = tpu.vector_load %arg10[%swap3A_337, %swap3A_338] {strides = array<i32>} : memref<16x1024xf32, #tpu.memory_space<vmem>>, vector<1x16xf32>,
      %swap3A_340 = vector.shape_cast %swap3A_339 : vector<1x16xf32> to vector<16xf32>
      %swap3A_341 = vector.shape_cast %add3A_335 : vector<16xf32> to vector<1x16xf32>
      tpu.vector_store %arg10[%swap3A_337, %swap3A_338], %swap3A_341 {strides = array<i32>} : memref<16x1024xf32, #tpu.memory_space<vmem>>, vector<1x16xf32>,
      %get3A_342 = arith.constant 2 : i32
      %get3A_343 = arith.index_cast %get3A_342 : i32 to index
      %get3A_344 = arith.index_cast %mul3A_303 : i32 to index
      %get3A_345 = tpu.vector_load %arg10[%get3A_343, %get3A_344] {strides = array<i32>} : memref<16x1024xf32, #tpu.memory_space<vmem>>, vector<1x16xf32>,
      %get3A_346 = vector.shape_cast %get3A_345 : vector<1x16xf32> to vector<16xf32>
      %mul3A_347 = arith.constant 3.200000e+01 : f32
      %mul3A_348 = vector.broadcast %mul3A_347 : f32 to vector<16xf32>
      %mul3A_349 = arith.mulf %get3A_346, %mul3A_348 : vector<16xf32>
      %get3A_350 = arith.constant 2 : i32
      %get3A_351 = arith.index_cast %get3A_350 : i32 to index
      %get3A_352 = arith.index_cast %mul3A_303 : i32 to index
      %get3A_353 = tpu.vector_load %arg7[%get3A_351, %get3A_352] {strides = array<i32>} : memref<16x1024xf32, #tpu.memory_space<vmem>>, vector<1x16xf32>,
      %get3A_354 = vector.shape_cast %get3A_353 : vector<1x16xf32> to vector<16xf32>
      %add3A_355 = arith.addf %mul3A_349, %get3A_354 : vector<16xf32>
      %swap3A_356 = arith.constant 2 : i32
      %swap3A_357 = arith.index_cast %swap3A_356 : i32 to index
      %swap3A_358 = arith.index_cast %mul3A_303 : i32 to index
      %swap3A_359 = tpu.vector_load %arg10[%swap3A_357, %swap3A_358] {strides = array<i32>} : memref<16x1024xf32, #tpu.memory_space<vmem>>, vector<1x16xf32>,
      %swap3A_360 = vector.shape_cast %swap3A_359 : vector<1x16xf32> to vector<16xf32>
      %swap3A_361 = vector.shape_cast %add3A_355 : vector<16xf32> to vector<1x16xf32>
      tpu.vector_store %arg10[%swap3A_357, %swap3A_358], %swap3A_361 {strides = array<i32>} : memref<16x1024xf32, #tpu.memory_space<vmem>>, vector<1x16xf32>,
      %get3A_362 = arith.constant 3 : i32
      %get3A_363 = arith.index_cast %get3A_362 : i32 to index
      %get3A_364 = arith.index_cast %mul3A_303 : i32 to index
      %get3A_365 = tpu.vector_load %arg10[%get3A_363, %get3A_364] {strides = array<i32>} : memref<16x1024xf32, #tpu.memory_space<vmem>>, vector<1x16xf32>,
      %get3A_366 = vector.shape_cast %get3A_365 : vector<1x16xf32> to vector<16xf32>
      %mul3A_367 = arith.constant 3.200000e+01 : f32
      %mul3A_368 = vector.broadcast %mul3A_367 : f32 to vector<16xf32>
      %mul3A_369 = arith.mulf %get3A_366, %mul3A_368 : vector<16xf32>
      %get3A_370 = arith.constant 3 : i32
      %get3A_371 = arith.index_cast %get3A_370 : i32 to index
      %get3A_372 = arith.index_cast %mul3A_303 : i32 to index
      %get3A_373 = tpu.vector_load %arg7[%get3A_371, %get3A_372] {strides = array<i32>} : memref<16x1024xf32, #tpu.memory_space<vmem>>, vector<1x16xf32>,
      %get3A_374 = vector.shape_cast %get3A_373 : vector<1x16xf32> to vector<16xf32>
      %add3A_375 = arith.addf %mul3A_369, %get3A_374 : vector<16xf32>
      %swap3A_376 = arith.constant 3 : i32
      %swap3A_377 = arith.index_cast %swap3A_376 : i32 to index
      %swap3A_378 = arith.index_cast %mul3A_303 : i32 to index
      %swap3A_379 = tpu.vector_load %arg10[%swap3A_377, %swap3A_378] {strides = array<i32>} : memref<16x1024xf32, #tpu.memory_space<vmem>>, vector<1x16xf32>,
      %swap3A_380 = vector.shape_cast %swap3A_379 : vector<1x16xf32> to vector<16xf32>
      %swap3A_381 = vector.shape_cast %add3A_375 : vector<16xf32> to vector<1x16xf32>
      tpu.vector_store %arg10[%swap3A_377, %swap3A_378], %swap3A_381 {strides = array<i32>} : memref<16x1024xf32, #tpu.memory_space<vmem>>, vector<1x16xf32>,
      %get3A_382 = arith.constant 4 : i32
      %get3A_383 = arith.index_cast %get3A_382 : i32 to index
      %get3A_384 = arith.index_cast %mul3A_303 : i32 to index
      %get3A_385 = tpu.vector_load %arg10[%get3A_383, %get3A_384] {strides = array<i32>} : memref<16x1024xf32, #tpu.memory_space<vmem>>, vector<1x16xf32>,
      %get3A_386 = vector.shape_cast %get3A_385 : vector<1x16xf32> to vector<16xf32>
      %mul3A_387 = arith.constant 3.200000e+01 : f32
      %mul3A_388 = vector.broadcast %mul3A_387 : f32 to vector<16xf32>
      %mul3A_389 = arith.mulf %get3A_386, %mul3A_388 : vector<16xf32>
      %get3A_390 = arith.constant 4 : i32
      %get3A_391 = arith.index_cast %get3A_390 : i32 to index
      %get3A_392 = arith.index_cast %mul3A_303 : i32 to index
      %get3A_393 = tpu.vector_load %arg7[%get3A_391, %get3A_392] {strides = array<i32>} : memref<16x1024xf32, #tpu.memory_space<vmem>>, vector<1x16xf32>,
      %get3A_394 = vector.shape_cast %get3A_393 : vector<1x16xf32> to vector<16xf32>
      %add3A_395 = arith.addf %mul3A_389, %get3A_394 : vector<16xf32>
      %swap3A_396 = arith.constant 4 : i32
      %swap3A_397 = arith.index_cast %swap3A_396 : i32 to index
      %swap3A_398 = arith.index_cast %mul3A_303 : i32 to index
      %swap3A_399 = tpu.vector_load %arg10[%swap3A_397, %swap3A_398] {strides = array<i32>} : memref<16x1024xf32, #tpu.memory_space<vmem>>, vector<1x16xf32>,
      %swap3A_400 = vector.shape_cast %swap3A_399 : vector<1x16xf32> to vector<16xf32>
      %swap3A_401 = vector.shape_cast %add3A_395 : vector<16xf32> to vector<1x16xf32>
      tpu.vector_store %arg10[%swap3A_397, %swap3A_398], %swap3A_401 {strides = array<i32>} : memref<16x1024xf32, #tpu.memory_space<vmem>>, vector<1x16xf32>,
      %get3A_402 = arith.constant 5 : i32
      %get3A_403 = arith.index_cast %get3A_402 : i32 to index
      %get3A_404 = arith.index_cast %mul3A_303 : i32 to index
      %get3A_405 = tpu.vector_load %arg10[%get3A_403, %get3A_404] {strides = array<i32>} : memref<16x1024xf32, #tpu.memory_space<vmem>>, vector<1x16xf32>,
      %get3A_406 = vector.shape_cast %get3A_405 : vector<1x16xf32> to vector<16xf32>
      %mul3A_407 = arith.constant 3.200000e+01 : f32
      %mul3A_408 = vector.broadcast %mul3A_407 : f32 to vector<16xf32>
      %mul3A_409 = arith.mulf %get3A_406, %mul3A_408 : vector<16xf32>
      %get3A_410 = arith.constant 5 : i32
      %get3A_411 = arith.index_cast %get3A_410 : i32 to index
      %get3A_412 = arith.index_cast %mul3A_303 : i32 to index
      %get3A_413 = tpu.vector_load %arg7[%get3A_411, %get3A_412] {strides = array<i32>} : memref<16x1024xf32, #tpu.memory_space<vmem>>, vector<1x16xf32>,
      %get3A_414 = vector.shape_cast %get3A_413 : vector<1x16xf32> to vector<16xf32>
      %add3A_415 = arith.addf %mul3A_409, %get3A_414 : vector<16xf32>
      %swap3A_416 = arith.constant 5 : i32
      %swap3A_417 = arith.index_cast %swap3A_416 : i32 to index
      %swap3A_418 = arith.index_cast %mul3A_303 : i32 to index
      %swap3A_419 = tpu.vector_load %arg10[%swap3A_417, %swap3A_418] {strides = array<i32>} : memref<16x1024xf32, #tpu.memory_space<vmem>>, vector<1x16xf32>,
      %swap3A_420 = vector.shape_cast %swap3A_419 : vector<1x16xf32> to vector<16xf32>
      %swap3A_421 = vector.shape_cast %add3A_415 : vector<16xf32> to vector<1x16xf32>
      tpu.vector_store %arg10[%swap3A_417, %swap3A_418], %swap3A_421 {strides = array<i32>} : memref<16x1024xf32, #tpu.memory_space<vmem>>, vector<1x16xf32>,
      %get3A_422 = arith.constant 6 : i32
      %get3A_423 = arith.index_cast %get3A_422 : i32 to index
      %get3A_424 = arith.index_cast %mul3A_303 : i32 to index
      %get3A_425 = tpu.vector_load %arg10[%get3A_423, %get3A_424] {strides = array<i32>} : memref<16x1024xf32, #tpu.memory_space<vmem>>, vector<1x16xf32>,
      %get3A_426 = vector.shape_cast %get3A_425 : vector<1x16xf32> to vector<16xf32>
      %mul3A_427 = arith.constant 3.200000e+01 : f32
      %mul3A_428 = vector.broadcast %mul3A_427 : f32 to vector<16xf32>
      %mul3A_429 = arith.mulf %get3A_426, %mul3A_428 : vector<16xf32>
      %get3A_430 = arith.constant 6 : i32
      %get3A_431 = arith.index_cast %get3A_430 : i32 to index
      %get3A_432 = arith.index_cast %mul3A_303 : i32 to index
      %get3A_433 = tpu.vector_load %arg7[%get3A_431, %get3A_432] {strides = array<i32>} : memref<16x1024xf32, #tpu.memory_space<vmem>>, vector<1x16xf32>,
      %get3A_434 = vector.shape_cast %get3A_433 : vector<1x16xf32> to vector<16xf32>
      %add3A_435 = arith.addf %mul3A_429, %get3A_434 : vector<16xf32>
      %swap3A_436 = arith.constant 6 : i32
      %swap3A_437 = arith.index_cast %swap3A_436 : i32 to index
      %swap3A_438 = arith.index_cast %mul3A_303 : i32 to index
      %swap3A_439 = tpu.vector_load %arg10[%swap3A_437, %swap3A_438] {strides = array<i32>} : memref<16x1024xf32, #tpu.memory_space<vmem>>, vector<1x16xf32>,
      %swap3A_440 = vector.shape_cast %swap3A_439 : vector<1x16xf32> to vector<16xf32>
      %swap3A_441 = vector.shape_cast %add3A_435 : vector<16xf32> to vector<1x16xf32>
      tpu.vector_store %arg10[%swap3A_437, %swap3A_438], %swap3A_441 {strides = array<i32>} : memref<16x1024xf32, #tpu.memory_space<vmem>>, vector<1x16xf32>,
      %get3A_442 = arith.constant 7 : i32
      %get3A_443 = arith.index_cast %get3A_442 : i32 to index
      %get3A_444 = arith.index_cast %mul3A_303 : i32 to index
      %get3A_445 = tpu.vector_load %arg10[%get3A_443, %get3A_444] {strides = array<i32>} : memref<16x1024xf32, #tpu.memory_space<vmem>>, vector<1x16xf32>,
      %get3A_446 = vector.shape_cast %get3A_445 : vector<1x16xf32> to vector<16xf32>
      %mul3A_447 = arith.constant 3.200000e+01 : f32
      %mul3A_448 = vector.broadcast %mul3A_447 : f32 to vector<16xf32>
      %mul3A_449 = arith.mulf %get3A_446, %mul3A_448 : vector<16xf32>
      %get3A_450 = arith.constant 7 : i32
      %get3A_451 = arith.index_cast %get3A_450 : i32 to index
      %get3A_452 = arith.index_cast %mul3A_303 : i32 to index
      %get3A_453 = tpu.vector_load %arg7[%get3A_451, %get3A_452] {strides = array<i32>} : memref<16x1024xf32, #tpu.memory_space<vmem>>, vector<1x16xf32>,
      %get3A_454 = vector.shape_cast %get3A_453 : vector<1x16xf32> to vector<16xf32>
      %add3A_455 = arith.addf %mul3A_449, %get3A_454 : vector<16xf32>
      %swap3A_456 = arith.constant 7 : i32
      %swap3A_457 = arith.index_cast %swap3A_456 : i32 to index
      %swap3A_458 = arith.index_cast %mul3A_303 : i32 to index
      %swap3A_459 = tpu.vector_load %arg10[%swap3A_457, %swap3A_458] {strides = array<i32>} : memref<16x1024xf32, #tpu.memory_space<vmem>>, vector<1x16xf32>,
      %swap3A_460 = vector.shape_cast %swap3A_459 : vector<1x16xf32> to vector<16xf32>
      %swap3A_461 = vector.shape_cast %add3A_455 : vector<16xf32> to vector<1x16xf32>
      tpu.vector_store %arg10[%swap3A_457, %swap3A_458], %swap3A_461 {strides = array<i32>} : memref<16x1024xf32, #tpu.memory_space<vmem>>, vector<1x16xf32>,
      %get3A_462 = arith.constant 8 : i32
      %get3A_463 = arith.index_cast %get3A_462 : i32 to index
      %get3A_464 = arith.index_cast %mul3A_303 : i32 to index
      %get3A_465 = tpu.vector_load %arg10[%get3A_463, %get3A_464] {strides = array<i32>} : memref<16x1024xf32, #tpu.memory_space<vmem>>, vector<1x16xf32>,
      %get3A_466 = vector.shape_cast %get3A_465 : vector<1x16xf32> to vector<16xf32>
      %mul3A_467 = arith.constant 3.200000e+01 : f32
      %mul3A_468 = vector.broadcast %mul3A_467 : f32 to vector<16xf32>
      %mul3A_469 = arith.mulf %get3A_466, %mul3A_468 : vector<16xf32>
      %get3A_470 = arith.constant 8 : i32
      %get3A_471 = arith.index_cast %get3A_470 : i32 to index
      %get3A_472 = arith.index_cast %mul3A_303 : i32 to index
      %get3A_473 = tpu.vector_load %arg7[%get3A_471, %get3A_472] {strides = array<i32>} : memref<16x1024xf32, #tpu.memory_space<vmem>>, vector<1x16xf32>,
      %get3A_474 = vector.shape_cast %get3A_473 : vector<1x16xf32> to vector<16xf32>
      %add3A_475 = arith.addf %mul3A_469, %get3A_474 : vector<16xf32>
      %swap3A_476 = arith.constant 8 : i32
      %swap3A_477 = arith.index_cast %swap3A_476 : i32 to index
      %swap3A_478 = arith.index_cast %mul3A_303 : i32 to index
      %swap3A_479 = tpu.vector_load %arg10[%swap3A_477, %swap3A_478] {strides = array<i32>} : memref<16x1024xf32, #tpu.memory_space<vmem>>, vector<1x16xf32>,
      %swap3A_480 = vector.shape_cast %swap3A_479 : vector<1x16xf32> to vector<16xf32>
      %swap3A_481 = vector.shape_cast %add3A_475 : vector<16xf32> to vector<1x16xf32>
      tpu.vector_store %arg10[%swap3A_477, %swap3A_478], %swap3A_481 {strides = array<i32>} : memref<16x1024xf32, #tpu.memory_space<vmem>>, vector<1x16xf32>,
      %get3A_482 = arith.constant 9 : i32
      %get3A_483 = arith.index_cast %get3A_482 : i32 to index
      %get3A_484 = arith.index_cast %mul3A_303 : i32 to index
      %get3A_485 = tpu.vector_load %arg10[%get3A_483, %get3A_484] {strides = array<i32>} : memref<16x1024xf32, #tpu.memory_space<vmem>>, vector<1x16xf32>,
      %get3A_486 = vector.shape_cast %get3A_485 : vector<1x16xf32> to vector<16xf32>
      %mul3A_487 = arith.constant 3.200000e+01 : f32
      %mul3A_488 = vector.broadcast %mul3A_487 : f32 to vector<16xf32>
      %mul3A_489 = arith.mulf %get3A_486, %mul3A_488 : vector<16xf32>
      %get3A_490 = arith.constant 9 : i32
      %get3A_491 = arith.index_cast %get3A_490 : i32 to index
      %get3A_492 = arith.index_cast %mul3A_303 : i32 to index
      %get3A_493 = tpu.vector_load %arg7[%get3A_491, %get3A_492] {strides = array<i32>} : memref<16x1024xf32, #tpu.memory_space<vmem>>, vector<1x16xf32>,
      %get3A_494 = vector.shape_cast %get3A_493 : vector<1x16xf32> to vector<16xf32>
      %add3A_495 = arith.addf %mul3A_489, %get3A_494 : vector<16xf32>
      %swap3A_496 = arith.constant 9 : i32
      %swap3A_497 = arith.index_cast %swap3A_496 : i32 to index
      %swap3A_498 = arith.index_cast %mul3A_303 : i32 to index
      %swap3A_499 = tpu.vector_load %arg10[%swap3A_497, %swap3A_498] {strides = array<i32>} : memref<16x1024xf32, #tpu.memory_space<vmem>>, vector<1x16xf32>,
      %swap3A_500 = vector.shape_cast %swap3A_499 : vector<1x16xf32> to vector<16xf32>
      %swap3A_501 = vector.shape_cast %add3A_495 : vector<16xf32> to vector<1x16xf32>
      tpu.vector_store %arg10[%swap3A_497, %swap3A_498], %swap3A_501 {strides = array<i32>} : memref<16x1024xf32, #tpu.memory_space<vmem>>, vector<1x16xf32>,
      %get3A_502 = arith.constant 10 : i32
      %get3A_503 = arith.index_cast %get3A_502 : i32 to index
      %get3A_504 = arith.index_cast %mul3A_303 : i32 to index
      %get3A_505 = tpu.vector_load %arg10[%get3A_503, %get3A_504] {strides = array<i32>} : memref<16x1024xf32, #tpu.memory_space<vmem>>, vector<1x16xf32>,
      %get3A_506 = vector.shape_cast %get3A_505 : vector<1x16xf32> to vector<16xf32>
      %mul3A_507 = arith.constant 3.200000e+01 : f32
      %mul3A_508 = vector.broadcast %mul3A_507 : f32 to vector<16xf32>
      %mul3A_509 = arith.mulf %get3A_506, %mul3A_508 : vector<16xf32>
      %get3A_510 = arith.constant 10 : i32
      %get3A_511 = arith.index_cast %get3A_510 : i32 to index
      %get3A_512 = arith.index_cast %mul3A_303 : i32 to index
      %get3A_513 = tpu.vector_load %arg7[%get3A_511, %get3A_512] {strides = array<i32>} : memref<16x1024xf32, #tpu.memory_space<vmem>>, vector<1x16xf32>,
      %get3A_514 = vector.shape_cast %get3A_513 : vector<1x16xf32> to vector<16xf32>
      %add3A_515 = arith.addf %mul3A_509, %get3A_514 : vector<16xf32>
      %swap3A_516 = arith.constant 10 : i32
      %swap3A_517 = arith.index_cast %swap3A_516 : i32 to index
      %swap3A_518 = arith.index_cast %mul3A_303 : i32 to index
      %swap3A_519 = tpu.vector_load %arg10[%swap3A_517, %swap3A_518] {strides = array<i32>} : memref<16x1024xf32, #tpu.memory_space<vmem>>, vector<1x16xf32>,
      %swap3A_520 = vector.shape_cast %swap3A_519 : vector<1x16xf32> to vector<16xf32>
      %swap3A_521 = vector.shape_cast %add3A_515 : vector<16xf32> to vector<1x16xf32>
      tpu.vector_store %arg10[%swap3A_517, %swap3A_518], %swap3A_521 {strides = array<i32>} : memref<16x1024xf32, #tpu.memory_space<vmem>>, vector<1x16xf32>,
      %get3A_522 = arith.constant 11 : i32
      %get3A_523 = arith.index_cast %get3A_522 : i32 to index
      %get3A_524 = arith.index_cast %mul3A_303 : i32 to index
      %get3A_525 = tpu.vector_load %arg10[%get3A_523, %get3A_524] {strides = array<i32>} : memref<16x1024xf32, #tpu.memory_space<vmem>>, vector<1x16xf32>,
      %get3A_526 = vector.shape_cast %get3A_525 : vector<1x16xf32> to vector<16xf32>
      %mul3A_527 = arith.constant 3.200000e+01 : f32
      %mul3A_528 = vector.broadcast %mul3A_527 : f32 to vector<16xf32>
      %mul3A_529 = arith.mulf %get3A_526, %mul3A_528 : vector<16xf32>
      %get3A_530 = arith.constant 11 : i32
      %get3A_531 = arith.index_cast %get3A_530 : i32 to index
      %get3A_532 = arith.index_cast %mul3A_303 : i32 to index
      %get3A_533 = tpu.vector_load %arg7[%get3A_531, %get3A_532] {strides = array<i32>} : memref<16x1024xf32, #tpu.memory_space<vmem>>, vector<1x16xf32>,
      %get3A_534 = vector.shape_cast %get3A_533 : vector<1x16xf32> to vector<16xf32>
      %add3A_535 = arith.addf %mul3A_529, %get3A_534 : vector<16xf32>
      %swap3A_536 = arith.constant 11 : i32
      %swap3A_537 = arith.index_cast %swap3A_536 : i32 to index
      %swap3A_538 = arith.index_cast %mul3A_303 : i32 to index
      %swap3A_539 = tpu.vector_load %arg10[%swap3A_537, %swap3A_538] {strides = array<i32>} : memref<16x1024xf32, #tpu.memory_space<vmem>>, vector<1x16xf32>,
      %swap3A_540 = vector.shape_cast %swap3A_539 : vector<1x16xf32> to vector<16xf32>
      %swap3A_541 = vector.shape_cast %add3A_535 : vector<16xf32> to vector<1x16xf32>
      tpu.vector_store %arg10[%swap3A_537, %swap3A_538], %swap3A_541 {strides = array<i32>} : memref<16x1024xf32, #tpu.memory_space<vmem>>, vector<1x16xf32>,
      %get3A_542 = arith.constant 12 : i32
      %get3A_543 = arith.index_cast %get3A_542 : i32 to index
      %get3A_544 = arith.index_cast %mul3A_303 : i32 to index
      %get3A_545 = tpu.vector_load %arg10[%get3A_543, %get3A_544] {strides = array<i32>} : memref<16x1024xf32, #tpu.memory_space<vmem>>, vector<1x16xf32>,
      %get3A_546 = vector.shape_cast %get3A_545 : vector<1x16xf32> to vector<16xf32>
      %mul3A_547 = arith.constant 3.200000e+01 : f32
      %mul3A_548 = vector.broadcast %mul3A_547 : f32 to vector<16xf32>
      %mul3A_549 = arith.mulf %get3A_546, %mul3A_548 : vector<16xf32>
      %get3A_550 = arith.constant 12 : i32
      %get3A_551 = arith.index_cast %get3A_550 : i32 to index
      %get3A_552 = arith.index_cast %mul3A_303 : i32 to index
      %get3A_553 = tpu.vector_load %arg7[%get3A_551, %get3A_552] {strides = array<i32>} : memref<16x1024xf32, #tpu.memory_space<vmem>>, vector<1x16xf32>,
      %get3A_554 = vector.shape_cast %get3A_553 : vector<1x16xf32> to vector<16xf32>
      %add3A_555 = arith.addf %mul3A_549, %get3A_554 : vector<16xf32>
      %swap3A_556 = arith.constant 12 : i32
      %swap3A_557 = arith.index_cast %swap3A_556 : i32 to index
      %swap3A_558 = arith.index_cast %mul3A_303 : i32 to index
      %swap3A_559 = tpu.vector_load %arg10[%swap3A_557, %swap3A_558] {strides = array<i32>} : memref<16x1024xf32, #tpu.memory_space<vmem>>, vector<1x16xf32>,
      %swap3A_560 = vector.shape_cast %swap3A_559 : vector<1x16xf32> to vector<16xf32>
      %swap3A_561 = vector.shape_cast %add3A_555 : vector<16xf32> to vector<1x16xf32>
      tpu.vector_store %arg10[%swap3A_557, %swap3A_558], %swap3A_561 {strides = array<i32>} : memref<16x1024xf32, #tpu.memory_space<vmem>>, vector<1x16xf32>,
      %get3A_562 = arith.constant 13 : i32
      %get3A_563 = arith.index_cast %get3A_562 : i32 to index
      %get3A_564 = arith.index_cast %mul3A_303 : i32 to index
      %get3A_565 = tpu.vector_load %arg10[%get3A_563, %get3A_564] {strides = array<i32>} : memref<16x1024xf32, #tpu.memory_space<vmem>>, vector<1x16xf32>,
      %get3A_566 = vector.shape_cast %get3A_565 : vector<1x16xf32> to vector<16xf32>
      %mul3A_567 = arith.constant 3.200000e+01 : f32
      %mul3A_568 = vector.broadcast %mul3A_567 : f32 to vector<16xf32>
      %mul3A_569 = arith.mulf %get3A_566, %mul3A_568 : vector<16xf32>
      %get3A_570 = arith.constant 13 : i32
      %get3A_571 = arith.index_cast %get3A_570 : i32 to index
      %get3A_572 = arith.index_cast %mul3A_303 : i32 to index
      %get3A_573 = tpu.vector_load %arg7[%get3A_571, %get3A_572] {strides = array<i32>} : memref<16x1024xf32, #tpu.memory_space<vmem>>, vector<1x16xf32>,
      %get3A_574 = vector.shape_cast %get3A_573 : vector<1x16xf32> to vector<16xf32>
      %add3A_575 = arith.addf %mul3A_569, %get3A_574 : vector<16xf32>
      %swap3A_576 = arith.constant 13 : i32
      %swap3A_577 = arith.index_cast %swap3A_576 : i32 to index
      %swap3A_578 = arith.index_cast %mul3A_303 : i32 to index
      %swap3A_579 = tpu.vector_load %arg10[%swap3A_577, %swap3A_578] {strides = array<i32>} : memref<16x1024xf32, #tpu.memory_space<vmem>>, vector<1x16xf32>,
      %swap3A_580 = vector.shape_cast %swap3A_579 : vector<1x16xf32> to vector<16xf32>
      %swap3A_581 = vector.shape_cast %add3A_575 : vector<16xf32> to vector<1x16xf32>
      tpu.vector_store %arg10[%swap3A_577, %swap3A_578], %swap3A_581 {strides = array<i32>} : memref<16x1024xf32, #tpu.memory_space<vmem>>, vector<1x16xf32>,
      %get3A_582 = arith.constant 14 : i32
      %get3A_583 = arith.index_cast %get3A_582 : i32 to index
      %get3A_584 = arith.index_cast %mul3A_303 : i32 to index
      %get3A_585 = tpu.vector_load %arg10[%get3A_583, %get3A_584] {strides = array<i32>} : memref<16x1024xf32, #tpu.memory_space<vmem>>, vector<1x16xf32>,
      %get3A_586 = vector.shape_cast %get3A_585 : vector<1x16xf32> to vector<16xf32>
      %mul3A_587 = arith.constant 3.200000e+01 : f32
      %mul3A_588 = vector.broadcast %mul3A_587 : f32 to vector<16xf32>
      %mul3A_589 = arith.mulf %get3A_586, %mul3A_588 : vector<16xf32>
      %get3A_590 = arith.constant 14 : i32
      %get3A_591 = arith.index_cast %get3A_590 : i32 to index
      %get3A_592 = arith.index_cast %mul3A_303 : i32 to index
      %get3A_593 = tpu.vector_load %arg7[%get3A_591, %get3A_592] {strides = array<i32>} : memref<16x1024xf32, #tpu.memory_space<vmem>>, vector<1x16xf32>,
      %get3A_594 = vector.shape_cast %get3A_593 : vector<1x16xf32> to vector<16xf32>
      %add3A_595 = arith.addf %mul3A_589, %get3A_594 : vector<16xf32>
      %swap3A_596 = arith.constant 14 : i32
      %swap3A_597 = arith.index_cast %swap3A_596 : i32 to index
      %swap3A_598 = arith.index_cast %mul3A_303 : i32 to index
      %swap3A_599 = tpu.vector_load %arg10[%swap3A_597, %swap3A_598] {strides = array<i32>} : memref<16x1024xf32, #tpu.memory_space<vmem>>, vector<1x16xf32>,
      %swap3A_600 = vector.shape_cast %swap3A_599 : vector<1x16xf32> to vector<16xf32>
      %swap3A_601 = vector.shape_cast %add3A_595 : vector<16xf32> to vector<1x16xf32>
      tpu.vector_store %arg10[%swap3A_597, %swap3A_598], %swap3A_601 {strides = array<i32>} : memref<16x1024xf32, #tpu.memory_space<vmem>>, vector<1x16xf32>,
      %get3A_602 = arith.constant 15 : i32
      %get3A_603 = arith.index_cast %get3A_602 : i32 to index
      %get3A_604 = arith.index_cast %mul3A_303 : i32 to index
      %get3A_605 = tpu.vector_load %arg10[%get3A_603, %get3A_604] {strides = array<i32>} : memref<16x1024xf32, #tpu.memory_space<vmem>>, vector<1x16xf32>,
      %get3A_606 = vector.shape_cast %get3A_605 : vector<1x16xf32> to vector<16xf32>
      %mul3A_607 = arith.constant 3.200000e+01 : f32
      %mul3A_608 = vector.broadcast %mul3A_607 : f32 to vector<16xf32>
      %mul3A_609 = arith.mulf %get3A_606, %mul3A_608 : vector<16xf32>
      %get3A_610 = arith.constant 15 : i32
      %get3A_611 = arith.index_cast %get3A_610 : i32 to index
      %get3A_612 = arith.index_cast %mul3A_303 : i32 to index
      %get3A_613 = tpu.vector_load %arg7[%get3A_611, %get3A_612] {strides = array<i32>} : memref<16x1024xf32, #tpu.memory_space<vmem>>, vector<1x16xf32>,
      %get3A_614 = vector.shape_cast %get3A_613 : vector<1x16xf32> to vector<16xf32>
      %add3A_615 = arith.addf %mul3A_609, %get3A_614 : vector<16xf32>
      %swap3A_616 = arith.constant 15 : i32
      %swap3A_617 = arith.index_cast %swap3A_616 : i32 to index
      %swap3A_618 = arith.index_cast %mul3A_303 : i32 to index
      %swap3A_619 = tpu.vector_load %arg10[%swap3A_617, %swap3A_618] {strides = array<i32>} : memref<16x1024xf32, #tpu.memory_space<vmem>>, vector<1x16xf32>,
      %swap3A_620 = vector.shape_cast %swap3A_619 : vector<1x16xf32> to vector<16xf32>
      %swap3A_621 = vector.shape_cast %add3A_615 : vector<16xf32> to vector<1x16xf32>
      tpu.vector_store %arg10[%swap3A_617, %swap3A_618], %swap3A_621 {strides = array<i32>} : memref<16x1024xf32, #tpu.memory_space<vmem>>, vector<1x16xf32>,
    }
    %scan3A_82 = arith.constant 64 : i32
    %add3A_83 = arith.constant 2048 : i32
    %add3A_84 = arith.addi %add3A_83, %mul3A_2 : i32
    %add3A_85 = arith.constant 0 : i32
    %add3A_86 = arith.addi %add3A_84, %add3A_85 : i32
    %dma_start3A_87 = arith.constant 0 : i32
    %dma_start3A_88 = tpu.memref_slice %arg5[%add3A_86, %dma_start3A_87] : memref<4096x1024xf32, #tpu.memory_space<hbm>> -> memref<16x1024xf32, #tpu.memory_space<hbm>>
    %dma_start3A_89 = arith.constant 0 : i32
    %dma_start3A_90 = tpu.memref_slice %arg5[%add3A_86, %dma_start3A_89] : memref<4096x1024xf32, #tpu.memory_space<hbm>> -> memref<16x1024xf32, #tpu.memory_space<hbm>>
    tpu.enqueue_dma source(%arg10 : memref<16x1024xf32, #tpu.memory_space<vmem>>) target(%dma_start3A_90 : memref<16x1024xf32, #tpu.memory_space<hbm>>) target_semaphore(%arg15 : memref<!tpu.dma_semaphore, #tpu.memory_space<semaphore_mem>>)
    %dma_start3A_91 = arith.constant 0 : i32
    %dma_start3A_92 = arith.constant 32 : i32
    %dma_start3A_93 = tpu.memref_slice %arg6[%dma_start3A_91, %dma_start3A_92] : memref<2x64xi32, #tpu.memory_space<vmem>> -> memref<1x16xi32, #tpu.memory_space<vmem>>
    %dma_start3A_94 = tpu.memref_squeeze %dma_start3A_93 : memref<1x16xi32, #tpu.memory_space<vmem>> -> memref<16xi32, #tpu.memory_space<vmem>>
    %dma_start3A_95 = arith.constant 0 : i32
    %dma_start3A_96 = arith.constant 0 : i32
    %dma_start3A_97 = tpu.memref_slice %arg3[%dma_start3A_95, %dma_start3A_96] : memref<100000x1024xf32, #tpu.memory_space<hbm>> -> memref<100000x1024xf32, #tpu.memory_space<hbm>>
    tpu.enqueue_indirect_dma source(%dma_start3A_97 : memref<100000x1024xf32, #tpu.memory_space<hbm>>) target(%arg13 : memref<16x1024xf32, #tpu.memory_space<vmem>>) offsets(%dma_start3A_94 : memref<16xi32, #tpu.memory_space<vmem>>) semaphore(%arg14 : memref<!tpu.dma_semaphore, #tpu.memory_space<semaphore_mem>>)
    %dma_wait3A_98 = arith.constant 0 : i32
    %dma_wait3A_99 = tpu.memref_slice %arg4[%add3A_38, %dma_wait3A_98] : memref<2048x1024xf32, #tpu.memory_space<hbm>> -> memref<16x1024xf32, #tpu.memory_space<hbm>>
    %dma_wait3A_100 = arith.constant 0 : i32
    %dma_wait3A_101 = tpu.memref_slice %arg4[%add3A_38, %dma_wait3A_100] : memref<2048x1024xf32, #tpu.memory_space<hbm>> -> memref<16x1024xf32, #tpu.memory_space<hbm>>
    tpu.wait_dma2 semaphore(%arg16 : memref<!tpu.dma_semaphore, #tpu.memory_space<semaphore_mem>>) src(%dma_wait3A_101 : memref<16x1024xf32, #tpu.memory_space<hbm>>) dst(%arg8 : memref<16x1024xf32, #tpu.memory_space<vmem>>)
    %add3A_102 = arith.constant 32 : i32
    %add3A_103 = arith.addi %mul3A_2, %add3A_102 : i32
    %dma_start3A_104 = arith.constant 0 : i32
    %dma_start3A_105 = tpu.memref_slice %arg4[%add3A_103, %dma_start3A_104] : memref<2048x1024xf32, #tpu.memory_space<hbm>> -> memref<16x1024xf32, #tpu.memory_space<hbm>>
    %dma_start3A_106 = arith.constant 0 : i32
    %dma_start3A_107 = tpu.memref_slice %arg4[%add3A_103, %dma_start3A_106] : memref<2048x1024xf32, #tpu.memory_space<hbm>> -> memref<16x1024xf32, #tpu.memory_space<hbm>>
    tpu.enqueue_dma source(%dma_start3A_107 : memref<16x1024xf32, #tpu.memory_space<hbm>>) target(%arg7 : memref<16x1024xf32, #tpu.memory_space<vmem>>) target_semaphore(%arg16 : memref<!tpu.dma_semaphore, #tpu.memory_space<semaphore_mem>>)
    %dma_wait3A_108 = arith.constant 0 : i32
    %dma_wait3A_109 = arith.constant 16 : i32
    %dma_wait3A_110 = tpu.memref_slice %arg6[%dma_wait3A_108, %dma_wait3A_109] : memref<2x64xi32, #tpu.memory_space<vmem>> -> memref<1x16xi32, #tpu.memory_space<vmem>>
    %dma_wait3A_111 = tpu.memref_squeeze %dma_wait3A_110 : memref<1x16xi32, #tpu.memory_space<vmem>> -> memref<16xi32, #tpu.memory_space<vmem>>
    %dma_wait3A_112 = arith.constant 0 : i32
    %dma_wait3A_113 = arith.constant 0 : i32
    %dma_wait3A_114 = tpu.memref_slice %arg3[%dma_wait3A_112, %dma_wait3A_113] : memref<100000x1024xf32, #tpu.memory_space<hbm>> -> memref<100000x1024xf32, #tpu.memory_space<hbm>>
    tpu.wait_indirect_dma semaphore(%arg14 : memref<!tpu.dma_semaphore, #tpu.memory_space<semaphore_mem>>) src(%dma_wait3A_114 : memref<100000x1024xf32, #tpu.memory_space<hbm>>) dst(%arg11 : memref<16x1024xf32, #tpu.memory_space<vmem>>)
    %scan3A_115 = arith.constant 0 : i32
    %scan3A_116 = arith.constant 0 : i32
    %scan3A_117 = arith.constant 64 : i32
    %scan3A_118 = arith.addi %scan3A_116, %scan3A_117 : i32
    %scan3A_119 = arith.constant 1 : i32
    scf.for %scan3A_301 = %scan3A_116 to %scan3A_118 step %scan3A_119  : i32 {
      %mul3A_302 = arith.constant 16 : i32
      %mul3A_303 = arith.muli %scan3A_301, %mul3A_302 : i32
      %get3A = arith.constant 0 : i32
      %get3A_304 = arith.index_cast %get3A : i32 to index
      %get3A_305 = arith.index_cast %mul3A_303 : i32 to index
      %get3A_306 = tpu.vector_load %arg11[%get3A_304, %get3A_305] {strides = array<i32>} : memref<16x1024xf32, #tpu.memory_space<vmem>>, vector<1x16xf32>,
      %get3A_307 = vector.shape_cast %get3A_306 : vector<1x16xf32> to vector<16xf32>
      %mul3A_308 = arith.constant 3.200000e+01 : f32
      %mul3A_309 = vector.broadcast %mul3A_308 : f32 to vector<16xf32>
      %mul3A_310 = arith.mulf %get3A_307, %mul3A_309 : vector<16xf32>
      %get3A_311 = arith.constant 0 : i32
      %get3A_312 = arith.index_cast %get3A_311 : i32 to index
      %get3A_313 = arith.index_cast %mul3A_303 : i32 to index
      %get3A_314 = tpu.vector_load %arg8[%get3A_312, %get3A_313] {strides = array<i32>} : memref<16x1024xf32, #tpu.memory_space<vmem>>, vector<1x16xf32>,
      %get3A_315 = vector.shape_cast %get3A_314 : vector<1x16xf32> to vector<16xf32>
      %add3A_316 = arith.addf %mul3A_310, %get3A_315 : vector<16xf32>
      %swap3A = arith.constant 0 : i32
      %swap3A_317 = arith.index_cast %swap3A : i32 to index
      %swap3A_318 = arith.index_cast %mul3A_303 : i32 to index
      %swap3A_319 = tpu.vector_load %arg11[%swap3A_317, %swap3A_318] {strides = array<i32>} : memref<16x1024xf32, #tpu.memory_space<vmem>>, vector<1x16xf32>,
      %swap3A_320 = vector.shape_cast %swap3A_319 : vector<1x16xf32> to vector<16xf32>
      %swap3A_321 = vector.shape_cast %add3A_316 : vector<16xf32> to vector<1x16xf32>
      tpu.vector_store %arg11[%swap3A_317, %swap3A_318], %swap3A_321 {strides = array<i32>} : memref<16x1024xf32, #tpu.memory_space<vmem>>, vector<1x16xf32>,
      %get3A_322 = arith.constant 1 : i32
      %get3A_323 = arith.index_cast %get3A_322 : i32 to index
      %get3A_324 = arith.index_cast %mul3A_303 : i32 to index
      %get3A_325 = tpu.vector_load %arg11[%get3A_323, %get3A_324] {strides = array<i32>} : memref<16x1024xf32, #tpu.memory_space<vmem>>, vector<1x16xf32>,
      %get3A_326 = vector.shape_cast %get3A_325 : vector<1x16xf32> to vector<16xf32>
      %mul3A_327 = arith.constant 3.200000e+01 : f32
      %mul3A_328 = vector.broadcast %mul3A_327 : f32 to vector<16xf32>
      %mul3A_329 = arith.mulf %get3A_326, %mul3A_328 : vector<16xf32>
      %get3A_330 = arith.constant 1 : i32
      %get3A_331 = arith.index_cast %get3A_330 : i32 to index
      %get3A_332 = arith.index_cast %mul3A_303 : i32 to index
      %get3A_333 = tpu.vector_load %arg8[%get3A_331, %get3A_332] {strides = array<i32>} : memref<16x1024xf32, #tpu.memory_space<vmem>>, vector<1x16xf32>,
      %get3A_334 = vector.shape_cast %get3A_333 : vector<1x16xf32> to vector<16xf32>
      %add3A_335 = arith.addf %mul3A_329, %get3A_334 : vector<16xf32>
      %swap3A_336 = arith.constant 1 : i32
      %swap3A_337 = arith.index_cast %swap3A_336 : i32 to index
      %swap3A_338 = arith.index_cast %mul3A_303 : i32 to index
      %swap3A_339 = tpu.vector_load %arg11[%swap3A_337, %swap3A_338] {strides = array<i32>} : memref<16x1024xf32, #tpu.memory_space<vmem>>, vector<1x16xf32>,
      %swap3A_340 = vector.shape_cast %swap3A_339 : vector<1x16xf32> to vector<16xf32>
      %swap3A_341 = vector.shape_cast %add3A_335 : vector<16xf32> to vector<1x16xf32>
      tpu.vector_store %arg11[%swap3A_337, %swap3A_338], %swap3A_341 {strides = array<i32>} : memref<16x1024xf32, #tpu.memory_space<vmem>>, vector<1x16xf32>,
      %get3A_342 = arith.constant 2 : i32
      %get3A_343 = arith.index_cast %get3A_342 : i32 to index
      %get3A_344 = arith.index_cast %mul3A_303 : i32 to index
      %get3A_345 = tpu.vector_load %arg11[%get3A_343, %get3A_344] {strides = array<i32>} : memref<16x1024xf32, #tpu.memory_space<vmem>>, vector<1x16xf32>,
      %get3A_346 = vector.shape_cast %get3A_345 : vector<1x16xf32> to vector<16xf32>
      %mul3A_347 = arith.constant 3.200000e+01 : f32
      %mul3A_348 = vector.broadcast %mul3A_347 : f32 to vector<16xf32>
      %mul3A_349 = arith.mulf %get3A_346, %mul3A_348 : vector<16xf32>
      %get3A_350 = arith.constant 2 : i32
      %get3A_351 = arith.index_cast %get3A_350 : i32 to index
      %get3A_352 = arith.index_cast %mul3A_303 : i32 to index
      %get3A_353 = tpu.vector_load %arg8[%get3A_351, %get3A_352] {strides = array<i32>} : memref<16x1024xf32, #tpu.memory_space<vmem>>, vector<1x16xf32>,
      %get3A_354 = vector.shape_cast %get3A_353 : vector<1x16xf32> to vector<16xf32>
      %add3A_355 = arith.addf %mul3A_349, %get3A_354 : vector<16xf32>
      %swap3A_356 = arith.constant 2 : i32
      %swap3A_357 = arith.index_cast %swap3A_356 : i32 to index
      %swap3A_358 = arith.index_cast %mul3A_303 : i32 to index
      %swap3A_359 = tpu.vector_load %arg11[%swap3A_357, %swap3A_358] {strides = array<i32>} : memref<16x1024xf32, #tpu.memory_space<vmem>>, vector<1x16xf32>,
      %swap3A_360 = vector.shape_cast %swap3A_359 : vector<1x16xf32> to vector<16xf32>
      %swap3A_361 = vector.shape_cast %add3A_355 : vector<16xf32> to vector<1x16xf32>
      tpu.vector_store %arg11[%swap3A_357, %swap3A_358], %swap3A_361 {strides = array<i32>} : memref<16x1024xf32, #tpu.memory_space<vmem>>, vector<1x16xf32>,
      %get3A_362 = arith.constant 3 : i32
      %get3A_363 = arith.index_cast %get3A_362 : i32 to index
      %get3A_364 = arith.index_cast %mul3A_303 : i32 to index
      %get3A_365 = tpu.vector_load %arg11[%get3A_363, %get3A_364] {strides = array<i32>} : memref<16x1024xf32, #tpu.memory_space<vmem>>, vector<1x16xf32>,
      %get3A_366 = vector.shape_cast %get3A_365 : vector<1x16xf32> to vector<16xf32>
      %mul3A_367 = arith.constant 3.200000e+01 : f32
      %mul3A_368 = vector.broadcast %mul3A_367 : f32 to vector<16xf32>
      %mul3A_369 = arith.mulf %get3A_366, %mul3A_368 : vector<16xf32>
      %get3A_370 = arith.constant 3 : i32
      %get3A_371 = arith.index_cast %get3A_370 : i32 to index
      %get3A_372 = arith.index_cast %mul3A_303 : i32 to index
      %get3A_373 = tpu.vector_load %arg8[%get3A_371, %get3A_372] {strides = array<i32>} : memref<16x1024xf32, #tpu.memory_space<vmem>>, vector<1x16xf32>,
      %get3A_374 = vector.shape_cast %get3A_373 : vector<1x16xf32> to vector<16xf32>
      %add3A_375 = arith.addf %mul3A_369, %get3A_374 : vector<16xf32>
      %swap3A_376 = arith.constant 3 : i32
      %swap3A_377 = arith.index_cast %swap3A_376 : i32 to index
      %swap3A_378 = arith.index_cast %mul3A_303 : i32 to index
      %swap3A_379 = tpu.vector_load %arg11[%swap3A_377, %swap3A_378] {strides = array<i32>} : memref<16x1024xf32, #tpu.memory_space<vmem>>, vector<1x16xf32>,
      %swap3A_380 = vector.shape_cast %swap3A_379 : vector<1x16xf32> to vector<16xf32>
      %swap3A_381 = vector.shape_cast %add3A_375 : vector<16xf32> to vector<1x16xf32>
      tpu.vector_store %arg11[%swap3A_377, %swap3A_378], %swap3A_381 {strides = array<i32>} : memref<16x1024xf32, #tpu.memory_space<vmem>>, vector<1x16xf32>,
      %get3A_382 = arith.constant 4 : i32
      %get3A_383 = arith.index_cast %get3A_382 : i32 to index
      %get3A_384 = arith.index_cast %mul3A_303 : i32 to index
      %get3A_385 = tpu.vector_load %arg11[%get3A_383, %get3A_384] {strides = array<i32>} : memref<16x1024xf32, #tpu.memory_space<vmem>>, vector<1x16xf32>,
      %get3A_386 = vector.shape_cast %get3A_385 : vector<1x16xf32> to vector<16xf32>
      %mul3A_387 = arith.constant 3.200000e+01 : f32
      %mul3A_388 = vector.broadcast %mul3A_387 : f32 to vector<16xf32>
      %mul3A_389 = arith.mulf %get3A_386, %mul3A_388 : vector<16xf32>
      %get3A_390 = arith.constant 4 : i32
      %get3A_391 = arith.index_cast %get3A_390 : i32 to index
      %get3A_392 = arith.index_cast %mul3A_303 : i32 to index
      %get3A_393 = tpu.vector_load %arg8[%get3A_391, %get3A_392] {strides = array<i32>} : memref<16x1024xf32, #tpu.memory_space<vmem>>, vector<1x16xf32>,
      %get3A_394 = vector.shape_cast %get3A_393 : vector<1x16xf32> to vector<16xf32>
      %add3A_395 = arith.addf %mul3A_389, %get3A_394 : vector<16xf32>
      %swap3A_396 = arith.constant 4 : i32
      %swap3A_397 = arith.index_cast %swap3A_396 : i32 to index
      %swap3A_398 = arith.index_cast %mul3A_303 : i32 to index
      %swap3A_399 = tpu.vector_load %arg11[%swap3A_397, %swap3A_398] {strides = array<i32>} : memref<16x1024xf32, #tpu.memory_space<vmem>>, vector<1x16xf32>,
      %swap3A_400 = vector.shape_cast %swap3A_399 : vector<1x16xf32> to vector<16xf32>
      %swap3A_401 = vector.shape_cast %add3A_395 : vector<16xf32> to vector<1x16xf32>
      tpu.vector_store %arg11[%swap3A_397, %swap3A_398], %swap3A_401 {strides = array<i32>} : memref<16x1024xf32, #tpu.memory_space<vmem>>, vector<1x16xf32>,
      %get3A_402 = arith.constant 5 : i32
      %get3A_403 = arith.index_cast %get3A_402 : i32 to index
      %get3A_404 = arith.index_cast %mul3A_303 : i32 to index
      %get3A_405 = tpu.vector_load %arg11[%get3A_403, %get3A_404] {strides = array<i32>} : memref<16x1024xf32, #tpu.memory_space<vmem>>, vector<1x16xf32>,
      %get3A_406 = vector.shape_cast %get3A_405 : vector<1x16xf32> to vector<16xf32>
      %mul3A_407 = arith.constant 3.200000e+01 : f32
      %mul3A_408 = vector.broadcast %mul3A_407 : f32 to vector<16xf32>
      %mul3A_409 = arith.mulf %get3A_406, %mul3A_408 : vector<16xf32>
      %get3A_410 = arith.constant 5 : i32
      %get3A_411 = arith.index_cast %get3A_410 : i32 to index
      %get3A_412 = arith.index_cast %mul3A_303 : i32 to index
      %get3A_413 = tpu.vector_load %arg8[%get3A_411, %get3A_412] {strides = array<i32>} : memref<16x1024xf32, #tpu.memory_space<vmem>>, vector<1x16xf32>,
      %get3A_414 = vector.shape_cast %get3A_413 : vector<1x16xf32> to vector<16xf32>
      %add3A_415 = arith.addf %mul3A_409, %get3A_414 : vector<16xf32>
      %swap3A_416 = arith.constant 5 : i32
      %swap3A_417 = arith.index_cast %swap3A_416 : i32 to index
      %swap3A_418 = arith.index_cast %mul3A_303 : i32 to index
      %swap3A_419 = tpu.vector_load %arg11[%swap3A_417, %swap3A_418] {strides = array<i32>} : memref<16x1024xf32, #tpu.memory_space<vmem>>, vector<1x16xf32>,
      %swap3A_420 = vector.shape_cast %swap3A_419 : vector<1x16xf32> to vector<16xf32>
      %swap3A_421 = vector.shape_cast %add3A_415 : vector<16xf32> to vector<1x16xf32>
      tpu.vector_store %arg11[%swap3A_417, %swap3A_418], %swap3A_421 {strides = array<i32>} : memref<16x1024xf32, #tpu.memory_space<vmem>>, vector<1x16xf32>,
      %get3A_422 = arith.constant 6 : i32
      %get3A_423 = arith.index_cast %get3A_422 : i32 to index
      %get3A_424 = arith.index_cast %mul3A_303 : i32 to index
      %get3A_425 = tpu.vector_load %arg11[%get3A_423, %get3A_424] {strides = array<i32>} : memref<16x1024xf32, #tpu.memory_space<vmem>>, vector<1x16xf32>,
      %get3A_426 = vector.shape_cast %get3A_425 : vector<1x16xf32> to vector<16xf32>
      %mul3A_427 = arith.constant 3.200000e+01 : f32
      %mul3A_428 = vector.broadcast %mul3A_427 : f32 to vector<16xf32>
      %mul3A_429 = arith.mulf %get3A_426, %mul3A_428 : vector<16xf32>
      %get3A_430 = arith.constant 6 : i32
      %get3A_431 = arith.index_cast %get3A_430 : i32 to index
      %get3A_432 = arith.index_cast %mul3A_303 : i32 to index
      %get3A_433 = tpu.vector_load %arg8[%get3A_431, %get3A_432] {strides = array<i32>} : memref<16x1024xf32, #tpu.memory_space<vmem>>, vector<1x16xf32>,
      %get3A_434 = vector.shape_cast %get3A_433 : vector<1x16xf32> to vector<16xf32>
      %add3A_435 = arith.addf %mul3A_429, %get3A_434 : vector<16xf32>
      %swap3A_436 = arith.constant 6 : i32
      %swap3A_437 = arith.index_cast %swap3A_436 : i32 to index
      %swap3A_438 = arith.index_cast %mul3A_303 : i32 to index
      %swap3A_439 = tpu.vector_load %arg11[%swap3A_437, %swap3A_438] {strides = array<i32>} : memref<16x1024xf32, #tpu.memory_space<vmem>>, vector<1x16xf32>,
      %swap3A_440 = vector.shape_cast %swap3A_439 : vector<1x16xf32> to vector<16xf32>
      %swap3A_441 = vector.shape_cast %add3A_435 : vector<16xf32> to vector<1x16xf32>
      tpu.vector_store %arg11[%swap3A_437, %swap3A_438], %swap3A_441 {strides = array<i32>} : memref<16x1024xf32, #tpu.memory_space<vmem>>, vector<1x16xf32>,
      %get3A_442 = arith.constant 7 : i32
      %get3A_443 = arith.index_cast %get3A_442 : i32 to index
      %get3A_444 = arith.index_cast %mul3A_303 : i32 to index
      %get3A_445 = tpu.vector_load %arg11[%get3A_443, %get3A_444] {strides = array<i32>} : memref<16x1024xf32, #tpu.memory_space<vmem>>, vector<1x16xf32>,
      %get3A_446 = vector.shape_cast %get3A_445 : vector<1x16xf32> to vector<16xf32>
      %mul3A_447 = arith.constant 3.200000e+01 : f32
      %mul3A_448 = vector.broadcast %mul3A_447 : f32 to vector<16xf32>
      %mul3A_449 = arith.mulf %get3A_446, %mul3A_448 : vector<16xf32>
      %get3A_450 = arith.constant 7 : i32
      %get3A_451 = arith.index_cast %get3A_450 : i32 to index
      %get3A_452 = arith.index_cast %mul3A_303 : i32 to index
      %get3A_453 = tpu.vector_load %arg8[%get3A_451, %get3A_452] {strides = array<i32>} : memref<16x1024xf32, #tpu.memory_space<vmem>>, vector<1x16xf32>,
      %get3A_454 = vector.shape_cast %get3A_453 : vector<1x16xf32> to vector<16xf32>
      %add3A_455 = arith.addf %mul3A_449, %get3A_454 : vector<16xf32>
      %swap3A_456 = arith.constant 7 : i32
      %swap3A_457 = arith.index_cast %swap3A_456 : i32 to index
      %swap3A_458 = arith.index_cast %mul3A_303 : i32 to index
      %swap3A_459 = tpu.vector_load %arg11[%swap3A_457, %swap3A_458] {strides = array<i32>} : memref<16x1024xf32, #tpu.memory_space<vmem>>, vector<1x16xf32>,
      %swap3A_460 = vector.shape_cast %swap3A_459 : vector<1x16xf32> to vector<16xf32>
      %swap3A_461 = vector.shape_cast %add3A_455 : vector<16xf32> to vector<1x16xf32>
      tpu.vector_store %arg11[%swap3A_457, %swap3A_458], %swap3A_461 {strides = array<i32>} : memref<16x1024xf32, #tpu.memory_space<vmem>>, vector<1x16xf32>,
      %get3A_462 = arith.constant 8 : i32
      %get3A_463 = arith.index_cast %get3A_462 : i32 to index
      %get3A_464 = arith.index_cast %mul3A_303 : i32 to index
      %get3A_465 = tpu.vector_load %arg11[%get3A_463, %get3A_464] {strides = array<i32>} : memref<16x1024xf32, #tpu.memory_space<vmem>>, vector<1x16xf32>,
      %get3A_466 = vector.shape_cast %get3A_465 : vector<1x16xf32> to vector<16xf32>
      %mul3A_467 = arith.constant 3.200000e+01 : f32
      %mul3A_468 = vector.broadcast %mul3A_467 : f32 to vector<16xf32>
      %mul3A_469 = arith.mulf %get3A_466, %mul3A_468 : vector<16xf32>
      %get3A_470 = arith.constant 8 : i32
      %get3A_471 = arith.index_cast %get3A_470 : i32 to index
      %get3A_472 = arith.index_cast %mul3A_303 : i32 to index
      %get3A_473 = tpu.vector_load %arg8[%get3A_471, %get3A_472] {strides = array<i32>} : memref<16x1024xf32, #tpu.memory_space<vmem>>, vector<1x16xf32>,
      %get3A_474 = vector.shape_cast %get3A_473 : vector<1x16xf32> to vector<16xf32>
      %add3A_475 = arith.addf %mul3A_469, %get3A_474 : vector<16xf32>
      %swap3A_476 = arith.constant 8 : i32
      %swap3A_477 = arith.index_cast %swap3A_476 : i32 to index
      %swap3A_478 = arith.index_cast %mul3A_303 : i32 to index
      %swap3A_479 = tpu.vector_load %arg11[%swap3A_477, %swap3A_478] {strides = array<i32>} : memref<16x1024xf32, #tpu.memory_space<vmem>>, vector<1x16xf32>,
      %swap3A_480 = vector.shape_cast %swap3A_479 : vector<1x16xf32> to vector<16xf32>
      %swap3A_481 = vector.shape_cast %add3A_475 : vector<16xf32> to vector<1x16xf32>
      tpu.vector_store %arg11[%swap3A_477, %swap3A_478], %swap3A_481 {strides = array<i32>} : memref<16x1024xf32, #tpu.memory_space<vmem>>, vector<1x16xf32>,
      %get3A_482 = arith.constant 9 : i32
      %get3A_483 = arith.index_cast %get3A_482 : i32 to index
      %get3A_484 = arith.index_cast %mul3A_303 : i32 to index
      %get3A_485 = tpu.vector_load %arg11[%get3A_483, %get3A_484] {strides = array<i32>} : memref<16x1024xf32, #tpu.memory_space<vmem>>, vector<1x16xf32>,
      %get3A_486 = vector.shape_cast %get3A_485 : vector<1x16xf32> to vector<16xf32>
      %mul3A_487 = arith.constant 3.200000e+01 : f32
      %mul3A_488 = vector.broadcast %mul3A_487 : f32 to vector<16xf32>
      %mul3A_489 = arith.mulf %get3A_486, %mul3A_488 : vector<16xf32>
      %get3A_490 = arith.constant 9 : i32
      %get3A_491 = arith.index_cast %get3A_490 : i32 to index
      %get3A_492 = arith.index_cast %mul3A_303 : i32 to index
      %get3A_493 = tpu.vector_load %arg8[%get3A_491, %get3A_492] {strides = array<i32>} : memref<16x1024xf32, #tpu.memory_space<vmem>>, vector<1x16xf32>,
      %get3A_494 = vector.shape_cast %get3A_493 : vector<1x16xf32> to vector<16xf32>
      %add3A_495 = arith.addf %mul3A_489, %get3A_494 : vector<16xf32>
      %swap3A_496 = arith.constant 9 : i32
      %swap3A_497 = arith.index_cast %swap3A_496 : i32 to index
      %swap3A_498 = arith.index_cast %mul3A_303 : i32 to index
      %swap3A_499 = tpu.vector_load %arg11[%swap3A_497, %swap3A_498] {strides = array<i32>} : memref<16x1024xf32, #tpu.memory_space<vmem>>, vector<1x16xf32>,
      %swap3A_500 = vector.shape_cast %swap3A_499 : vector<1x16xf32> to vector<16xf32>
      %swap3A_501 = vector.shape_cast %add3A_495 : vector<16xf32> to vector<1x16xf32>
      tpu.vector_store %arg11[%swap3A_497, %swap3A_498], %swap3A_501 {strides = array<i32>} : memref<16x1024xf32, #tpu.memory_space<vmem>>, vector<1x16xf32>,
      %get3A_502 = arith.constant 10 : i32
      %get3A_503 = arith.index_cast %get3A_502 : i32 to index
      %get3A_504 = arith.index_cast %mul3A_303 : i32 to index
      %get3A_505 = tpu.vector_load %arg11[%get3A_503, %get3A_504] {strides = array<i32>} : memref<16x1024xf32, #tpu.memory_space<vmem>>, vector<1x16xf32>,
      %get3A_506 = vector.shape_cast %get3A_505 : vector<1x16xf32> to vector<16xf32>
      %mul3A_507 = arith.constant 3.200000e+01 : f32
      %mul3A_508 = vector.broadcast %mul3A_507 : f32 to vector<16xf32>
      %mul3A_509 = arith.mulf %get3A_506, %mul3A_508 : vector<16xf32>
      %get3A_510 = arith.constant 10 : i32
      %get3A_511 = arith.index_cast %get3A_510 : i32 to index
      %get3A_512 = arith.index_cast %mul3A_303 : i32 to index
      %get3A_513 = tpu.vector_load %arg8[%get3A_511, %get3A_512] {strides = array<i32>} : memref<16x1024xf32, #tpu.memory_space<vmem>>, vector<1x16xf32>,
      %get3A_514 = vector.shape_cast %get3A_513 : vector<1x16xf32> to vector<16xf32>
      %add3A_515 = arith.addf %mul3A_509, %get3A_514 : vector<16xf32>
      %swap3A_516 = arith.constant 10 : i32
      %swap3A_517 = arith.index_cast %swap3A_516 : i32 to index
      %swap3A_518 = arith.index_cast %mul3A_303 : i32 to index
      %swap3A_519 = tpu.vector_load %arg11[%swap3A_517, %swap3A_518] {strides = array<i32>} : memref<16x1024xf32, #tpu.memory_space<vmem>>, vector<1x16xf32>,
      %swap3A_520 = vector.shape_cast %swap3A_519 : vector<1x16xf32> to vector<16xf32>
      %swap3A_521 = vector.shape_cast %add3A_515 : vector<16xf32> to vector<1x16xf32>
      tpu.vector_store %arg11[%swap3A_517, %swap3A_518], %swap3A_521 {strides = array<i32>} : memref<16x1024xf32, #tpu.memory_space<vmem>>, vector<1x16xf32>,
      %get3A_522 = arith.constant 11 : i32
      %get3A_523 = arith.index_cast %get3A_522 : i32 to index
      %get3A_524 = arith.index_cast %mul3A_303 : i32 to index
      %get3A_525 = tpu.vector_load %arg11[%get3A_523, %get3A_524] {strides = array<i32>} : memref<16x1024xf32, #tpu.memory_space<vmem>>, vector<1x16xf32>,
      %get3A_526 = vector.shape_cast %get3A_525 : vector<1x16xf32> to vector<16xf32>
      %mul3A_527 = arith.constant 3.200000e+01 : f32
      %mul3A_528 = vector.broadcast %mul3A_527 : f32 to vector<16xf32>
      %mul3A_529 = arith.mulf %get3A_526, %mul3A_528 : vector<16xf32>
      %get3A_530 = arith.constant 11 : i32
      %get3A_531 = arith.index_cast %get3A_530 : i32 to index
      %get3A_532 = arith.index_cast %mul3A_303 : i32 to index
      %get3A_533 = tpu.vector_load %arg8[%get3A_531, %get3A_532] {strides = array<i32>} : memref<16x1024xf32, #tpu.memory_space<vmem>>, vector<1x16xf32>,
      %get3A_534 = vector.shape_cast %get3A_533 : vector<1x16xf32> to vector<16xf32>
      %add3A_535 = arith.addf %mul3A_529, %get3A_534 : vector<16xf32>
      %swap3A_536 = arith.constant 11 : i32
      %swap3A_537 = arith.index_cast %swap3A_536 : i32 to index
      %swap3A_538 = arith.index_cast %mul3A_303 : i32 to index
      %swap3A_539 = tpu.vector_load %arg11[%swap3A_537, %swap3A_538] {strides = array<i32>} : memref<16x1024xf32, #tpu.memory_space<vmem>>, vector<1x16xf32>,
      %swap3A_540 = vector.shape_cast %swap3A_539 : vector<1x16xf32> to vector<16xf32>
      %swap3A_541 = vector.shape_cast %add3A_535 : vector<16xf32> to vector<1x16xf32>
      tpu.vector_store %arg11[%swap3A_537, %swap3A_538], %swap3A_541 {strides = array<i32>} : memref<16x1024xf32, #tpu.memory_space<vmem>>, vector<1x16xf32>,
      %get3A_542 = arith.constant 12 : i32
      %get3A_543 = arith.index_cast %get3A_542 : i32 to index
      %get3A_544 = arith.index_cast %mul3A_303 : i32 to index
      %get3A_545 = tpu.vector_load %arg11[%get3A_543, %get3A_544] {strides = array<i32>} : memref<16x1024xf32, #tpu.memory_space<vmem>>, vector<1x16xf32>,
      %get3A_546 = vector.shape_cast %get3A_545 : vector<1x16xf32> to vector<16xf32>
      %mul3A_547 = arith.constant 3.200000e+01 : f32
      %mul3A_548 = vector.broadcast %mul3A_547 : f32 to vector<16xf32>
      %mul3A_549 = arith.mulf %get3A_546, %mul3A_548 : vector<16xf32>
      %get3A_550 = arith.constant 12 : i32
      %get3A_551 = arith.index_cast %get3A_550 : i32 to index
      %get3A_552 = arith.index_cast %mul3A_303 : i32 to index
      %get3A_553 = tpu.vector_load %arg8[%get3A_551, %get3A_552] {strides = array<i32>} : memref<16x1024xf32, #tpu.memory_space<vmem>>, vector<1x16xf32>,
      %get3A_554 = vector.shape_cast %get3A_553 : vector<1x16xf32> to vector<16xf32>
      %add3A_555 = arith.addf %mul3A_549, %get3A_554 : vector<16xf32>
      %swap3A_556 = arith.constant 12 : i32
      %swap3A_557 = arith.index_cast %swap3A_556 : i32 to index
      %swap3A_558 = arith.index_cast %mul3A_303 : i32 to index
      %swap3A_559 = tpu.vector_load %arg11[%swap3A_557, %swap3A_558] {strides = array<i32>} : memref<16x1024xf32, #tpu.memory_space<vmem>>, vector<1x16xf32>,
      %swap3A_560 = vector.shape_cast %swap3A_559 : vector<1x16xf32> to vector<16xf32>
      %swap3A_561 = vector.shape_cast %add3A_555 : vector<16xf32> to vector<1x16xf32>
      tpu.vector_store %arg11[%swap3A_557, %swap3A_558], %swap3A_561 {strides = array<i32>} : memref<16x1024xf32, #tpu.memory_space<vmem>>, vector<1x16xf32>,
      %get3A_562 = arith.constant 13 : i32
      %get3A_563 = arith.index_cast %get3A_562 : i32 to index
      %get3A_564 = arith.index_cast %mul3A_303 : i32 to index
      %get3A_565 = tpu.vector_load %arg11[%get3A_563, %get3A_564] {strides = array<i32>} : memref<16x1024xf32, #tpu.memory_space<vmem>>, vector<1x16xf32>,
      %get3A_566 = vector.shape_cast %get3A_565 : vector<1x16xf32> to vector<16xf32>
      %mul3A_567 = arith.constant 3.200000e+01 : f32
      %mul3A_568 = vector.broadcast %mul3A_567 : f32 to vector<16xf32>
      %mul3A_569 = arith.mulf %get3A_566, %mul3A_568 : vector<16xf32>
      %get3A_570 = arith.constant 13 : i32
      %get3A_571 = arith.index_cast %get3A_570 : i32 to index
      %get3A_572 = arith.index_cast %mul3A_303 : i32 to index
      %get3A_573 = tpu.vector_load %arg8[%get3A_571, %get3A_572] {strides = array<i32>} : memref<16x1024xf32, #tpu.memory_space<vmem>>, vector<1x16xf32>,
      %get3A_574 = vector.shape_cast %get3A_573 : vector<1x16xf32> to vector<16xf32>
      %add3A_575 = arith.addf %mul3A_569, %get3A_574 : vector<16xf32>
      %swap3A_576 = arith.constant 13 : i32
      %swap3A_577 = arith.index_cast %swap3A_576 : i32 to index
      %swap3A_578 = arith.index_cast %mul3A_303 : i32 to index
      %swap3A_579 = tpu.vector_load %arg11[%swap3A_577, %swap3A_578] {strides = array<i32>} : memref<16x1024xf32, #tpu.memory_space<vmem>>, vector<1x16xf32>,
      %swap3A_580 = vector.shape_cast %swap3A_579 : vector<1x16xf32> to vector<16xf32>
      %swap3A_581 = vector.shape_cast %add3A_575 : vector<16xf32> to vector<1x16xf32>
      tpu.vector_store %arg11[%swap3A_577, %swap3A_578], %swap3A_581 {strides = array<i32>} : memref<16x1024xf32, #tpu.memory_space<vmem>>, vector<1x16xf32>,
      %get3A_582 = arith.constant 14 : i32
      %get3A_583 = arith.index_cast %get3A_582 : i32 to index
      %get3A_584 = arith.index_cast %mul3A_303 : i32 to index
      %get3A_585 = tpu.vector_load %arg11[%get3A_583, %get3A_584] {strides = array<i32>} : memref<16x1024xf32, #tpu.memory_space<vmem>>, vector<1x16xf32>,
      %get3A_586 = vector.shape_cast %get3A_585 : vector<1x16xf32> to vector<16xf32>
      %mul3A_587 = arith.constant 3.200000e+01 : f32
      %mul3A_588 = vector.broadcast %mul3A_587 : f32 to vector<16xf32>
      %mul3A_589 = arith.mulf %get3A_586, %mul3A_588 : vector<16xf32>
      %get3A_590 = arith.constant 14 : i32
      %get3A_591 = arith.index_cast %get3A_590 : i32 to index
      %get3A_592 = arith.index_cast %mul3A_303 : i32 to index
      %get3A_593 = tpu.vector_load %arg8[%get3A_591, %get3A_592] {strides = array<i32>} : memref<16x1024xf32, #tpu.memory_space<vmem>>, vector<1x16xf32>,
      %get3A_594 = vector.shape_cast %get3A_593 : vector<1x16xf32> to vector<16xf32>
      %add3A_595 = arith.addf %mul3A_589, %get3A_594 : vector<16xf32>
      %swap3A_596 = arith.constant 14 : i32
      %swap3A_597 = arith.index_cast %swap3A_596 : i32 to index
      %swap3A_598 = arith.index_cast %mul3A_303 : i32 to index
      %swap3A_599 = tpu.vector_load %arg11[%swap3A_597, %swap3A_598] {strides = array<i32>} : memref<16x1024xf32, #tpu.memory_space<vmem>>, vector<1x16xf32>,
      %swap3A_600 = vector.shape_cast %swap3A_599 : vector<1x16xf32> to vector<16xf32>
      %swap3A_601 = vector.shape_cast %add3A_595 : vector<16xf32> to vector<1x16xf32>
      tpu.vector_store %arg11[%swap3A_597, %swap3A_598], %swap3A_601 {strides = array<i32>} : memref<16x1024xf32, #tpu.memory_space<vmem>>, vector<1x16xf32>,
      %get3A_602 = arith.constant 15 : i32
      %get3A_603 = arith.index_cast %get3A_602 : i32 to index
      %get3A_604 = arith.index_cast %mul3A_303 : i32 to index
      %get3A_605 = tpu.vector_load %arg11[%get3A_603, %get3A_604] {strides = array<i32>} : memref<16x1024xf32, #tpu.memory_space<vmem>>, vector<1x16xf32>,
      %get3A_606 = vector.shape_cast %get3A_605 : vector<1x16xf32> to vector<16xf32>
      %mul3A_607 = arith.constant 3.200000e+01 : f32
      %mul3A_608 = vector.broadcast %mul3A_607 : f32 to vector<16xf32>
      %mul3A_609 = arith.mulf %get3A_606, %mul3A_608 : vector<16xf32>
      %get3A_610 = arith.constant 15 : i32
      %get3A_611 = arith.index_cast %get3A_610 : i32 to index
      %get3A_612 = arith.index_cast %mul3A_303 : i32 to index
      %get3A_613 = tpu.vector_load %arg8[%get3A_611, %get3A_612] {strides = array<i32>} : memref<16x1024xf32, #tpu.memory_space<vmem>>, vector<1x16xf32>,
      %get3A_614 = vector.shape_cast %get3A_613 : vector<1x16xf32> to vector<16xf32>
      %add3A_615 = arith.addf %mul3A_609, %get3A_614 : vector<16xf32>
      %swap3A_616 = arith.constant 15 : i32
      %swap3A_617 = arith.index_cast %swap3A_616 : i32 to index
      %swap3A_618 = arith.index_cast %mul3A_303 : i32 to index
      %swap3A_619 = tpu.vector_load %arg11[%swap3A_617, %swap3A_618] {strides = array<i32>} : memref<16x1024xf32, #tpu.memory_space<vmem>>, vector<1x16xf32>,
      %swap3A_620 = vector.shape_cast %swap3A_619 : vector<1x16xf32> to vector<16xf32>
      %swap3A_621 = vector.shape_cast %add3A_615 : vector<16xf32> to vector<1x16xf32>
      tpu.vector_store %arg11[%swap3A_617, %swap3A_618], %swap3A_621 {strides = array<i32>} : memref<16x1024xf32, #tpu.memory_space<vmem>>, vector<1x16xf32>,
    }
    %scan3A_120 = arith.constant 64 : i32
    %add3A_121 = arith.constant 0 : i32
    %add3A_122 = arith.addi %add3A_121, %mul3A_2 : i32
    %add3A_123 = arith.constant 16 : i32
    %add3A_124 = arith.addi %add3A_122, %add3A_123 : i32
    %dma_start3A_125 = arith.constant 0 : i32
    %dma_start3A_126 = tpu.memref_slice %arg5[%add3A_124, %dma_start3A_125] : memref<4096x1024xf32, #tpu.memory_space<hbm>> -> memref<16x1024xf32, #tpu.memory_space<hbm>>
    %dma_start3A_127 = arith.constant 0 : i32
    %dma_start3A_128 = tpu.memref_slice %arg5[%add3A_124, %dma_start3A_127] : memref<4096x1024xf32, #tpu.memory_space<hbm>> -> memref<16x1024xf32, #tpu.memory_space<hbm>>
    tpu.enqueue_dma source(%arg11 : memref<16x1024xf32, #tpu.memory_space<vmem>>) target(%dma_start3A_128 : memref<16x1024xf32, #tpu.memory_space<hbm>>) target_semaphore(%arg15 : memref<!tpu.dma_semaphore, #tpu.memory_space<semaphore_mem>>)
    %dma_wait3A_129 = arith.constant 0 : i32
    %dma_wait3A_130 = tpu.memref_slice %arg5[%add3A_58, %dma_wait3A_129] : memref<4096x1024xf32, #tpu.memory_space<hbm>> -> memref<16x1024xf32, #tpu.memory_space<hbm>>
    %dma_wait3A_131 = arith.constant 0 : i32
    %dma_wait3A_132 = tpu.memref_slice %arg5[%add3A_58, %dma_wait3A_131] : memref<4096x1024xf32, #tpu.memory_space<hbm>> -> memref<16x1024xf32, #tpu.memory_space<hbm>>
    tpu.wait_dma2 semaphore(%arg15 : memref<!tpu.dma_semaphore, #tpu.memory_space<semaphore_mem>>) src(%arg9 : memref<16x1024xf32, #tpu.memory_space<vmem>>) dst(%dma_wait3A_132 : memref<16x1024xf32, #tpu.memory_space<hbm>>)
    %dma_start3A_133 = arith.constant 1 : i32
    %dma_start3A_134 = arith.constant 32 : i32
    %dma_start3A_135 = tpu.memref_slice %arg6[%dma_start3A_133, %dma_start3A_134] : memref<2x64xi32, #tpu.memory_space<vmem>> -> memref<1x16xi32, #tpu.memory_space<vmem>>
    %dma_start3A_136 = tpu.memref_squeeze %dma_start3A_135 : memref<1x16xi32, #tpu.memory_space<vmem>> -> memref<16xi32, #tpu.memory_space<vmem>>
    %dma_start3A_137 = arith.constant 0 : i32
    %dma_start3A_138 = arith.constant 0 : i32
    %dma_start3A_139 = tpu.memref_slice %arg3[%dma_start3A_137, %dma_start3A_138] : memref<100000x1024xf32, #tpu.memory_space<hbm>> -> memref<100000x1024xf32, #tpu.memory_space<hbm>>
    tpu.enqueue_indirect_dma source(%dma_start3A_139 : memref<100000x1024xf32, #tpu.memory_space<hbm>>) target(%arg9 : memref<16x1024xf32, #tpu.memory_space<vmem>>) offsets(%dma_start3A_136 : memref<16xi32, #tpu.memory_space<vmem>>) semaphore(%arg14 : memref<!tpu.dma_semaphore, #tpu.memory_space<semaphore_mem>>)
    %dma_wait3A_140 = arith.constant 1 : i32
    %dma_wait3A_141 = arith.constant 16 : i32
    %dma_wait3A_142 = tpu.memref_slice %arg6[%dma_wait3A_140, %dma_wait3A_141] : memref<2x64xi32, #tpu.memory_space<vmem>> -> memref<1x16xi32, #tpu.memory_space<vmem>>
    %dma_wait3A_143 = tpu.memref_squeeze %dma_wait3A_142 : memref<1x16xi32, #tpu.memory_space<vmem>> -> memref<16xi32, #tpu.memory_space<vmem>>
    %dma_wait3A_144 = arith.constant 0 : i32
    %dma_wait3A_145 = arith.constant 0 : i32
    %dma_wait3A_146 = tpu.memref_slice %arg3[%dma_wait3A_144, %dma_wait3A_145] : memref<100000x1024xf32, #tpu.memory_space<hbm>> -> memref<100000x1024xf32, #tpu.memory_space<hbm>>
    tpu.wait_indirect_dma semaphore(%arg14 : memref<!tpu.dma_semaphore, #tpu.memory_space<semaphore_mem>>) src(%dma_wait3A_146 : memref<100000x1024xf32, #tpu.memory_space<hbm>>) dst(%arg12 : memref<16x1024xf32, #tpu.memory_space<vmem>>)
    %scan3A_147 = arith.constant 0 : i32
    %scan3A_148 = arith.constant 0 : i32
    %scan3A_149 = arith.constant 64 : i32
    %scan3A_150 = arith.addi %scan3A_148, %scan3A_149 : i32
    %scan3A_151 = arith.constant 1 : i32
    scf.for %scan3A_301 = %scan3A_148 to %scan3A_150 step %scan3A_151  : i32 {
      %mul3A_302 = arith.constant 16 : i32
      %mul3A_303 = arith.muli %scan3A_301, %mul3A_302 : i32
      %get3A = arith.constant 0 : i32
      %get3A_304 = arith.index_cast %get3A : i32 to index
      %get3A_305 = arith.index_cast %mul3A_303 : i32 to index
      %get3A_306 = tpu.vector_load %arg12[%get3A_304, %get3A_305] {strides = array<i32>} : memref<16x1024xf32, #tpu.memory_space<vmem>>, vector<1x16xf32>,
      %get3A_307 = vector.shape_cast %get3A_306 : vector<1x16xf32> to vector<16xf32>
      %mul3A_308 = arith.constant 3.200000e+01 : f32
      %mul3A_309 = vector.broadcast %mul3A_308 : f32 to vector<16xf32>
      %mul3A_310 = arith.mulf %get3A_307, %mul3A_309 : vector<16xf32>
      %get3A_311 = arith.constant 0 : i32
      %get3A_312 = arith.index_cast %get3A_311 : i32 to index
      %get3A_313 = arith.index_cast %mul3A_303 : i32 to index
      %get3A_314 = tpu.vector_load %arg8[%get3A_312, %get3A_313] {strides = array<i32>} : memref<16x1024xf32, #tpu.memory_space<vmem>>, vector<1x16xf32>,
      %get3A_315 = vector.shape_cast %get3A_314 : vector<1x16xf32> to vector<16xf32>
      %add3A_316 = arith.addf %mul3A_310, %get3A_315 : vector<16xf32>
      %swap3A = arith.constant 0 : i32
      %swap3A_317 = arith.index_cast %swap3A : i32 to index
      %swap3A_318 = arith.index_cast %mul3A_303 : i32 to index
      %swap3A_319 = tpu.vector_load %arg12[%swap3A_317, %swap3A_318] {strides = array<i32>} : memref<16x1024xf32, #tpu.memory_space<vmem>>, vector<1x16xf32>,
      %swap3A_320 = vector.shape_cast %swap3A_319 : vector<1x16xf32> to vector<16xf32>
      %swap3A_321 = vector.shape_cast %add3A_316 : vector<16xf32> to vector<1x16xf32>
      tpu.vector_store %arg12[%swap3A_317, %swap3A_318], %swap3A_321 {strides = array<i32>} : memref<16x1024xf32, #tpu.memory_space<vmem>>, vector<1x16xf32>,
      %get3A_322 = arith.constant 1 : i32
      %get3A_323 = arith.index_cast %get3A_322 : i32 to index
      %get3A_324 = arith.index_cast %mul3A_303 : i32 to index
      %get3A_325 = tpu.vector_load %arg12[%get3A_323, %get3A_324] {strides = array<i32>} : memref<16x1024xf32, #tpu.memory_space<vmem>>, vector<1x16xf32>,
      %get3A_326 = vector.shape_cast %get3A_325 : vector<1x16xf32> to vector<16xf32>
      %mul3A_327 = arith.constant 3.200000e+01 : f32
      %mul3A_328 = vector.broadcast %mul3A_327 : f32 to vector<16xf32>
      %mul3A_329 = arith.mulf %get3A_326, %mul3A_328 : vector<16xf32>
      %get3A_330 = arith.constant 1 : i32
      %get3A_331 = arith.index_cast %get3A_330 : i32 to index
      %get3A_332 = arith.index_cast %mul3A_303 : i32 to index
      %get3A_333 = tpu.vector_load %arg8[%get3A_331, %get3A_332] {strides = array<i32>} : memref<16x1024xf32, #tpu.memory_space<vmem>>, vector<1x16xf32>,
      %get3A_334 = vector.shape_cast %get3A_333 : vector<1x16xf32> to vector<16xf32>
      %add3A_335 = arith.addf %mul3A_329, %get3A_334 : vector<16xf32>
      %swap3A_336 = arith.constant 1 : i32
      %swap3A_337 = arith.index_cast %swap3A_336 : i32 to index
      %swap3A_338 = arith.index_cast %mul3A_303 : i32 to index
      %swap3A_339 = tpu.vector_load %arg12[%swap3A_337, %swap3A_338] {strides = array<i32>} : memref<16x1024xf32, #tpu.memory_space<vmem>>, vector<1x16xf32>,
      %swap3A_340 = vector.shape_cast %swap3A_339 : vector<1x16xf32> to vector<16xf32>
      %swap3A_341 = vector.shape_cast %add3A_335 : vector<16xf32> to vector<1x16xf32>
      tpu.vector_store %arg12[%swap3A_337, %swap3A_338], %swap3A_341 {strides = array<i32>} : memref<16x1024xf32, #tpu.memory_space<vmem>>, vector<1x16xf32>,
      %get3A_342 = arith.constant 2 : i32
      %get3A_343 = arith.index_cast %get3A_342 : i32 to index
      %get3A_344 = arith.index_cast %mul3A_303 : i32 to index
      %get3A_345 = tpu.vector_load %arg12[%get3A_343, %get3A_344] {strides = array<i32>} : memref<16x1024xf32, #tpu.memory_space<vmem>>, vector<1x16xf32>,
      %get3A_346 = vector.shape_cast %get3A_345 : vector<1x16xf32> to vector<16xf32>
      %mul3A_347 = arith.constant 3.200000e+01 : f32
      %mul3A_348 = vector.broadcast %mul3A_347 : f32 to vector<16xf32>
      %mul3A_349 = arith.mulf %get3A_346, %mul3A_348 : vector<16xf32>
      %get3A_350 = arith.constant 2 : i32
      %get3A_351 = arith.index_cast %get3A_350 : i32 to index
      %get3A_352 = arith.index_cast %mul3A_303 : i32 to index
      %get3A_353 = tpu.vector_load %arg8[%get3A_351, %get3A_352] {strides = array<i32>} : memref<16x1024xf32, #tpu.memory_space<vmem>>, vector<1x16xf32>,
      %get3A_354 = vector.shape_cast %get3A_353 : vector<1x16xf32> to vector<16xf32>
      %add3A_355 = arith.addf %mul3A_349, %get3A_354 : vector<16xf32>
      %swap3A_356 = arith.constant 2 : i32
      %swap3A_357 = arith.index_cast %swap3A_356 : i32 to index
      %swap3A_358 = arith.index_cast %mul3A_303 : i32 to index
      %swap3A_359 = tpu.vector_load %arg12[%swap3A_357, %swap3A_358] {strides = array<i32>} : memref<16x1024xf32, #tpu.memory_space<vmem>>, vector<1x16xf32>,
      %swap3A_360 = vector.shape_cast %swap3A_359 : vector<1x16xf32> to vector<16xf32>
      %swap3A_361 = vector.shape_cast %add3A_355 : vector<16xf32> to vector<1x16xf32>
      tpu.vector_store %arg12[%swap3A_357, %swap3A_358], %swap3A_361 {strides = array<i32>} : memref<16x1024xf32, #tpu.memory_space<vmem>>, vector<1x16xf32>,
      %get3A_362 = arith.constant 3 : i32
      %get3A_363 = arith.index_cast %get3A_362 : i32 to index
      %get3A_364 = arith.index_cast %mul3A_303 : i32 to index
      %get3A_365 = tpu.vector_load %arg12[%get3A_363, %get3A_364] {strides = array<i32>} : memref<16x1024xf32, #tpu.memory_space<vmem>>, vector<1x16xf32>,
      %get3A_366 = vector.shape_cast %get3A_365 : vector<1x16xf32> to vector<16xf32>
      %mul3A_367 = arith.constant 3.200000e+01 : f32
      %mul3A_368 = vector.broadcast %mul3A_367 : f32 to vector<16xf32>
      %mul3A_369 = arith.mulf %get3A_366, %mul3A_368 : vector<16xf32>
      %get3A_370 = arith.constant 3 : i32
      %get3A_371 = arith.index_cast %get3A_370 : i32 to index
      %get3A_372 = arith.index_cast %mul3A_303 : i32 to index
      %get3A_373 = tpu.vector_load %arg8[%get3A_371, %get3A_372] {strides = array<i32>} : memref<16x1024xf32, #tpu.memory_space<vmem>>, vector<1x16xf32>,
      %get3A_374 = vector.shape_cast %get3A_373 : vector<1x16xf32> to vector<16xf32>
      %add3A_375 = arith.addf %mul3A_369, %get3A_374 : vector<16xf32>
      %swap3A_376 = arith.constant 3 : i32
      %swap3A_377 = arith.index_cast %swap3A_376 : i32 to index
      %swap3A_378 = arith.index_cast %mul3A_303 : i32 to index
      %swap3A_379 = tpu.vector_load %arg12[%swap3A_377, %swap3A_378] {strides = array<i32>} : memref<16x1024xf32, #tpu.memory_space<vmem>>, vector<1x16xf32>,
      %swap3A_380 = vector.shape_cast %swap3A_379 : vector<1x16xf32> to vector<16xf32>
      %swap3A_381 = vector.shape_cast %add3A_375 : vector<16xf32> to vector<1x16xf32>
      tpu.vector_store %arg12[%swap3A_377, %swap3A_378], %swap3A_381 {strides = array<i32>} : memref<16x1024xf32, #tpu.memory_space<vmem>>, vector<1x16xf32>,
      %get3A_382 = arith.constant 4 : i32
      %get3A_383 = arith.index_cast %get3A_382 : i32 to index
      %get3A_384 = arith.index_cast %mul3A_303 : i32 to index
      %get3A_385 = tpu.vector_load %arg12[%get3A_383, %get3A_384] {strides = array<i32>} : memref<16x1024xf32, #tpu.memory_space<vmem>>, vector<1x16xf32>,
      %get3A_386 = vector.shape_cast %get3A_385 : vector<1x16xf32> to vector<16xf32>
      %mul3A_387 = arith.constant 3.200000e+01 : f32
      %mul3A_388 = vector.broadcast %mul3A_387 : f32 to vector<16xf32>
      %mul3A_389 = arith.mulf %get3A_386, %mul3A_388 : vector<16xf32>
      %get3A_390 = arith.constant 4 : i32
      %get3A_391 = arith.index_cast %get3A_390 : i32 to index
      %get3A_392 = arith.index_cast %mul3A_303 : i32 to index
      %get3A_393 = tpu.vector_load %arg8[%get3A_391, %get3A_392] {strides = array<i32>} : memref<16x1024xf32, #tpu.memory_space<vmem>>, vector<1x16xf32>,
      %get3A_394 = vector.shape_cast %get3A_393 : vector<1x16xf32> to vector<16xf32>
      %add3A_395 = arith.addf %mul3A_389, %get3A_394 : vector<16xf32>
      %swap3A_396 = arith.constant 4 : i32
      %swap3A_397 = arith.index_cast %swap3A_396 : i32 to index
      %swap3A_398 = arith.index_cast %mul3A_303 : i32 to index
      %swap3A_399 = tpu.vector_load %arg12[%swap3A_397, %swap3A_398] {strides = array<i32>} : memref<16x1024xf32, #tpu.memory_space<vmem>>, vector<1x16xf32>,
      %swap3A_400 = vector.shape_cast %swap3A_399 : vector<1x16xf32> to vector<16xf32>
      %swap3A_401 = vector.shape_cast %add3A_395 : vector<16xf32> to vector<1x16xf32>
      tpu.vector_store %arg12[%swap3A_397, %swap3A_398], %swap3A_401 {strides = array<i32>} : memref<16x1024xf32, #tpu.memory_space<vmem>>, vector<1x16xf32>,
      %get3A_402 = arith.constant 5 : i32
      %get3A_403 = arith.index_cast %get3A_402 : i32 to index
      %get3A_404 = arith.index_cast %mul3A_303 : i32 to index
      %get3A_405 = tpu.vector_load %arg12[%get3A_403, %get3A_404] {strides = array<i32>} : memref<16x1024xf32, #tpu.memory_space<vmem>>, vector<1x16xf32>,
      %get3A_406 = vector.shape_cast %get3A_405 : vector<1x16xf32> to vector<16xf32>
      %mul3A_407 = arith.constant 3.200000e+01 : f32
      %mul3A_408 = vector.broadcast %mul3A_407 : f32 to vector<16xf32>
      %mul3A_409 = arith.mulf %get3A_406, %mul3A_408 : vector<16xf32>
      %get3A_410 = arith.constant 5 : i32
      %get3A_411 = arith.index_cast %get3A_410 : i32 to index
      %get3A_412 = arith.index_cast %mul3A_303 : i32 to index
      %get3A_413 = tpu.vector_load %arg8[%get3A_411, %get3A_412] {strides = array<i32>} : memref<16x1024xf32, #tpu.memory_space<vmem>>, vector<1x16xf32>,
      %get3A_414 = vector.shape_cast %get3A_413 : vector<1x16xf32> to vector<16xf32>
      %add3A_415 = arith.addf %mul3A_409, %get3A_414 : vector<16xf32>
      %swap3A_416 = arith.constant 5 : i32
      %swap3A_417 = arith.index_cast %swap3A_416 : i32 to index
      %swap3A_418 = arith.index_cast %mul3A_303 : i32 to index
      %swap3A_419 = tpu.vector_load %arg12[%swap3A_417, %swap3A_418] {strides = array<i32>} : memref<16x1024xf32, #tpu.memory_space<vmem>>, vector<1x16xf32>,
      %swap3A_420 = vector.shape_cast %swap3A_419 : vector<1x16xf32> to vector<16xf32>
      %swap3A_421 = vector.shape_cast %add3A_415 : vector<16xf32> to vector<1x16xf32>
      tpu.vector_store %arg12[%swap3A_417, %swap3A_418], %swap3A_421 {strides = array<i32>} : memref<16x1024xf32, #tpu.memory_space<vmem>>, vector<1x16xf32>,
      %get3A_422 = arith.constant 6 : i32
      %get3A_423 = arith.index_cast %get3A_422 : i32 to index
      %get3A_424 = arith.index_cast %mul3A_303 : i32 to index
      %get3A_425 = tpu.vector_load %arg12[%get3A_423, %get3A_424] {strides = array<i32>} : memref<16x1024xf32, #tpu.memory_space<vmem>>, vector<1x16xf32>,
      %get3A_426 = vector.shape_cast %get3A_425 : vector<1x16xf32> to vector<16xf32>
      %mul3A_427 = arith.constant 3.200000e+01 : f32
      %mul3A_428 = vector.broadcast %mul3A_427 : f32 to vector<16xf32>
      %mul3A_429 = arith.mulf %get3A_426, %mul3A_428 : vector<16xf32>
      %get3A_430 = arith.constant 6 : i32
      %get3A_431 = arith.index_cast %get3A_430 : i32 to index
      %get3A_432 = arith.index_cast %mul3A_303 : i32 to index
      %get3A_433 = tpu.vector_load %arg8[%get3A_431, %get3A_432] {strides = array<i32>} : memref<16x1024xf32, #tpu.memory_space<vmem>>, vector<1x16xf32>,
      %get3A_434 = vector.shape_cast %get3A_433 : vector<1x16xf32> to vector<16xf32>
      %add3A_435 = arith.addf %mul3A_429, %get3A_434 : vector<16xf32>
      %swap3A_436 = arith.constant 6 : i32
      %swap3A_437 = arith.index_cast %swap3A_436 : i32 to index
      %swap3A_438 = arith.index_cast %mul3A_303 : i32 to index
      %swap3A_439 = tpu.vector_load %arg12[%swap3A_437, %swap3A_438] {strides = array<i32>} : memref<16x1024xf32, #tpu.memory_space<vmem>>, vector<1x16xf32>,
      %swap3A_440 = vector.shape_cast %swap3A_439 : vector<1x16xf32> to vector<16xf32>
      %swap3A_441 = vector.shape_cast %add3A_435 : vector<16xf32> to vector<1x16xf32>
      tpu.vector_store %arg12[%swap3A_437, %swap3A_438], %swap3A_441 {strides = array<i32>} : memref<16x1024xf32, #tpu.memory_space<vmem>>, vector<1x16xf32>,
      %get3A_442 = arith.constant 7 : i32
      %get3A_443 = arith.index_cast %get3A_442 : i32 to index
      %get3A_444 = arith.index_cast %mul3A_303 : i32 to index
      %get3A_445 = tpu.vector_load %arg12[%get3A_443, %get3A_444] {strides = array<i32>} : memref<16x1024xf32, #tpu.memory_space<vmem>>, vector<1x16xf32>,
      %get3A_446 = vector.shape_cast %get3A_445 : vector<1x16xf32> to vector<16xf32>
      %mul3A_447 = arith.constant 3.200000e+01 : f32
      %mul3A_448 = vector.broadcast %mul3A_447 : f32 to vector<16xf32>
      %mul3A_449 = arith.mulf %get3A_446, %mul3A_448 : vector<16xf32>
      %get3A_450 = arith.constant 7 : i32
      %get3A_451 = arith.index_cast %get3A_450 : i32 to index
      %get3A_452 = arith.index_cast %mul3A_303 : i32 to index
      %get3A_453 = tpu.vector_load %arg8[%get3A_451, %get3A_452] {strides = array<i32>} : memref<16x1024xf32, #tpu.memory_space<vmem>>, vector<1x16xf32>,
      %get3A_454 = vector.shape_cast %get3A_453 : vector<1x16xf32> to vector<16xf32>
      %add3A_455 = arith.addf %mul3A_449, %get3A_454 : vector<16xf32>
      %swap3A_456 = arith.constant 7 : i32
      %swap3A_457 = arith.index_cast %swap3A_456 : i32 to index
      %swap3A_458 = arith.index_cast %mul3A_303 : i32 to index
      %swap3A_459 = tpu.vector_load %arg12[%swap3A_457, %swap3A_458] {strides = array<i32>} : memref<16x1024xf32, #tpu.memory_space<vmem>>, vector<1x16xf32>,
      %swap3A_460 = vector.shape_cast %swap3A_459 : vector<1x16xf32> to vector<16xf32>
      %swap3A_461 = vector.shape_cast %add3A_455 : vector<16xf32> to vector<1x16xf32>
      tpu.vector_store %arg12[%swap3A_457, %swap3A_458], %swap3A_461 {strides = array<i32>} : memref<16x1024xf32, #tpu.memory_space<vmem>>, vector<1x16xf32>,
      %get3A_462 = arith.constant 8 : i32
      %get3A_463 = arith.index_cast %get3A_462 : i32 to index
      %get3A_464 = arith.index_cast %mul3A_303 : i32 to index
      %get3A_465 = tpu.vector_load %arg12[%get3A_463, %get3A_464] {strides = array<i32>} : memref<16x1024xf32, #tpu.memory_space<vmem>>, vector<1x16xf32>,
      %get3A_466 = vector.shape_cast %get3A_465 : vector<1x16xf32> to vector<16xf32>
      %mul3A_467 = arith.constant 3.200000e+01 : f32
      %mul3A_468 = vector.broadcast %mul3A_467 : f32 to vector<16xf32>
      %mul3A_469 = arith.mulf %get3A_466, %mul3A_468 : vector<16xf32>
      %get3A_470 = arith.constant 8 : i32
      %get3A_471 = arith.index_cast %get3A_470 : i32 to index
      %get3A_472 = arith.index_cast %mul3A_303 : i32 to index
      %get3A_473 = tpu.vector_load %arg8[%get3A_471, %get3A_472] {strides = array<i32>} : memref<16x1024xf32, #tpu.memory_space<vmem>>, vector<1x16xf32>,
      %get3A_474 = vector.shape_cast %get3A_473 : vector<1x16xf32> to vector<16xf32>
      %add3A_475 = arith.addf %mul3A_469, %get3A_474 : vector<16xf32>
      %swap3A_476 = arith.constant 8 : i32
      %swap3A_477 = arith.index_cast %swap3A_476 : i32 to index
      %swap3A_478 = arith.index_cast %mul3A_303 : i32 to index
      %swap3A_479 = tpu.vector_load %arg12[%swap3A_477, %swap3A_478] {strides = array<i32>} : memref<16x1024xf32, #tpu.memory_space<vmem>>, vector<1x16xf32>,
      %swap3A_480 = vector.shape_cast %swap3A_479 : vector<1x16xf32> to vector<16xf32>
      %swap3A_481 = vector.shape_cast %add3A_475 : vector<16xf32> to vector<1x16xf32>
      tpu.vector_store %arg12[%swap3A_477, %swap3A_478], %swap3A_481 {strides = array<i32>} : memref<16x1024xf32, #tpu.memory_space<vmem>>, vector<1x16xf32>,
      %get3A_482 = arith.constant 9 : i32
      %get3A_483 = arith.index_cast %get3A_482 : i32 to index
      %get3A_484 = arith.index_cast %mul3A_303 : i32 to index
      %get3A_485 = tpu.vector_load %arg12[%get3A_483, %get3A_484] {strides = array<i32>} : memref<16x1024xf32, #tpu.memory_space<vmem>>, vector<1x16xf32>,
      %get3A_486 = vector.shape_cast %get3A_485 : vector<1x16xf32> to vector<16xf32>
      %mul3A_487 = arith.constant 3.200000e+01 : f32
      %mul3A_488 = vector.broadcast %mul3A_487 : f32 to vector<16xf32>
      %mul3A_489 = arith.mulf %get3A_486, %mul3A_488 : vector<16xf32>
      %get3A_490 = arith.constant 9 : i32
      %get3A_491 = arith.index_cast %get3A_490 : i32 to index
      %get3A_492 = arith.index_cast %mul3A_303 : i32 to index
      %get3A_493 = tpu.vector_load %arg8[%get3A_491, %get3A_492] {strides = array<i32>} : memref<16x1024xf32, #tpu.memory_space<vmem>>, vector<1x16xf32>,
      %get3A_494 = vector.shape_cast %get3A_493 : vector<1x16xf32> to vector<16xf32>
      %add3A_495 = arith.addf %mul3A_489, %get3A_494 : vector<16xf32>
      %swap3A_496 = arith.constant 9 : i32
      %swap3A_497 = arith.index_cast %swap3A_496 : i32 to index
      %swap3A_498 = arith.index_cast %mul3A_303 : i32 to index
      %swap3A_499 = tpu.vector_load %arg12[%swap3A_497, %swap3A_498] {strides = array<i32>} : memref<16x1024xf32, #tpu.memory_space<vmem>>, vector<1x16xf32>,
      %swap3A_500 = vector.shape_cast %swap3A_499 : vector<1x16xf32> to vector<16xf32>
      %swap3A_501 = vector.shape_cast %add3A_495 : vector<16xf32> to vector<1x16xf32>
      tpu.vector_store %arg12[%swap3A_497, %swap3A_498], %swap3A_501 {strides = array<i32>} : memref<16x1024xf32, #tpu.memory_space<vmem>>, vector<1x16xf32>,
      %get3A_502 = arith.constant 10 : i32
      %get3A_503 = arith.index_cast %get3A_502 : i32 to index
      %get3A_504 = arith.index_cast %mul3A_303 : i32 to index
      %get3A_505 = tpu.vector_load %arg12[%get3A_503, %get3A_504] {strides = array<i32>} : memref<16x1024xf32, #tpu.memory_space<vmem>>, vector<1x16xf32>,
      %get3A_506 = vector.shape_cast %get3A_505 : vector<1x16xf32> to vector<16xf32>
      %mul3A_507 = arith.constant 3.200000e+01 : f32
      %mul3A_508 = vector.broadcast %mul3A_507 : f32 to vector<16xf32>
      %mul3A_509 = arith.mulf %get3A_506, %mul3A_508 : vector<16xf32>
      %get3A_510 = arith.constant 10 : i32
      %get3A_511 = arith.index_cast %get3A_510 : i32 to index
      %get3A_512 = arith.index_cast %mul3A_303 : i32 to index
      %get3A_513 = tpu.vector_load %arg8[%get3A_511, %get3A_512] {strides = array<i32>} : memref<16x1024xf32, #tpu.memory_space<vmem>>, vector<1x16xf32>,
      %get3A_514 = vector.shape_cast %get3A_513 : vector<1x16xf32> to vector<16xf32>
      %add3A_515 = arith.addf %mul3A_509, %get3A_514 : vector<16xf32>
      %swap3A_516 = arith.constant 10 : i32
      %swap3A_517 = arith.index_cast %swap3A_516 : i32 to index
      %swap3A_518 = arith.index_cast %mul3A_303 : i32 to index
      %swap3A_519 = tpu.vector_load %arg12[%swap3A_517, %swap3A_518] {strides = array<i32>} : memref<16x1024xf32, #tpu.memory_space<vmem>>, vector<1x16xf32>,
      %swap3A_520 = vector.shape_cast %swap3A_519 : vector<1x16xf32> to vector<16xf32>
      %swap3A_521 = vector.shape_cast %add3A_515 : vector<16xf32> to vector<1x16xf32>
      tpu.vector_store %arg12[%swap3A_517, %swap3A_518], %swap3A_521 {strides = array<i32>} : memref<16x1024xf32, #tpu.memory_space<vmem>>, vector<1x16xf32>,
      %get3A_522 = arith.constant 11 : i32
      %get3A_523 = arith.index_cast %get3A_522 : i32 to index
      %get3A_524 = arith.index_cast %mul3A_303 : i32 to index
      %get3A_525 = tpu.vector_load %arg12[%get3A_523, %get3A_524] {strides = array<i32>} : memref<16x1024xf32, #tpu.memory_space<vmem>>, vector<1x16xf32>,
      %get3A_526 = vector.shape_cast %get3A_525 : vector<1x16xf32> to vector<16xf32>
      %mul3A_527 = arith.constant 3.200000e+01 : f32
      %mul3A_528 = vector.broadcast %mul3A_527 : f32 to vector<16xf32>
      %mul3A_529 = arith.mulf %get3A_526, %mul3A_528 : vector<16xf32>
      %get3A_530 = arith.constant 11 : i32
      %get3A_531 = arith.index_cast %get3A_530 : i32 to index
      %get3A_532 = arith.index_cast %mul3A_303 : i32 to index
      %get3A_533 = tpu.vector_load %arg8[%get3A_531, %get3A_532] {strides = array<i32>} : memref<16x1024xf32, #tpu.memory_space<vmem>>, vector<1x16xf32>,
      %get3A_534 = vector.shape_cast %get3A_533 : vector<1x16xf32> to vector<16xf32>
      %add3A_535 = arith.addf %mul3A_529, %get3A_534 : vector<16xf32>
      %swap3A_536 = arith.constant 11 : i32
      %swap3A_537 = arith.index_cast %swap3A_536 : i32 to index
      %swap3A_538 = arith.index_cast %mul3A_303 : i32 to index
      %swap3A_539 = tpu.vector_load %arg12[%swap3A_537, %swap3A_538] {strides = array<i32>} : memref<16x1024xf32, #tpu.memory_space<vmem>>, vector<1x16xf32>,
      %swap3A_540 = vector.shape_cast %swap3A_539 : vector<1x16xf32> to vector<16xf32>
      %swap3A_541 = vector.shape_cast %add3A_535 : vector<16xf32> to vector<1x16xf32>
      tpu.vector_store %arg12[%swap3A_537, %swap3A_538], %swap3A_541 {strides = array<i32>} : memref<16x1024xf32, #tpu.memory_space<vmem>>, vector<1x16xf32>,
      %get3A_542 = arith.constant 12 : i32
      %get3A_543 = arith.index_cast %get3A_542 : i32 to index
      %get3A_544 = arith.index_cast %mul3A_303 : i32 to index
      %get3A_545 = tpu.vector_load %arg12[%get3A_543, %get3A_544] {strides = array<i32>} : memref<16x1024xf32, #tpu.memory_space<vmem>>, vector<1x16xf32>,
      %get3A_546 = vector.shape_cast %get3A_545 : vector<1x16xf32> to vector<16xf32>
      %mul3A_547 = arith.constant 3.200000e+01 : f32
      %mul3A_548 = vector.broadcast %mul3A_547 : f32 to vector<16xf32>
      %mul3A_549 = arith.mulf %get3A_546, %mul3A_548 : vector<16xf32>
      %get3A_550 = arith.constant 12 : i32
      %get3A_551 = arith.index_cast %get3A_550 : i32 to index
      %get3A_552 = arith.index_cast %mul3A_303 : i32 to index
      %get3A_553 = tpu.vector_load %arg8[%get3A_551, %get3A_552] {strides = array<i32>} : memref<16x1024xf32, #tpu.memory_space<vmem>>, vector<1x16xf32>,
      %get3A_554 = vector.shape_cast %get3A_553 : vector<1x16xf32> to vector<16xf32>
      %add3A_555 = arith.addf %mul3A_549, %get3A_554 : vector<16xf32>
      %swap3A_556 = arith.constant 12 : i32
      %swap3A_557 = arith.index_cast %swap3A_556 : i32 to index
      %swap3A_558 = arith.index_cast %mul3A_303 : i32 to index
      %swap3A_559 = tpu.vector_load %arg12[%swap3A_557, %swap3A_558] {strides = array<i32>} : memref<16x1024xf32, #tpu.memory_space<vmem>>, vector<1x16xf32>,
      %swap3A_560 = vector.shape_cast %swap3A_559 : vector<1x16xf32> to vector<16xf32>
      %swap3A_561 = vector.shape_cast %add3A_555 : vector<16xf32> to vector<1x16xf32>
      tpu.vector_store %arg12[%swap3A_557, %swap3A_558], %swap3A_561 {strides = array<i32>} : memref<16x1024xf32, #tpu.memory_space<vmem>>, vector<1x16xf32>,
      %get3A_562 = arith.constant 13 : i32
      %get3A_563 = arith.index_cast %get3A_562 : i32 to index
      %get3A_564 = arith.index_cast %mul3A_303 : i32 to index
      %get3A_565 = tpu.vector_load %arg12[%get3A_563, %get3A_564] {strides = array<i32>} : memref<16x1024xf32, #tpu.memory_space<vmem>>, vector<1x16xf32>,
      %get3A_566 = vector.shape_cast %get3A_565 : vector<1x16xf32> to vector<16xf32>
      %mul3A_567 = arith.constant 3.200000e+01 : f32
      %mul3A_568 = vector.broadcast %mul3A_567 : f32 to vector<16xf32>
      %mul3A_569 = arith.mulf %get3A_566, %mul3A_568 : vector<16xf32>
      %get3A_570 = arith.constant 13 : i32
      %get3A_571 = arith.index_cast %get3A_570 : i32 to index
      %get3A_572 = arith.index_cast %mul3A_303 : i32 to index
      %get3A_573 = tpu.vector_load %arg8[%get3A_571, %get3A_572] {strides = array<i32>} : memref<16x1024xf32, #tpu.memory_space<vmem>>, vector<1x16xf32>,
      %get3A_574 = vector.shape_cast %get3A_573 : vector<1x16xf32> to vector<16xf32>
      %add3A_575 = arith.addf %mul3A_569, %get3A_574 : vector<16xf32>
      %swap3A_576 = arith.constant 13 : i32
      %swap3A_577 = arith.index_cast %swap3A_576 : i32 to index
      %swap3A_578 = arith.index_cast %mul3A_303 : i32 to index
      %swap3A_579 = tpu.vector_load %arg12[%swap3A_577, %swap3A_578] {strides = array<i32>} : memref<16x1024xf32, #tpu.memory_space<vmem>>, vector<1x16xf32>,
      %swap3A_580 = vector.shape_cast %swap3A_579 : vector<1x16xf32> to vector<16xf32>
      %swap3A_581 = vector.shape_cast %add3A_575 : vector<16xf32> to vector<1x16xf32>
      tpu.vector_store %arg12[%swap3A_577, %swap3A_578], %swap3A_581 {strides = array<i32>} : memref<16x1024xf32, #tpu.memory_space<vmem>>, vector<1x16xf32>,
      %get3A_582 = arith.constant 14 : i32
      %get3A_583 = arith.index_cast %get3A_582 : i32 to index
      %get3A_584 = arith.index_cast %mul3A_303 : i32 to index
      %get3A_585 = tpu.vector_load %arg12[%get3A_583, %get3A_584] {strides = array<i32>} : memref<16x1024xf32, #tpu.memory_space<vmem>>, vector<1x16xf32>,
      %get3A_586 = vector.shape_cast %get3A_585 : vector<1x16xf32> to vector<16xf32>
      %mul3A_587 = arith.constant 3.200000e+01 : f32
      %mul3A_588 = vector.broadcast %mul3A_587 : f32 to vector<16xf32>
      %mul3A_589 = arith.mulf %get3A_586, %mul3A_588 : vector<16xf32>
      %get3A_590 = arith.constant 14 : i32
      %get3A_591 = arith.index_cast %get3A_590 : i32 to index
      %get3A_592 = arith.index_cast %mul3A_303 : i32 to index
      %get3A_593 = tpu.vector_load %arg8[%get3A_591, %get3A_592] {strides = array<i32>} : memref<16x1024xf32, #tpu.memory_space<vmem>>, vector<1x16xf32>,
      %get3A_594 = vector.shape_cast %get3A_593 : vector<1x16xf32> to vector<16xf32>
      %add3A_595 = arith.addf %mul3A_589, %get3A_594 : vector<16xf32>
      %swap3A_596 = arith.constant 14 : i32
      %swap3A_597 = arith.index_cast %swap3A_596 : i32 to index
      %swap3A_598 = arith.index_cast %mul3A_303 : i32 to index
      %swap3A_599 = tpu.vector_load %arg12[%swap3A_597, %swap3A_598] {strides = array<i32>} : memref<16x1024xf32, #tpu.memory_space<vmem>>, vector<1x16xf32>,
      %swap3A_600 = vector.shape_cast %swap3A_599 : vector<1x16xf32> to vector<16xf32>
      %swap3A_601 = vector.shape_cast %add3A_595 : vector<16xf32> to vector<1x16xf32>
      tpu.vector_store %arg12[%swap3A_597, %swap3A_598], %swap3A_601 {strides = array<i32>} : memref<16x1024xf32, #tpu.memory_space<vmem>>, vector<1x16xf32>,
      %get3A_602 = arith.constant 15 : i32
      %get3A_603 = arith.index_cast %get3A_602 : i32 to index
      %get3A_604 = arith.index_cast %mul3A_303 : i32 to index
      %get3A_605 = tpu.vector_load %arg12[%get3A_603, %get3A_604] {strides = array<i32>} : memref<16x1024xf32, #tpu.memory_space<vmem>>, vector<1x16xf32>,
      %get3A_606 = vector.shape_cast %get3A_605 : vector<1x16xf32> to vector<16xf32>
      %mul3A_607 = arith.constant 3.200000e+01 : f32
      %mul3A_608 = vector.broadcast %mul3A_607 : f32 to vector<16xf32>
      %mul3A_609 = arith.mulf %get3A_606, %mul3A_608 : vector<16xf32>
      %get3A_610 = arith.constant 15 : i32
      %get3A_611 = arith.index_cast %get3A_610 : i32 to index
      %get3A_612 = arith.index_cast %mul3A_303 : i32 to index
      %get3A_613 = tpu.vector_load %arg8[%get3A_611, %get3A_612] {strides = array<i32>} : memref<16x1024xf32, #tpu.memory_space<vmem>>, vector<1x16xf32>,
      %get3A_614 = vector.shape_cast %get3A_613 : vector<1x16xf32> to vector<16xf32>
      %add3A_615 = arith.addf %mul3A_609, %get3A_614 : vector<16xf32>
      %swap3A_616 = arith.constant 15 : i32
      %swap3A_617 = arith.index_cast %swap3A_616 : i32 to index
      %swap3A_618 = arith.index_cast %mul3A_303 : i32 to index
      %swap3A_619 = tpu.vector_load %arg12[%swap3A_617, %swap3A_618] {strides = array<i32>} : memref<16x1024xf32, #tpu.memory_space<vmem>>, vector<1x16xf32>,
      %swap3A_620 = vector.shape_cast %swap3A_619 : vector<1x16xf32> to vector<16xf32>
      %swap3A_621 = vector.shape_cast %add3A_615 : vector<16xf32> to vector<1x16xf32>
      tpu.vector_store %arg12[%swap3A_617, %swap3A_618], %swap3A_621 {strides = array<i32>} : memref<16x1024xf32, #tpu.memory_space<vmem>>, vector<1x16xf32>,
    }
    %scan3A_152 = arith.constant 64 : i32
    %add3A_153 = arith.constant 2048 : i32
    %add3A_154 = arith.addi %add3A_153, %mul3A_2 : i32
    %add3A_155 = arith.constant 16 : i32
    %add3A_156 = arith.addi %add3A_154, %add3A_155 : i32
    %dma_start3A_157 = arith.constant 0 : i32
    %dma_start3A_158 = tpu.memref_slice %arg5[%add3A_156, %dma_start3A_157] : memref<4096x1024xf32, #tpu.memory_space<hbm>> -> memref<16x1024xf32, #tpu.memory_space<hbm>>
    %dma_start3A_159 = arith.constant 0 : i32
    %dma_start3A_160 = tpu.memref_slice %arg5[%add3A_156, %dma_start3A_159] : memref<4096x1024xf32, #tpu.memory_space<hbm>> -> memref<16x1024xf32, #tpu.memory_space<hbm>>
    tpu.enqueue_dma source(%arg12 : memref<16x1024xf32, #tpu.memory_space<vmem>>) target(%dma_start3A_160 : memref<16x1024xf32, #tpu.memory_space<hbm>>) target_semaphore(%arg15 : memref<!tpu.dma_semaphore, #tpu.memory_space<semaphore_mem>>)
    %dma_wait3A_161 = arith.constant 0 : i32
    %dma_wait3A_162 = tpu.memref_slice %arg5[%add3A_86, %dma_wait3A_161] : memref<4096x1024xf32, #tpu.memory_space<hbm>> -> memref<16x1024xf32, #tpu.memory_space<hbm>>
    %dma_wait3A_163 = arith.constant 0 : i32
    %dma_wait3A_164 = tpu.memref_slice %arg5[%add3A_86, %dma_wait3A_163] : memref<4096x1024xf32, #tpu.memory_space<hbm>> -> memref<16x1024xf32, #tpu.memory_space<hbm>>
    tpu.wait_dma2 semaphore(%arg15 : memref<!tpu.dma_semaphore, #tpu.memory_space<semaphore_mem>>) src(%arg10 : memref<16x1024xf32, #tpu.memory_space<vmem>>) dst(%dma_wait3A_164 : memref<16x1024xf32, #tpu.memory_space<hbm>>)
    %dma_start3A_165 = arith.constant 0 : i32
    %dma_start3A_166 = arith.constant 48 : i32
    %dma_start3A_167 = tpu.memref_slice %arg6[%dma_start3A_165, %dma_start3A_166] : memref<2x64xi32, #tpu.memory_space<vmem>> -> memref<1x16xi32, #tpu.memory_space<vmem>>
    %dma_start3A_168 = tpu.memref_squeeze %dma_start3A_167 : memref<1x16xi32, #tpu.memory_space<vmem>> -> memref<16xi32, #tpu.memory_space<vmem>>
    %dma_start3A_169 = arith.constant 0 : i32
    %dma_start3A_170 = arith.constant 0 : i32
    %dma_start3A_171 = tpu.memref_slice %arg3[%dma_start3A_169, %dma_start3A_170] : memref<100000x1024xf32, #tpu.memory_space<hbm>> -> memref<100000x1024xf32, #tpu.memory_space<hbm>>
    tpu.enqueue_indirect_dma source(%dma_start3A_171 : memref<100000x1024xf32, #tpu.memory_space<hbm>>) target(%arg10 : memref<16x1024xf32, #tpu.memory_space<vmem>>) offsets(%dma_start3A_168 : memref<16xi32, #tpu.memory_space<vmem>>) semaphore(%arg14 : memref<!tpu.dma_semaphore, #tpu.memory_space<semaphore_mem>>)
    %dma_wait3A_172 = arith.constant 0 : i32
    %dma_wait3A_173 = tpu.memref_slice %arg4[%add3A_103, %dma_wait3A_172] : memref<2048x1024xf32, #tpu.memory_space<hbm>> -> memref<16x1024xf32, #tpu.memory_space<hbm>>
    %dma_wait3A_174 = arith.constant 0 : i32
    %dma_wait3A_175 = tpu.memref_slice %arg4[%add3A_103, %dma_wait3A_174] : memref<2048x1024xf32, #tpu.memory_space<hbm>> -> memref<16x1024xf32, #tpu.memory_space<hbm>>
    tpu.wait_dma2 semaphore(%arg16 : memref<!tpu.dma_semaphore, #tpu.memory_space<semaphore_mem>>) src(%dma_wait3A_175 : memref<16x1024xf32, #tpu.memory_space<hbm>>) dst(%arg7 : memref<16x1024xf32, #tpu.memory_space<vmem>>)
    %add3A_176 = arith.constant 48 : i32
    %add3A_177 = arith.addi %mul3A_2, %add3A_176 : i32
    %dma_start3A_178 = arith.constant 0 : i32
    %dma_start3A_179 = tpu.memref_slice %arg4[%add3A_177, %dma_start3A_178] : memref<2048x1024xf32, #tpu.memory_space<hbm>> -> memref<16x1024xf32, #tpu.memory_space<hbm>>
    %dma_start3A_180 = arith.constant 0 : i32
    %dma_start3A_181 = tpu.memref_slice %arg4[%add3A_177, %dma_start3A_180] : memref<2048x1024xf32, #tpu.memory_space<hbm>> -> memref<16x1024xf32, #tpu.memory_space<hbm>>
    tpu.enqueue_dma source(%dma_start3A_181 : memref<16x1024xf32, #tpu.memory_space<hbm>>) target(%arg8 : memref<16x1024xf32, #tpu.memory_space<vmem>>) target_semaphore(%arg16 : memref<!tpu.dma_semaphore, #tpu.memory_space<semaphore_mem>>)
    %dma_wait3A_182 = arith.constant 0 : i32
    %dma_wait3A_183 = arith.constant 32 : i32
    %dma_wait3A_184 = tpu.memref_slice %arg6[%dma_wait3A_182, %dma_wait3A_183] : memref<2x64xi32, #tpu.memory_space<vmem>> -> memref<1x16xi32, #tpu.memory_space<vmem>>
    %dma_wait3A_185 = tpu.memref_squeeze %dma_wait3A_184 : memref<1x16xi32, #tpu.memory_space<vmem>> -> memref<16xi32, #tpu.memory_space<vmem>>
    %dma_wait3A_186 = arith.constant 0 : i32
    %dma_wait3A_187 = arith.constant 0 : i32
    %dma_wait3A_188 = tpu.memref_slice %arg3[%dma_wait3A_186, %dma_wait3A_187] : memref<100000x1024xf32, #tpu.memory_space<hbm>> -> memref<100000x1024xf32, #tpu.memory_space<hbm>>
    tpu.wait_indirect_dma semaphore(%arg14 : memref<!tpu.dma_semaphore, #tpu.memory_space<semaphore_mem>>) src(%dma_wait3A_188 : memref<100000x1024xf32, #tpu.memory_space<hbm>>) dst(%arg13 : memref<16x1024xf32, #tpu.memory_space<vmem>>)
    %scan3A_189 = arith.constant 0 : i32
    %scan3A_190 = arith.constant 0 : i32
    %scan3A_191 = arith.constant 64 : i32
    %scan3A_192 = arith.addi %scan3A_190, %scan3A_191 : i32
    %scan3A_193 = arith.constant 1 : i32
    scf.for %scan3A_301 = %scan3A_190 to %scan3A_192 step %scan3A_193  : i32 {
      %mul3A_302 = arith.constant 16 : i32
      %mul3A_303 = arith.muli %scan3A_301, %mul3A_302 : i32
      %get3A = arith.constant 0 : i32
      %get3A_304 = arith.index_cast %get3A : i32 to index
      %get3A_305 = arith.index_cast %mul3A_303 : i32 to index
      %get3A_306 = tpu.vector_load %arg13[%get3A_304, %get3A_305] {strides = array<i32>} : memref<16x1024xf32, #tpu.memory_space<vmem>>, vector<1x16xf32>,
      %get3A_307 = vector.shape_cast %get3A_306 : vector<1x16xf32> to vector<16xf32>
      %mul3A_308 = arith.constant 3.200000e+01 : f32
      %mul3A_309 = vector.broadcast %mul3A_308 : f32 to vector<16xf32>
      %mul3A_310 = arith.mulf %get3A_307, %mul3A_309 : vector<16xf32>
      %get3A_311 = arith.constant 0 : i32
      %get3A_312 = arith.index_cast %get3A_311 : i32 to index
      %get3A_313 = arith.index_cast %mul3A_303 : i32 to index
      %get3A_314 = tpu.vector_load %arg7[%get3A_312, %get3A_313] {strides = array<i32>} : memref<16x1024xf32, #tpu.memory_space<vmem>>, vector<1x16xf32>,
      %get3A_315 = vector.shape_cast %get3A_314 : vector<1x16xf32> to vector<16xf32>
      %add3A_316 = arith.addf %mul3A_310, %get3A_315 : vector<16xf32>
      %swap3A = arith.constant 0 : i32
      %swap3A_317 = arith.index_cast %swap3A : i32 to index
      %swap3A_318 = arith.index_cast %mul3A_303 : i32 to index
      %swap3A_319 = tpu.vector_load %arg13[%swap3A_317, %swap3A_318] {strides = array<i32>} : memref<16x1024xf32, #tpu.memory_space<vmem>>, vector<1x16xf32>,
      %swap3A_320 = vector.shape_cast %swap3A_319 : vector<1x16xf32> to vector<16xf32>
      %swap3A_321 = vector.shape_cast %add3A_316 : vector<16xf32> to vector<1x16xf32>
      tpu.vector_store %arg13[%swap3A_317, %swap3A_318], %swap3A_321 {strides = array<i32>} : memref<16x1024xf32, #tpu.memory_space<vmem>>, vector<1x16xf32>,
      %get3A_322 = arith.constant 1 : i32
      %get3A_323 = arith.index_cast %get3A_322 : i32 to index
      %get3A_324 = arith.index_cast %mul3A_303 : i32 to index
      %get3A_325 = tpu.vector_load %arg13[%get3A_323, %get3A_324] {strides = array<i32>} : memref<16x1024xf32, #tpu.memory_space<vmem>>, vector<1x16xf32>,
      %get3A_326 = vector.shape_cast %get3A_325 : vector<1x16xf32> to vector<16xf32>
      %mul3A_327 = arith.constant 3.200000e+01 : f32
      %mul3A_328 = vector.broadcast %mul3A_327 : f32 to vector<16xf32>
      %mul3A_329 = arith.mulf %get3A_326, %mul3A_328 : vector<16xf32>
      %get3A_330 = arith.constant 1 : i32
      %get3A_331 = arith.index_cast %get3A_330 : i32 to index
      %get3A_332 = arith.index_cast %mul3A_303 : i32 to index
      %get3A_333 = tpu.vector_load %arg7[%get3A_331, %get3A_332] {strides = array<i32>} : memref<16x1024xf32, #tpu.memory_space<vmem>>, vector<1x16xf32>,
      %get3A_334 = vector.shape_cast %get3A_333 : vector<1x16xf32> to vector<16xf32>
      %add3A_335 = arith.addf %mul3A_329, %get3A_334 : vector<16xf32>
      %swap3A_336 = arith.constant 1 : i32
      %swap3A_337 = arith.index_cast %swap3A_336 : i32 to index
      %swap3A_338 = arith.index_cast %mul3A_303 : i32 to index
      %swap3A_339 = tpu.vector_load %arg13[%swap3A_337, %swap3A_338] {strides = array<i32>} : memref<16x1024xf32, #tpu.memory_space<vmem>>, vector<1x16xf32>,
      %swap3A_340 = vector.shape_cast %swap3A_339 : vector<1x16xf32> to vector<16xf32>
      %swap3A_341 = vector.shape_cast %add3A_335 : vector<16xf32> to vector<1x16xf32>
      tpu.vector_store %arg13[%swap3A_337, %swap3A_338], %swap3A_341 {strides = array<i32>} : memref<16x1024xf32, #tpu.memory_space<vmem>>, vector<1x16xf32>,
      %get3A_342 = arith.constant 2 : i32
      %get3A_343 = arith.index_cast %get3A_342 : i32 to index
      %get3A_344 = arith.index_cast %mul3A_303 : i32 to index
      %get3A_345 = tpu.vector_load %arg13[%get3A_343, %get3A_344] {strides = array<i32>} : memref<16x1024xf32, #tpu.memory_space<vmem>>, vector<1x16xf32>,
      %get3A_346 = vector.shape_cast %get3A_345 : vector<1x16xf32> to vector<16xf32>
      %mul3A_347 = arith.constant 3.200000e+01 : f32
      %mul3A_348 = vector.broadcast %mul3A_347 : f32 to vector<16xf32>
      %mul3A_349 = arith.mulf %get3A_346, %mul3A_348 : vector<16xf32>
      %get3A_350 = arith.constant 2 : i32
      %get3A_351 = arith.index_cast %get3A_350 : i32 to index
      %get3A_352 = arith.index_cast %mul3A_303 : i32 to index
      %get3A_353 = tpu.vector_load %arg7[%get3A_351, %get3A_352] {strides = array<i32>} : memref<16x1024xf32, #tpu.memory_space<vmem>>, vector<1x16xf32>,
      %get3A_354 = vector.shape_cast %get3A_353 : vector<1x16xf32> to vector<16xf32>
      %add3A_355 = arith.addf %mul3A_349, %get3A_354 : vector<16xf32>
      %swap3A_356 = arith.constant 2 : i32
      %swap3A_357 = arith.index_cast %swap3A_356 : i32 to index
      %swap3A_358 = arith.index_cast %mul3A_303 : i32 to index
      %swap3A_359 = tpu.vector_load %arg13[%swap3A_357, %swap3A_358] {strides = array<i32>} : memref<16x1024xf32, #tpu.memory_space<vmem>>, vector<1x16xf32>,
      %swap3A_360 = vector.shape_cast %swap3A_359 : vector<1x16xf32> to vector<16xf32>
      %swap3A_361 = vector.shape_cast %add3A_355 : vector<16xf32> to vector<1x16xf32>
      tpu.vector_store %arg13[%swap3A_357, %swap3A_358], %swap3A_361 {strides = array<i32>} : memref<16x1024xf32, #tpu.memory_space<vmem>>, vector<1x16xf32>,
      %get3A_362 = arith.constant 3 : i32
      %get3A_363 = arith.index_cast %get3A_362 : i32 to index
      %get3A_364 = arith.index_cast %mul3A_303 : i32 to index
      %get3A_365 = tpu.vector_load %arg13[%get3A_363, %get3A_364] {strides = array<i32>} : memref<16x1024xf32, #tpu.memory_space<vmem>>, vector<1x16xf32>,
      %get3A_366 = vector.shape_cast %get3A_365 : vector<1x16xf32> to vector<16xf32>
      %mul3A_367 = arith.constant 3.200000e+01 : f32
      %mul3A_368 = vector.broadcast %mul3A_367 : f32 to vector<16xf32>
      %mul3A_369 = arith.mulf %get3A_366, %mul3A_368 : vector<16xf32>
      %get3A_370 = arith.constant 3 : i32
      %get3A_371 = arith.index_cast %get3A_370 : i32 to index
      %get3A_372 = arith.index_cast %mul3A_303 : i32 to index
      %get3A_373 = tpu.vector_load %arg7[%get3A_371, %get3A_372] {strides = array<i32>} : memref<16x1024xf32, #tpu.memory_space<vmem>>, vector<1x16xf32>,
      %get3A_374 = vector.shape_cast %get3A_373 : vector<1x16xf32> to vector<16xf32>
      %add3A_375 = arith.addf %mul3A_369, %get3A_374 : vector<16xf32>
      %swap3A_376 = arith.constant 3 : i32
      %swap3A_377 = arith.index_cast %swap3A_376 : i32 to index
      %swap3A_378 = arith.index_cast %mul3A_303 : i32 to index
      %swap3A_379 = tpu.vector_load %arg13[%swap3A_377, %swap3A_378] {strides = array<i32>} : memref<16x1024xf32, #tpu.memory_space<vmem>>, vector<1x16xf32>,
      %swap3A_380 = vector.shape_cast %swap3A_379 : vector<1x16xf32> to vector<16xf32>
      %swap3A_381 = vector.shape_cast %add3A_375 : vector<16xf32> to vector<1x16xf32>
      tpu.vector_store %arg13[%swap3A_377, %swap3A_378], %swap3A_381 {strides = array<i32>} : memref<16x1024xf32, #tpu.memory_space<vmem>>, vector<1x16xf32>,
      %get3A_382 = arith.constant 4 : i32
      %get3A_383 = arith.index_cast %get3A_382 : i32 to index
      %get3A_384 = arith.index_cast %mul3A_303 : i32 to index
      %get3A_385 = tpu.vector_load %arg13[%get3A_383, %get3A_384] {strides = array<i32>} : memref<16x1024xf32, #tpu.memory_space<vmem>>, vector<1x16xf32>,
      %get3A_386 = vector.shape_cast %get3A_385 : vector<1x16xf32> to vector<16xf32>
      %mul3A_387 = arith.constant 3.200000e+01 : f32
      %mul3A_388 = vector.broadcast %mul3A_387 : f32 to vector<16xf32>
      %mul3A_389 = arith.mulf %get3A_386, %mul3A_388 : vector<16xf32>
      %get3A_390 = arith.constant 4 : i32
      %get3A_391 = arith.index_cast %get3A_390 : i32 to index
      %get3A_392 = arith.index_cast %mul3A_303 : i32 to index
      %get3A_393 = tpu.vector_load %arg7[%get3A_391, %get3A_392] {strides = array<i32>} : memref<16x1024xf32, #tpu.memory_space<vmem>>, vector<1x16xf32>,
      %get3A_394 = vector.shape_cast %get3A_393 : vector<1x16xf32> to vector<16xf32>
      %add3A_395 = arith.addf %mul3A_389, %get3A_394 : vector<16xf32>
      %swap3A_396 = arith.constant 4 : i32
      %swap3A_397 = arith.index_cast %swap3A_396 : i32 to index
      %swap3A_398 = arith.index_cast %mul3A_303 : i32 to index
      %swap3A_399 = tpu.vector_load %arg13[%swap3A_397, %swap3A_398] {strides = array<i32>} : memref<16x1024xf32, #tpu.memory_space<vmem>>, vector<1x16xf32>,
      %swap3A_400 = vector.shape_cast %swap3A_399 : vector<1x16xf32> to vector<16xf32>
      %swap3A_401 = vector.shape_cast %add3A_395 : vector<16xf32> to vector<1x16xf32>
      tpu.vector_store %arg13[%swap3A_397, %swap3A_398], %swap3A_401 {strides = array<i32>} : memref<16x1024xf32, #tpu.memory_space<vmem>>, vector<1x16xf32>,
      %get3A_402 = arith.constant 5 : i32
      %get3A_403 = arith.index_cast %get3A_402 : i32 to index
      %get3A_404 = arith.index_cast %mul3A_303 : i32 to index
      %get3A_405 = tpu.vector_load %arg13[%get3A_403, %get3A_404] {strides = array<i32>} : memref<16x1024xf32, #tpu.memory_space<vmem>>, vector<1x16xf32>,
      %get3A_406 = vector.shape_cast %get3A_405 : vector<1x16xf32> to vector<16xf32>
      %mul3A_407 = arith.constant 3.200000e+01 : f32
      %mul3A_408 = vector.broadcast %mul3A_407 : f32 to vector<16xf32>
      %mul3A_409 = arith.mulf %get3A_406, %mul3A_408 : vector<16xf32>
      %get3A_410 = arith.constant 5 : i32
      %get3A_411 = arith.index_cast %get3A_410 : i32 to index
      %get3A_412 = arith.index_cast %mul3A_303 : i32 to index
      %get3A_413 = tpu.vector_load %arg7[%get3A_411, %get3A_412] {strides = array<i32>} : memref<16x1024xf32, #tpu.memory_space<vmem>>, vector<1x16xf32>,
      %get3A_414 = vector.shape_cast %get3A_413 : vector<1x16xf32> to vector<16xf32>
      %add3A_415 = arith.addf %mul3A_409, %get3A_414 : vector<16xf32>
      %swap3A_416 = arith.constant 5 : i32
      %swap3A_417 = arith.index_cast %swap3A_416 : i32 to index
      %swap3A_418 = arith.index_cast %mul3A_303 : i32 to index
      %swap3A_419 = tpu.vector_load %arg13[%swap3A_417, %swap3A_418] {strides = array<i32>} : memref<16x1024xf32, #tpu.memory_space<vmem>>, vector<1x16xf32>,
      %swap3A_420 = vector.shape_cast %swap3A_419 : vector<1x16xf32> to vector<16xf32>
      %swap3A_421 = vector.shape_cast %add3A_415 : vector<16xf32> to vector<1x16xf32>
      tpu.vector_store %arg13[%swap3A_417, %swap3A_418], %swap3A_421 {strides = array<i32>} : memref<16x1024xf32, #tpu.memory_space<vmem>>, vector<1x16xf32>,
      %get3A_422 = arith.constant 6 : i32
      %get3A_423 = arith.index_cast %get3A_422 : i32 to index
      %get3A_424 = arith.index_cast %mul3A_303 : i32 to index
      %get3A_425 = tpu.vector_load %arg13[%get3A_423, %get3A_424] {strides = array<i32>} : memref<16x1024xf32, #tpu.memory_space<vmem>>, vector<1x16xf32>,
      %get3A_426 = vector.shape_cast %get3A_425 : vector<1x16xf32> to vector<16xf32>
      %mul3A_427 = arith.constant 3.200000e+01 : f32
      %mul3A_428 = vector.broadcast %mul3A_427 : f32 to vector<16xf32>
      %mul3A_429 = arith.mulf %get3A_426, %mul3A_428 : vector<16xf32>
      %get3A_430 = arith.constant 6 : i32
      %get3A_431 = arith.index_cast %get3A_430 : i32 to index
      %get3A_432 = arith.index_cast %mul3A_303 : i32 to index
      %get3A_433 = tpu.vector_load %arg7[%get3A_431, %get3A_432] {strides = array<i32>} : memref<16x1024xf32, #tpu.memory_space<vmem>>, vector<1x16xf32>,
      %get3A_434 = vector.shape_cast %get3A_433 : vector<1x16xf32> to vector<16xf32>
      %add3A_435 = arith.addf %mul3A_429, %get3A_434 : vector<16xf32>
      %swap3A_436 = arith.constant 6 : i32
      %swap3A_437 = arith.index_cast %swap3A_436 : i32 to index
      %swap3A_438 = arith.index_cast %mul3A_303 : i32 to index
      %swap3A_439 = tpu.vector_load %arg13[%swap3A_437, %swap3A_438] {strides = array<i32>} : memref<16x1024xf32, #tpu.memory_space<vmem>>, vector<1x16xf32>,
      %swap3A_440 = vector.shape_cast %swap3A_439 : vector<1x16xf32> to vector<16xf32>
      %swap3A_441 = vector.shape_cast %add3A_435 : vector<16xf32> to vector<1x16xf32>
      tpu.vector_store %arg13[%swap3A_437, %swap3A_438], %swap3A_441 {strides = array<i32>} : memref<16x1024xf32, #tpu.memory_space<vmem>>, vector<1x16xf32>,
      %get3A_442 = arith.constant 7 : i32
      %get3A_443 = arith.index_cast %get3A_442 : i32 to index
      %get3A_444 = arith.index_cast %mul3A_303 : i32 to index
      %get3A_445 = tpu.vector_load %arg13[%get3A_443, %get3A_444] {strides = array<i32>} : memref<16x1024xf32, #tpu.memory_space<vmem>>, vector<1x16xf32>,
      %get3A_446 = vector.shape_cast %get3A_445 : vector<1x16xf32> to vector<16xf32>
      %mul3A_447 = arith.constant 3.200000e+01 : f32
      %mul3A_448 = vector.broadcast %mul3A_447 : f32 to vector<16xf32>
      %mul3A_449 = arith.mulf %get3A_446, %mul3A_448 : vector<16xf32>
      %get3A_450 = arith.constant 7 : i32
      %get3A_451 = arith.index_cast %get3A_450 : i32 to index
      %get3A_452 = arith.index_cast %mul3A_303 : i32 to index
      %get3A_453 = tpu.vector_load %arg7[%get3A_451, %get3A_452] {strides = array<i32>} : memref<16x1024xf32, #tpu.memory_space<vmem>>, vector<1x16xf32>,
      %get3A_454 = vector.shape_cast %get3A_453 : vector<1x16xf32> to vector<16xf32>
      %add3A_455 = arith.addf %mul3A_449, %get3A_454 : vector<16xf32>
      %swap3A_456 = arith.constant 7 : i32
      %swap3A_457 = arith.index_cast %swap3A_456 : i32 to index
      %swap3A_458 = arith.index_cast %mul3A_303 : i32 to index
      %swap3A_459 = tpu.vector_load %arg13[%swap3A_457, %swap3A_458] {strides = array<i32>} : memref<16x1024xf32, #tpu.memory_space<vmem>>, vector<1x16xf32>,
      %swap3A_460 = vector.shape_cast %swap3A_459 : vector<1x16xf32> to vector<16xf32>
      %swap3A_461 = vector.shape_cast %add3A_455 : vector<16xf32> to vector<1x16xf32>
      tpu.vector_store %arg13[%swap3A_457, %swap3A_458], %swap3A_461 {strides = array<i32>} : memref<16x1024xf32, #tpu.memory_space<vmem>>, vector<1x16xf32>,
      %get3A_462 = arith.constant 8 : i32
      %get3A_463 = arith.index_cast %get3A_462 : i32 to index
      %get3A_464 = arith.index_cast %mul3A_303 : i32 to index
      %get3A_465 = tpu.vector_load %arg13[%get3A_463, %get3A_464] {strides = array<i32>} : memref<16x1024xf32, #tpu.memory_space<vmem>>, vector<1x16xf32>,
      %get3A_466 = vector.shape_cast %get3A_465 : vector<1x16xf32> to vector<16xf32>
      %mul3A_467 = arith.constant 3.200000e+01 : f32
      %mul3A_468 = vector.broadcast %mul3A_467 : f32 to vector<16xf32>
      %mul3A_469 = arith.mulf %get3A_466, %mul3A_468 : vector<16xf32>
      %get3A_470 = arith.constant 8 : i32
      %get3A_471 = arith.index_cast %get3A_470 : i32 to index
      %get3A_472 = arith.index_cast %mul3A_303 : i32 to index
      %get3A_473 = tpu.vector_load %arg7[%get3A_471, %get3A_472] {strides = array<i32>} : memref<16x1024xf32, #tpu.memory_space<vmem>>, vector<1x16xf32>,
      %get3A_474 = vector.shape_cast %get3A_473 : vector<1x16xf32> to vector<16xf32>
      %add3A_475 = arith.addf %mul3A_469, %get3A_474 : vector<16xf32>
      %swap3A_476 = arith.constant 8 : i32
      %swap3A_477 = arith.index_cast %swap3A_476 : i32 to index
      %swap3A_478 = arith.index_cast %mul3A_303 : i32 to index
      %swap3A_479 = tpu.vector_load %arg13[%swap3A_477, %swap3A_478] {strides = array<i32>} : memref<16x1024xf32, #tpu.memory_space<vmem>>, vector<1x16xf32>,
      %swap3A_480 = vector.shape_cast %swap3A_479 : vector<1x16xf32> to vector<16xf32>
      %swap3A_481 = vector.shape_cast %add3A_475 : vector<16xf32> to vector<1x16xf32>
      tpu.vector_store %arg13[%swap3A_477, %swap3A_478], %swap3A_481 {strides = array<i32>} : memref<16x1024xf32, #tpu.memory_space<vmem>>, vector<1x16xf32>,
      %get3A_482 = arith.constant 9 : i32
      %get3A_483 = arith.index_cast %get3A_482 : i32 to index
      %get3A_484 = arith.index_cast %mul3A_303 : i32 to index
      %get3A_485 = tpu.vector_load %arg13[%get3A_483, %get3A_484] {strides = array<i32>} : memref<16x1024xf32, #tpu.memory_space<vmem>>, vector<1x16xf32>,
      %get3A_486 = vector.shape_cast %get3A_485 : vector<1x16xf32> to vector<16xf32>
      %mul3A_487 = arith.constant 3.200000e+01 : f32
      %mul3A_488 = vector.broadcast %mul3A_487 : f32 to vector<16xf32>
      %mul3A_489 = arith.mulf %get3A_486, %mul3A_488 : vector<16xf32>
      %get3A_490 = arith.constant 9 : i32
      %get3A_491 = arith.index_cast %get3A_490 : i32 to index
      %get3A_492 = arith.index_cast %mul3A_303 : i32 to index
      %get3A_493 = tpu.vector_load %arg7[%get3A_491, %get3A_492] {strides = array<i32>} : memref<16x1024xf32, #tpu.memory_space<vmem>>, vector<1x16xf32>,
      %get3A_494 = vector.shape_cast %get3A_493 : vector<1x16xf32> to vector<16xf32>
      %add3A_495 = arith.addf %mul3A_489, %get3A_494 : vector<16xf32>
      %swap3A_496 = arith.constant 9 : i32
      %swap3A_497 = arith.index_cast %swap3A_496 : i32 to index
      %swap3A_498 = arith.index_cast %mul3A_303 : i32 to index
      %swap3A_499 = tpu.vector_load %arg13[%swap3A_497, %swap3A_498] {strides = array<i32>} : memref<16x1024xf32, #tpu.memory_space<vmem>>, vector<1x16xf32>,
      %swap3A_500 = vector.shape_cast %swap3A_499 : vector<1x16xf32> to vector<16xf32>
      %swap3A_501 = vector.shape_cast %add3A_495 : vector<16xf32> to vector<1x16xf32>
      tpu.vector_store %arg13[%swap3A_497, %swap3A_498], %swap3A_501 {strides = array<i32>} : memref<16x1024xf32, #tpu.memory_space<vmem>>, vector<1x16xf32>,
      %get3A_502 = arith.constant 10 : i32
      %get3A_503 = arith.index_cast %get3A_502 : i32 to index
      %get3A_504 = arith.index_cast %mul3A_303 : i32 to index
      %get3A_505 = tpu.vector_load %arg13[%get3A_503, %get3A_504] {strides = array<i32>} : memref<16x1024xf32, #tpu.memory_space<vmem>>, vector<1x16xf32>,
      %get3A_506 = vector.shape_cast %get3A_505 : vector<1x16xf32> to vector<16xf32>
      %mul3A_507 = arith.constant 3.200000e+01 : f32
      %mul3A_508 = vector.broadcast %mul3A_507 : f32 to vector<16xf32>
      %mul3A_509 = arith.mulf %get3A_506, %mul3A_508 : vector<16xf32>
      %get3A_510 = arith.constant 10 : i32
      %get3A_511 = arith.index_cast %get3A_510 : i32 to index
      %get3A_512 = arith.index_cast %mul3A_303 : i32 to index
      %get3A_513 = tpu.vector_load %arg7[%get3A_511, %get3A_512] {strides = array<i32>} : memref<16x1024xf32, #tpu.memory_space<vmem>>, vector<1x16xf32>,
      %get3A_514 = vector.shape_cast %get3A_513 : vector<1x16xf32> to vector<16xf32>
      %add3A_515 = arith.addf %mul3A_509, %get3A_514 : vector<16xf32>
      %swap3A_516 = arith.constant 10 : i32
      %swap3A_517 = arith.index_cast %swap3A_516 : i32 to index
      %swap3A_518 = arith.index_cast %mul3A_303 : i32 to index
      %swap3A_519 = tpu.vector_load %arg13[%swap3A_517, %swap3A_518] {strides = array<i32>} : memref<16x1024xf32, #tpu.memory_space<vmem>>, vector<1x16xf32>,
      %swap3A_520 = vector.shape_cast %swap3A_519 : vector<1x16xf32> to vector<16xf32>
      %swap3A_521 = vector.shape_cast %add3A_515 : vector<16xf32> to vector<1x16xf32>
      tpu.vector_store %arg13[%swap3A_517, %swap3A_518], %swap3A_521 {strides = array<i32>} : memref<16x1024xf32, #tpu.memory_space<vmem>>, vector<1x16xf32>,
      %get3A_522 = arith.constant 11 : i32
      %get3A_523 = arith.index_cast %get3A_522 : i32 to index
      %get3A_524 = arith.index_cast %mul3A_303 : i32 to index
      %get3A_525 = tpu.vector_load %arg13[%get3A_523, %get3A_524] {strides = array<i32>} : memref<16x1024xf32, #tpu.memory_space<vmem>>, vector<1x16xf32>,
      %get3A_526 = vector.shape_cast %get3A_525 : vector<1x16xf32> to vector<16xf32>
      %mul3A_527 = arith.constant 3.200000e+01 : f32
      %mul3A_528 = vector.broadcast %mul3A_527 : f32 to vector<16xf32>
      %mul3A_529 = arith.mulf %get3A_526, %mul3A_528 : vector<16xf32>
      %get3A_530 = arith.constant 11 : i32
      %get3A_531 = arith.index_cast %get3A_530 : i32 to index
      %get3A_532 = arith.index_cast %mul3A_303 : i32 to index
      %get3A_533 = tpu.vector_load %arg7[%get3A_531, %get3A_532] {strides = array<i32>} : memref<16x1024xf32, #tpu.memory_space<vmem>>, vector<1x16xf32>,
      %get3A_534 = vector.shape_cast %get3A_533 : vector<1x16xf32> to vector<16xf32>
      %add3A_535 = arith.addf %mul3A_529, %get3A_534 : vector<16xf32>
      %swap3A_536 = arith.constant 11 : i32
      %swap3A_537 = arith.index_cast %swap3A_536 : i32 to index
      %swap3A_538 = arith.index_cast %mul3A_303 : i32 to index
      %swap3A_539 = tpu.vector_load %arg13[%swap3A_537, %swap3A_538] {strides = array<i32>} : memref<16x1024xf32, #tpu.memory_space<vmem>>, vector<1x16xf32>,
      %swap3A_540 = vector.shape_cast %swap3A_539 : vector<1x16xf32> to vector<16xf32>
      %swap3A_541 = vector.shape_cast %add3A_535 : vector<16xf32> to vector<1x16xf32>
      tpu.vector_store %arg13[%swap3A_537, %swap3A_538], %swap3A_541 {strides = array<i32>} : memref<16x1024xf32, #tpu.memory_space<vmem>>, vector<1x16xf32>,
      %get3A_542 = arith.constant 12 : i32
      %get3A_543 = arith.index_cast %get3A_542 : i32 to index
      %get3A_544 = arith.index_cast %mul3A_303 : i32 to index
      %get3A_545 = tpu.vector_load %arg13[%get3A_543, %get3A_544] {strides = array<i32>} : memref<16x1024xf32, #tpu.memory_space<vmem>>, vector<1x16xf32>,
      %get3A_546 = vector.shape_cast %get3A_545 : vector<1x16xf32> to vector<16xf32>
      %mul3A_547 = arith.constant 3.200000e+01 : f32
      %mul3A_548 = vector.broadcast %mul3A_547 : f32 to vector<16xf32>
      %mul3A_549 = arith.mulf %get3A_546, %mul3A_548 : vector<16xf32>
      %get3A_550 = arith.constant 12 : i32
      %get3A_551 = arith.index_cast %get3A_550 : i32 to index
      %get3A_552 = arith.index_cast %mul3A_303 : i32 to index
      %get3A_553 = tpu.vector_load %arg7[%get3A_551, %get3A_552] {strides = array<i32>} : memref<16x1024xf32, #tpu.memory_space<vmem>>, vector<1x16xf32>,
      %get3A_554 = vector.shape_cast %get3A_553 : vector<1x16xf32> to vector<16xf32>
      %add3A_555 = arith.addf %mul3A_549, %get3A_554 : vector<16xf32>
      %swap3A_556 = arith.constant 12 : i32
      %swap3A_557 = arith.index_cast %swap3A_556 : i32 to index
      %swap3A_558 = arith.index_cast %mul3A_303 : i32 to index
      %swap3A_559 = tpu.vector_load %arg13[%swap3A_557, %swap3A_558] {strides = array<i32>} : memref<16x1024xf32, #tpu.memory_space<vmem>>, vector<1x16xf32>,
      %swap3A_560 = vector.shape_cast %swap3A_559 : vector<1x16xf32> to vector<16xf32>
      %swap3A_561 = vector.shape_cast %add3A_555 : vector<16xf32> to vector<1x16xf32>
      tpu.vector_store %arg13[%swap3A_557, %swap3A_558], %swap3A_561 {strides = array<i32>} : memref<16x1024xf32, #tpu.memory_space<vmem>>, vector<1x16xf32>,
      %get3A_562 = arith.constant 13 : i32
      %get3A_563 = arith.index_cast %get3A_562 : i32 to index
      %get3A_564 = arith.index_cast %mul3A_303 : i32 to index
      %get3A_565 = tpu.vector_load %arg13[%get3A_563, %get3A_564] {strides = array<i32>} : memref<16x1024xf32, #tpu.memory_space<vmem>>, vector<1x16xf32>,
      %get3A_566 = vector.shape_cast %get3A_565 : vector<1x16xf32> to vector<16xf32>
      %mul3A_567 = arith.constant 3.200000e+01 : f32
      %mul3A_568 = vector.broadcast %mul3A_567 : f32 to vector<16xf32>
      %mul3A_569 = arith.mulf %get3A_566, %mul3A_568 : vector<16xf32>
      %get3A_570 = arith.constant 13 : i32
      %get3A_571 = arith.index_cast %get3A_570 : i32 to index
      %get3A_572 = arith.index_cast %mul3A_303 : i32 to index
      %get3A_573 = tpu.vector_load %arg7[%get3A_571, %get3A_572] {strides = array<i32>} : memref<16x1024xf32, #tpu.memory_space<vmem>>, vector<1x16xf32>,
      %get3A_574 = vector.shape_cast %get3A_573 : vector<1x16xf32> to vector<16xf32>
      %add3A_575 = arith.addf %mul3A_569, %get3A_574 : vector<16xf32>
      %swap3A_576 = arith.constant 13 : i32
      %swap3A_577 = arith.index_cast %swap3A_576 : i32 to index
      %swap3A_578 = arith.index_cast %mul3A_303 : i32 to index
      %swap3A_579 = tpu.vector_load %arg13[%swap3A_577, %swap3A_578] {strides = array<i32>} : memref<16x1024xf32, #tpu.memory_space<vmem>>, vector<1x16xf32>,
      %swap3A_580 = vector.shape_cast %swap3A_579 : vector<1x16xf32> to vector<16xf32>
      %swap3A_581 = vector.shape_cast %add3A_575 : vector<16xf32> to vector<1x16xf32>
      tpu.vector_store %arg13[%swap3A_577, %swap3A_578], %swap3A_581 {strides = array<i32>} : memref<16x1024xf32, #tpu.memory_space<vmem>>, vector<1x16xf32>,
      %get3A_582 = arith.constant 14 : i32
      %get3A_583 = arith.index_cast %get3A_582 : i32 to index
      %get3A_584 = arith.index_cast %mul3A_303 : i32 to index
      %get3A_585 = tpu.vector_load %arg13[%get3A_583, %get3A_584] {strides = array<i32>} : memref<16x1024xf32, #tpu.memory_space<vmem>>, vector<1x16xf32>,
      %get3A_586 = vector.shape_cast %get3A_585 : vector<1x16xf32> to vector<16xf32>
      %mul3A_587 = arith.constant 3.200000e+01 : f32
      %mul3A_588 = vector.broadcast %mul3A_587 : f32 to vector<16xf32>
      %mul3A_589 = arith.mulf %get3A_586, %mul3A_588 : vector<16xf32>
      %get3A_590 = arith.constant 14 : i32
      %get3A_591 = arith.index_cast %get3A_590 : i32 to index
      %get3A_592 = arith.index_cast %mul3A_303 : i32 to index
      %get3A_593 = tpu.vector_load %arg7[%get3A_591, %get3A_592] {strides = array<i32>} : memref<16x1024xf32, #tpu.memory_space<vmem>>, vector<1x16xf32>,
      %get3A_594 = vector.shape_cast %get3A_593 : vector<1x16xf32> to vector<16xf32>
      %add3A_595 = arith.addf %mul3A_589, %get3A_594 : vector<16xf32>
      %swap3A_596 = arith.constant 14 : i32
      %swap3A_597 = arith.index_cast %swap3A_596 : i32 to index
      %swap3A_598 = arith.index_cast %mul3A_303 : i32 to index
      %swap3A_599 = tpu.vector_load %arg13[%swap3A_597, %swap3A_598] {strides = array<i32>} : memref<16x1024xf32, #tpu.memory_space<vmem>>, vector<1x16xf32>,
      %swap3A_600 = vector.shape_cast %swap3A_599 : vector<1x16xf32> to vector<16xf32>
      %swap3A_601 = vector.shape_cast %add3A_595 : vector<16xf32> to vector<1x16xf32>
      tpu.vector_store %arg13[%swap3A_597, %swap3A_598], %swap3A_601 {strides = array<i32>} : memref<16x1024xf32, #tpu.memory_space<vmem>>, vector<1x16xf32>,
      %get3A_602 = arith.constant 15 : i32
      %get3A_603 = arith.index_cast %get3A_602 : i32 to index
      %get3A_604 = arith.index_cast %mul3A_303 : i32 to index
      %get3A_605 = tpu.vector_load %arg13[%get3A_603, %get3A_604] {strides = array<i32>} : memref<16x1024xf32, #tpu.memory_space<vmem>>, vector<1x16xf32>,
      %get3A_606 = vector.shape_cast %get3A_605 : vector<1x16xf32> to vector<16xf32>
      %mul3A_607 = arith.constant 3.200000e+01 : f32
      %mul3A_608 = vector.broadcast %mul3A_607 : f32 to vector<16xf32>
      %mul3A_609 = arith.mulf %get3A_606, %mul3A_608 : vector<16xf32>
      %get3A_610 = arith.constant 15 : i32
      %get3A_611 = arith.index_cast %get3A_610 : i32 to index
      %get3A_612 = arith.index_cast %mul3A_303 : i32 to index
      %get3A_613 = tpu.vector_load %arg7[%get3A_611, %get3A_612] {strides = array<i32>} : memref<16x1024xf32, #tpu.memory_space<vmem>>, vector<1x16xf32>,
      %get3A_614 = vector.shape_cast %get3A_613 : vector<1x16xf32> to vector<16xf32>
      %add3A_615 = arith.addf %mul3A_609, %get3A_614 : vector<16xf32>
      %swap3A_616 = arith.constant 15 : i32
      %swap3A_617 = arith.index_cast %swap3A_616 : i32 to index
      %swap3A_618 = arith.index_cast %mul3A_303 : i32 to index
      %swap3A_619 = tpu.vector_load %arg13[%swap3A_617, %swap3A_618] {strides = array<i32>} : memref<16x1024xf32, #tpu.memory_space<vmem>>, vector<1x16xf32>,
      %swap3A_620 = vector.shape_cast %swap3A_619 : vector<1x16xf32> to vector<16xf32>
      %swap3A_621 = vector.shape_cast %add3A_615 : vector<16xf32> to vector<1x16xf32>
      tpu.vector_store %arg13[%swap3A_617, %swap3A_618], %swap3A_621 {strides = array<i32>} : memref<16x1024xf32, #tpu.memory_space<vmem>>, vector<1x16xf32>,
    }
    %scan3A_194 = arith.constant 64 : i32
    %add3A_195 = arith.constant 0 : i32
    %add3A_196 = arith.addi %add3A_195, %mul3A_2 : i32
    %add3A_197 = arith.constant 32 : i32
    %add3A_198 = arith.addi %add3A_196, %add3A_197 : i32
    %dma_start3A_199 = arith.constant 0 : i32
    %dma_start3A_200 = tpu.memref_slice %arg5[%add3A_198, %dma_start3A_199] : memref<4096x1024xf32, #tpu.memory_space<hbm>> -> memref<16x1024xf32, #tpu.memory_space<hbm>>
    %dma_start3A_201 = arith.constant 0 : i32
    %dma_start3A_202 = tpu.memref_slice %arg5[%add3A_198, %dma_start3A_201] : memref<4096x1024xf32, #tpu.memory_space<hbm>> -> memref<16x1024xf32, #tpu.memory_space<hbm>>
    tpu.enqueue_dma source(%arg13 : memref<16x1024xf32, #tpu.memory_space<vmem>>) target(%dma_start3A_202 : memref<16x1024xf32, #tpu.memory_space<hbm>>) target_semaphore(%arg15 : memref<!tpu.dma_semaphore, #tpu.memory_space<semaphore_mem>>)
    %dma_wait3A_203 = arith.constant 0 : i32
    %dma_wait3A_204 = tpu.memref_slice %arg5[%add3A_124, %dma_wait3A_203] : memref<4096x1024xf32, #tpu.memory_space<hbm>> -> memref<16x1024xf32, #tpu.memory_space<hbm>>
    %dma_wait3A_205 = arith.constant 0 : i32
    %dma_wait3A_206 = tpu.memref_slice %arg5[%add3A_124, %dma_wait3A_205] : memref<4096x1024xf32, #tpu.memory_space<hbm>> -> memref<16x1024xf32, #tpu.memory_space<hbm>>
    tpu.wait_dma2 semaphore(%arg15 : memref<!tpu.dma_semaphore, #tpu.memory_space<semaphore_mem>>) src(%arg11 : memref<16x1024xf32, #tpu.memory_space<vmem>>) dst(%dma_wait3A_206 : memref<16x1024xf32, #tpu.memory_space<hbm>>)
    %dma_start3A_207 = arith.constant 1 : i32
    %dma_start3A_208 = arith.constant 48 : i32
    %dma_start3A_209 = tpu.memref_slice %arg6[%dma_start3A_207, %dma_start3A_208] : memref<2x64xi32, #tpu.memory_space<vmem>> -> memref<1x16xi32, #tpu.memory_space<vmem>>
    %dma_start3A_210 = tpu.memref_squeeze %dma_start3A_209 : memref<1x16xi32, #tpu.memory_space<vmem>> -> memref<16xi32, #tpu.memory_space<vmem>>
    %dma_start3A_211 = arith.constant 0 : i32
    %dma_start3A_212 = arith.constant 0 : i32
    %dma_start3A_213 = tpu.memref_slice %arg3[%dma_start3A_211, %dma_start3A_212] : memref<100000x1024xf32, #tpu.memory_space<hbm>> -> memref<100000x1024xf32, #tpu.memory_space<hbm>>
    tpu.enqueue_indirect_dma source(%dma_start3A_213 : memref<100000x1024xf32, #tpu.memory_space<hbm>>) target(%arg11 : memref<16x1024xf32, #tpu.memory_space<vmem>>) offsets(%dma_start3A_210 : memref<16xi32, #tpu.memory_space<vmem>>) semaphore(%arg14 : memref<!tpu.dma_semaphore, #tpu.memory_space<semaphore_mem>>)
    %dma_wait3A_214 = arith.constant 1 : i32
    %dma_wait3A_215 = arith.constant 32 : i32
    %dma_wait3A_216 = tpu.memref_slice %arg6[%dma_wait3A_214, %dma_wait3A_215] : memref<2x64xi32, #tpu.memory_space<vmem>> -> memref<1x16xi32, #tpu.memory_space<vmem>>
    %dma_wait3A_217 = tpu.memref_squeeze %dma_wait3A_216 : memref<1x16xi32, #tpu.memory_space<vmem>> -> memref<16xi32, #tpu.memory_space<vmem>>
    %dma_wait3A_218 = arith.constant 0 : i32
    %dma_wait3A_219 = arith.constant 0 : i32
    %dma_wait3A_220 = tpu.memref_slice %arg3[%dma_wait3A_218, %dma_wait3A_219] : memref<100000x1024xf32, #tpu.memory_space<hbm>> -> memref<100000x1024xf32, #tpu.memory_space<hbm>>
    tpu.wait_indirect_dma semaphore(%arg14 : memref<!tpu.dma_semaphore, #tpu.memory_space<semaphore_mem>>) src(%dma_wait3A_220 : memref<100000x1024xf32, #tpu.memory_space<hbm>>) dst(%arg9 : memref<16x1024xf32, #tpu.memory_space<vmem>>)
    %scan3A_221 = arith.constant 0 : i32
    %scan3A_222 = arith.constant 0 : i32
    %scan3A_223 = arith.constant 64 : i32
    %scan3A_224 = arith.addi %scan3A_222, %scan3A_223 : i32
    %scan3A_225 = arith.constant 1 : i32
    scf.for %scan3A_301 = %scan3A_222 to %scan3A_224 step %scan3A_225  : i32 {
      %mul3A_302 = arith.constant 16 : i32
      %mul3A_303 = arith.muli %scan3A_301, %mul3A_302 : i32
      %get3A = arith.constant 0 : i32
      %get3A_304 = arith.index_cast %get3A : i32 to index
      %get3A_305 = arith.index_cast %mul3A_303 : i32 to index
      %get3A_306 = tpu.vector_load %arg9[%get3A_304, %get3A_305] {strides = array<i32>} : memref<16x1024xf32, #tpu.memory_space<vmem>>, vector<1x16xf32>,
      %get3A_307 = vector.shape_cast %get3A_306 : vector<1x16xf32> to vector<16xf32>
      %mul3A_308 = arith.constant 3.200000e+01 : f32
      %mul3A_309 = vector.broadcast %mul3A_308 : f32 to vector<16xf32>
      %mul3A_310 = arith.mulf %get3A_307, %mul3A_309 : vector<16xf32>
      %get3A_311 = arith.constant 0 : i32
      %get3A_312 = arith.index_cast %get3A_311 : i32 to index
      %get3A_313 = arith.index_cast %mul3A_303 : i32 to index
      %get3A_314 = tpu.vector_load %arg7[%get3A_312, %get3A_313] {strides = array<i32>} : memref<16x1024xf32, #tpu.memory_space<vmem>>, vector<1x16xf32>,
      %get3A_315 = vector.shape_cast %get3A_314 : vector<1x16xf32> to vector<16xf32>
      %add3A_316 = arith.addf %mul3A_310, %get3A_315 : vector<16xf32>
      %swap3A = arith.constant 0 : i32
      %swap3A_317 = arith.index_cast %swap3A : i32 to index
      %swap3A_318 = arith.index_cast %mul3A_303 : i32 to index
      %swap3A_319 = tpu.vector_load %arg9[%swap3A_317, %swap3A_318] {strides = array<i32>} : memref<16x1024xf32, #tpu.memory_space<vmem>>, vector<1x16xf32>,
      %swap3A_320 = vector.shape_cast %swap3A_319 : vector<1x16xf32> to vector<16xf32>
      %swap3A_321 = vector.shape_cast %add3A_316 : vector<16xf32> to vector<1x16xf32>
      tpu.vector_store %arg9[%swap3A_317, %swap3A_318], %swap3A_321 {strides = array<i32>} : memref<16x1024xf32, #tpu.memory_space<vmem>>, vector<1x16xf32>,
      %get3A_322 = arith.constant 1 : i32
      %get3A_323 = arith.index_cast %get3A_322 : i32 to index
      %get3A_324 = arith.index_cast %mul3A_303 : i32 to index
      %get3A_325 = tpu.vector_load %arg9[%get3A_323, %get3A_324] {strides = array<i32>} : memref<16x1024xf32, #tpu.memory_space<vmem>>, vector<1x16xf32>,
      %get3A_326 = vector.shape_cast %get3A_325 : vector<1x16xf32> to vector<16xf32>
      %mul3A_327 = arith.constant 3.200000e+01 : f32
      %mul3A_328 = vector.broadcast %mul3A_327 : f32 to vector<16xf32>
      %mul3A_329 = arith.mulf %get3A_326, %mul3A_328 : vector<16xf32>
      %get3A_330 = arith.constant 1 : i32
      %get3A_331 = arith.index_cast %get3A_330 : i32 to index
      %get3A_332 = arith.index_cast %mul3A_303 : i32 to index
      %get3A_333 = tpu.vector_load %arg7[%get3A_331, %get3A_332] {strides = array<i32>} : memref<16x1024xf32, #tpu.memory_space<vmem>>, vector<1x16xf32>,
      %get3A_334 = vector.shape_cast %get3A_333 : vector<1x16xf32> to vector<16xf32>
      %add3A_335 = arith.addf %mul3A_329, %get3A_334 : vector<16xf32>
      %swap3A_336 = arith.constant 1 : i32
      %swap3A_337 = arith.index_cast %swap3A_336 : i32 to index
      %swap3A_338 = arith.index_cast %mul3A_303 : i32 to index
      %swap3A_339 = tpu.vector_load %arg9[%swap3A_337, %swap3A_338] {strides = array<i32>} : memref<16x1024xf32, #tpu.memory_space<vmem>>, vector<1x16xf32>,
      %swap3A_340 = vector.shape_cast %swap3A_339 : vector<1x16xf32> to vector<16xf32>
      %swap3A_341 = vector.shape_cast %add3A_335 : vector<16xf32> to vector<1x16xf32>
      tpu.vector_store %arg9[%swap3A_337, %swap3A_338], %swap3A_341 {strides = array<i32>} : memref<16x1024xf32, #tpu.memory_space<vmem>>, vector<1x16xf32>,
      %get3A_342 = arith.constant 2 : i32
      %get3A_343 = arith.index_cast %get3A_342 : i32 to index
      %get3A_344 = arith.index_cast %mul3A_303 : i32 to index
      %get3A_345 = tpu.vector_load %arg9[%get3A_343, %get3A_344] {strides = array<i32>} : memref<16x1024xf32, #tpu.memory_space<vmem>>, vector<1x16xf32>,
      %get3A_346 = vector.shape_cast %get3A_345 : vector<1x16xf32> to vector<16xf32>
      %mul3A_347 = arith.constant 3.200000e+01 : f32
      %mul3A_348 = vector.broadcast %mul3A_347 : f32 to vector<16xf32>
      %mul3A_349 = arith.mulf %get3A_346, %mul3A_348 : vector<16xf32>
      %get3A_350 = arith.constant 2 : i32
      %get3A_351 = arith.index_cast %get3A_350 : i32 to index
      %get3A_352 = arith.index_cast %mul3A_303 : i32 to index
      %get3A_353 = tpu.vector_load %arg7[%get3A_351, %get3A_352] {strides = array<i32>} : memref<16x1024xf32, #tpu.memory_space<vmem>>, vector<1x16xf32>,
      %get3A_354 = vector.shape_cast %get3A_353 : vector<1x16xf32> to vector<16xf32>
      %add3A_355 = arith.addf %mul3A_349, %get3A_354 : vector<16xf32>
      %swap3A_356 = arith.constant 2 : i32
      %swap3A_357 = arith.index_cast %swap3A_356 : i32 to index
      %swap3A_358 = arith.index_cast %mul3A_303 : i32 to index
      %swap3A_359 = tpu.vector_load %arg9[%swap3A_357, %swap3A_358] {strides = array<i32>} : memref<16x1024xf32, #tpu.memory_space<vmem>>, vector<1x16xf32>,
      %swap3A_360 = vector.shape_cast %swap3A_359 : vector<1x16xf32> to vector<16xf32>
      %swap3A_361 = vector.shape_cast %add3A_355 : vector<16xf32> to vector<1x16xf32>
      tpu.vector_store %arg9[%swap3A_357, %swap3A_358], %swap3A_361 {strides = array<i32>} : memref<16x1024xf32, #tpu.memory_space<vmem>>, vector<1x16xf32>,
      %get3A_362 = arith.constant 3 : i32
      %get3A_363 = arith.index_cast %get3A_362 : i32 to index
      %get3A_364 = arith.index_cast %mul3A_303 : i32 to index
      %get3A_365 = tpu.vector_load %arg9[%get3A_363, %get3A_364] {strides = array<i32>} : memref<16x1024xf32, #tpu.memory_space<vmem>>, vector<1x16xf32>,
      %get3A_366 = vector.shape_cast %get3A_365 : vector<1x16xf32> to vector<16xf32>
      %mul3A_367 = arith.constant 3.200000e+01 : f32
      %mul3A_368 = vector.broadcast %mul3A_367 : f32 to vector<16xf32>
      %mul3A_369 = arith.mulf %get3A_366, %mul3A_368 : vector<16xf32>
      %get3A_370 = arith.constant 3 : i32
      %get3A_371 = arith.index_cast %get3A_370 : i32 to index
      %get3A_372 = arith.index_cast %mul3A_303 : i32 to index
      %get3A_373 = tpu.vector_load %arg7[%get3A_371, %get3A_372] {strides = array<i32>} : memref<16x1024xf32, #tpu.memory_space<vmem>>, vector<1x16xf32>,
      %get3A_374 = vector.shape_cast %get3A_373 : vector<1x16xf32> to vector<16xf32>
      %add3A_375 = arith.addf %mul3A_369, %get3A_374 : vector<16xf32>
      %swap3A_376 = arith.constant 3 : i32
      %swap3A_377 = arith.index_cast %swap3A_376 : i32 to index
      %swap3A_378 = arith.index_cast %mul3A_303 : i32 to index
      %swap3A_379 = tpu.vector_load %arg9[%swap3A_377, %swap3A_378] {strides = array<i32>} : memref<16x1024xf32, #tpu.memory_space<vmem>>, vector<1x16xf32>,
      %swap3A_380 = vector.shape_cast %swap3A_379 : vector<1x16xf32> to vector<16xf32>
      %swap3A_381 = vector.shape_cast %add3A_375 : vector<16xf32> to vector<1x16xf32>
      tpu.vector_store %arg9[%swap3A_377, %swap3A_378], %swap3A_381 {strides = array<i32>} : memref<16x1024xf32, #tpu.memory_space<vmem>>, vector<1x16xf32>,
      %get3A_382 = arith.constant 4 : i32
      %get3A_383 = arith.index_cast %get3A_382 : i32 to index
      %get3A_384 = arith.index_cast %mul3A_303 : i32 to index
      %get3A_385 = tpu.vector_load %arg9[%get3A_383, %get3A_384] {strides = array<i32>} : memref<16x1024xf32, #tpu.memory_space<vmem>>, vector<1x16xf32>,
      %get3A_386 = vector.shape_cast %get3A_385 : vector<1x16xf32> to vector<16xf32>
      %mul3A_387 = arith.constant 3.200000e+01 : f32
      %mul3A_388 = vector.broadcast %mul3A_387 : f32 to vector<16xf32>
      %mul3A_389 = arith.mulf %get3A_386, %mul3A_388 : vector<16xf32>
      %get3A_390 = arith.constant 4 : i32
      %get3A_391 = arith.index_cast %get3A_390 : i32 to index
      %get3A_392 = arith.index_cast %mul3A_303 : i32 to index
      %get3A_393 = tpu.vector_load %arg7[%get3A_391, %get3A_392] {strides = array<i32>} : memref<16x1024xf32, #tpu.memory_space<vmem>>, vector<1x16xf32>,
      %get3A_394 = vector.shape_cast %get3A_393 : vector<1x16xf32> to vector<16xf32>
      %add3A_395 = arith.addf %mul3A_389, %get3A_394 : vector<16xf32>
      %swap3A_396 = arith.constant 4 : i32
      %swap3A_397 = arith.index_cast %swap3A_396 : i32 to index
      %swap3A_398 = arith.index_cast %mul3A_303 : i32 to index
      %swap3A_399 = tpu.vector_load %arg9[%swap3A_397, %swap3A_398] {strides = array<i32>} : memref<16x1024xf32, #tpu.memory_space<vmem>>, vector<1x16xf32>,
      %swap3A_400 = vector.shape_cast %swap3A_399 : vector<1x16xf32> to vector<16xf32>
      %swap3A_401 = vector.shape_cast %add3A_395 : vector<16xf32> to vector<1x16xf32>
      tpu.vector_store %arg9[%swap3A_397, %swap3A_398], %swap3A_401 {strides = array<i32>} : memref<16x1024xf32, #tpu.memory_space<vmem>>, vector<1x16xf32>,
      %get3A_402 = arith.constant 5 : i32
      %get3A_403 = arith.index_cast %get3A_402 : i32 to index
      %get3A_404 = arith.index_cast %mul3A_303 : i32 to index
      %get3A_405 = tpu.vector_load %arg9[%get3A_403, %get3A_404] {strides = array<i32>} : memref<16x1024xf32, #tpu.memory_space<vmem>>, vector<1x16xf32>,
      %get3A_406 = vector.shape_cast %get3A_405 : vector<1x16xf32> to vector<16xf32>
      %mul3A_407 = arith.constant 3.200000e+01 : f32
      %mul3A_408 = vector.broadcast %mul3A_407 : f32 to vector<16xf32>
      %mul3A_409 = arith.mulf %get3A_406, %mul3A_408 : vector<16xf32>
      %get3A_410 = arith.constant 5 : i32
      %get3A_411 = arith.index_cast %get3A_410 : i32 to index
      %get3A_412 = arith.index_cast %mul3A_303 : i32 to index
      %get3A_413 = tpu.vector_load %arg7[%get3A_411, %get3A_412] {strides = array<i32>} : memref<16x1024xf32, #tpu.memory_space<vmem>>, vector<1x16xf32>,
      %get3A_414 = vector.shape_cast %get3A_413 : vector<1x16xf32> to vector<16xf32>
      %add3A_415 = arith.addf %mul3A_409, %get3A_414 : vector<16xf32>
      %swap3A_416 = arith.constant 5 : i32
      %swap3A_417 = arith.index_cast %swap3A_416 : i32 to index
      %swap3A_418 = arith.index_cast %mul3A_303 : i32 to index
      %swap3A_419 = tpu.vector_load %arg9[%swap3A_417, %swap3A_418] {strides = array<i32>} : memref<16x1024xf32, #tpu.memory_space<vmem>>, vector<1x16xf32>,
      %swap3A_420 = vector.shape_cast %swap3A_419 : vector<1x16xf32> to vector<16xf32>
      %swap3A_421 = vector.shape_cast %add3A_415 : vector<16xf32> to vector<1x16xf32>
      tpu.vector_store %arg9[%swap3A_417, %swap3A_418], %swap3A_421 {strides = array<i32>} : memref<16x1024xf32, #tpu.memory_space<vmem>>, vector<1x16xf32>,
      %get3A_422 = arith.constant 6 : i32
      %get3A_423 = arith.index_cast %get3A_422 : i32 to index
      %get3A_424 = arith.index_cast %mul3A_303 : i32 to index
      %get3A_425 = tpu.vector_load %arg9[%get3A_423, %get3A_424] {strides = array<i32>} : memref<16x1024xf32, #tpu.memory_space<vmem>>, vector<1x16xf32>,
      %get3A_426 = vector.shape_cast %get3A_425 : vector<1x16xf32> to vector<16xf32>
      %mul3A_427 = arith.constant 3.200000e+01 : f32
      %mul3A_428 = vector.broadcast %mul3A_427 : f32 to vector<16xf32>
      %mul3A_429 = arith.mulf %get3A_426, %mul3A_428 : vector<16xf32>
      %get3A_430 = arith.constant 6 : i32
      %get3A_431 = arith.index_cast %get3A_430 : i32 to index
      %get3A_432 = arith.index_cast %mul3A_303 : i32 to index
      %get3A_433 = tpu.vector_load %arg7[%get3A_431, %get3A_432] {strides = array<i32>} : memref<16x1024xf32, #tpu.memory_space<vmem>>, vector<1x16xf32>,
      %get3A_434 = vector.shape_cast %get3A_433 : vector<1x16xf32> to vector<16xf32>
      %add3A_435 = arith.addf %mul3A_429, %get3A_434 : vector<16xf32>
      %swap3A_436 = arith.constant 6 : i32
      %swap3A_437 = arith.index_cast %swap3A_436 : i32 to index
      %swap3A_438 = arith.index_cast %mul3A_303 : i32 to index
      %swap3A_439 = tpu.vector_load %arg9[%swap3A_437, %swap3A_438] {strides = array<i32>} : memref<16x1024xf32, #tpu.memory_space<vmem>>, vector<1x16xf32>,
      %swap3A_440 = vector.shape_cast %swap3A_439 : vector<1x16xf32> to vector<16xf32>
      %swap3A_441 = vector.shape_cast %add3A_435 : vector<16xf32> to vector<1x16xf32>
      tpu.vector_store %arg9[%swap3A_437, %swap3A_438], %swap3A_441 {strides = array<i32>} : memref<16x1024xf32, #tpu.memory_space<vmem>>, vector<1x16xf32>,
      %get3A_442 = arith.constant 7 : i32
      %get3A_443 = arith.index_cast %get3A_442 : i32 to index
      %get3A_444 = arith.index_cast %mul3A_303 : i32 to index
      %get3A_445 = tpu.vector_load %arg9[%get3A_443, %get3A_444] {strides = array<i32>} : memref<16x1024xf32, #tpu.memory_space<vmem>>, vector<1x16xf32>,
      %get3A_446 = vector.shape_cast %get3A_445 : vector<1x16xf32> to vector<16xf32>
      %mul3A_447 = arith.constant 3.200000e+01 : f32
      %mul3A_448 = vector.broadcast %mul3A_447 : f32 to vector<16xf32>
      %mul3A_449 = arith.mulf %get3A_446, %mul3A_448 : vector<16xf32>
      %get3A_450 = arith.constant 7 : i32
      %get3A_451 = arith.index_cast %get3A_450 : i32 to index
      %get3A_452 = arith.index_cast %mul3A_303 : i32 to index
      %get3A_453 = tpu.vector_load %arg7[%get3A_451, %get3A_452] {strides = array<i32>} : memref<16x1024xf32, #tpu.memory_space<vmem>>, vector<1x16xf32>,
      %get3A_454 = vector.shape_cast %get3A_453 : vector<1x16xf32> to vector<16xf32>
      %add3A_455 = arith.addf %mul3A_449, %get3A_454 : vector<16xf32>
      %swap3A_456 = arith.constant 7 : i32
      %swap3A_457 = arith.index_cast %swap3A_456 : i32 to index
      %swap3A_458 = arith.index_cast %mul3A_303 : i32 to index
      %swap3A_459 = tpu.vector_load %arg9[%swap3A_457, %swap3A_458] {strides = array<i32>} : memref<16x1024xf32, #tpu.memory_space<vmem>>, vector<1x16xf32>,
      %swap3A_460 = vector.shape_cast %swap3A_459 : vector<1x16xf32> to vector<16xf32>
      %swap3A_461 = vector.shape_cast %add3A_455 : vector<16xf32> to vector<1x16xf32>
      tpu.vector_store %arg9[%swap3A_457, %swap3A_458], %swap3A_461 {strides = array<i32>} : memref<16x1024xf32, #tpu.memory_space<vmem>>, vector<1x16xf32>,
      %get3A_462 = arith.constant 8 : i32
      %get3A_463 = arith.index_cast %get3A_462 : i32 to index
      %get3A_464 = arith.index_cast %mul3A_303 : i32 to index
      %get3A_465 = tpu.vector_load %arg9[%get3A_463, %get3A_464] {strides = array<i32>} : memref<16x1024xf32, #tpu.memory_space<vmem>>, vector<1x16xf32>,
      %get3A_466 = vector.shape_cast %get3A_465 : vector<1x16xf32> to vector<16xf32>
      %mul3A_467 = arith.constant 3.200000e+01 : f32
      %mul3A_468 = vector.broadcast %mul3A_467 : f32 to vector<16xf32>
      %mul3A_469 = arith.mulf %get3A_466, %mul3A_468 : vector<16xf32>
      %get3A_470 = arith.constant 8 : i32
      %get3A_471 = arith.index_cast %get3A_470 : i32 to index
      %get3A_472 = arith.index_cast %mul3A_303 : i32 to index
      %get3A_473 = tpu.vector_load %arg7[%get3A_471, %get3A_472] {strides = array<i32>} : memref<16x1024xf32, #tpu.memory_space<vmem>>, vector<1x16xf32>,
      %get3A_474 = vector.shape_cast %get3A_473 : vector<1x16xf32> to vector<16xf32>
      %add3A_475 = arith.addf %mul3A_469, %get3A_474 : vector<16xf32>
      %swap3A_476 = arith.constant 8 : i32
      %swap3A_477 = arith.index_cast %swap3A_476 : i32 to index
      %swap3A_478 = arith.index_cast %mul3A_303 : i32 to index
      %swap3A_479 = tpu.vector_load %arg9[%swap3A_477, %swap3A_478] {strides = array<i32>} : memref<16x1024xf32, #tpu.memory_space<vmem>>, vector<1x16xf32>,
      %swap3A_480 = vector.shape_cast %swap3A_479 : vector<1x16xf32> to vector<16xf32>
      %swap3A_481 = vector.shape_cast %add3A_475 : vector<16xf32> to vector<1x16xf32>
      tpu.vector_store %arg9[%swap3A_477, %swap3A_478], %swap3A_481 {strides = array<i32>} : memref<16x1024xf32, #tpu.memory_space<vmem>>, vector<1x16xf32>,
      %get3A_482 = arith.constant 9 : i32
      %get3A_483 = arith.index_cast %get3A_482 : i32 to index
      %get3A_484 = arith.index_cast %mul3A_303 : i32 to index
      %get3A_485 = tpu.vector_load %arg9[%get3A_483, %get3A_484] {strides = array<i32>} : memref<16x1024xf32, #tpu.memory_space<vmem>>, vector<1x16xf32>,
      %get3A_486 = vector.shape_cast %get3A_485 : vector<1x16xf32> to vector<16xf32>
      %mul3A_487 = arith.constant 3.200000e+01 : f32
      %mul3A_488 = vector.broadcast %mul3A_487 : f32 to vector<16xf32>
      %mul3A_489 = arith.mulf %get3A_486, %mul3A_488 : vector<16xf32>
      %get3A_490 = arith.constant 9 : i32
      %get3A_491 = arith.index_cast %get3A_490 : i32 to index
      %get3A_492 = arith.index_cast %mul3A_303 : i32 to index
      %get3A_493 = tpu.vector_load %arg7[%get3A_491, %get3A_492] {strides = array<i32>} : memref<16x1024xf32, #tpu.memory_space<vmem>>, vector<1x16xf32>,
      %get3A_494 = vector.shape_cast %get3A_493 : vector<1x16xf32> to vector<16xf32>
      %add3A_495 = arith.addf %mul3A_489, %get3A_494 : vector<16xf32>
      %swap3A_496 = arith.constant 9 : i32
      %swap3A_497 = arith.index_cast %swap3A_496 : i32 to index
      %swap3A_498 = arith.index_cast %mul3A_303 : i32 to index
      %swap3A_499 = tpu.vector_load %arg9[%swap3A_497, %swap3A_498] {strides = array<i32>} : memref<16x1024xf32, #tpu.memory_space<vmem>>, vector<1x16xf32>,
      %swap3A_500 = vector.shape_cast %swap3A_499 : vector<1x16xf32> to vector<16xf32>
      %swap3A_501 = vector.shape_cast %add3A_495 : vector<16xf32> to vector<1x16xf32>
      tpu.vector_store %arg9[%swap3A_497, %swap3A_498], %swap3A_501 {strides = array<i32>} : memref<16x1024xf32, #tpu.memory_space<vmem>>, vector<1x16xf32>,
      %get3A_502 = arith.constant 10 : i32
      %get3A_503 = arith.index_cast %get3A_502 : i32 to index
      %get3A_504 = arith.index_cast %mul3A_303 : i32 to index
      %get3A_505 = tpu.vector_load %arg9[%get3A_503, %get3A_504] {strides = array<i32>} : memref<16x1024xf32, #tpu.memory_space<vmem>>, vector<1x16xf32>,
      %get3A_506 = vector.shape_cast %get3A_505 : vector<1x16xf32> to vector<16xf32>
      %mul3A_507 = arith.constant 3.200000e+01 : f32
      %mul3A_508 = vector.broadcast %mul3A_507 : f32 to vector<16xf32>
      %mul3A_509 = arith.mulf %get3A_506, %mul3A_508 : vector<16xf32>
      %get3A_510 = arith.constant 10 : i32
      %get3A_511 = arith.index_cast %get3A_510 : i32 to index
      %get3A_512 = arith.index_cast %mul3A_303 : i32 to index
      %get3A_513 = tpu.vector_load %arg7[%get3A_511, %get3A_512] {strides = array<i32>} : memref<16x1024xf32, #tpu.memory_space<vmem>>, vector<1x16xf32>,
      %get3A_514 = vector.shape_cast %get3A_513 : vector<1x16xf32> to vector<16xf32>
      %add3A_515 = arith.addf %mul3A_509, %get3A_514 : vector<16xf32>
      %swap3A_516 = arith.constant 10 : i32
      %swap3A_517 = arith.index_cast %swap3A_516 : i32 to index
      %swap3A_518 = arith.index_cast %mul3A_303 : i32 to index
      %swap3A_519 = tpu.vector_load %arg9[%swap3A_517, %swap3A_518] {strides = array<i32>} : memref<16x1024xf32, #tpu.memory_space<vmem>>, vector<1x16xf32>,
      %swap3A_520 = vector.shape_cast %swap3A_519 : vector<1x16xf32> to vector<16xf32>
      %swap3A_521 = vector.shape_cast %add3A_515 : vector<16xf32> to vector<1x16xf32>
      tpu.vector_store %arg9[%swap3A_517, %swap3A_518], %swap3A_521 {strides = array<i32>} : memref<16x1024xf32, #tpu.memory_space<vmem>>, vector<1x16xf32>,
      %get3A_522 = arith.constant 11 : i32
      %get3A_523 = arith.index_cast %get3A_522 : i32 to index
      %get3A_524 = arith.index_cast %mul3A_303 : i32 to index
      %get3A_525 = tpu.vector_load %arg9[%get3A_523, %get3A_524] {strides = array<i32>} : memref<16x1024xf32, #tpu.memory_space<vmem>>, vector<1x16xf32>,
      %get3A_526 = vector.shape_cast %get3A_525 : vector<1x16xf32> to vector<16xf32>
      %mul3A_527 = arith.constant 3.200000e+01 : f32
      %mul3A_528 = vector.broadcast %mul3A_527 : f32 to vector<16xf32>
      %mul3A_529 = arith.mulf %get3A_526, %mul3A_528 : vector<16xf32>
      %get3A_530 = arith.constant 11 : i32
      %get3A_531 = arith.index_cast %get3A_530 : i32 to index
      %get3A_532 = arith.index_cast %mul3A_303 : i32 to index
      %get3A_533 = tpu.vector_load %arg7[%get3A_531, %get3A_532] {strides = array<i32>} : memref<16x1024xf32, #tpu.memory_space<vmem>>, vector<1x16xf32>,
      %get3A_534 = vector.shape_cast %get3A_533 : vector<1x16xf32> to vector<16xf32>
      %add3A_535 = arith.addf %mul3A_529, %get3A_534 : vector<16xf32>
      %swap3A_536 = arith.constant 11 : i32
      %swap3A_537 = arith.index_cast %swap3A_536 : i32 to index
      %swap3A_538 = arith.index_cast %mul3A_303 : i32 to index
      %swap3A_539 = tpu.vector_load %arg9[%swap3A_537, %swap3A_538] {strides = array<i32>} : memref<16x1024xf32, #tpu.memory_space<vmem>>, vector<1x16xf32>,
      %swap3A_540 = vector.shape_cast %swap3A_539 : vector<1x16xf32> to vector<16xf32>
      %swap3A_541 = vector.shape_cast %add3A_535 : vector<16xf32> to vector<1x16xf32>
      tpu.vector_store %arg9[%swap3A_537, %swap3A_538], %swap3A_541 {strides = array<i32>} : memref<16x1024xf32, #tpu.memory_space<vmem>>, vector<1x16xf32>,
      %get3A_542 = arith.constant 12 : i32
      %get3A_543 = arith.index_cast %get3A_542 : i32 to index
      %get3A_544 = arith.index_cast %mul3A_303 : i32 to index
      %get3A_545 = tpu.vector_load %arg9[%get3A_543, %get3A_544] {strides = array<i32>} : memref<16x1024xf32, #tpu.memory_space<vmem>>, vector<1x16xf32>,
      %get3A_546 = vector.shape_cast %get3A_545 : vector<1x16xf32> to vector<16xf32>
      %mul3A_547 = arith.constant 3.200000e+01 : f32
      %mul3A_548 = vector.broadcast %mul3A_547 : f32 to vector<16xf32>
      %mul3A_549 = arith.mulf %get3A_546, %mul3A_548 : vector<16xf32>
      %get3A_550 = arith.constant 12 : i32
      %get3A_551 = arith.index_cast %get3A_550 : i32 to index
      %get3A_552 = arith.index_cast %mul3A_303 : i32 to index
      %get3A_553 = tpu.vector_load %arg7[%get3A_551, %get3A_552] {strides = array<i32>} : memref<16x1024xf32, #tpu.memory_space<vmem>>, vector<1x16xf32>,
      %get3A_554 = vector.shape_cast %get3A_553 : vector<1x16xf32> to vector<16xf32>
      %add3A_555 = arith.addf %mul3A_549, %get3A_554 : vector<16xf32>
      %swap3A_556 = arith.constant 12 : i32
      %swap3A_557 = arith.index_cast %swap3A_556 : i32 to index
      %swap3A_558 = arith.index_cast %mul3A_303 : i32 to index
      %swap3A_559 = tpu.vector_load %arg9[%swap3A_557, %swap3A_558] {strides = array<i32>} : memref<16x1024xf32, #tpu.memory_space<vmem>>, vector<1x16xf32>,
      %swap3A_560 = vector.shape_cast %swap3A_559 : vector<1x16xf32> to vector<16xf32>
      %swap3A_561 = vector.shape_cast %add3A_555 : vector<16xf32> to vector<1x16xf32>
      tpu.vector_store %arg9[%swap3A_557, %swap3A_558], %swap3A_561 {strides = array<i32>} : memref<16x1024xf32, #tpu.memory_space<vmem>>, vector<1x16xf32>,
      %get3A_562 = arith.constant 13 : i32
      %get3A_563 = arith.index_cast %get3A_562 : i32 to index
      %get3A_564 = arith.index_cast %mul3A_303 : i32 to index
      %get3A_565 = tpu.vector_load %arg9[%get3A_563, %get3A_564] {strides = array<i32>} : memref<16x1024xf32, #tpu.memory_space<vmem>>, vector<1x16xf32>,
      %get3A_566 = vector.shape_cast %get3A_565 : vector<1x16xf32> to vector<16xf32>
      %mul3A_567 = arith.constant 3.200000e+01 : f32
      %mul3A_568 = vector.broadcast %mul3A_567 : f32 to vector<16xf32>
      %mul3A_569 = arith.mulf %get3A_566, %mul3A_568 : vector<16xf32>
      %get3A_570 = arith.constant 13 : i32
      %get3A_571 = arith.index_cast %get3A_570 : i32 to index
      %get3A_572 = arith.index_cast %mul3A_303 : i32 to index
      %get3A_573 = tpu.vector_load %arg7[%get3A_571, %get3A_572] {strides = array<i32>} : memref<16x1024xf32, #tpu.memory_space<vmem>>, vector<1x16xf32>,
      %get3A_574 = vector.shape_cast %get3A_573 : vector<1x16xf32> to vector<16xf32>
      %add3A_575 = arith.addf %mul3A_569, %get3A_574 : vector<16xf32>
      %swap3A_576 = arith.constant 13 : i32
      %swap3A_577 = arith.index_cast %swap3A_576 : i32 to index
      %swap3A_578 = arith.index_cast %mul3A_303 : i32 to index
      %swap3A_579 = tpu.vector_load %arg9[%swap3A_577, %swap3A_578] {strides = array<i32>} : memref<16x1024xf32, #tpu.memory_space<vmem>>, vector<1x16xf32>,
      %swap3A_580 = vector.shape_cast %swap3A_579 : vector<1x16xf32> to vector<16xf32>
      %swap3A_581 = vector.shape_cast %add3A_575 : vector<16xf32> to vector<1x16xf32>
      tpu.vector_store %arg9[%swap3A_577, %swap3A_578], %swap3A_581 {strides = array<i32>} : memref<16x1024xf32, #tpu.memory_space<vmem>>, vector<1x16xf32>,
      %get3A_582 = arith.constant 14 : i32
      %get3A_583 = arith.index_cast %get3A_582 : i32 to index
      %get3A_584 = arith.index_cast %mul3A_303 : i32 to index
      %get3A_585 = tpu.vector_load %arg9[%get3A_583, %get3A_584] {strides = array<i32>} : memref<16x1024xf32, #tpu.memory_space<vmem>>, vector<1x16xf32>,
      %get3A_586 = vector.shape_cast %get3A_585 : vector<1x16xf32> to vector<16xf32>
      %mul3A_587 = arith.constant 3.200000e+01 : f32
      %mul3A_588 = vector.broadcast %mul3A_587 : f32 to vector<16xf32>
      %mul3A_589 = arith.mulf %get3A_586, %mul3A_588 : vector<16xf32>
      %get3A_590 = arith.constant 14 : i32
      %get3A_591 = arith.index_cast %get3A_590 : i32 to index
      %get3A_592 = arith.index_cast %mul3A_303 : i32 to index
      %get3A_593 = tpu.vector_load %arg7[%get3A_591, %get3A_592] {strides = array<i32>} : memref<16x1024xf32, #tpu.memory_space<vmem>>, vector<1x16xf32>,
      %get3A_594 = vector.shape_cast %get3A_593 : vector<1x16xf32> to vector<16xf32>
      %add3A_595 = arith.addf %mul3A_589, %get3A_594 : vector<16xf32>
      %swap3A_596 = arith.constant 14 : i32
      %swap3A_597 = arith.index_cast %swap3A_596 : i32 to index
      %swap3A_598 = arith.index_cast %mul3A_303 : i32 to index
      %swap3A_599 = tpu.vector_load %arg9[%swap3A_597, %swap3A_598] {strides = array<i32>} : memref<16x1024xf32, #tpu.memory_space<vmem>>, vector<1x16xf32>,
      %swap3A_600 = vector.shape_cast %swap3A_599 : vector<1x16xf32> to vector<16xf32>
      %swap3A_601 = vector.shape_cast %add3A_595 : vector<16xf32> to vector<1x16xf32>
      tpu.vector_store %arg9[%swap3A_597, %swap3A_598], %swap3A_601 {strides = array<i32>} : memref<16x1024xf32, #tpu.memory_space<vmem>>, vector<1x16xf32>,
      %get3A_602 = arith.constant 15 : i32
      %get3A_603 = arith.index_cast %get3A_602 : i32 to index
      %get3A_604 = arith.index_cast %mul3A_303 : i32 to index
      %get3A_605 = tpu.vector_load %arg9[%get3A_603, %get3A_604] {strides = array<i32>} : memref<16x1024xf32, #tpu.memory_space<vmem>>, vector<1x16xf32>,
      %get3A_606 = vector.shape_cast %get3A_605 : vector<1x16xf32> to vector<16xf32>
      %mul3A_607 = arith.constant 3.200000e+01 : f32
      %mul3A_608 = vector.broadcast %mul3A_607 : f32 to vector<16xf32>
      %mul3A_609 = arith.mulf %get3A_606, %mul3A_608 : vector<16xf32>
      %get3A_610 = arith.constant 15 : i32
      %get3A_611 = arith.index_cast %get3A_610 : i32 to index
      %get3A_612 = arith.index_cast %mul3A_303 : i32 to index
      %get3A_613 = tpu.vector_load %arg7[%get3A_611, %get3A_612] {strides = array<i32>} : memref<16x1024xf32, #tpu.memory_space<vmem>>, vector<1x16xf32>,
      %get3A_614 = vector.shape_cast %get3A_613 : vector<1x16xf32> to vector<16xf32>
      %add3A_615 = arith.addf %mul3A_609, %get3A_614 : vector<16xf32>
      %swap3A_616 = arith.constant 15 : i32
      %swap3A_617 = arith.index_cast %swap3A_616 : i32 to index
      %swap3A_618 = arith.index_cast %mul3A_303 : i32 to index
      %swap3A_619 = tpu.vector_load %arg9[%swap3A_617, %swap3A_618] {strides = array<i32>} : memref<16x1024xf32, #tpu.memory_space<vmem>>, vector<1x16xf32>,
      %swap3A_620 = vector.shape_cast %swap3A_619 : vector<1x16xf32> to vector<16xf32>
      %swap3A_621 = vector.shape_cast %add3A_615 : vector<16xf32> to vector<1x16xf32>
      tpu.vector_store %arg9[%swap3A_617, %swap3A_618], %swap3A_621 {strides = array<i32>} : memref<16x1024xf32, #tpu.memory_space<vmem>>, vector<1x16xf32>,
    }
    %scan3A_226 = arith.constant 64 : i32
    %add3A_227 = arith.constant 2048 : i32
    %add3A_228 = arith.addi %add3A_227, %mul3A_2 : i32
    %add3A_229 = arith.constant 32 : i32
    %add3A_230 = arith.addi %add3A_228, %add3A_229 : i32
    %dma_start3A_231 = arith.constant 0 : i32
    %dma_start3A_232 = tpu.memref_slice %arg5[%add3A_230, %dma_start3A_231] : memref<4096x1024xf32, #tpu.memory_space<hbm>> -> memref<16x1024xf32, #tpu.memory_space<hbm>>
    %dma_start3A_233 = arith.constant 0 : i32
    %dma_start3A_234 = tpu.memref_slice %arg5[%add3A_230, %dma_start3A_233] : memref<4096x1024xf32, #tpu.memory_space<hbm>> -> memref<16x1024xf32, #tpu.memory_space<hbm>>
    tpu.enqueue_dma source(%arg9 : memref<16x1024xf32, #tpu.memory_space<vmem>>) target(%dma_start3A_234 : memref<16x1024xf32, #tpu.memory_space<hbm>>) target_semaphore(%arg15 : memref<!tpu.dma_semaphore, #tpu.memory_space<semaphore_mem>>)
    %dma_wait3A_235 = arith.constant 0 : i32
    %dma_wait3A_236 = tpu.memref_slice %arg4[%add3A_177, %dma_wait3A_235] : memref<2048x1024xf32, #tpu.memory_space<hbm>> -> memref<16x1024xf32, #tpu.memory_space<hbm>>
    %dma_wait3A_237 = arith.constant 0 : i32
    %dma_wait3A_238 = tpu.memref_slice %arg4[%add3A_177, %dma_wait3A_237] : memref<2048x1024xf32, #tpu.memory_space<hbm>> -> memref<16x1024xf32, #tpu.memory_space<hbm>>
    tpu.wait_dma2 semaphore(%arg16 : memref<!tpu.dma_semaphore, #tpu.memory_space<semaphore_mem>>) src(%dma_wait3A_238 : memref<16x1024xf32, #tpu.memory_space<hbm>>) dst(%arg8 : memref<16x1024xf32, #tpu.memory_space<vmem>>)
    %dma_wait3A_239 = arith.constant 0 : i32
    %dma_wait3A_240 = arith.constant 48 : i32
    %dma_wait3A_241 = tpu.memref_slice %arg6[%dma_wait3A_239, %dma_wait3A_240] : memref<2x64xi32, #tpu.memory_space<vmem>> -> memref<1x16xi32, #tpu.memory_space<vmem>>
    %dma_wait3A_242 = tpu.memref_squeeze %dma_wait3A_241 : memref<1x16xi32, #tpu.memory_space<vmem>> -> memref<16xi32, #tpu.memory_space<vmem>>
    %dma_wait3A_243 = arith.constant 0 : i32
    %dma_wait3A_244 = arith.constant 0 : i32
    %dma_wait3A_245 = tpu.memref_slice %arg3[%dma_wait3A_243, %dma_wait3A_244] : memref<100000x1024xf32, #tpu.memory_space<hbm>> -> memref<100000x1024xf32, #tpu.memory_space<hbm>>
    tpu.wait_indirect_dma semaphore(%arg14 : memref<!tpu.dma_semaphore, #tpu.memory_space<semaphore_mem>>) src(%dma_wait3A_245 : memref<100000x1024xf32, #tpu.memory_space<hbm>>) dst(%arg10 : memref<16x1024xf32, #tpu.memory_space<vmem>>)
    %scan3A_246 = arith.constant 0 : i32
    %scan3A_247 = arith.constant 0 : i32
    %scan3A_248 = arith.constant 64 : i32
    %scan3A_249 = arith.addi %scan3A_247, %scan3A_248 : i32
    %scan3A_250 = arith.constant 1 : i32
    scf.for %scan3A_301 = %scan3A_247 to %scan3A_249 step %scan3A_250  : i32 {
      %mul3A_302 = arith.constant 16 : i32
      %mul3A_303 = arith.muli %scan3A_301, %mul3A_302 : i32
      %get3A = arith.constant 0 : i32
      %get3A_304 = arith.index_cast %get3A : i32 to index
      %get3A_305 = arith.index_cast %mul3A_303 : i32 to index
      %get3A_306 = tpu.vector_load %arg10[%get3A_304, %get3A_305] {strides = array<i32>} : memref<16x1024xf32, #tpu.memory_space<vmem>>, vector<1x16xf32>,
      %get3A_307 = vector.shape_cast %get3A_306 : vector<1x16xf32> to vector<16xf32>
      %mul3A_308 = arith.constant 3.200000e+01 : f32
      %mul3A_309 = vector.broadcast %mul3A_308 : f32 to vector<16xf32>
      %mul3A_310 = arith.mulf %get3A_307, %mul3A_309 : vector<16xf32>
      %get3A_311 = arith.constant 0 : i32
      %get3A_312 = arith.index_cast %get3A_311 : i32 to index
      %get3A_313 = arith.index_cast %mul3A_303 : i32 to index
      %get3A_314 = tpu.vector_load %arg8[%get3A_312, %get3A_313] {strides = array<i32>} : memref<16x1024xf32, #tpu.memory_space<vmem>>, vector<1x16xf32>,
      %get3A_315 = vector.shape_cast %get3A_314 : vector<1x16xf32> to vector<16xf32>
      %add3A_316 = arith.addf %mul3A_310, %get3A_315 : vector<16xf32>
      %swap3A = arith.constant 0 : i32
      %swap3A_317 = arith.index_cast %swap3A : i32 to index
      %swap3A_318 = arith.index_cast %mul3A_303 : i32 to index
      %swap3A_319 = tpu.vector_load %arg10[%swap3A_317, %swap3A_318] {strides = array<i32>} : memref<16x1024xf32, #tpu.memory_space<vmem>>, vector<1x16xf32>,
      %swap3A_320 = vector.shape_cast %swap3A_319 : vector<1x16xf32> to vector<16xf32>
      %swap3A_321 = vector.shape_cast %add3A_316 : vector<16xf32> to vector<1x16xf32>
      tpu.vector_store %arg10[%swap3A_317, %swap3A_318], %swap3A_321 {strides = array<i32>} : memref<16x1024xf32, #tpu.memory_space<vmem>>, vector<1x16xf32>,
      %get3A_322 = arith.constant 1 : i32
      %get3A_323 = arith.index_cast %get3A_322 : i32 to index
      %get3A_324 = arith.index_cast %mul3A_303 : i32 to index
      %get3A_325 = tpu.vector_load %arg10[%get3A_323, %get3A_324] {strides = array<i32>} : memref<16x1024xf32, #tpu.memory_space<vmem>>, vector<1x16xf32>,
      %get3A_326 = vector.shape_cast %get3A_325 : vector<1x16xf32> to vector<16xf32>
      %mul3A_327 = arith.constant 3.200000e+01 : f32
      %mul3A_328 = vector.broadcast %mul3A_327 : f32 to vector<16xf32>
      %mul3A_329 = arith.mulf %get3A_326, %mul3A_328 : vector<16xf32>
      %get3A_330 = arith.constant 1 : i32
      %get3A_331 = arith.index_cast %get3A_330 : i32 to index
      %get3A_332 = arith.index_cast %mul3A_303 : i32 to index
      %get3A_333 = tpu.vector_load %arg8[%get3A_331, %get3A_332] {strides = array<i32>} : memref<16x1024xf32, #tpu.memory_space<vmem>>, vector<1x16xf32>,
      %get3A_334 = vector.shape_cast %get3A_333 : vector<1x16xf32> to vector<16xf32>
      %add3A_335 = arith.addf %mul3A_329, %get3A_334 : vector<16xf32>
      %swap3A_336 = arith.constant 1 : i32
      %swap3A_337 = arith.index_cast %swap3A_336 : i32 to index
      %swap3A_338 = arith.index_cast %mul3A_303 : i32 to index
      %swap3A_339 = tpu.vector_load %arg10[%swap3A_337, %swap3A_338] {strides = array<i32>} : memref<16x1024xf32, #tpu.memory_space<vmem>>, vector<1x16xf32>,
      %swap3A_340 = vector.shape_cast %swap3A_339 : vector<1x16xf32> to vector<16xf32>
      %swap3A_341 = vector.shape_cast %add3A_335 : vector<16xf32> to vector<1x16xf32>
      tpu.vector_store %arg10[%swap3A_337, %swap3A_338], %swap3A_341 {strides = array<i32>} : memref<16x1024xf32, #tpu.memory_space<vmem>>, vector<1x16xf32>,
      %get3A_342 = arith.constant 2 : i32
      %get3A_343 = arith.index_cast %get3A_342 : i32 to index
      %get3A_344 = arith.index_cast %mul3A_303 : i32 to index
      %get3A_345 = tpu.vector_load %arg10[%get3A_343, %get3A_344] {strides = array<i32>} : memref<16x1024xf32, #tpu.memory_space<vmem>>, vector<1x16xf32>,
      %get3A_346 = vector.shape_cast %get3A_345 : vector<1x16xf32> to vector<16xf32>
      %mul3A_347 = arith.constant 3.200000e+01 : f32
      %mul3A_348 = vector.broadcast %mul3A_347 : f32 to vector<16xf32>
      %mul3A_349 = arith.mulf %get3A_346, %mul3A_348 : vector<16xf32>
      %get3A_350 = arith.constant 2 : i32
      %get3A_351 = arith.index_cast %get3A_350 : i32 to index
      %get3A_352 = arith.index_cast %mul3A_303 : i32 to index
      %get3A_353 = tpu.vector_load %arg8[%get3A_351, %get3A_352] {strides = array<i32>} : memref<16x1024xf32, #tpu.memory_space<vmem>>, vector<1x16xf32>,
      %get3A_354 = vector.shape_cast %get3A_353 : vector<1x16xf32> to vector<16xf32>
      %add3A_355 = arith.addf %mul3A_349, %get3A_354 : vector<16xf32>
      %swap3A_356 = arith.constant 2 : i32
      %swap3A_357 = arith.index_cast %swap3A_356 : i32 to index
      %swap3A_358 = arith.index_cast %mul3A_303 : i32 to index
      %swap3A_359 = tpu.vector_load %arg10[%swap3A_357, %swap3A_358] {strides = array<i32>} : memref<16x1024xf32, #tpu.memory_space<vmem>>, vector<1x16xf32>,
      %swap3A_360 = vector.shape_cast %swap3A_359 : vector<1x16xf32> to vector<16xf32>
      %swap3A_361 = vector.shape_cast %add3A_355 : vector<16xf32> to vector<1x16xf32>
      tpu.vector_store %arg10[%swap3A_357, %swap3A_358], %swap3A_361 {strides = array<i32>} : memref<16x1024xf32, #tpu.memory_space<vmem>>, vector<1x16xf32>,
      %get3A_362 = arith.constant 3 : i32
      %get3A_363 = arith.index_cast %get3A_362 : i32 to index
      %get3A_364 = arith.index_cast %mul3A_303 : i32 to index
      %get3A_365 = tpu.vector_load %arg10[%get3A_363, %get3A_364] {strides = array<i32>} : memref<16x1024xf32, #tpu.memory_space<vmem>>, vector<1x16xf32>,
      %get3A_366 = vector.shape_cast %get3A_365 : vector<1x16xf32> to vector<16xf32>
      %mul3A_367 = arith.constant 3.200000e+01 : f32
      %mul3A_368 = vector.broadcast %mul3A_367 : f32 to vector<16xf32>
      %mul3A_369 = arith.mulf %get3A_366, %mul3A_368 : vector<16xf32>
      %get3A_370 = arith.constant 3 : i32
      %get3A_371 = arith.index_cast %get3A_370 : i32 to index
      %get3A_372 = arith.index_cast %mul3A_303 : i32 to index
      %get3A_373 = tpu.vector_load %arg8[%get3A_371, %get3A_372] {strides = array<i32>} : memref<16x1024xf32, #tpu.memory_space<vmem>>, vector<1x16xf32>,
      %get3A_374 = vector.shape_cast %get3A_373 : vector<1x16xf32> to vector<16xf32>
      %add3A_375 = arith.addf %mul3A_369, %get3A_374 : vector<16xf32>
      %swap3A_376 = arith.constant 3 : i32
      %swap3A_377 = arith.index_cast %swap3A_376 : i32 to index
      %swap3A_378 = arith.index_cast %mul3A_303 : i32 to index
      %swap3A_379 = tpu.vector_load %arg10[%swap3A_377, %swap3A_378] {strides = array<i32>} : memref<16x1024xf32, #tpu.memory_space<vmem>>, vector<1x16xf32>,
      %swap3A_380 = vector.shape_cast %swap3A_379 : vector<1x16xf32> to vector<16xf32>
      %swap3A_381 = vector.shape_cast %add3A_375 : vector<16xf32> to vector<1x16xf32>
      tpu.vector_store %arg10[%swap3A_377, %swap3A_378], %swap3A_381 {strides = array<i32>} : memref<16x1024xf32, #tpu.memory_space<vmem>>, vector<1x16xf32>,
      %get3A_382 = arith.constant 4 : i32
      %get3A_383 = arith.index_cast %get3A_382 : i32 to index
      %get3A_384 = arith.index_cast %mul3A_303 : i32 to index
      %get3A_385 = tpu.vector_load %arg10[%get3A_383, %get3A_384] {strides = array<i32>} : memref<16x1024xf32, #tpu.memory_space<vmem>>, vector<1x16xf32>,
      %get3A_386 = vector.shape_cast %get3A_385 : vector<1x16xf32> to vector<16xf32>
      %mul3A_387 = arith.constant 3.200000e+01 : f32
      %mul3A_388 = vector.broadcast %mul3A_387 : f32 to vector<16xf32>
      %mul3A_389 = arith.mulf %get3A_386, %mul3A_388 : vector<16xf32>
      %get3A_390 = arith.constant 4 : i32
      %get3A_391 = arith.index_cast %get3A_390 : i32 to index
      %get3A_392 = arith.index_cast %mul3A_303 : i32 to index
      %get3A_393 = tpu.vector_load %arg8[%get3A_391, %get3A_392] {strides = array<i32>} : memref<16x1024xf32, #tpu.memory_space<vmem>>, vector<1x16xf32>,
      %get3A_394 = vector.shape_cast %get3A_393 : vector<1x16xf32> to vector<16xf32>
      %add3A_395 = arith.addf %mul3A_389, %get3A_394 : vector<16xf32>
      %swap3A_396 = arith.constant 4 : i32
      %swap3A_397 = arith.index_cast %swap3A_396 : i32 to index
      %swap3A_398 = arith.index_cast %mul3A_303 : i32 to index
      %swap3A_399 = tpu.vector_load %arg10[%swap3A_397, %swap3A_398] {strides = array<i32>} : memref<16x1024xf32, #tpu.memory_space<vmem>>, vector<1x16xf32>,
      %swap3A_400 = vector.shape_cast %swap3A_399 : vector<1x16xf32> to vector<16xf32>
      %swap3A_401 = vector.shape_cast %add3A_395 : vector<16xf32> to vector<1x16xf32>
      tpu.vector_store %arg10[%swap3A_397, %swap3A_398], %swap3A_401 {strides = array<i32>} : memref<16x1024xf32, #tpu.memory_space<vmem>>, vector<1x16xf32>,
      %get3A_402 = arith.constant 5 : i32
      %get3A_403 = arith.index_cast %get3A_402 : i32 to index
      %get3A_404 = arith.index_cast %mul3A_303 : i32 to index
      %get3A_405 = tpu.vector_load %arg10[%get3A_403, %get3A_404] {strides = array<i32>} : memref<16x1024xf32, #tpu.memory_space<vmem>>, vector<1x16xf32>,
      %get3A_406 = vector.shape_cast %get3A_405 : vector<1x16xf32> to vector<16xf32>
      %mul3A_407 = arith.constant 3.200000e+01 : f32
      %mul3A_408 = vector.broadcast %mul3A_407 : f32 to vector<16xf32>
      %mul3A_409 = arith.mulf %get3A_406, %mul3A_408 : vector<16xf32>
      %get3A_410 = arith.constant 5 : i32
      %get3A_411 = arith.index_cast %get3A_410 : i32 to index
      %get3A_412 = arith.index_cast %mul3A_303 : i32 to index
      %get3A_413 = tpu.vector_load %arg8[%get3A_411, %get3A_412] {strides = array<i32>} : memref<16x1024xf32, #tpu.memory_space<vmem>>, vector<1x16xf32>,
      %get3A_414 = vector.shape_cast %get3A_413 : vector<1x16xf32> to vector<16xf32>
      %add3A_415 = arith.addf %mul3A_409, %get3A_414 : vector<16xf32>
      %swap3A_416 = arith.constant 5 : i32
      %swap3A_417 = arith.index_cast %swap3A_416 : i32 to index
      %swap3A_418 = arith.index_cast %mul3A_303 : i32 to index
      %swap3A_419 = tpu.vector_load %arg10[%swap3A_417, %swap3A_418] {strides = array<i32>} : memref<16x1024xf32, #tpu.memory_space<vmem>>, vector<1x16xf32>,
      %swap3A_420 = vector.shape_cast %swap3A_419 : vector<1x16xf32> to vector<16xf32>
      %swap3A_421 = vector.shape_cast %add3A_415 : vector<16xf32> to vector<1x16xf32>
      tpu.vector_store %arg10[%swap3A_417, %swap3A_418], %swap3A_421 {strides = array<i32>} : memref<16x1024xf32, #tpu.memory_space<vmem>>, vector<1x16xf32>,
      %get3A_422 = arith.constant 6 : i32
      %get3A_423 = arith.index_cast %get3A_422 : i32 to index
      %get3A_424 = arith.index_cast %mul3A_303 : i32 to index
      %get3A_425 = tpu.vector_load %arg10[%get3A_423, %get3A_424] {strides = array<i32>} : memref<16x1024xf32, #tpu.memory_space<vmem>>, vector<1x16xf32>,
      %get3A_426 = vector.shape_cast %get3A_425 : vector<1x16xf32> to vector<16xf32>
      %mul3A_427 = arith.constant 3.200000e+01 : f32
      %mul3A_428 = vector.broadcast %mul3A_427 : f32 to vector<16xf32>
      %mul3A_429 = arith.mulf %get3A_426, %mul3A_428 : vector<16xf32>
      %get3A_430 = arith.constant 6 : i32
      %get3A_431 = arith.index_cast %get3A_430 : i32 to index
      %get3A_432 = arith.index_cast %mul3A_303 : i32 to index
      %get3A_433 = tpu.vector_load %arg8[%get3A_431, %get3A_432] {strides = array<i32>} : memref<16x1024xf32, #tpu.memory_space<vmem>>, vector<1x16xf32>,
      %get3A_434 = vector.shape_cast %get3A_433 : vector<1x16xf32> to vector<16xf32>
      %add3A_435 = arith.addf %mul3A_429, %get3A_434 : vector<16xf32>
      %swap3A_436 = arith.constant 6 : i32
      %swap3A_437 = arith.index_cast %swap3A_436 : i32 to index
      %swap3A_438 = arith.index_cast %mul3A_303 : i32 to index
      %swap3A_439 = tpu.vector_load %arg10[%swap3A_437, %swap3A_438] {strides = array<i32>} : memref<16x1024xf32, #tpu.memory_space<vmem>>, vector<1x16xf32>,
      %swap3A_440 = vector.shape_cast %swap3A_439 : vector<1x16xf32> to vector<16xf32>
      %swap3A_441 = vector.shape_cast %add3A_435 : vector<16xf32> to vector<1x16xf32>
      tpu.vector_store %arg10[%swap3A_437, %swap3A_438], %swap3A_441 {strides = array<i32>} : memref<16x1024xf32, #tpu.memory_space<vmem>>, vector<1x16xf32>,
      %get3A_442 = arith.constant 7 : i32
      %get3A_443 = arith.index_cast %get3A_442 : i32 to index
      %get3A_444 = arith.index_cast %mul3A_303 : i32 to index
      %get3A_445 = tpu.vector_load %arg10[%get3A_443, %get3A_444] {strides = array<i32>} : memref<16x1024xf32, #tpu.memory_space<vmem>>, vector<1x16xf32>,
      %get3A_446 = vector.shape_cast %get3A_445 : vector<1x16xf32> to vector<16xf32>
      %mul3A_447 = arith.constant 3.200000e+01 : f32
      %mul3A_448 = vector.broadcast %mul3A_447 : f32 to vector<16xf32>
      %mul3A_449 = arith.mulf %get3A_446, %mul3A_448 : vector<16xf32>
      %get3A_450 = arith.constant 7 : i32
      %get3A_451 = arith.index_cast %get3A_450 : i32 to index
      %get3A_452 = arith.index_cast %mul3A_303 : i32 to index
      %get3A_453 = tpu.vector_load %arg8[%get3A_451, %get3A_452] {strides = array<i32>} : memref<16x1024xf32, #tpu.memory_space<vmem>>, vector<1x16xf32>,
      %get3A_454 = vector.shape_cast %get3A_453 : vector<1x16xf32> to vector<16xf32>
      %add3A_455 = arith.addf %mul3A_449, %get3A_454 : vector<16xf32>
      %swap3A_456 = arith.constant 7 : i32
      %swap3A_457 = arith.index_cast %swap3A_456 : i32 to index
      %swap3A_458 = arith.index_cast %mul3A_303 : i32 to index
      %swap3A_459 = tpu.vector_load %arg10[%swap3A_457, %swap3A_458] {strides = array<i32>} : memref<16x1024xf32, #tpu.memory_space<vmem>>, vector<1x16xf32>,
      %swap3A_460 = vector.shape_cast %swap3A_459 : vector<1x16xf32> to vector<16xf32>
      %swap3A_461 = vector.shape_cast %add3A_455 : vector<16xf32> to vector<1x16xf32>
      tpu.vector_store %arg10[%swap3A_457, %swap3A_458], %swap3A_461 {strides = array<i32>} : memref<16x1024xf32, #tpu.memory_space<vmem>>, vector<1x16xf32>,
      %get3A_462 = arith.constant 8 : i32
      %get3A_463 = arith.index_cast %get3A_462 : i32 to index
      %get3A_464 = arith.index_cast %mul3A_303 : i32 to index
      %get3A_465 = tpu.vector_load %arg10[%get3A_463, %get3A_464] {strides = array<i32>} : memref<16x1024xf32, #tpu.memory_space<vmem>>, vector<1x16xf32>,
      %get3A_466 = vector.shape_cast %get3A_465 : vector<1x16xf32> to vector<16xf32>
      %mul3A_467 = arith.constant 3.200000e+01 : f32
      %mul3A_468 = vector.broadcast %mul3A_467 : f32 to vector<16xf32>
      %mul3A_469 = arith.mulf %get3A_466, %mul3A_468 : vector<16xf32>
      %get3A_470 = arith.constant 8 : i32
      %get3A_471 = arith.index_cast %get3A_470 : i32 to index
      %get3A_472 = arith.index_cast %mul3A_303 : i32 to index
      %get3A_473 = tpu.vector_load %arg8[%get3A_471, %get3A_472] {strides = array<i32>} : memref<16x1024xf32, #tpu.memory_space<vmem>>, vector<1x16xf32>,
      %get3A_474 = vector.shape_cast %get3A_473 : vector<1x16xf32> to vector<16xf32>
      %add3A_475 = arith.addf %mul3A_469, %get3A_474 : vector<16xf32>
      %swap3A_476 = arith.constant 8 : i32
      %swap3A_477 = arith.index_cast %swap3A_476 : i32 to index
      %swap3A_478 = arith.index_cast %mul3A_303 : i32 to index
      %swap3A_479 = tpu.vector_load %arg10[%swap3A_477, %swap3A_478] {strides = array<i32>} : memref<16x1024xf32, #tpu.memory_space<vmem>>, vector<1x16xf32>,
      %swap3A_480 = vector.shape_cast %swap3A_479 : vector<1x16xf32> to vector<16xf32>
      %swap3A_481 = vector.shape_cast %add3A_475 : vector<16xf32> to vector<1x16xf32>
      tpu.vector_store %arg10[%swap3A_477, %swap3A_478], %swap3A_481 {strides = array<i32>} : memref<16x1024xf32, #tpu.memory_space<vmem>>, vector<1x16xf32>,
      %get3A_482 = arith.constant 9 : i32
      %get3A_483 = arith.index_cast %get3A_482 : i32 to index
      %get3A_484 = arith.index_cast %mul3A_303 : i32 to index
      %get3A_485 = tpu.vector_load %arg10[%get3A_483, %get3A_484] {strides = array<i32>} : memref<16x1024xf32, #tpu.memory_space<vmem>>, vector<1x16xf32>,
      %get3A_486 = vector.shape_cast %get3A_485 : vector<1x16xf32> to vector<16xf32>
      %mul3A_487 = arith.constant 3.200000e+01 : f32
      %mul3A_488 = vector.broadcast %mul3A_487 : f32 to vector<16xf32>
      %mul3A_489 = arith.mulf %get3A_486, %mul3A_488 : vector<16xf32>
      %get3A_490 = arith.constant 9 : i32
      %get3A_491 = arith.index_cast %get3A_490 : i32 to index
      %get3A_492 = arith.index_cast %mul3A_303 : i32 to index
      %get3A_493 = tpu.vector_load %arg8[%get3A_491, %get3A_492] {strides = array<i32>} : memref<16x1024xf32, #tpu.memory_space<vmem>>, vector<1x16xf32>,
      %get3A_494 = vector.shape_cast %get3A_493 : vector<1x16xf32> to vector<16xf32>
      %add3A_495 = arith.addf %mul3A_489, %get3A_494 : vector<16xf32>
      %swap3A_496 = arith.constant 9 : i32
      %swap3A_497 = arith.index_cast %swap3A_496 : i32 to index
      %swap3A_498 = arith.index_cast %mul3A_303 : i32 to index
      %swap3A_499 = tpu.vector_load %arg10[%swap3A_497, %swap3A_498] {strides = array<i32>} : memref<16x1024xf32, #tpu.memory_space<vmem>>, vector<1x16xf32>,
      %swap3A_500 = vector.shape_cast %swap3A_499 : vector<1x16xf32> to vector<16xf32>
      %swap3A_501 = vector.shape_cast %add3A_495 : vector<16xf32> to vector<1x16xf32>
      tpu.vector_store %arg10[%swap3A_497, %swap3A_498], %swap3A_501 {strides = array<i32>} : memref<16x1024xf32, #tpu.memory_space<vmem>>, vector<1x16xf32>,
      %get3A_502 = arith.constant 10 : i32
      %get3A_503 = arith.index_cast %get3A_502 : i32 to index
      %get3A_504 = arith.index_cast %mul3A_303 : i32 to index
      %get3A_505 = tpu.vector_load %arg10[%get3A_503, %get3A_504] {strides = array<i32>} : memref<16x1024xf32, #tpu.memory_space<vmem>>, vector<1x16xf32>,
      %get3A_506 = vector.shape_cast %get3A_505 : vector<1x16xf32> to vector<16xf32>
      %mul3A_507 = arith.constant 3.200000e+01 : f32
      %mul3A_508 = vector.broadcast %mul3A_507 : f32 to vector<16xf32>
      %mul3A_509 = arith.mulf %get3A_506, %mul3A_508 : vector<16xf32>
      %get3A_510 = arith.constant 10 : i32
      %get3A_511 = arith.index_cast %get3A_510 : i32 to index
      %get3A_512 = arith.index_cast %mul3A_303 : i32 to index
      %get3A_513 = tpu.vector_load %arg8[%get3A_511, %get3A_512] {strides = array<i32>} : memref<16x1024xf32, #tpu.memory_space<vmem>>, vector<1x16xf32>,
      %get3A_514 = vector.shape_cast %get3A_513 : vector<1x16xf32> to vector<16xf32>
      %add3A_515 = arith.addf %mul3A_509, %get3A_514 : vector<16xf32>
      %swap3A_516 = arith.constant 10 : i32
      %swap3A_517 = arith.index_cast %swap3A_516 : i32 to index
      %swap3A_518 = arith.index_cast %mul3A_303 : i32 to index
      %swap3A_519 = tpu.vector_load %arg10[%swap3A_517, %swap3A_518] {strides = array<i32>} : memref<16x1024xf32, #tpu.memory_space<vmem>>, vector<1x16xf32>,
      %swap3A_520 = vector.shape_cast %swap3A_519 : vector<1x16xf32> to vector<16xf32>
      %swap3A_521 = vector.shape_cast %add3A_515 : vector<16xf32> to vector<1x16xf32>
      tpu.vector_store %arg10[%swap3A_517, %swap3A_518], %swap3A_521 {strides = array<i32>} : memref<16x1024xf32, #tpu.memory_space<vmem>>, vector<1x16xf32>,
      %get3A_522 = arith.constant 11 : i32
      %get3A_523 = arith.index_cast %get3A_522 : i32 to index
      %get3A_524 = arith.index_cast %mul3A_303 : i32 to index
      %get3A_525 = tpu.vector_load %arg10[%get3A_523, %get3A_524] {strides = array<i32>} : memref<16x1024xf32, #tpu.memory_space<vmem>>, vector<1x16xf32>,
      %get3A_526 = vector.shape_cast %get3A_525 : vector<1x16xf32> to vector<16xf32>
      %mul3A_527 = arith.constant 3.200000e+01 : f32
      %mul3A_528 = vector.broadcast %mul3A_527 : f32 to vector<16xf32>
      %mul3A_529 = arith.mulf %get3A_526, %mul3A_528 : vector<16xf32>
      %get3A_530 = arith.constant 11 : i32
      %get3A_531 = arith.index_cast %get3A_530 : i32 to index
      %get3A_532 = arith.index_cast %mul3A_303 : i32 to index
      %get3A_533 = tpu.vector_load %arg8[%get3A_531, %get3A_532] {strides = array<i32>} : memref<16x1024xf32, #tpu.memory_space<vmem>>, vector<1x16xf32>,
      %get3A_534 = vector.shape_cast %get3A_533 : vector<1x16xf32> to vector<16xf32>
      %add3A_535 = arith.addf %mul3A_529, %get3A_534 : vector<16xf32>
      %swap3A_536 = arith.constant 11 : i32
      %swap3A_537 = arith.index_cast %swap3A_536 : i32 to index
      %swap3A_538 = arith.index_cast %mul3A_303 : i32 to index
      %swap3A_539 = tpu.vector_load %arg10[%swap3A_537, %swap3A_538] {strides = array<i32>} : memref<16x1024xf32, #tpu.memory_space<vmem>>, vector<1x16xf32>,
      %swap3A_540 = vector.shape_cast %swap3A_539 : vector<1x16xf32> to vector<16xf32>
      %swap3A_541 = vector.shape_cast %add3A_535 : vector<16xf32> to vector<1x16xf32>
      tpu.vector_store %arg10[%swap3A_537, %swap3A_538], %swap3A_541 {strides = array<i32>} : memref<16x1024xf32, #tpu.memory_space<vmem>>, vector<1x16xf32>,
      %get3A_542 = arith.constant 12 : i32
      %get3A_543 = arith.index_cast %get3A_542 : i32 to index
      %get3A_544 = arith.index_cast %mul3A_303 : i32 to index
      %get3A_545 = tpu.vector_load %arg10[%get3A_543, %get3A_544] {strides = array<i32>} : memref<16x1024xf32, #tpu.memory_space<vmem>>, vector<1x16xf32>,
      %get3A_546 = vector.shape_cast %get3A_545 : vector<1x16xf32> to vector<16xf32>
      %mul3A_547 = arith.constant 3.200000e+01 : f32
      %mul3A_548 = vector.broadcast %mul3A_547 : f32 to vector<16xf32>
      %mul3A_549 = arith.mulf %get3A_546, %mul3A_548 : vector<16xf32>
      %get3A_550 = arith.constant 12 : i32
      %get3A_551 = arith.index_cast %get3A_550 : i32 to index
      %get3A_552 = arith.index_cast %mul3A_303 : i32 to index
      %get3A_553 = tpu.vector_load %arg8[%get3A_551, %get3A_552] {strides = array<i32>} : memref<16x1024xf32, #tpu.memory_space<vmem>>, vector<1x16xf32>,
      %get3A_554 = vector.shape_cast %get3A_553 : vector<1x16xf32> to vector<16xf32>
      %add3A_555 = arith.addf %mul3A_549, %get3A_554 : vector<16xf32>
      %swap3A_556 = arith.constant 12 : i32
      %swap3A_557 = arith.index_cast %swap3A_556 : i32 to index
      %swap3A_558 = arith.index_cast %mul3A_303 : i32 to index
      %swap3A_559 = tpu.vector_load %arg10[%swap3A_557, %swap3A_558] {strides = array<i32>} : memref<16x1024xf32, #tpu.memory_space<vmem>>, vector<1x16xf32>,
      %swap3A_560 = vector.shape_cast %swap3A_559 : vector<1x16xf32> to vector<16xf32>
      %swap3A_561 = vector.shape_cast %add3A_555 : vector<16xf32> to vector<1x16xf32>
      tpu.vector_store %arg10[%swap3A_557, %swap3A_558], %swap3A_561 {strides = array<i32>} : memref<16x1024xf32, #tpu.memory_space<vmem>>, vector<1x16xf32>,
      %get3A_562 = arith.constant 13 : i32
      %get3A_563 = arith.index_cast %get3A_562 : i32 to index
      %get3A_564 = arith.index_cast %mul3A_303 : i32 to index
      %get3A_565 = tpu.vector_load %arg10[%get3A_563, %get3A_564] {strides = array<i32>} : memref<16x1024xf32, #tpu.memory_space<vmem>>, vector<1x16xf32>,
      %get3A_566 = vector.shape_cast %get3A_565 : vector<1x16xf32> to vector<16xf32>
      %mul3A_567 = arith.constant 3.200000e+01 : f32
      %mul3A_568 = vector.broadcast %mul3A_567 : f32 to vector<16xf32>
      %mul3A_569 = arith.mulf %get3A_566, %mul3A_568 : vector<16xf32>
      %get3A_570 = arith.constant 13 : i32
      %get3A_571 = arith.index_cast %get3A_570 : i32 to index
      %get3A_572 = arith.index_cast %mul3A_303 : i32 to index
      %get3A_573 = tpu.vector_load %arg8[%get3A_571, %get3A_572] {strides = array<i32>} : memref<16x1024xf32, #tpu.memory_space<vmem>>, vector<1x16xf32>,
      %get3A_574 = vector.shape_cast %get3A_573 : vector<1x16xf32> to vector<16xf32>
      %add3A_575 = arith.addf %mul3A_569, %get3A_574 : vector<16xf32>
      %swap3A_576 = arith.constant 13 : i32
      %swap3A_577 = arith.index_cast %swap3A_576 : i32 to index
      %swap3A_578 = arith.index_cast %mul3A_303 : i32 to index
      %swap3A_579 = tpu.vector_load %arg10[%swap3A_577, %swap3A_578] {strides = array<i32>} : memref<16x1024xf32, #tpu.memory_space<vmem>>, vector<1x16xf32>,
      %swap3A_580 = vector.shape_cast %swap3A_579 : vector<1x16xf32> to vector<16xf32>
      %swap3A_581 = vector.shape_cast %add3A_575 : vector<16xf32> to vector<1x16xf32>
      tpu.vector_store %arg10[%swap3A_577, %swap3A_578], %swap3A_581 {strides = array<i32>} : memref<16x1024xf32, #tpu.memory_space<vmem>>, vector<1x16xf32>,
      %get3A_582 = arith.constant 14 : i32
      %get3A_583 = arith.index_cast %get3A_582 : i32 to index
      %get3A_584 = arith.index_cast %mul3A_303 : i32 to index
      %get3A_585 = tpu.vector_load %arg10[%get3A_583, %get3A_584] {strides = array<i32>} : memref<16x1024xf32, #tpu.memory_space<vmem>>, vector<1x16xf32>,
      %get3A_586 = vector.shape_cast %get3A_585 : vector<1x16xf32> to vector<16xf32>
      %mul3A_587 = arith.constant 3.200000e+01 : f32
      %mul3A_588 = vector.broadcast %mul3A_587 : f32 to vector<16xf32>
      %mul3A_589 = arith.mulf %get3A_586, %mul3A_588 : vector<16xf32>
      %get3A_590 = arith.constant 14 : i32
      %get3A_591 = arith.index_cast %get3A_590 : i32 to index
      %get3A_592 = arith.index_cast %mul3A_303 : i32 to index
      %get3A_593 = tpu.vector_load %arg8[%get3A_591, %get3A_592] {strides = array<i32>} : memref<16x1024xf32, #tpu.memory_space<vmem>>, vector<1x16xf32>,
      %get3A_594 = vector.shape_cast %get3A_593 : vector<1x16xf32> to vector<16xf32>
      %add3A_595 = arith.addf %mul3A_589, %get3A_594 : vector<16xf32>
      %swap3A_596 = arith.constant 14 : i32
      %swap3A_597 = arith.index_cast %swap3A_596 : i32 to index
      %swap3A_598 = arith.index_cast %mul3A_303 : i32 to index
      %swap3A_599 = tpu.vector_load %arg10[%swap3A_597, %swap3A_598] {strides = array<i32>} : memref<16x1024xf32, #tpu.memory_space<vmem>>, vector<1x16xf32>,
      %swap3A_600 = vector.shape_cast %swap3A_599 : vector<1x16xf32> to vector<16xf32>
      %swap3A_601 = vector.shape_cast %add3A_595 : vector<16xf32> to vector<1x16xf32>
      tpu.vector_store %arg10[%swap3A_597, %swap3A_598], %swap3A_601 {strides = array<i32>} : memref<16x1024xf32, #tpu.memory_space<vmem>>, vector<1x16xf32>,
      %get3A_602 = arith.constant 15 : i32
      %get3A_603 = arith.index_cast %get3A_602 : i32 to index
      %get3A_604 = arith.index_cast %mul3A_303 : i32 to index
      %get3A_605 = tpu.vector_load %arg10[%get3A_603, %get3A_604] {strides = array<i32>} : memref<16x1024xf32, #tpu.memory_space<vmem>>, vector<1x16xf32>,
      %get3A_606 = vector.shape_cast %get3A_605 : vector<1x16xf32> to vector<16xf32>
      %mul3A_607 = arith.constant 3.200000e+01 : f32
      %mul3A_608 = vector.broadcast %mul3A_607 : f32 to vector<16xf32>
      %mul3A_609 = arith.mulf %get3A_606, %mul3A_608 : vector<16xf32>
      %get3A_610 = arith.constant 15 : i32
      %get3A_611 = arith.index_cast %get3A_610 : i32 to index
      %get3A_612 = arith.index_cast %mul3A_303 : i32 to index
      %get3A_613 = tpu.vector_load %arg8[%get3A_611, %get3A_612] {strides = array<i32>} : memref<16x1024xf32, #tpu.memory_space<vmem>>, vector<1x16xf32>,
      %get3A_614 = vector.shape_cast %get3A_613 : vector<1x16xf32> to vector<16xf32>
      %add3A_615 = arith.addf %mul3A_609, %get3A_614 : vector<16xf32>
      %swap3A_616 = arith.constant 15 : i32
      %swap3A_617 = arith.index_cast %swap3A_616 : i32 to index
      %swap3A_618 = arith.index_cast %mul3A_303 : i32 to index
      %swap3A_619 = tpu.vector_load %arg10[%swap3A_617, %swap3A_618] {strides = array<i32>} : memref<16x1024xf32, #tpu.memory_space<vmem>>, vector<1x16xf32>,
      %swap3A_620 = vector.shape_cast %swap3A_619 : vector<1x16xf32> to vector<16xf32>
      %swap3A_621 = vector.shape_cast %add3A_615 : vector<16xf32> to vector<1x16xf32>
      tpu.vector_store %arg10[%swap3A_617, %swap3A_618], %swap3A_621 {strides = array<i32>} : memref<16x1024xf32, #tpu.memory_space<vmem>>, vector<1x16xf32>,
    }
    %scan3A_251 = arith.constant 64 : i32
    %add3A_252 = arith.constant 0 : i32
    %add3A_253 = arith.addi %add3A_252, %mul3A_2 : i32
    %add3A_254 = arith.constant 48 : i32
    %add3A_255 = arith.addi %add3A_253, %add3A_254 : i32
    %dma_start3A_256 = arith.constant 0 : i32
    %dma_start3A_257 = tpu.memref_slice %arg5[%add3A_255, %dma_start3A_256] : memref<4096x1024xf32, #tpu.memory_space<hbm>> -> memref<16x1024xf32, #tpu.memory_space<hbm>>
    %dma_start3A_258 = arith.constant 0 : i32
    %dma_start3A_259 = tpu.memref_slice %arg5[%add3A_255, %dma_start3A_258] : memref<4096x1024xf32, #tpu.memory_space<hbm>> -> memref<16x1024xf32, #tpu.memory_space<hbm>>
    tpu.enqueue_dma source(%arg10 : memref<16x1024xf32, #tpu.memory_space<vmem>>) target(%dma_start3A_259 : memref<16x1024xf32, #tpu.memory_space<hbm>>) target_semaphore(%arg15 : memref<!tpu.dma_semaphore, #tpu.memory_space<semaphore_mem>>)
    %dma_wait3A_260 = arith.constant 1 : i32
    %dma_wait3A_261 = arith.constant 48 : i32
    %dma_wait3A_262 = tpu.memref_slice %arg6[%dma_wait3A_260, %dma_wait3A_261] : memref<2x64xi32, #tpu.memory_space<vmem>> -> memref<1x16xi32, #tpu.memory_space<vmem>>
    %dma_wait3A_263 = tpu.memref_squeeze %dma_wait3A_262 : memref<1x16xi32, #tpu.memory_space<vmem>> -> memref<16xi32, #tpu.memory_space<vmem>>
    %dma_wait3A_264 = arith.constant 0 : i32
    %dma_wait3A_265 = arith.constant 0 : i32
    %dma_wait3A_266 = tpu.memref_slice %arg3[%dma_wait3A_264, %dma_wait3A_265] : memref<100000x1024xf32, #tpu.memory_space<hbm>> -> memref<100000x1024xf32, #tpu.memory_space<hbm>>
    tpu.wait_indirect_dma semaphore(%arg14 : memref<!tpu.dma_semaphore, #tpu.memory_space<semaphore_mem>>) src(%dma_wait3A_266 : memref<100000x1024xf32, #tpu.memory_space<hbm>>) dst(%arg11 : memref<16x1024xf32, #tpu.memory_space<vmem>>)
    %scan3A_267 = arith.constant 0 : i32
    %scan3A_268 = arith.constant 0 : i32
    %scan3A_269 = arith.constant 64 : i32
    %scan3A_270 = arith.addi %scan3A_268, %scan3A_269 : i32
    %scan3A_271 = arith.constant 1 : i32
    scf.for %scan3A_301 = %scan3A_268 to %scan3A_270 step %scan3A_271  : i32 {
      %mul3A_302 = arith.constant 16 : i32
      %mul3A_303 = arith.muli %scan3A_301, %mul3A_302 : i32
      %get3A = arith.constant 0 : i32
      %get3A_304 = arith.index_cast %get3A : i32 to index
      %get3A_305 = arith.index_cast %mul3A_303 : i32 to index
      %get3A_306 = tpu.vector_load %arg11[%get3A_304, %get3A_305] {strides = array<i32>} : memref<16x1024xf32, #tpu.memory_space<vmem>>, vector<1x16xf32>,
      %get3A_307 = vector.shape_cast %get3A_306 : vector<1x16xf32> to vector<16xf32>
      %mul3A_308 = arith.constant 3.200000e+01 : f32
      %mul3A_309 = vector.broadcast %mul3A_308 : f32 to vector<16xf32>
      %mul3A_310 = arith.mulf %get3A_307, %mul3A_309 : vector<16xf32>
      %get3A_311 = arith.constant 0 : i32
      %get3A_312 = arith.index_cast %get3A_311 : i32 to index
      %get3A_313 = arith.index_cast %mul3A_303 : i32 to index
      %get3A_314 = tpu.vector_load %arg8[%get3A_312, %get3A_313] {strides = array<i32>} : memref<16x1024xf32, #tpu.memory_space<vmem>>, vector<1x16xf32>,
      %get3A_315 = vector.shape_cast %get3A_314 : vector<1x16xf32> to vector<16xf32>
      %add3A_316 = arith.addf %mul3A_310, %get3A_315 : vector<16xf32>
      %swap3A = arith.constant 0 : i32
      %swap3A_317 = arith.index_cast %swap3A : i32 to index
      %swap3A_318 = arith.index_cast %mul3A_303 : i32 to index
      %swap3A_319 = tpu.vector_load %arg11[%swap3A_317, %swap3A_318] {strides = array<i32>} : memref<16x1024xf32, #tpu.memory_space<vmem>>, vector<1x16xf32>,
      %swap3A_320 = vector.shape_cast %swap3A_319 : vector<1x16xf32> to vector<16xf32>
      %swap3A_321 = vector.shape_cast %add3A_316 : vector<16xf32> to vector<1x16xf32>
      tpu.vector_store %arg11[%swap3A_317, %swap3A_318], %swap3A_321 {strides = array<i32>} : memref<16x1024xf32, #tpu.memory_space<vmem>>, vector<1x16xf32>,
      %get3A_322 = arith.constant 1 : i32
      %get3A_323 = arith.index_cast %get3A_322 : i32 to index
      %get3A_324 = arith.index_cast %mul3A_303 : i32 to index
      %get3A_325 = tpu.vector_load %arg11[%get3A_323, %get3A_324] {strides = array<i32>} : memref<16x1024xf32, #tpu.memory_space<vmem>>, vector<1x16xf32>,
      %get3A_326 = vector.shape_cast %get3A_325 : vector<1x16xf32> to vector<16xf32>
      %mul3A_327 = arith.constant 3.200000e+01 : f32
      %mul3A_328 = vector.broadcast %mul3A_327 : f32 to vector<16xf32>
      %mul3A_329 = arith.mulf %get3A_326, %mul3A_328 : vector<16xf32>
      %get3A_330 = arith.constant 1 : i32
      %get3A_331 = arith.index_cast %get3A_330 : i32 to index
      %get3A_332 = arith.index_cast %mul3A_303 : i32 to index
      %get3A_333 = tpu.vector_load %arg8[%get3A_331, %get3A_332] {strides = array<i32>} : memref<16x1024xf32, #tpu.memory_space<vmem>>, vector<1x16xf32>,
      %get3A_334 = vector.shape_cast %get3A_333 : vector<1x16xf32> to vector<16xf32>
      %add3A_335 = arith.addf %mul3A_329, %get3A_334 : vector<16xf32>
      %swap3A_336 = arith.constant 1 : i32
      %swap3A_337 = arith.index_cast %swap3A_336 : i32 to index
      %swap3A_338 = arith.index_cast %mul3A_303 : i32 to index
      %swap3A_339 = tpu.vector_load %arg11[%swap3A_337, %swap3A_338] {strides = array<i32>} : memref<16x1024xf32, #tpu.memory_space<vmem>>, vector<1x16xf32>,
      %swap3A_340 = vector.shape_cast %swap3A_339 : vector<1x16xf32> to vector<16xf32>
      %swap3A_341 = vector.shape_cast %add3A_335 : vector<16xf32> to vector<1x16xf32>
      tpu.vector_store %arg11[%swap3A_337, %swap3A_338], %swap3A_341 {strides = array<i32>} : memref<16x1024xf32, #tpu.memory_space<vmem>>, vector<1x16xf32>,
      %get3A_342 = arith.constant 2 : i32
      %get3A_343 = arith.index_cast %get3A_342 : i32 to index
      %get3A_344 = arith.index_cast %mul3A_303 : i32 to index
      %get3A_345 = tpu.vector_load %arg11[%get3A_343, %get3A_344] {strides = array<i32>} : memref<16x1024xf32, #tpu.memory_space<vmem>>, vector<1x16xf32>,
      %get3A_346 = vector.shape_cast %get3A_345 : vector<1x16xf32> to vector<16xf32>
      %mul3A_347 = arith.constant 3.200000e+01 : f32
      %mul3A_348 = vector.broadcast %mul3A_347 : f32 to vector<16xf32>
      %mul3A_349 = arith.mulf %get3A_346, %mul3A_348 : vector<16xf32>
      %get3A_350 = arith.constant 2 : i32
      %get3A_351 = arith.index_cast %get3A_350 : i32 to index
      %get3A_352 = arith.index_cast %mul3A_303 : i32 to index
      %get3A_353 = tpu.vector_load %arg8[%get3A_351, %get3A_352] {strides = array<i32>} : memref<16x1024xf32, #tpu.memory_space<vmem>>, vector<1x16xf32>,
      %get3A_354 = vector.shape_cast %get3A_353 : vector<1x16xf32> to vector<16xf32>
      %add3A_355 = arith.addf %mul3A_349, %get3A_354 : vector<16xf32>
      %swap3A_356 = arith.constant 2 : i32
      %swap3A_357 = arith.index_cast %swap3A_356 : i32 to index
      %swap3A_358 = arith.index_cast %mul3A_303 : i32 to index
      %swap3A_359 = tpu.vector_load %arg11[%swap3A_357, %swap3A_358] {strides = array<i32>} : memref<16x1024xf32, #tpu.memory_space<vmem>>, vector<1x16xf32>,
      %swap3A_360 = vector.shape_cast %swap3A_359 : vector<1x16xf32> to vector<16xf32>
      %swap3A_361 = vector.shape_cast %add3A_355 : vector<16xf32> to vector<1x16xf32>
      tpu.vector_store %arg11[%swap3A_357, %swap3A_358], %swap3A_361 {strides = array<i32>} : memref<16x1024xf32, #tpu.memory_space<vmem>>, vector<1x16xf32>,
      %get3A_362 = arith.constant 3 : i32
      %get3A_363 = arith.index_cast %get3A_362 : i32 to index
      %get3A_364 = arith.index_cast %mul3A_303 : i32 to index
      %get3A_365 = tpu.vector_load %arg11[%get3A_363, %get3A_364] {strides = array<i32>} : memref<16x1024xf32, #tpu.memory_space<vmem>>, vector<1x16xf32>,
      %get3A_366 = vector.shape_cast %get3A_365 : vector<1x16xf32> to vector<16xf32>
      %mul3A_367 = arith.constant 3.200000e+01 : f32
      %mul3A_368 = vector.broadcast %mul3A_367 : f32 to vector<16xf32>
      %mul3A_369 = arith.mulf %get3A_366, %mul3A_368 : vector<16xf32>
      %get3A_370 = arith.constant 3 : i32
      %get3A_371 = arith.index_cast %get3A_370 : i32 to index
      %get3A_372 = arith.index_cast %mul3A_303 : i32 to index
      %get3A_373 = tpu.vector_load %arg8[%get3A_371, %get3A_372] {strides = array<i32>} : memref<16x1024xf32, #tpu.memory_space<vmem>>, vector<1x16xf32>,
      %get3A_374 = vector.shape_cast %get3A_373 : vector<1x16xf32> to vector<16xf32>
      %add3A_375 = arith.addf %mul3A_369, %get3A_374 : vector<16xf32>
      %swap3A_376 = arith.constant 3 : i32
      %swap3A_377 = arith.index_cast %swap3A_376 : i32 to index
      %swap3A_378 = arith.index_cast %mul3A_303 : i32 to index
      %swap3A_379 = tpu.vector_load %arg11[%swap3A_377, %swap3A_378] {strides = array<i32>} : memref<16x1024xf32, #tpu.memory_space<vmem>>, vector<1x16xf32>,
      %swap3A_380 = vector.shape_cast %swap3A_379 : vector<1x16xf32> to vector<16xf32>
      %swap3A_381 = vector.shape_cast %add3A_375 : vector<16xf32> to vector<1x16xf32>
      tpu.vector_store %arg11[%swap3A_377, %swap3A_378], %swap3A_381 {strides = array<i32>} : memref<16x1024xf32, #tpu.memory_space<vmem>>, vector<1x16xf32>,
      %get3A_382 = arith.constant 4 : i32
      %get3A_383 = arith.index_cast %get3A_382 : i32 to index
      %get3A_384 = arith.index_cast %mul3A_303 : i32 to index
      %get3A_385 = tpu.vector_load %arg11[%get3A_383, %get3A_384] {strides = array<i32>} : memref<16x1024xf32, #tpu.memory_space<vmem>>, vector<1x16xf32>,
      %get3A_386 = vector.shape_cast %get3A_385 : vector<1x16xf32> to vector<16xf32>
      %mul3A_387 = arith.constant 3.200000e+01 : f32
      %mul3A_388 = vector.broadcast %mul3A_387 : f32 to vector<16xf32>
      %mul3A_389 = arith.mulf %get3A_386, %mul3A_388 : vector<16xf32>
      %get3A_390 = arith.constant 4 : i32
      %get3A_391 = arith.index_cast %get3A_390 : i32 to index
      %get3A_392 = arith.index_cast %mul3A_303 : i32 to index
      %get3A_393 = tpu.vector_load %arg8[%get3A_391, %get3A_392] {strides = array<i32>} : memref<16x1024xf32, #tpu.memory_space<vmem>>, vector<1x16xf32>,
      %get3A_394 = vector.shape_cast %get3A_393 : vector<1x16xf32> to vector<16xf32>
      %add3A_395 = arith.addf %mul3A_389, %get3A_394 : vector<16xf32>
      %swap3A_396 = arith.constant 4 : i32
      %swap3A_397 = arith.index_cast %swap3A_396 : i32 to index
      %swap3A_398 = arith.index_cast %mul3A_303 : i32 to index
      %swap3A_399 = tpu.vector_load %arg11[%swap3A_397, %swap3A_398] {strides = array<i32>} : memref<16x1024xf32, #tpu.memory_space<vmem>>, vector<1x16xf32>,
      %swap3A_400 = vector.shape_cast %swap3A_399 : vector<1x16xf32> to vector<16xf32>
      %swap3A_401 = vector.shape_cast %add3A_395 : vector<16xf32> to vector<1x16xf32>
      tpu.vector_store %arg11[%swap3A_397, %swap3A_398], %swap3A_401 {strides = array<i32>} : memref<16x1024xf32, #tpu.memory_space<vmem>>, vector<1x16xf32>,
      %get3A_402 = arith.constant 5 : i32
      %get3A_403 = arith.index_cast %get3A_402 : i32 to index
      %get3A_404 = arith.index_cast %mul3A_303 : i32 to index
      %get3A_405 = tpu.vector_load %arg11[%get3A_403, %get3A_404] {strides = array<i32>} : memref<16x1024xf32, #tpu.memory_space<vmem>>, vector<1x16xf32>,
      %get3A_406 = vector.shape_cast %get3A_405 : vector<1x16xf32> to vector<16xf32>
      %mul3A_407 = arith.constant 3.200000e+01 : f32
      %mul3A_408 = vector.broadcast %mul3A_407 : f32 to vector<16xf32>
      %mul3A_409 = arith.mulf %get3A_406, %mul3A_408 : vector<16xf32>
      %get3A_410 = arith.constant 5 : i32
      %get3A_411 = arith.index_cast %get3A_410 : i32 to index
      %get3A_412 = arith.index_cast %mul3A_303 : i32 to index
      %get3A_413 = tpu.vector_load %arg8[%get3A_411, %get3A_412] {strides = array<i32>} : memref<16x1024xf32, #tpu.memory_space<vmem>>, vector<1x16xf32>,
      %get3A_414 = vector.shape_cast %get3A_413 : vector<1x16xf32> to vector<16xf32>
      %add3A_415 = arith.addf %mul3A_409, %get3A_414 : vector<16xf32>
      %swap3A_416 = arith.constant 5 : i32
      %swap3A_417 = arith.index_cast %swap3A_416 : i32 to index
      %swap3A_418 = arith.index_cast %mul3A_303 : i32 to index
      %swap3A_419 = tpu.vector_load %arg11[%swap3A_417, %swap3A_418] {strides = array<i32>} : memref<16x1024xf32, #tpu.memory_space<vmem>>, vector<1x16xf32>,
      %swap3A_420 = vector.shape_cast %swap3A_419 : vector<1x16xf32> to vector<16xf32>
      %swap3A_421 = vector.shape_cast %add3A_415 : vector<16xf32> to vector<1x16xf32>
      tpu.vector_store %arg11[%swap3A_417, %swap3A_418], %swap3A_421 {strides = array<i32>} : memref<16x1024xf32, #tpu.memory_space<vmem>>, vector<1x16xf32>,
      %get3A_422 = arith.constant 6 : i32
      %get3A_423 = arith.index_cast %get3A_422 : i32 to index
      %get3A_424 = arith.index_cast %mul3A_303 : i32 to index
      %get3A_425 = tpu.vector_load %arg11[%get3A_423, %get3A_424] {strides = array<i32>} : memref<16x1024xf32, #tpu.memory_space<vmem>>, vector<1x16xf32>,
      %get3A_426 = vector.shape_cast %get3A_425 : vector<1x16xf32> to vector<16xf32>
      %mul3A_427 = arith.constant 3.200000e+01 : f32
      %mul3A_428 = vector.broadcast %mul3A_427 : f32 to vector<16xf32>
      %mul3A_429 = arith.mulf %get3A_426, %mul3A_428 : vector<16xf32>
      %get3A_430 = arith.constant 6 : i32
      %get3A_431 = arith.index_cast %get3A_430 : i32 to index
      %get3A_432 = arith.index_cast %mul3A_303 : i32 to index
      %get3A_433 = tpu.vector_load %arg8[%get3A_431, %get3A_432] {strides = array<i32>} : memref<16x1024xf32, #tpu.memory_space<vmem>>, vector<1x16xf32>,
      %get3A_434 = vector.shape_cast %get3A_433 : vector<1x16xf32> to vector<16xf32>
      %add3A_435 = arith.addf %mul3A_429, %get3A_434 : vector<16xf32>
      %swap3A_436 = arith.constant 6 : i32
      %swap3A_437 = arith.index_cast %swap3A_436 : i32 to index
      %swap3A_438 = arith.index_cast %mul3A_303 : i32 to index
      %swap3A_439 = tpu.vector_load %arg11[%swap3A_437, %swap3A_438] {strides = array<i32>} : memref<16x1024xf32, #tpu.memory_space<vmem>>, vector<1x16xf32>,
      %swap3A_440 = vector.shape_cast %swap3A_439 : vector<1x16xf32> to vector<16xf32>
      %swap3A_441 = vector.shape_cast %add3A_435 : vector<16xf32> to vector<1x16xf32>
      tpu.vector_store %arg11[%swap3A_437, %swap3A_438], %swap3A_441 {strides = array<i32>} : memref<16x1024xf32, #tpu.memory_space<vmem>>, vector<1x16xf32>,
      %get3A_442 = arith.constant 7 : i32
      %get3A_443 = arith.index_cast %get3A_442 : i32 to index
      %get3A_444 = arith.index_cast %mul3A_303 : i32 to index
      %get3A_445 = tpu.vector_load %arg11[%get3A_443, %get3A_444] {strides = array<i32>} : memref<16x1024xf32, #tpu.memory_space<vmem>>, vector<1x16xf32>,
      %get3A_446 = vector.shape_cast %get3A_445 : vector<1x16xf32> to vector<16xf32>
      %mul3A_447 = arith.constant 3.200000e+01 : f32
      %mul3A_448 = vector.broadcast %mul3A_447 : f32 to vector<16xf32>
      %mul3A_449 = arith.mulf %get3A_446, %mul3A_448 : vector<16xf32>
      %get3A_450 = arith.constant 7 : i32
      %get3A_451 = arith.index_cast %get3A_450 : i32 to index
      %get3A_452 = arith.index_cast %mul3A_303 : i32 to index
      %get3A_453 = tpu.vector_load %arg8[%get3A_451, %get3A_452] {strides = array<i32>} : memref<16x1024xf32, #tpu.memory_space<vmem>>, vector<1x16xf32>,
      %get3A_454 = vector.shape_cast %get3A_453 : vector<1x16xf32> to vector<16xf32>
      %add3A_455 = arith.addf %mul3A_449, %get3A_454 : vector<16xf32>
      %swap3A_456 = arith.constant 7 : i32
      %swap3A_457 = arith.index_cast %swap3A_456 : i32 to index
      %swap3A_458 = arith.index_cast %mul3A_303 : i32 to index
      %swap3A_459 = tpu.vector_load %arg11[%swap3A_457, %swap3A_458] {strides = array<i32>} : memref<16x1024xf32, #tpu.memory_space<vmem>>, vector<1x16xf32>,
      %swap3A_460 = vector.shape_cast %swap3A_459 : vector<1x16xf32> to vector<16xf32>
      %swap3A_461 = vector.shape_cast %add3A_455 : vector<16xf32> to vector<1x16xf32>
      tpu.vector_store %arg11[%swap3A_457, %swap3A_458], %swap3A_461 {strides = array<i32>} : memref<16x1024xf32, #tpu.memory_space<vmem>>, vector<1x16xf32>,
      %get3A_462 = arith.constant 8 : i32
      %get3A_463 = arith.index_cast %get3A_462 : i32 to index
      %get3A_464 = arith.index_cast %mul3A_303 : i32 to index
      %get3A_465 = tpu.vector_load %arg11[%get3A_463, %get3A_464] {strides = array<i32>} : memref<16x1024xf32, #tpu.memory_space<vmem>>, vector<1x16xf32>,
      %get3A_466 = vector.shape_cast %get3A_465 : vector<1x16xf32> to vector<16xf32>
      %mul3A_467 = arith.constant 3.200000e+01 : f32
      %mul3A_468 = vector.broadcast %mul3A_467 : f32 to vector<16xf32>
      %mul3A_469 = arith.mulf %get3A_466, %mul3A_468 : vector<16xf32>
      %get3A_470 = arith.constant 8 : i32
      %get3A_471 = arith.index_cast %get3A_470 : i32 to index
      %get3A_472 = arith.index_cast %mul3A_303 : i32 to index
      %get3A_473 = tpu.vector_load %arg8[%get3A_471, %get3A_472] {strides = array<i32>} : memref<16x1024xf32, #tpu.memory_space<vmem>>, vector<1x16xf32>,
      %get3A_474 = vector.shape_cast %get3A_473 : vector<1x16xf32> to vector<16xf32>
      %add3A_475 = arith.addf %mul3A_469, %get3A_474 : vector<16xf32>
      %swap3A_476 = arith.constant 8 : i32
      %swap3A_477 = arith.index_cast %swap3A_476 : i32 to index
      %swap3A_478 = arith.index_cast %mul3A_303 : i32 to index
      %swap3A_479 = tpu.vector_load %arg11[%swap3A_477, %swap3A_478] {strides = array<i32>} : memref<16x1024xf32, #tpu.memory_space<vmem>>, vector<1x16xf32>,
      %swap3A_480 = vector.shape_cast %swap3A_479 : vector<1x16xf32> to vector<16xf32>
      %swap3A_481 = vector.shape_cast %add3A_475 : vector<16xf32> to vector<1x16xf32>
      tpu.vector_store %arg11[%swap3A_477, %swap3A_478], %swap3A_481 {strides = array<i32>} : memref<16x1024xf32, #tpu.memory_space<vmem>>, vector<1x16xf32>,
      %get3A_482 = arith.constant 9 : i32
      %get3A_483 = arith.index_cast %get3A_482 : i32 to index
      %get3A_484 = arith.index_cast %mul3A_303 : i32 to index
      %get3A_485 = tpu.vector_load %arg11[%get3A_483, %get3A_484] {strides = array<i32>} : memref<16x1024xf32, #tpu.memory_space<vmem>>, vector<1x16xf32>,
      %get3A_486 = vector.shape_cast %get3A_485 : vector<1x16xf32> to vector<16xf32>
      %mul3A_487 = arith.constant 3.200000e+01 : f32
      %mul3A_488 = vector.broadcast %mul3A_487 : f32 to vector<16xf32>
      %mul3A_489 = arith.mulf %get3A_486, %mul3A_488 : vector<16xf32>
      %get3A_490 = arith.constant 9 : i32
      %get3A_491 = arith.index_cast %get3A_490 : i32 to index
      %get3A_492 = arith.index_cast %mul3A_303 : i32 to index
      %get3A_493 = tpu.vector_load %arg8[%get3A_491, %get3A_492] {strides = array<i32>} : memref<16x1024xf32, #tpu.memory_space<vmem>>, vector<1x16xf32>,
      %get3A_494 = vector.shape_cast %get3A_493 : vector<1x16xf32> to vector<16xf32>
      %add3A_495 = arith.addf %mul3A_489, %get3A_494 : vector<16xf32>
      %swap3A_496 = arith.constant 9 : i32
      %swap3A_497 = arith.index_cast %swap3A_496 : i32 to index
      %swap3A_498 = arith.index_cast %mul3A_303 : i32 to index
      %swap3A_499 = tpu.vector_load %arg11[%swap3A_497, %swap3A_498] {strides = array<i32>} : memref<16x1024xf32, #tpu.memory_space<vmem>>, vector<1x16xf32>,
      %swap3A_500 = vector.shape_cast %swap3A_499 : vector<1x16xf32> to vector<16xf32>
      %swap3A_501 = vector.shape_cast %add3A_495 : vector<16xf32> to vector<1x16xf32>
      tpu.vector_store %arg11[%swap3A_497, %swap3A_498], %swap3A_501 {strides = array<i32>} : memref<16x1024xf32, #tpu.memory_space<vmem>>, vector<1x16xf32>,
      %get3A_502 = arith.constant 10 : i32
      %get3A_503 = arith.index_cast %get3A_502 : i32 to index
      %get3A_504 = arith.index_cast %mul3A_303 : i32 to index
      %get3A_505 = tpu.vector_load %arg11[%get3A_503, %get3A_504] {strides = array<i32>} : memref<16x1024xf32, #tpu.memory_space<vmem>>, vector<1x16xf32>,
      %get3A_506 = vector.shape_cast %get3A_505 : vector<1x16xf32> to vector<16xf32>
      %mul3A_507 = arith.constant 3.200000e+01 : f32
      %mul3A_508 = vector.broadcast %mul3A_507 : f32 to vector<16xf32>
      %mul3A_509 = arith.mulf %get3A_506, %mul3A_508 : vector<16xf32>
      %get3A_510 = arith.constant 10 : i32
      %get3A_511 = arith.index_cast %get3A_510 : i32 to index
      %get3A_512 = arith.index_cast %mul3A_303 : i32 to index
      %get3A_513 = tpu.vector_load %arg8[%get3A_511, %get3A_512] {strides = array<i32>} : memref<16x1024xf32, #tpu.memory_space<vmem>>, vector<1x16xf32>,
      %get3A_514 = vector.shape_cast %get3A_513 : vector<1x16xf32> to vector<16xf32>
      %add3A_515 = arith.addf %mul3A_509, %get3A_514 : vector<16xf32>
      %swap3A_516 = arith.constant 10 : i32
      %swap3A_517 = arith.index_cast %swap3A_516 : i32 to index
      %swap3A_518 = arith.index_cast %mul3A_303 : i32 to index
      %swap3A_519 = tpu.vector_load %arg11[%swap3A_517, %swap3A_518] {strides = array<i32>} : memref<16x1024xf32, #tpu.memory_space<vmem>>, vector<1x16xf32>,
      %swap3A_520 = vector.shape_cast %swap3A_519 : vector<1x16xf32> to vector<16xf32>
      %swap3A_521 = vector.shape_cast %add3A_515 : vector<16xf32> to vector<1x16xf32>
      tpu.vector_store %arg11[%swap3A_517, %swap3A_518], %swap3A_521 {strides = array<i32>} : memref<16x1024xf32, #tpu.memory_space<vmem>>, vector<1x16xf32>,
      %get3A_522 = arith.constant 11 : i32
      %get3A_523 = arith.index_cast %get3A_522 : i32 to index
      %get3A_524 = arith.index_cast %mul3A_303 : i32 to index
      %get3A_525 = tpu.vector_load %arg11[%get3A_523, %get3A_524] {strides = array<i32>} : memref<16x1024xf32, #tpu.memory_space<vmem>>, vector<1x16xf32>,
      %get3A_526 = vector.shape_cast %get3A_525 : vector<1x16xf32> to vector<16xf32>
      %mul3A_527 = arith.constant 3.200000e+01 : f32
      %mul3A_528 = vector.broadcast %mul3A_527 : f32 to vector<16xf32>
      %mul3A_529 = arith.mulf %get3A_526, %mul3A_528 : vector<16xf32>
      %get3A_530 = arith.constant 11 : i32
      %get3A_531 = arith.index_cast %get3A_530 : i32 to index
      %get3A_532 = arith.index_cast %mul3A_303 : i32 to index
      %get3A_533 = tpu.vector_load %arg8[%get3A_531, %get3A_532] {strides = array<i32>} : memref<16x1024xf32, #tpu.memory_space<vmem>>, vector<1x16xf32>,
      %get3A_534 = vector.shape_cast %get3A_533 : vector<1x16xf32> to vector<16xf32>
      %add3A_535 = arith.addf %mul3A_529, %get3A_534 : vector<16xf32>
      %swap3A_536 = arith.constant 11 : i32
      %swap3A_537 = arith.index_cast %swap3A_536 : i32 to index
      %swap3A_538 = arith.index_cast %mul3A_303 : i32 to index
      %swap3A_539 = tpu.vector_load %arg11[%swap3A_537, %swap3A_538] {strides = array<i32>} : memref<16x1024xf32, #tpu.memory_space<vmem>>, vector<1x16xf32>,
      %swap3A_540 = vector.shape_cast %swap3A_539 : vector<1x16xf32> to vector<16xf32>
      %swap3A_541 = vector.shape_cast %add3A_535 : vector<16xf32> to vector<1x16xf32>
      tpu.vector_store %arg11[%swap3A_537, %swap3A_538], %swap3A_541 {strides = array<i32>} : memref<16x1024xf32, #tpu.memory_space<vmem>>, vector<1x16xf32>,
      %get3A_542 = arith.constant 12 : i32
      %get3A_543 = arith.index_cast %get3A_542 : i32 to index
      %get3A_544 = arith.index_cast %mul3A_303 : i32 to index
      %get3A_545 = tpu.vector_load %arg11[%get3A_543, %get3A_544] {strides = array<i32>} : memref<16x1024xf32, #tpu.memory_space<vmem>>, vector<1x16xf32>,
      %get3A_546 = vector.shape_cast %get3A_545 : vector<1x16xf32> to vector<16xf32>
      %mul3A_547 = arith.constant 3.200000e+01 : f32
      %mul3A_548 = vector.broadcast %mul3A_547 : f32 to vector<16xf32>
      %mul3A_549 = arith.mulf %get3A_546, %mul3A_548 : vector<16xf32>
      %get3A_550 = arith.constant 12 : i32
      %get3A_551 = arith.index_cast %get3A_550 : i32 to index
      %get3A_552 = arith.index_cast %mul3A_303 : i32 to index
      %get3A_553 = tpu.vector_load %arg8[%get3A_551, %get3A_552] {strides = array<i32>} : memref<16x1024xf32, #tpu.memory_space<vmem>>, vector<1x16xf32>,
      %get3A_554 = vector.shape_cast %get3A_553 : vector<1x16xf32> to vector<16xf32>
      %add3A_555 = arith.addf %mul3A_549, %get3A_554 : vector<16xf32>
      %swap3A_556 = arith.constant 12 : i32
      %swap3A_557 = arith.index_cast %swap3A_556 : i32 to index
      %swap3A_558 = arith.index_cast %mul3A_303 : i32 to index
      %swap3A_559 = tpu.vector_load %arg11[%swap3A_557, %swap3A_558] {strides = array<i32>} : memref<16x1024xf32, #tpu.memory_space<vmem>>, vector<1x16xf32>,
      %swap3A_560 = vector.shape_cast %swap3A_559 : vector<1x16xf32> to vector<16xf32>
      %swap3A_561 = vector.shape_cast %add3A_555 : vector<16xf32> to vector<1x16xf32>
      tpu.vector_store %arg11[%swap3A_557, %swap3A_558], %swap3A_561 {strides = array<i32>} : memref<16x1024xf32, #tpu.memory_space<vmem>>, vector<1x16xf32>,
      %get3A_562 = arith.constant 13 : i32
      %get3A_563 = arith.index_cast %get3A_562 : i32 to index
      %get3A_564 = arith.index_cast %mul3A_303 : i32 to index
      %get3A_565 = tpu.vector_load %arg11[%get3A_563, %get3A_564] {strides = array<i32>} : memref<16x1024xf32, #tpu.memory_space<vmem>>, vector<1x16xf32>,
      %get3A_566 = vector.shape_cast %get3A_565 : vector<1x16xf32> to vector<16xf32>
      %mul3A_567 = arith.constant 3.200000e+01 : f32
      %mul3A_568 = vector.broadcast %mul3A_567 : f32 to vector<16xf32>
      %mul3A_569 = arith.mulf %get3A_566, %mul3A_568 : vector<16xf32>
      %get3A_570 = arith.constant 13 : i32
      %get3A_571 = arith.index_cast %get3A_570 : i32 to index
      %get3A_572 = arith.index_cast %mul3A_303 : i32 to index
      %get3A_573 = tpu.vector_load %arg8[%get3A_571, %get3A_572] {strides = array<i32>} : memref<16x1024xf32, #tpu.memory_space<vmem>>, vector<1x16xf32>,
      %get3A_574 = vector.shape_cast %get3A_573 : vector<1x16xf32> to vector<16xf32>
      %add3A_575 = arith.addf %mul3A_569, %get3A_574 : vector<16xf32>
      %swap3A_576 = arith.constant 13 : i32
      %swap3A_577 = arith.index_cast %swap3A_576 : i32 to index
      %swap3A_578 = arith.index_cast %mul3A_303 : i32 to index
      %swap3A_579 = tpu.vector_load %arg11[%swap3A_577, %swap3A_578] {strides = array<i32>} : memref<16x1024xf32, #tpu.memory_space<vmem>>, vector<1x16xf32>,
      %swap3A_580 = vector.shape_cast %swap3A_579 : vector<1x16xf32> to vector<16xf32>
      %swap3A_581 = vector.shape_cast %add3A_575 : vector<16xf32> to vector<1x16xf32>
      tpu.vector_store %arg11[%swap3A_577, %swap3A_578], %swap3A_581 {strides = array<i32>} : memref<16x1024xf32, #tpu.memory_space<vmem>>, vector<1x16xf32>,
      %get3A_582 = arith.constant 14 : i32
      %get3A_583 = arith.index_cast %get3A_582 : i32 to index
      %get3A_584 = arith.index_cast %mul3A_303 : i32 to index
      %get3A_585 = tpu.vector_load %arg11[%get3A_583, %get3A_584] {strides = array<i32>} : memref<16x1024xf32, #tpu.memory_space<vmem>>, vector<1x16xf32>,
      %get3A_586 = vector.shape_cast %get3A_585 : vector<1x16xf32> to vector<16xf32>
      %mul3A_587 = arith.constant 3.200000e+01 : f32
      %mul3A_588 = vector.broadcast %mul3A_587 : f32 to vector<16xf32>
      %mul3A_589 = arith.mulf %get3A_586, %mul3A_588 : vector<16xf32>
      %get3A_590 = arith.constant 14 : i32
      %get3A_591 = arith.index_cast %get3A_590 : i32 to index
      %get3A_592 = arith.index_cast %mul3A_303 : i32 to index
      %get3A_593 = tpu.vector_load %arg8[%get3A_591, %get3A_592] {strides = array<i32>} : memref<16x1024xf32, #tpu.memory_space<vmem>>, vector<1x16xf32>,
      %get3A_594 = vector.shape_cast %get3A_593 : vector<1x16xf32> to vector<16xf32>
      %add3A_595 = arith.addf %mul3A_589, %get3A_594 : vector<16xf32>
      %swap3A_596 = arith.constant 14 : i32
      %swap3A_597 = arith.index_cast %swap3A_596 : i32 to index
      %swap3A_598 = arith.index_cast %mul3A_303 : i32 to index
      %swap3A_599 = tpu.vector_load %arg11[%swap3A_597, %swap3A_598] {strides = array<i32>} : memref<16x1024xf32, #tpu.memory_space<vmem>>, vector<1x16xf32>,
      %swap3A_600 = vector.shape_cast %swap3A_599 : vector<1x16xf32> to vector<16xf32>
      %swap3A_601 = vector.shape_cast %add3A_595 : vector<16xf32> to vector<1x16xf32>
      tpu.vector_store %arg11[%swap3A_597, %swap3A_598], %swap3A_601 {strides = array<i32>} : memref<16x1024xf32, #tpu.memory_space<vmem>>, vector<1x16xf32>,
      %get3A_602 = arith.constant 15 : i32
      %get3A_603 = arith.index_cast %get3A_602 : i32 to index
      %get3A_604 = arith.index_cast %mul3A_303 : i32 to index
      %get3A_605 = tpu.vector_load %arg11[%get3A_603, %get3A_604] {strides = array<i32>} : memref<16x1024xf32, #tpu.memory_space<vmem>>, vector<1x16xf32>,
      %get3A_606 = vector.shape_cast %get3A_605 : vector<1x16xf32> to vector<16xf32>
      %mul3A_607 = arith.constant 3.200000e+01 : f32
      %mul3A_608 = vector.broadcast %mul3A_607 : f32 to vector<16xf32>
      %mul3A_609 = arith.mulf %get3A_606, %mul3A_608 : vector<16xf32>
      %get3A_610 = arith.constant 15 : i32
      %get3A_611 = arith.index_cast %get3A_610 : i32 to index
      %get3A_612 = arith.index_cast %mul3A_303 : i32 to index
      %get3A_613 = tpu.vector_load %arg8[%get3A_611, %get3A_612] {strides = array<i32>} : memref<16x1024xf32, #tpu.memory_space<vmem>>, vector<1x16xf32>,
      %get3A_614 = vector.shape_cast %get3A_613 : vector<1x16xf32> to vector<16xf32>
      %add3A_615 = arith.addf %mul3A_609, %get3A_614 : vector<16xf32>
      %swap3A_616 = arith.constant 15 : i32
      %swap3A_617 = arith.index_cast %swap3A_616 : i32 to index
      %swap3A_618 = arith.index_cast %mul3A_303 : i32 to index
      %swap3A_619 = tpu.vector_load %arg11[%swap3A_617, %swap3A_618] {strides = array<i32>} : memref<16x1024xf32, #tpu.memory_space<vmem>>, vector<1x16xf32>,
      %swap3A_620 = vector.shape_cast %swap3A_619 : vector<1x16xf32> to vector<16xf32>
      %swap3A_621 = vector.shape_cast %add3A_615 : vector<16xf32> to vector<1x16xf32>
      tpu.vector_store %arg11[%swap3A_617, %swap3A_618], %swap3A_621 {strides = array<i32>} : memref<16x1024xf32, #tpu.memory_space<vmem>>, vector<1x16xf32>,
    }
    %scan3A_272 = arith.constant 64 : i32
    %add3A_273 = arith.constant 2048 : i32
    %add3A_274 = arith.addi %add3A_273, %mul3A_2 : i32
    %add3A_275 = arith.constant 48 : i32
    %add3A_276 = arith.addi %add3A_274, %add3A_275 : i32
    %dma_start3A_277 = arith.constant 0 : i32
    %dma_start3A_278 = tpu.memref_slice %arg5[%add3A_276, %dma_start3A_277] : memref<4096x1024xf32, #tpu.memory_space<hbm>> -> memref<16x1024xf32, #tpu.memory_space<hbm>>
    %dma_start3A_279 = arith.constant 0 : i32
    %dma_start3A_280 = tpu.memref_slice %arg5[%add3A_276, %dma_start3A_279] : memref<4096x1024xf32, #tpu.memory_space<hbm>> -> memref<16x1024xf32, #tpu.memory_space<hbm>>
    tpu.enqueue_dma source(%arg11 : memref<16x1024xf32, #tpu.memory_space<vmem>>) target(%dma_start3A_280 : memref<16x1024xf32, #tpu.memory_space<hbm>>) target_semaphore(%arg15 : memref<!tpu.dma_semaphore, #tpu.memory_space<semaphore_mem>>)
    %dma_wait3A_281 = arith.constant 0 : i32
    %dma_wait3A_282 = tpu.memref_slice %arg5[%add3A_156, %dma_wait3A_281] : memref<4096x1024xf32, #tpu.memory_space<hbm>> -> memref<16x1024xf32, #tpu.memory_space<hbm>>
    %dma_wait3A_283 = arith.constant 0 : i32
    %dma_wait3A_284 = tpu.memref_slice %arg5[%add3A_156, %dma_wait3A_283] : memref<4096x1024xf32, #tpu.memory_space<hbm>> -> memref<16x1024xf32, #tpu.memory_space<hbm>>
    tpu.wait_dma2 semaphore(%arg15 : memref<!tpu.dma_semaphore, #tpu.memory_space<semaphore_mem>>) src(%arg12 : memref<16x1024xf32, #tpu.memory_space<vmem>>) dst(%dma_wait3A_284 : memref<16x1024xf32, #tpu.memory_space<hbm>>)
    %dma_wait3A_285 = arith.constant 0 : i32
    %dma_wait3A_286 = tpu.memref_slice %arg5[%add3A_198, %dma_wait3A_285] : memref<4096x1024xf32, #tpu.memory_space<hbm>> -> memref<16x1024xf32, #tpu.memory_space<hbm>>
    %dma_wait3A_287 = arith.constant 0 : i32
    %dma_wait3A_288 = tpu.memref_slice %arg5[%add3A_198, %dma_wait3A_287] : memref<4096x1024xf32, #tpu.memory_space<hbm>> -> memref<16x1024xf32, #tpu.memory_space<hbm>>
    tpu.wait_dma2 semaphore(%arg15 : memref<!tpu.dma_semaphore, #tpu.memory_space<semaphore_mem>>) src(%arg13 : memref<16x1024xf32, #tpu.memory_space<vmem>>) dst(%dma_wait3A_288 : memref<16x1024xf32, #tpu.memory_space<hbm>>)
    %dma_wait3A_289 = arith.constant 0 : i32
    %dma_wait3A_290 = tpu.memref_slice %arg5[%add3A_230, %dma_wait3A_289] : memref<4096x1024xf32, #tpu.memory_space<hbm>> -> memref<16x1024xf32, #tpu.memory_space<hbm>>
    %dma_wait3A_291 = arith.constant 0 : i32
    %dma_wait3A_292 = tpu.memref_slice %arg5[%add3A_230, %dma_wait3A_291] : memref<4096x1024xf32, #tpu.memory_space<hbm>> -> memref<16x1024xf32, #tpu.memory_space<hbm>>
    tpu.wait_dma2 semaphore(%arg15 : memref<!tpu.dma_semaphore, #tpu.memory_space<semaphore_mem>>) src(%arg9 : memref<16x1024xf32, #tpu.memory_space<vmem>>) dst(%dma_wait3A_292 : memref<16x1024xf32, #tpu.memory_space<hbm>>)
    %dma_wait3A_293 = arith.constant 0 : i32
    %dma_wait3A_294 = tpu.memref_slice %arg5[%add3A_255, %dma_wait3A_293] : memref<4096x1024xf32, #tpu.memory_space<hbm>> -> memref<16x1024xf32, #tpu.memory_space<hbm>>
    %dma_wait3A_295 = arith.constant 0 : i32
    %dma_wait3A_296 = tpu.memref_slice %arg5[%add3A_255, %dma_wait3A_295] : memref<4096x1024xf32, #tpu.memory_space<hbm>> -> memref<16x1024xf32, #tpu.memory_space<hbm>>
    tpu.wait_dma2 semaphore(%arg15 : memref<!tpu.dma_semaphore, #tpu.memory_space<semaphore_mem>>) src(%arg10 : memref<16x1024xf32, #tpu.memory_space<vmem>>) dst(%dma_wait3A_296 : memref<16x1024xf32, #tpu.memory_space<hbm>>)
    %dma_wait3A_297 = arith.constant 0 : i32
    %dma_wait3A_298 = tpu.memref_slice %arg5[%add3A_276, %dma_wait3A_297] : memref<4096x1024xf32, #tpu.memory_space<hbm>> -> memref<16x1024xf32, #tpu.memory_space<hbm>>
    %dma_wait3A_299 = arith.constant 0 : i32
    %dma_wait3A_300 = tpu.memref_slice %arg5[%add3A_276, %dma_wait3A_299] : memref<4096x1024xf32, #tpu.memory_space<hbm>> -> memref<16x1024xf32, #tpu.memory_space<hbm>>
    tpu.wait_dma2 semaphore(%arg15 : memref<!tpu.dma_semaphore, #tpu.memory_space<semaphore_mem>>) src(%arg11 : memref<16x1024xf32, #tpu.memory_space<vmem>>) dst(%dma_wait3A_300 : memref<16x1024xf32, #tpu.memory_space<hbm>>)
    return
  }
}

module attributes {stable_mosaic.version = 14 : i64} {
  func.func @body(%arg0: i32, %arg1: memref<4096xi32, #tpu.memory_space<smem>>, %arg2: memref<100000x1024xf32, #tpu.memory_space<hbm>>, %arg3: memref<2048x1024xf32, #tpu.memory_space<vmem>>, %arg4: memref<4096x1024xf32, #tpu.memory_space<hbm>>, %arg5: memref<4x16x1024xf32, #tpu.memory_space<vmem>>, %arg6: memref<2x16x1024xf32, #tpu.memory_space<vmem>>, %arg7: memref<4x!tpu.dma_semaphore, #tpu.memory_space<semaphore_mem>>, %arg8: memref<2x!tpu.dma_semaphore, #tpu.memory_space<semaphore_mem>>) attributes {dimension_semantics = [#tpu.dimension_semantics<arbitrary>], iteration_bounds = array<i64: 256>, scalar_prefetch = 1 : i64, scratch_operands = 4 : i64, tpu.core_type = #tpu.core_type<tc>, window_params = [{}, {pipeline_mode = #tpu.pipeline_mode<synchronous>, transform_indices = @transform_1, window_bounds = array<i64: 2048, 1024>}, {}]} {
    %eq3A = arith.constant 0 : i32
    %eq3A_0 = arith.cmpi eq, %arg0, %eq3A : i32
    %convert_element_type3A = arith.extui %eq3A_0 : i1 to i32
    %cond3A = arith.constant 0 : i32
    %cond3A_1 = arith.cmpi ne, %convert_element_type3A, %cond3A : i32
    scf.if %cond3A_1 {
      %get3A_55 = arith.constant 0 : index
      %get3A_56 = memref.load %arg1[%get3A_55] : memref<4096xi32, #tpu.memory_space<smem>>
      %dma_start3A_57 = arith.constant 0 : i32
      %dma_start3A_58 = arith.constant 0 : i32
      %dma_start3A_59 = tpu.memref_slice %arg7[%dma_start3A_58] : memref<4x!tpu.dma_semaphore, #tpu.memory_space<semaphore_mem>> -> memref<1x!tpu.dma_semaphore, #tpu.memory_space<semaphore_mem>>
      %dma_start3A_60 = tpu.memref_squeeze %dma_start3A_59 : memref<1x!tpu.dma_semaphore, #tpu.memory_space<semaphore_mem>> -> memref<!tpu.dma_semaphore, #tpu.memory_space<semaphore_mem>>
      %dma_start3A_61 = arith.constant 0 : i32
      %dma_start3A_62 = arith.constant 0 : i32
      %dma_start3A_63 = tpu.memref_slice %arg5[%dma_start3A_57, %dma_start3A_61, %dma_start3A_62] : memref<4x16x1024xf32, #tpu.memory_space<vmem>> -> memref<1x1x1024xf32, #tpu.memory_space<vmem>>
      %dma_start3A_64 = tpu.memref_squeeze %dma_start3A_63 : memref<1x1x1024xf32, #tpu.memory_space<vmem>> -> memref<1x1024xf32, #tpu.memory_space<vmem>>
      %dma_start3A_65 = arith.constant 0 : i32
      %dma_start3A_66 = tpu.memref_slice %arg2[%get3A_56, %dma_start3A_65] : memref<100000x1024xf32, #tpu.memory_space<hbm>> -> memref<1x1024xf32, #tpu.memory_space<hbm>>
      tpu.enqueue_dma source(%dma_start3A_66 : memref<1x1024xf32, #tpu.memory_space<hbm>>) target(%dma_start3A_64 : memref<1x1024xf32, #tpu.memory_space<vmem>>) target_semaphore(%dma_start3A_60 : memref<!tpu.dma_semaphore, #tpu.memory_space<semaphore_mem>>)
      %get3A_67 = arith.constant 1 : index
      %get3A_68 = memref.load %arg1[%get3A_67] : memref<4096xi32, #tpu.memory_space<smem>>
      %dma_start3A_69 = arith.constant 0 : i32
      %dma_start3A_70 = arith.constant 0 : i32
      %dma_start3A_71 = tpu.memref_slice %arg7[%dma_start3A_70] : memref<4x!tpu.dma_semaphore, #tpu.memory_space<semaphore_mem>> -> memref<1x!tpu.dma_semaphore, #tpu.memory_space<semaphore_mem>>
      %dma_start3A_72 = tpu.memref_squeeze %dma_start3A_71 : memref<1x!tpu.dma_semaphore, #tpu.memory_space<semaphore_mem>> -> memref<!tpu.dma_semaphore, #tpu.memory_space<semaphore_mem>>
      %dma_start3A_73 = arith.constant 1 : i32
      %dma_start3A_74 = arith.constant 0 : i32
      %dma_start3A_75 = tpu.memref_slice %arg5[%dma_start3A_69, %dma_start3A_73, %dma_start3A_74] : memref<4x16x1024xf32, #tpu.memory_space<vmem>> -> memref<1x1x1024xf32, #tpu.memory_space<vmem>>
      %dma_start3A_76 = tpu.memref_squeeze %dma_start3A_75 : memref<1x1x1024xf32, #tpu.memory_space<vmem>> -> memref<1x1024xf32, #tpu.memory_space<vmem>>
      %dma_start3A_77 = arith.constant 0 : i32
      %dma_start3A_78 = tpu.memref_slice %arg2[%get3A_68, %dma_start3A_77] : memref<100000x1024xf32, #tpu.memory_space<hbm>> -> memref<1x1024xf32, #tpu.memory_space<hbm>>
      tpu.enqueue_dma source(%dma_start3A_78 : memref<1x1024xf32, #tpu.memory_space<hbm>>) target(%dma_start3A_76 : memref<1x1024xf32, #tpu.memory_space<vmem>>) target_semaphore(%dma_start3A_72 : memref<!tpu.dma_semaphore, #tpu.memory_space<semaphore_mem>>)
      %get3A_79 = arith.constant 2 : index
      %get3A_80 = memref.load %arg1[%get3A_79] : memref<4096xi32, #tpu.memory_space<smem>>
      %dma_start3A_81 = arith.constant 0 : i32
      %dma_start3A_82 = arith.constant 0 : i32
      %dma_start3A_83 = tpu.memref_slice %arg7[%dma_start3A_82] : memref<4x!tpu.dma_semaphore, #tpu.memory_space<semaphore_mem>> -> memref<1x!tpu.dma_semaphore, #tpu.memory_space<semaphore_mem>>
      %dma_start3A_84 = tpu.memref_squeeze %dma_start3A_83 : memref<1x!tpu.dma_semaphore, #tpu.memory_space<semaphore_mem>> -> memref<!tpu.dma_semaphore, #tpu.memory_space<semaphore_mem>>
      %dma_start3A_85 = arith.constant 2 : i32
      %dma_start3A_86 = arith.constant 0 : i32
      %dma_start3A_87 = tpu.memref_slice %arg5[%dma_start3A_81, %dma_start3A_85, %dma_start3A_86] : memref<4x16x1024xf32, #tpu.memory_space<vmem>> -> memref<1x1x1024xf32, #tpu.memory_space<vmem>>
      %dma_start3A_88 = tpu.memref_squeeze %dma_start3A_87 : memref<1x1x1024xf32, #tpu.memory_space<vmem>> -> memref<1x1024xf32, #tpu.memory_space<vmem>>
      %dma_start3A_89 = arith.constant 0 : i32
      %dma_start3A_90 = tpu.memref_slice %arg2[%get3A_80, %dma_start3A_89] : memref<100000x1024xf32, #tpu.memory_space<hbm>> -> memref<1x1024xf32, #tpu.memory_space<hbm>>
      tpu.enqueue_dma source(%dma_start3A_90 : memref<1x1024xf32, #tpu.memory_space<hbm>>) target(%dma_start3A_88 : memref<1x1024xf32, #tpu.memory_space<vmem>>) target_semaphore(%dma_start3A_84 : memref<!tpu.dma_semaphore, #tpu.memory_space<semaphore_mem>>)
      %get3A_91 = arith.constant 3 : index
      %get3A_92 = memref.load %arg1[%get3A_91] : memref<4096xi32, #tpu.memory_space<smem>>
      %dma_start3A_93 = arith.constant 0 : i32
      %dma_start3A_94 = arith.constant 0 : i32
      %dma_start3A_95 = tpu.memref_slice %arg7[%dma_start3A_94] : memref<4x!tpu.dma_semaphore, #tpu.memory_space<semaphore_mem>> -> memref<1x!tpu.dma_semaphore, #tpu.memory_space<semaphore_mem>>
      %dma_start3A_96 = tpu.memref_squeeze %dma_start3A_95 : memref<1x!tpu.dma_semaphore, #tpu.memory_space<semaphore_mem>> -> memref<!tpu.dma_semaphore, #tpu.memory_space<semaphore_mem>>
      %dma_start3A_97 = arith.constant 3 : i32
      %dma_start3A_98 = arith.constant 0 : i32
      %dma_start3A_99 = tpu.memref_slice %arg5[%dma_start3A_93, %dma_start3A_97, %dma_start3A_98] : memref<4x16x1024xf32, #tpu.memory_space<vmem>> -> memref<1x1x1024xf32, #tpu.memory_space<vmem>>
      %dma_start3A_100 = tpu.memref_squeeze %dma_start3A_99 : memref<1x1x1024xf32, #tpu.memory_space<vmem>> -> memref<1x1024xf32, #tpu.memory_space<vmem>>
      %dma_start3A_101 = arith.constant 0 : i32
      %dma_start3A_102 = tpu.memref_slice %arg2[%get3A_92, %dma_start3A_101] : memref<100000x1024xf32, #tpu.memory_space<hbm>> -> memref<1x1024xf32, #tpu.memory_space<hbm>>
      tpu.enqueue_dma source(%dma_start3A_102 : memref<1x1024xf32, #tpu.memory_space<hbm>>) target(%dma_start3A_100 : memref<1x1024xf32, #tpu.memory_space<vmem>>) target_semaphore(%dma_start3A_96 : memref<!tpu.dma_semaphore, #tpu.memory_space<semaphore_mem>>)
      %get3A_103 = arith.constant 4 : index
      %get3A_104 = memref.load %arg1[%get3A_103] : memref<4096xi32, #tpu.memory_space<smem>>
      %dma_start3A_105 = arith.constant 0 : i32
      %dma_start3A_106 = arith.constant 0 : i32
      %dma_start3A_107 = tpu.memref_slice %arg7[%dma_start3A_106] : memref<4x!tpu.dma_semaphore, #tpu.memory_space<semaphore_mem>> -> memref<1x!tpu.dma_semaphore, #tpu.memory_space<semaphore_mem>>
      %dma_start3A_108 = tpu.memref_squeeze %dma_start3A_107 : memref<1x!tpu.dma_semaphore, #tpu.memory_space<semaphore_mem>> -> memref<!tpu.dma_semaphore, #tpu.memory_space<semaphore_mem>>
      %dma_start3A_109 = arith.constant 4 : i32
      %dma_start3A_110 = arith.constant 0 : i32
      %dma_start3A_111 = tpu.memref_slice %arg5[%dma_start3A_105, %dma_start3A_109, %dma_start3A_110] : memref<4x16x1024xf32, #tpu.memory_space<vmem>> -> memref<1x1x1024xf32, #tpu.memory_space<vmem>>
      %dma_start3A_112 = tpu.memref_squeeze %dma_start3A_111 : memref<1x1x1024xf32, #tpu.memory_space<vmem>> -> memref<1x1024xf32, #tpu.memory_space<vmem>>
      %dma_start3A_113 = arith.constant 0 : i32
      %dma_start3A_114 = tpu.memref_slice %arg2[%get3A_104, %dma_start3A_113] : memref<100000x1024xf32, #tpu.memory_space<hbm>> -> memref<1x1024xf32, #tpu.memory_space<hbm>>
      tpu.enqueue_dma source(%dma_start3A_114 : memref<1x1024xf32, #tpu.memory_space<hbm>>) target(%dma_start3A_112 : memref<1x1024xf32, #tpu.memory_space<vmem>>) target_semaphore(%dma_start3A_108 : memref<!tpu.dma_semaphore, #tpu.memory_space<semaphore_mem>>)
      %get3A_115 = arith.constant 5 : index
      %get3A_116 = memref.load %arg1[%get3A_115] : memref<4096xi32, #tpu.memory_space<smem>>
      %dma_start3A_117 = arith.constant 0 : i32
      %dma_start3A_118 = arith.constant 0 : i32
      %dma_start3A_119 = tpu.memref_slice %arg7[%dma_start3A_118] : memref<4x!tpu.dma_semaphore, #tpu.memory_space<semaphore_mem>> -> memref<1x!tpu.dma_semaphore, #tpu.memory_space<semaphore_mem>>
      %dma_start3A_120 = tpu.memref_squeeze %dma_start3A_119 : memref<1x!tpu.dma_semaphore, #tpu.memory_space<semaphore_mem>> -> memref<!tpu.dma_semaphore, #tpu.memory_space<semaphore_mem>>
      %dma_start3A_121 = arith.constant 5 : i32
      %dma_start3A_122 = arith.constant 0 : i32
      %dma_start3A_123 = tpu.memref_slice %arg5[%dma_start3A_117, %dma_start3A_121, %dma_start3A_122] : memref<4x16x1024xf32, #tpu.memory_space<vmem>> -> memref<1x1x1024xf32, #tpu.memory_space<vmem>>
      %dma_start3A_124 = tpu.memref_squeeze %dma_start3A_123 : memref<1x1x1024xf32, #tpu.memory_space<vmem>> -> memref<1x1024xf32, #tpu.memory_space<vmem>>
      %dma_start3A_125 = arith.constant 0 : i32
      %dma_start3A_126 = tpu.memref_slice %arg2[%get3A_116, %dma_start3A_125] : memref<100000x1024xf32, #tpu.memory_space<hbm>> -> memref<1x1024xf32, #tpu.memory_space<hbm>>
      tpu.enqueue_dma source(%dma_start3A_126 : memref<1x1024xf32, #tpu.memory_space<hbm>>) target(%dma_start3A_124 : memref<1x1024xf32, #tpu.memory_space<vmem>>) target_semaphore(%dma_start3A_120 : memref<!tpu.dma_semaphore, #tpu.memory_space<semaphore_mem>>)
      %get3A_127 = arith.constant 6 : index
      %get3A_128 = memref.load %arg1[%get3A_127] : memref<4096xi32, #tpu.memory_space<smem>>
      %dma_start3A_129 = arith.constant 0 : i32
      %dma_start3A_130 = arith.constant 0 : i32
      %dma_start3A_131 = tpu.memref_slice %arg7[%dma_start3A_130] : memref<4x!tpu.dma_semaphore, #tpu.memory_space<semaphore_mem>> -> memref<1x!tpu.dma_semaphore, #tpu.memory_space<semaphore_mem>>
      %dma_start3A_132 = tpu.memref_squeeze %dma_start3A_131 : memref<1x!tpu.dma_semaphore, #tpu.memory_space<semaphore_mem>> -> memref<!tpu.dma_semaphore, #tpu.memory_space<semaphore_mem>>
      %dma_start3A_133 = arith.constant 6 : i32
      %dma_start3A_134 = arith.constant 0 : i32
      %dma_start3A_135 = tpu.memref_slice %arg5[%dma_start3A_129, %dma_start3A_133, %dma_start3A_134] : memref<4x16x1024xf32, #tpu.memory_space<vmem>> -> memref<1x1x1024xf32, #tpu.memory_space<vmem>>
      %dma_start3A_136 = tpu.memref_squeeze %dma_start3A_135 : memref<1x1x1024xf32, #tpu.memory_space<vmem>> -> memref<1x1024xf32, #tpu.memory_space<vmem>>
      %dma_start3A_137 = arith.constant 0 : i32
      %dma_start3A_138 = tpu.memref_slice %arg2[%get3A_128, %dma_start3A_137] : memref<100000x1024xf32, #tpu.memory_space<hbm>> -> memref<1x1024xf32, #tpu.memory_space<hbm>>
      tpu.enqueue_dma source(%dma_start3A_138 : memref<1x1024xf32, #tpu.memory_space<hbm>>) target(%dma_start3A_136 : memref<1x1024xf32, #tpu.memory_space<vmem>>) target_semaphore(%dma_start3A_132 : memref<!tpu.dma_semaphore, #tpu.memory_space<semaphore_mem>>)
      %get3A_139 = arith.constant 7 : index
      %get3A_140 = memref.load %arg1[%get3A_139] : memref<4096xi32, #tpu.memory_space<smem>>
      %dma_start3A_141 = arith.constant 0 : i32
      %dma_start3A_142 = arith.constant 0 : i32
      %dma_start3A_143 = tpu.memref_slice %arg7[%dma_start3A_142] : memref<4x!tpu.dma_semaphore, #tpu.memory_space<semaphore_mem>> -> memref<1x!tpu.dma_semaphore, #tpu.memory_space<semaphore_mem>>
      %dma_start3A_144 = tpu.memref_squeeze %dma_start3A_143 : memref<1x!tpu.dma_semaphore, #tpu.memory_space<semaphore_mem>> -> memref<!tpu.dma_semaphore, #tpu.memory_space<semaphore_mem>>
      %dma_start3A_145 = arith.constant 7 : i32
      %dma_start3A_146 = arith.constant 0 : i32
      %dma_start3A_147 = tpu.memref_slice %arg5[%dma_start3A_141, %dma_start3A_145, %dma_start3A_146] : memref<4x16x1024xf32, #tpu.memory_space<vmem>> -> memref<1x1x1024xf32, #tpu.memory_space<vmem>>
      %dma_start3A_148 = tpu.memref_squeeze %dma_start3A_147 : memref<1x1x1024xf32, #tpu.memory_space<vmem>> -> memref<1x1024xf32, #tpu.memory_space<vmem>>
      %dma_start3A_149 = arith.constant 0 : i32
      %dma_start3A_150 = tpu.memref_slice %arg2[%get3A_140, %dma_start3A_149] : memref<100000x1024xf32, #tpu.memory_space<hbm>> -> memref<1x1024xf32, #tpu.memory_space<hbm>>
      tpu.enqueue_dma source(%dma_start3A_150 : memref<1x1024xf32, #tpu.memory_space<hbm>>) target(%dma_start3A_148 : memref<1x1024xf32, #tpu.memory_space<vmem>>) target_semaphore(%dma_start3A_144 : memref<!tpu.dma_semaphore, #tpu.memory_space<semaphore_mem>>)
      %get3A_151 = arith.constant 8 : index
      %get3A_152 = memref.load %arg1[%get3A_151] : memref<4096xi32, #tpu.memory_space<smem>>
      %dma_start3A_153 = arith.constant 0 : i32
      %dma_start3A_154 = arith.constant 0 : i32
      %dma_start3A_155 = tpu.memref_slice %arg7[%dma_start3A_154] : memref<4x!tpu.dma_semaphore, #tpu.memory_space<semaphore_mem>> -> memref<1x!tpu.dma_semaphore, #tpu.memory_space<semaphore_mem>>
      %dma_start3A_156 = tpu.memref_squeeze %dma_start3A_155 : memref<1x!tpu.dma_semaphore, #tpu.memory_space<semaphore_mem>> -> memref<!tpu.dma_semaphore, #tpu.memory_space<semaphore_mem>>
      %dma_start3A_157 = arith.constant 8 : i32
      %dma_start3A_158 = arith.constant 0 : i32
      %dma_start3A_159 = tpu.memref_slice %arg5[%dma_start3A_153, %dma_start3A_157, %dma_start3A_158] : memref<4x16x1024xf32, #tpu.memory_space<vmem>> -> memref<1x1x1024xf32, #tpu.memory_space<vmem>>
      %dma_start3A_160 = tpu.memref_squeeze %dma_start3A_159 : memref<1x1x1024xf32, #tpu.memory_space<vmem>> -> memref<1x1024xf32, #tpu.memory_space<vmem>>
      %dma_start3A_161 = arith.constant 0 : i32
      %dma_start3A_162 = tpu.memref_slice %arg2[%get3A_152, %dma_start3A_161] : memref<100000x1024xf32, #tpu.memory_space<hbm>> -> memref<1x1024xf32, #tpu.memory_space<hbm>>
      tpu.enqueue_dma source(%dma_start3A_162 : memref<1x1024xf32, #tpu.memory_space<hbm>>) target(%dma_start3A_160 : memref<1x1024xf32, #tpu.memory_space<vmem>>) target_semaphore(%dma_start3A_156 : memref<!tpu.dma_semaphore, #tpu.memory_space<semaphore_mem>>)
      %get3A_163 = arith.constant 9 : index
      %get3A_164 = memref.load %arg1[%get3A_163] : memref<4096xi32, #tpu.memory_space<smem>>
      %dma_start3A_165 = arith.constant 0 : i32
      %dma_start3A_166 = arith.constant 0 : i32
      %dma_start3A_167 = tpu.memref_slice %arg7[%dma_start3A_166] : memref<4x!tpu.dma_semaphore, #tpu.memory_space<semaphore_mem>> -> memref<1x!tpu.dma_semaphore, #tpu.memory_space<semaphore_mem>>
      %dma_start3A_168 = tpu.memref_squeeze %dma_start3A_167 : memref<1x!tpu.dma_semaphore, #tpu.memory_space<semaphore_mem>> -> memref<!tpu.dma_semaphore, #tpu.memory_space<semaphore_mem>>
      %dma_start3A_169 = arith.constant 9 : i32
      %dma_start3A_170 = arith.constant 0 : i32
      %dma_start3A_171 = tpu.memref_slice %arg5[%dma_start3A_165, %dma_start3A_169, %dma_start3A_170] : memref<4x16x1024xf32, #tpu.memory_space<vmem>> -> memref<1x1x1024xf32, #tpu.memory_space<vmem>>
      %dma_start3A_172 = tpu.memref_squeeze %dma_start3A_171 : memref<1x1x1024xf32, #tpu.memory_space<vmem>> -> memref<1x1024xf32, #tpu.memory_space<vmem>>
      %dma_start3A_173 = arith.constant 0 : i32
      %dma_start3A_174 = tpu.memref_slice %arg2[%get3A_164, %dma_start3A_173] : memref<100000x1024xf32, #tpu.memory_space<hbm>> -> memref<1x1024xf32, #tpu.memory_space<hbm>>
      tpu.enqueue_dma source(%dma_start3A_174 : memref<1x1024xf32, #tpu.memory_space<hbm>>) target(%dma_start3A_172 : memref<1x1024xf32, #tpu.memory_space<vmem>>) target_semaphore(%dma_start3A_168 : memref<!tpu.dma_semaphore, #tpu.memory_space<semaphore_mem>>)
      %get3A_175 = arith.constant 10 : index
      %get3A_176 = memref.load %arg1[%get3A_175] : memref<4096xi32, #tpu.memory_space<smem>>
      %dma_start3A_177 = arith.constant 0 : i32
      %dma_start3A_178 = arith.constant 0 : i32
      %dma_start3A_179 = tpu.memref_slice %arg7[%dma_start3A_178] : memref<4x!tpu.dma_semaphore, #tpu.memory_space<semaphore_mem>> -> memref<1x!tpu.dma_semaphore, #tpu.memory_space<semaphore_mem>>
      %dma_start3A_180 = tpu.memref_squeeze %dma_start3A_179 : memref<1x!tpu.dma_semaphore, #tpu.memory_space<semaphore_mem>> -> memref<!tpu.dma_semaphore, #tpu.memory_space<semaphore_mem>>
      %dma_start3A_181 = arith.constant 10 : i32
      %dma_start3A_182 = arith.constant 0 : i32
      %dma_start3A_183 = tpu.memref_slice %arg5[%dma_start3A_177, %dma_start3A_181, %dma_start3A_182] : memref<4x16x1024xf32, #tpu.memory_space<vmem>> -> memref<1x1x1024xf32, #tpu.memory_space<vmem>>
      %dma_start3A_184 = tpu.memref_squeeze %dma_start3A_183 : memref<1x1x1024xf32, #tpu.memory_space<vmem>> -> memref<1x1024xf32, #tpu.memory_space<vmem>>
      %dma_start3A_185 = arith.constant 0 : i32
      %dma_start3A_186 = tpu.memref_slice %arg2[%get3A_176, %dma_start3A_185] : memref<100000x1024xf32, #tpu.memory_space<hbm>> -> memref<1x1024xf32, #tpu.memory_space<hbm>>
      tpu.enqueue_dma source(%dma_start3A_186 : memref<1x1024xf32, #tpu.memory_space<hbm>>) target(%dma_start3A_184 : memref<1x1024xf32, #tpu.memory_space<vmem>>) target_semaphore(%dma_start3A_180 : memref<!tpu.dma_semaphore, #tpu.memory_space<semaphore_mem>>)
      %get3A_187 = arith.constant 11 : index
      %get3A_188 = memref.load %arg1[%get3A_187] : memref<4096xi32, #tpu.memory_space<smem>>
      %dma_start3A_189 = arith.constant 0 : i32
      %dma_start3A_190 = arith.constant 0 : i32
      %dma_start3A_191 = tpu.memref_slice %arg7[%dma_start3A_190] : memref<4x!tpu.dma_semaphore, #tpu.memory_space<semaphore_mem>> -> memref<1x!tpu.dma_semaphore, #tpu.memory_space<semaphore_mem>>
      %dma_start3A_192 = tpu.memref_squeeze %dma_start3A_191 : memref<1x!tpu.dma_semaphore, #tpu.memory_space<semaphore_mem>> -> memref<!tpu.dma_semaphore, #tpu.memory_space<semaphore_mem>>
      %dma_start3A_193 = arith.constant 11 : i32
      %dma_start3A_194 = arith.constant 0 : i32
      %dma_start3A_195 = tpu.memref_slice %arg5[%dma_start3A_189, %dma_start3A_193, %dma_start3A_194] : memref<4x16x1024xf32, #tpu.memory_space<vmem>> -> memref<1x1x1024xf32, #tpu.memory_space<vmem>>
      %dma_start3A_196 = tpu.memref_squeeze %dma_start3A_195 : memref<1x1x1024xf32, #tpu.memory_space<vmem>> -> memref<1x1024xf32, #tpu.memory_space<vmem>>
      %dma_start3A_197 = arith.constant 0 : i32
      %dma_start3A_198 = tpu.memref_slice %arg2[%get3A_188, %dma_start3A_197] : memref<100000x1024xf32, #tpu.memory_space<hbm>> -> memref<1x1024xf32, #tpu.memory_space<hbm>>
      tpu.enqueue_dma source(%dma_start3A_198 : memref<1x1024xf32, #tpu.memory_space<hbm>>) target(%dma_start3A_196 : memref<1x1024xf32, #tpu.memory_space<vmem>>) target_semaphore(%dma_start3A_192 : memref<!tpu.dma_semaphore, #tpu.memory_space<semaphore_mem>>)
      %get3A_199 = arith.constant 12 : index
      %get3A_200 = memref.load %arg1[%get3A_199] : memref<4096xi32, #tpu.memory_space<smem>>
      %dma_start3A_201 = arith.constant 0 : i32
      %dma_start3A_202 = arith.constant 0 : i32
      %dma_start3A_203 = tpu.memref_slice %arg7[%dma_start3A_202] : memref<4x!tpu.dma_semaphore, #tpu.memory_space<semaphore_mem>> -> memref<1x!tpu.dma_semaphore, #tpu.memory_space<semaphore_mem>>
      %dma_start3A_204 = tpu.memref_squeeze %dma_start3A_203 : memref<1x!tpu.dma_semaphore, #tpu.memory_space<semaphore_mem>> -> memref<!tpu.dma_semaphore, #tpu.memory_space<semaphore_mem>>
      %dma_start3A_205 = arith.constant 12 : i32
      %dma_start3A_206 = arith.constant 0 : i32
      %dma_start3A_207 = tpu.memref_slice %arg5[%dma_start3A_201, %dma_start3A_205, %dma_start3A_206] : memref<4x16x1024xf32, #tpu.memory_space<vmem>> -> memref<1x1x1024xf32, #tpu.memory_space<vmem>>
      %dma_start3A_208 = tpu.memref_squeeze %dma_start3A_207 : memref<1x1x1024xf32, #tpu.memory_space<vmem>> -> memref<1x1024xf32, #tpu.memory_space<vmem>>
      %dma_start3A_209 = arith.constant 0 : i32
      %dma_start3A_210 = tpu.memref_slice %arg2[%get3A_200, %dma_start3A_209] : memref<100000x1024xf32, #tpu.memory_space<hbm>> -> memref<1x1024xf32, #tpu.memory_space<hbm>>
      tpu.enqueue_dma source(%dma_start3A_210 : memref<1x1024xf32, #tpu.memory_space<hbm>>) target(%dma_start3A_208 : memref<1x1024xf32, #tpu.memory_space<vmem>>) target_semaphore(%dma_start3A_204 : memref<!tpu.dma_semaphore, #tpu.memory_space<semaphore_mem>>)
      %get3A_211 = arith.constant 13 : index
      %get3A_212 = memref.load %arg1[%get3A_211] : memref<4096xi32, #tpu.memory_space<smem>>
      %dma_start3A_213 = arith.constant 0 : i32
      %dma_start3A_214 = arith.constant 0 : i32
      %dma_start3A_215 = tpu.memref_slice %arg7[%dma_start3A_214] : memref<4x!tpu.dma_semaphore, #tpu.memory_space<semaphore_mem>> -> memref<1x!tpu.dma_semaphore, #tpu.memory_space<semaphore_mem>>
      %dma_start3A_216 = tpu.memref_squeeze %dma_start3A_215 : memref<1x!tpu.dma_semaphore, #tpu.memory_space<semaphore_mem>> -> memref<!tpu.dma_semaphore, #tpu.memory_space<semaphore_mem>>
      %dma_start3A_217 = arith.constant 13 : i32
      %dma_start3A_218 = arith.constant 0 : i32
      %dma_start3A_219 = tpu.memref_slice %arg5[%dma_start3A_213, %dma_start3A_217, %dma_start3A_218] : memref<4x16x1024xf32, #tpu.memory_space<vmem>> -> memref<1x1x1024xf32, #tpu.memory_space<vmem>>
      %dma_start3A_220 = tpu.memref_squeeze %dma_start3A_219 : memref<1x1x1024xf32, #tpu.memory_space<vmem>> -> memref<1x1024xf32, #tpu.memory_space<vmem>>
      %dma_start3A_221 = arith.constant 0 : i32
      %dma_start3A_222 = tpu.memref_slice %arg2[%get3A_212, %dma_start3A_221] : memref<100000x1024xf32, #tpu.memory_space<hbm>> -> memref<1x1024xf32, #tpu.memory_space<hbm>>
      tpu.enqueue_dma source(%dma_start3A_222 : memref<1x1024xf32, #tpu.memory_space<hbm>>) target(%dma_start3A_220 : memref<1x1024xf32, #tpu.memory_space<vmem>>) target_semaphore(%dma_start3A_216 : memref<!tpu.dma_semaphore, #tpu.memory_space<semaphore_mem>>)
      %get3A_223 = arith.constant 14 : index
      %get3A_224 = memref.load %arg1[%get3A_223] : memref<4096xi32, #tpu.memory_space<smem>>
      %dma_start3A_225 = arith.constant 0 : i32
      %dma_start3A_226 = arith.constant 0 : i32
      %dma_start3A_227 = tpu.memref_slice %arg7[%dma_start3A_226] : memref<4x!tpu.dma_semaphore, #tpu.memory_space<semaphore_mem>> -> memref<1x!tpu.dma_semaphore, #tpu.memory_space<semaphore_mem>>
      %dma_start3A_228 = tpu.memref_squeeze %dma_start3A_227 : memref<1x!tpu.dma_semaphore, #tpu.memory_space<semaphore_mem>> -> memref<!tpu.dma_semaphore, #tpu.memory_space<semaphore_mem>>
      %dma_start3A_229 = arith.constant 14 : i32
      %dma_start3A_230 = arith.constant 0 : i32
      %dma_start3A_231 = tpu.memref_slice %arg5[%dma_start3A_225, %dma_start3A_229, %dma_start3A_230] : memref<4x16x1024xf32, #tpu.memory_space<vmem>> -> memref<1x1x1024xf32, #tpu.memory_space<vmem>>
      %dma_start3A_232 = tpu.memref_squeeze %dma_start3A_231 : memref<1x1x1024xf32, #tpu.memory_space<vmem>> -> memref<1x1024xf32, #tpu.memory_space<vmem>>
      %dma_start3A_233 = arith.constant 0 : i32
      %dma_start3A_234 = tpu.memref_slice %arg2[%get3A_224, %dma_start3A_233] : memref<100000x1024xf32, #tpu.memory_space<hbm>> -> memref<1x1024xf32, #tpu.memory_space<hbm>>
      tpu.enqueue_dma source(%dma_start3A_234 : memref<1x1024xf32, #tpu.memory_space<hbm>>) target(%dma_start3A_232 : memref<1x1024xf32, #tpu.memory_space<vmem>>) target_semaphore(%dma_start3A_228 : memref<!tpu.dma_semaphore, #tpu.memory_space<semaphore_mem>>)
      %get3A_235 = arith.constant 15 : index
      %get3A_236 = memref.load %arg1[%get3A_235] : memref<4096xi32, #tpu.memory_space<smem>>
      %dma_start3A_237 = arith.constant 0 : i32
      %dma_start3A_238 = arith.constant 0 : i32
      %dma_start3A_239 = tpu.memref_slice %arg7[%dma_start3A_238] : memref<4x!tpu.dma_semaphore, #tpu.memory_space<semaphore_mem>> -> memref<1x!tpu.dma_semaphore, #tpu.memory_space<semaphore_mem>>
      %dma_start3A_240 = tpu.memref_squeeze %dma_start3A_239 : memref<1x!tpu.dma_semaphore, #tpu.memory_space<semaphore_mem>> -> memref<!tpu.dma_semaphore, #tpu.memory_space<semaphore_mem>>
      %dma_start3A_241 = arith.constant 15 : i32
      %dma_start3A_242 = arith.constant 0 : i32
      %dma_start3A_243 = tpu.memref_slice %arg5[%dma_start3A_237, %dma_start3A_241, %dma_start3A_242] : memref<4x16x1024xf32, #tpu.memory_space<vmem>> -> memref<1x1x1024xf32, #tpu.memory_space<vmem>>
      %dma_start3A_244 = tpu.memref_squeeze %dma_start3A_243 : memref<1x1x1024xf32, #tpu.memory_space<vmem>> -> memref<1x1024xf32, #tpu.memory_space<vmem>>
      %dma_start3A_245 = arith.constant 0 : i32
      %dma_start3A_246 = tpu.memref_slice %arg2[%get3A_236, %dma_start3A_245] : memref<100000x1024xf32, #tpu.memory_space<hbm>> -> memref<1x1024xf32, #tpu.memory_space<hbm>>
      tpu.enqueue_dma source(%dma_start3A_246 : memref<1x1024xf32, #tpu.memory_space<hbm>>) target(%dma_start3A_244 : memref<1x1024xf32, #tpu.memory_space<vmem>>) target_semaphore(%dma_start3A_240 : memref<!tpu.dma_semaphore, #tpu.memory_space<semaphore_mem>>)
      %get3A_247 = arith.constant 16 : index
      %get3A_248 = memref.load %arg1[%get3A_247] : memref<4096xi32, #tpu.memory_space<smem>>
      %dma_start3A_249 = arith.constant 1 : i32
      %dma_start3A_250 = arith.constant 1 : i32
      %dma_start3A_251 = tpu.memref_slice %arg7[%dma_start3A_250] : memref<4x!tpu.dma_semaphore, #tpu.memory_space<semaphore_mem>> -> memref<1x!tpu.dma_semaphore, #tpu.memory_space<semaphore_mem>>
      %dma_start3A_252 = tpu.memref_squeeze %dma_start3A_251 : memref<1x!tpu.dma_semaphore, #tpu.memory_space<semaphore_mem>> -> memref<!tpu.dma_semaphore, #tpu.memory_space<semaphore_mem>>
      %dma_start3A_253 = arith.constant 0 : i32
      %dma_start3A_254 = arith.constant 0 : i32
      %dma_start3A_255 = tpu.memref_slice %arg5[%dma_start3A_249, %dma_start3A_253, %dma_start3A_254] : memref<4x16x1024xf32, #tpu.memory_space<vmem>> -> memref<1x1x1024xf32, #tpu.memory_space<vmem>>
      %dma_start3A_256 = tpu.memref_squeeze %dma_start3A_255 : memref<1x1x1024xf32, #tpu.memory_space<vmem>> -> memref<1x1024xf32, #tpu.memory_space<vmem>>
      %dma_start3A_257 = arith.constant 0 : i32
      %dma_start3A_258 = tpu.memref_slice %arg2[%get3A_248, %dma_start3A_257] : memref<100000x1024xf32, #tpu.memory_space<hbm>> -> memref<1x1024xf32, #tpu.memory_space<hbm>>
      tpu.enqueue_dma source(%dma_start3A_258 : memref<1x1024xf32, #tpu.memory_space<hbm>>) target(%dma_start3A_256 : memref<1x1024xf32, #tpu.memory_space<vmem>>) target_semaphore(%dma_start3A_252 : memref<!tpu.dma_semaphore, #tpu.memory_space<semaphore_mem>>)
      %get3A_259 = arith.constant 17 : index
      %get3A_260 = memref.load %arg1[%get3A_259] : memref<4096xi32, #tpu.memory_space<smem>>
      %dma_start3A_261 = arith.constant 1 : i32
      %dma_start3A_262 = arith.constant 1 : i32
      %dma_start3A_263 = tpu.memref_slice %arg7[%dma_start3A_262] : memref<4x!tpu.dma_semaphore, #tpu.memory_space<semaphore_mem>> -> memref<1x!tpu.dma_semaphore, #tpu.memory_space<semaphore_mem>>
      %dma_start3A_264 = tpu.memref_squeeze %dma_start3A_263 : memref<1x!tpu.dma_semaphore, #tpu.memory_space<semaphore_mem>> -> memref<!tpu.dma_semaphore, #tpu.memory_space<semaphore_mem>>
      %dma_start3A_265 = arith.constant 1 : i32
      %dma_start3A_266 = arith.constant 0 : i32
      %dma_start3A_267 = tpu.memref_slice %arg5[%dma_start3A_261, %dma_start3A_265, %dma_start3A_266] : memref<4x16x1024xf32, #tpu.memory_space<vmem>> -> memref<1x1x1024xf32, #tpu.memory_space<vmem>>
      %dma_start3A_268 = tpu.memref_squeeze %dma_start3A_267 : memref<1x1x1024xf32, #tpu.memory_space<vmem>> -> memref<1x1024xf32, #tpu.memory_space<vmem>>
      %dma_start3A_269 = arith.constant 0 : i32
      %dma_start3A_270 = tpu.memref_slice %arg2[%get3A_260, %dma_start3A_269] : memref<100000x1024xf32, #tpu.memory_space<hbm>> -> memref<1x1024xf32, #tpu.memory_space<hbm>>
      tpu.enqueue_dma source(%dma_start3A_270 : memref<1x1024xf32, #tpu.memory_space<hbm>>) target(%dma_start3A_268 : memref<1x1024xf32, #tpu.memory_space<vmem>>) target_semaphore(%dma_start3A_264 : memref<!tpu.dma_semaphore, #tpu.memory_space<semaphore_mem>>)
      %get3A_271 = arith.constant 18 : index
      %get3A_272 = memref.load %arg1[%get3A_271] : memref<4096xi32, #tpu.memory_space<smem>>
      %dma_start3A_273 = arith.constant 1 : i32
      %dma_start3A_274 = arith.constant 1 : i32
      %dma_start3A_275 = tpu.memref_slice %arg7[%dma_start3A_274] : memref<4x!tpu.dma_semaphore, #tpu.memory_space<semaphore_mem>> -> memref<1x!tpu.dma_semaphore, #tpu.memory_space<semaphore_mem>>
      %dma_start3A_276 = tpu.memref_squeeze %dma_start3A_275 : memref<1x!tpu.dma_semaphore, #tpu.memory_space<semaphore_mem>> -> memref<!tpu.dma_semaphore, #tpu.memory_space<semaphore_mem>>
      %dma_start3A_277 = arith.constant 2 : i32
      %dma_start3A_278 = arith.constant 0 : i32
      %dma_start3A_279 = tpu.memref_slice %arg5[%dma_start3A_273, %dma_start3A_277, %dma_start3A_278] : memref<4x16x1024xf32, #tpu.memory_space<vmem>> -> memref<1x1x1024xf32, #tpu.memory_space<vmem>>
      %dma_start3A_280 = tpu.memref_squeeze %dma_start3A_279 : memref<1x1x1024xf32, #tpu.memory_space<vmem>> -> memref<1x1024xf32, #tpu.memory_space<vmem>>
      %dma_start3A_281 = arith.constant 0 : i32
      %dma_start3A_282 = tpu.memref_slice %arg2[%get3A_272, %dma_start3A_281] : memref<100000x1024xf32, #tpu.memory_space<hbm>> -> memref<1x1024xf32, #tpu.memory_space<hbm>>
      tpu.enqueue_dma source(%dma_start3A_282 : memref<1x1024xf32, #tpu.memory_space<hbm>>) target(%dma_start3A_280 : memref<1x1024xf32, #tpu.memory_space<vmem>>) target_semaphore(%dma_start3A_276 : memref<!tpu.dma_semaphore, #tpu.memory_space<semaphore_mem>>)
      %get3A_283 = arith.constant 19 : index
      %get3A_284 = memref.load %arg1[%get3A_283] : memref<4096xi32, #tpu.memory_space<smem>>
      %dma_start3A_285 = arith.constant 1 : i32
      %dma_start3A_286 = arith.constant 1 : i32
      %dma_start3A_287 = tpu.memref_slice %arg7[%dma_start3A_286] : memref<4x!tpu.dma_semaphore, #tpu.memory_space<semaphore_mem>> -> memref<1x!tpu.dma_semaphore, #tpu.memory_space<semaphore_mem>>
      %dma_start3A_288 = tpu.memref_squeeze %dma_start3A_287 : memref<1x!tpu.dma_semaphore, #tpu.memory_space<semaphore_mem>> -> memref<!tpu.dma_semaphore, #tpu.memory_space<semaphore_mem>>
      %dma_start3A_289 = arith.constant 3 : i32
      %dma_start3A_290 = arith.constant 0 : i32
      %dma_start3A_291 = tpu.memref_slice %arg5[%dma_start3A_285, %dma_start3A_289, %dma_start3A_290] : memref<4x16x1024xf32, #tpu.memory_space<vmem>> -> memref<1x1x1024xf32, #tpu.memory_space<vmem>>
      %dma_start3A_292 = tpu.memref_squeeze %dma_start3A_291 : memref<1x1x1024xf32, #tpu.memory_space<vmem>> -> memref<1x1024xf32, #tpu.memory_space<vmem>>
      %dma_start3A_293 = arith.constant 0 : i32
      %dma_start3A_294 = tpu.memref_slice %arg2[%get3A_284, %dma_start3A_293] : memref<100000x1024xf32, #tpu.memory_space<hbm>> -> memref<1x1024xf32, #tpu.memory_space<hbm>>
      tpu.enqueue_dma source(%dma_start3A_294 : memref<1x1024xf32, #tpu.memory_space<hbm>>) target(%dma_start3A_292 : memref<1x1024xf32, #tpu.memory_space<vmem>>) target_semaphore(%dma_start3A_288 : memref<!tpu.dma_semaphore, #tpu.memory_space<semaphore_mem>>)
      %get3A_295 = arith.constant 20 : index
      %get3A_296 = memref.load %arg1[%get3A_295] : memref<4096xi32, #tpu.memory_space<smem>>
      %dma_start3A_297 = arith.constant 1 : i32
      %dma_start3A_298 = arith.constant 1 : i32
      %dma_start3A_299 = tpu.memref_slice %arg7[%dma_start3A_298] : memref<4x!tpu.dma_semaphore, #tpu.memory_space<semaphore_mem>> -> memref<1x!tpu.dma_semaphore, #tpu.memory_space<semaphore_mem>>
      %dma_start3A_300 = tpu.memref_squeeze %dma_start3A_299 : memref<1x!tpu.dma_semaphore, #tpu.memory_space<semaphore_mem>> -> memref<!tpu.dma_semaphore, #tpu.memory_space<semaphore_mem>>
      %dma_start3A_301 = arith.constant 4 : i32
      %dma_start3A_302 = arith.constant 0 : i32
      %dma_start3A_303 = tpu.memref_slice %arg5[%dma_start3A_297, %dma_start3A_301, %dma_start3A_302] : memref<4x16x1024xf32, #tpu.memory_space<vmem>> -> memref<1x1x1024xf32, #tpu.memory_space<vmem>>
      %dma_start3A_304 = tpu.memref_squeeze %dma_start3A_303 : memref<1x1x1024xf32, #tpu.memory_space<vmem>> -> memref<1x1024xf32, #tpu.memory_space<vmem>>
      %dma_start3A_305 = arith.constant 0 : i32
      %dma_start3A_306 = tpu.memref_slice %arg2[%get3A_296, %dma_start3A_305] : memref<100000x1024xf32, #tpu.memory_space<hbm>> -> memref<1x1024xf32, #tpu.memory_space<hbm>>
      tpu.enqueue_dma source(%dma_start3A_306 : memref<1x1024xf32, #tpu.memory_space<hbm>>) target(%dma_start3A_304 : memref<1x1024xf32, #tpu.memory_space<vmem>>) target_semaphore(%dma_start3A_300 : memref<!tpu.dma_semaphore, #tpu.memory_space<semaphore_mem>>)
      %get3A_307 = arith.constant 21 : index
      %get3A_308 = memref.load %arg1[%get3A_307] : memref<4096xi32, #tpu.memory_space<smem>>
      %dma_start3A_309 = arith.constant 1 : i32
      %dma_start3A_310 = arith.constant 1 : i32
      %dma_start3A_311 = tpu.memref_slice %arg7[%dma_start3A_310] : memref<4x!tpu.dma_semaphore, #tpu.memory_space<semaphore_mem>> -> memref<1x!tpu.dma_semaphore, #tpu.memory_space<semaphore_mem>>
      %dma_start3A_312 = tpu.memref_squeeze %dma_start3A_311 : memref<1x!tpu.dma_semaphore, #tpu.memory_space<semaphore_mem>> -> memref<!tpu.dma_semaphore, #tpu.memory_space<semaphore_mem>>
      %dma_start3A_313 = arith.constant 5 : i32
      %dma_start3A_314 = arith.constant 0 : i32
      %dma_start3A_315 = tpu.memref_slice %arg5[%dma_start3A_309, %dma_start3A_313, %dma_start3A_314] : memref<4x16x1024xf32, #tpu.memory_space<vmem>> -> memref<1x1x1024xf32, #tpu.memory_space<vmem>>
      %dma_start3A_316 = tpu.memref_squeeze %dma_start3A_315 : memref<1x1x1024xf32, #tpu.memory_space<vmem>> -> memref<1x1024xf32, #tpu.memory_space<vmem>>
      %dma_start3A_317 = arith.constant 0 : i32
      %dma_start3A_318 = tpu.memref_slice %arg2[%get3A_308, %dma_start3A_317] : memref<100000x1024xf32, #tpu.memory_space<hbm>> -> memref<1x1024xf32, #tpu.memory_space<hbm>>
      tpu.enqueue_dma source(%dma_start3A_318 : memref<1x1024xf32, #tpu.memory_space<hbm>>) target(%dma_start3A_316 : memref<1x1024xf32, #tpu.memory_space<vmem>>) target_semaphore(%dma_start3A_312 : memref<!tpu.dma_semaphore, #tpu.memory_space<semaphore_mem>>)
      %get3A_319 = arith.constant 22 : index
      %get3A_320 = memref.load %arg1[%get3A_319] : memref<4096xi32, #tpu.memory_space<smem>>
      %dma_start3A_321 = arith.constant 1 : i32
      %dma_start3A_322 = arith.constant 1 : i32
      %dma_start3A_323 = tpu.memref_slice %arg7[%dma_start3A_322] : memref<4x!tpu.dma_semaphore, #tpu.memory_space<semaphore_mem>> -> memref<1x!tpu.dma_semaphore, #tpu.memory_space<semaphore_mem>>
      %dma_start3A_324 = tpu.memref_squeeze %dma_start3A_323 : memref<1x!tpu.dma_semaphore, #tpu.memory_space<semaphore_mem>> -> memref<!tpu.dma_semaphore, #tpu.memory_space<semaphore_mem>>
      %dma_start3A_325 = arith.constant 6 : i32
      %dma_start3A_326 = arith.constant 0 : i32
      %dma_start3A_327 = tpu.memref_slice %arg5[%dma_start3A_321, %dma_start3A_325, %dma_start3A_326] : memref<4x16x1024xf32, #tpu.memory_space<vmem>> -> memref<1x1x1024xf32, #tpu.memory_space<vmem>>
      %dma_start3A_328 = tpu.memref_squeeze %dma_start3A_327 : memref<1x1x1024xf32, #tpu.memory_space<vmem>> -> memref<1x1024xf32, #tpu.memory_space<vmem>>
      %dma_start3A_329 = arith.constant 0 : i32
      %dma_start3A_330 = tpu.memref_slice %arg2[%get3A_320, %dma_start3A_329] : memref<100000x1024xf32, #tpu.memory_space<hbm>> -> memref<1x1024xf32, #tpu.memory_space<hbm>>
      tpu.enqueue_dma source(%dma_start3A_330 : memref<1x1024xf32, #tpu.memory_space<hbm>>) target(%dma_start3A_328 : memref<1x1024xf32, #tpu.memory_space<vmem>>) target_semaphore(%dma_start3A_324 : memref<!tpu.dma_semaphore, #tpu.memory_space<semaphore_mem>>)
      %get3A_331 = arith.constant 23 : index
      %get3A_332 = memref.load %arg1[%get3A_331] : memref<4096xi32, #tpu.memory_space<smem>>
      %dma_start3A_333 = arith.constant 1 : i32
      %dma_start3A_334 = arith.constant 1 : i32
      %dma_start3A_335 = tpu.memref_slice %arg7[%dma_start3A_334] : memref<4x!tpu.dma_semaphore, #tpu.memory_space<semaphore_mem>> -> memref<1x!tpu.dma_semaphore, #tpu.memory_space<semaphore_mem>>
      %dma_start3A_336 = tpu.memref_squeeze %dma_start3A_335 : memref<1x!tpu.dma_semaphore, #tpu.memory_space<semaphore_mem>> -> memref<!tpu.dma_semaphore, #tpu.memory_space<semaphore_mem>>
      %dma_start3A_337 = arith.constant 7 : i32
      %dma_start3A_338 = arith.constant 0 : i32
      %dma_start3A_339 = tpu.memref_slice %arg5[%dma_start3A_333, %dma_start3A_337, %dma_start3A_338] : memref<4x16x1024xf32, #tpu.memory_space<vmem>> -> memref<1x1x1024xf32, #tpu.memory_space<vmem>>
      %dma_start3A_340 = tpu.memref_squeeze %dma_start3A_339 : memref<1x1x1024xf32, #tpu.memory_space<vmem>> -> memref<1x1024xf32, #tpu.memory_space<vmem>>
      %dma_start3A_341 = arith.constant 0 : i32
      %dma_start3A_342 = tpu.memref_slice %arg2[%get3A_332, %dma_start3A_341] : memref<100000x1024xf32, #tpu.memory_space<hbm>> -> memref<1x1024xf32, #tpu.memory_space<hbm>>
      tpu.enqueue_dma source(%dma_start3A_342 : memref<1x1024xf32, #tpu.memory_space<hbm>>) target(%dma_start3A_340 : memref<1x1024xf32, #tpu.memory_space<vmem>>) target_semaphore(%dma_start3A_336 : memref<!tpu.dma_semaphore, #tpu.memory_space<semaphore_mem>>)
      %get3A_343 = arith.constant 24 : index
      %get3A_344 = memref.load %arg1[%get3A_343] : memref<4096xi32, #tpu.memory_space<smem>>
      %dma_start3A_345 = arith.constant 1 : i32
      %dma_start3A_346 = arith.constant 1 : i32
      %dma_start3A_347 = tpu.memref_slice %arg7[%dma_start3A_346] : memref<4x!tpu.dma_semaphore, #tpu.memory_space<semaphore_mem>> -> memref<1x!tpu.dma_semaphore, #tpu.memory_space<semaphore_mem>>
      %dma_start3A_348 = tpu.memref_squeeze %dma_start3A_347 : memref<1x!tpu.dma_semaphore, #tpu.memory_space<semaphore_mem>> -> memref<!tpu.dma_semaphore, #tpu.memory_space<semaphore_mem>>
      %dma_start3A_349 = arith.constant 8 : i32
      %dma_start3A_350 = arith.constant 0 : i32
      %dma_start3A_351 = tpu.memref_slice %arg5[%dma_start3A_345, %dma_start3A_349, %dma_start3A_350] : memref<4x16x1024xf32, #tpu.memory_space<vmem>> -> memref<1x1x1024xf32, #tpu.memory_space<vmem>>
      %dma_start3A_352 = tpu.memref_squeeze %dma_start3A_351 : memref<1x1x1024xf32, #tpu.memory_space<vmem>> -> memref<1x1024xf32, #tpu.memory_space<vmem>>
      %dma_start3A_353 = arith.constant 0 : i32
      %dma_start3A_354 = tpu.memref_slice %arg2[%get3A_344, %dma_start3A_353] : memref<100000x1024xf32, #tpu.memory_space<hbm>> -> memref<1x1024xf32, #tpu.memory_space<hbm>>
      tpu.enqueue_dma source(%dma_start3A_354 : memref<1x1024xf32, #tpu.memory_space<hbm>>) target(%dma_start3A_352 : memref<1x1024xf32, #tpu.memory_space<vmem>>) target_semaphore(%dma_start3A_348 : memref<!tpu.dma_semaphore, #tpu.memory_space<semaphore_mem>>)
      %get3A_355 = arith.constant 25 : index
      %get3A_356 = memref.load %arg1[%get3A_355] : memref<4096xi32, #tpu.memory_space<smem>>
      %dma_start3A_357 = arith.constant 1 : i32
      %dma_start3A_358 = arith.constant 1 : i32
      %dma_start3A_359 = tpu.memref_slice %arg7[%dma_start3A_358] : memref<4x!tpu.dma_semaphore, #tpu.memory_space<semaphore_mem>> -> memref<1x!tpu.dma_semaphore, #tpu.memory_space<semaphore_mem>>
      %dma_start3A_360 = tpu.memref_squeeze %dma_start3A_359 : memref<1x!tpu.dma_semaphore, #tpu.memory_space<semaphore_mem>> -> memref<!tpu.dma_semaphore, #tpu.memory_space<semaphore_mem>>
      %dma_start3A_361 = arith.constant 9 : i32
      %dma_start3A_362 = arith.constant 0 : i32
      %dma_start3A_363 = tpu.memref_slice %arg5[%dma_start3A_357, %dma_start3A_361, %dma_start3A_362] : memref<4x16x1024xf32, #tpu.memory_space<vmem>> -> memref<1x1x1024xf32, #tpu.memory_space<vmem>>
      %dma_start3A_364 = tpu.memref_squeeze %dma_start3A_363 : memref<1x1x1024xf32, #tpu.memory_space<vmem>> -> memref<1x1024xf32, #tpu.memory_space<vmem>>
      %dma_start3A_365 = arith.constant 0 : i32
      %dma_start3A_366 = tpu.memref_slice %arg2[%get3A_356, %dma_start3A_365] : memref<100000x1024xf32, #tpu.memory_space<hbm>> -> memref<1x1024xf32, #tpu.memory_space<hbm>>
      tpu.enqueue_dma source(%dma_start3A_366 : memref<1x1024xf32, #tpu.memory_space<hbm>>) target(%dma_start3A_364 : memref<1x1024xf32, #tpu.memory_space<vmem>>) target_semaphore(%dma_start3A_360 : memref<!tpu.dma_semaphore, #tpu.memory_space<semaphore_mem>>)
      %get3A_367 = arith.constant 26 : index
      %get3A_368 = memref.load %arg1[%get3A_367] : memref<4096xi32, #tpu.memory_space<smem>>
      %dma_start3A_369 = arith.constant 1 : i32
      %dma_start3A_370 = arith.constant 1 : i32
      %dma_start3A_371 = tpu.memref_slice %arg7[%dma_start3A_370] : memref<4x!tpu.dma_semaphore, #tpu.memory_space<semaphore_mem>> -> memref<1x!tpu.dma_semaphore, #tpu.memory_space<semaphore_mem>>
      %dma_start3A_372 = tpu.memref_squeeze %dma_start3A_371 : memref<1x!tpu.dma_semaphore, #tpu.memory_space<semaphore_mem>> -> memref<!tpu.dma_semaphore, #tpu.memory_space<semaphore_mem>>
      %dma_start3A_373 = arith.constant 10 : i32
      %dma_start3A_374 = arith.constant 0 : i32
      %dma_start3A_375 = tpu.memref_slice %arg5[%dma_start3A_369, %dma_start3A_373, %dma_start3A_374] : memref<4x16x1024xf32, #tpu.memory_space<vmem>> -> memref<1x1x1024xf32, #tpu.memory_space<vmem>>
      %dma_start3A_376 = tpu.memref_squeeze %dma_start3A_375 : memref<1x1x1024xf32, #tpu.memory_space<vmem>> -> memref<1x1024xf32, #tpu.memory_space<vmem>>
      %dma_start3A_377 = arith.constant 0 : i32
      %dma_start3A_378 = tpu.memref_slice %arg2[%get3A_368, %dma_start3A_377] : memref<100000x1024xf32, #tpu.memory_space<hbm>> -> memref<1x1024xf32, #tpu.memory_space<hbm>>
      tpu.enqueue_dma source(%dma_start3A_378 : memref<1x1024xf32, #tpu.memory_space<hbm>>) target(%dma_start3A_376 : memref<1x1024xf32, #tpu.memory_space<vmem>>) target_semaphore(%dma_start3A_372 : memref<!tpu.dma_semaphore, #tpu.memory_space<semaphore_mem>>)
      %get3A_379 = arith.constant 27 : index
      %get3A_380 = memref.load %arg1[%get3A_379] : memref<4096xi32, #tpu.memory_space<smem>>
      %dma_start3A_381 = arith.constant 1 : i32
      %dma_start3A_382 = arith.constant 1 : i32
      %dma_start3A_383 = tpu.memref_slice %arg7[%dma_start3A_382] : memref<4x!tpu.dma_semaphore, #tpu.memory_space<semaphore_mem>> -> memref<1x!tpu.dma_semaphore, #tpu.memory_space<semaphore_mem>>
      %dma_start3A_384 = tpu.memref_squeeze %dma_start3A_383 : memref<1x!tpu.dma_semaphore, #tpu.memory_space<semaphore_mem>> -> memref<!tpu.dma_semaphore, #tpu.memory_space<semaphore_mem>>
      %dma_start3A_385 = arith.constant 11 : i32
      %dma_start3A_386 = arith.constant 0 : i32
      %dma_start3A_387 = tpu.memref_slice %arg5[%dma_start3A_381, %dma_start3A_385, %dma_start3A_386] : memref<4x16x1024xf32, #tpu.memory_space<vmem>> -> memref<1x1x1024xf32, #tpu.memory_space<vmem>>
      %dma_start3A_388 = tpu.memref_squeeze %dma_start3A_387 : memref<1x1x1024xf32, #tpu.memory_space<vmem>> -> memref<1x1024xf32, #tpu.memory_space<vmem>>
      %dma_start3A_389 = arith.constant 0 : i32
      %dma_start3A_390 = tpu.memref_slice %arg2[%get3A_380, %dma_start3A_389] : memref<100000x1024xf32, #tpu.memory_space<hbm>> -> memref<1x1024xf32, #tpu.memory_space<hbm>>
      tpu.enqueue_dma source(%dma_start3A_390 : memref<1x1024xf32, #tpu.memory_space<hbm>>) target(%dma_start3A_388 : memref<1x1024xf32, #tpu.memory_space<vmem>>) target_semaphore(%dma_start3A_384 : memref<!tpu.dma_semaphore, #tpu.memory_space<semaphore_mem>>)
      %get3A_391 = arith.constant 28 : index
      %get3A_392 = memref.load %arg1[%get3A_391] : memref<4096xi32, #tpu.memory_space<smem>>
      %dma_start3A_393 = arith.constant 1 : i32
      %dma_start3A_394 = arith.constant 1 : i32
      %dma_start3A_395 = tpu.memref_slice %arg7[%dma_start3A_394] : memref<4x!tpu.dma_semaphore, #tpu.memory_space<semaphore_mem>> -> memref<1x!tpu.dma_semaphore, #tpu.memory_space<semaphore_mem>>
      %dma_start3A_396 = tpu.memref_squeeze %dma_start3A_395 : memref<1x!tpu.dma_semaphore, #tpu.memory_space<semaphore_mem>> -> memref<!tpu.dma_semaphore, #tpu.memory_space<semaphore_mem>>
      %dma_start3A_397 = arith.constant 12 : i32
      %dma_start3A_398 = arith.constant 0 : i32
      %dma_start3A_399 = tpu.memref_slice %arg5[%dma_start3A_393, %dma_start3A_397, %dma_start3A_398] : memref<4x16x1024xf32, #tpu.memory_space<vmem>> -> memref<1x1x1024xf32, #tpu.memory_space<vmem>>
      %dma_start3A_400 = tpu.memref_squeeze %dma_start3A_399 : memref<1x1x1024xf32, #tpu.memory_space<vmem>> -> memref<1x1024xf32, #tpu.memory_space<vmem>>
      %dma_start3A_401 = arith.constant 0 : i32
      %dma_start3A_402 = tpu.memref_slice %arg2[%get3A_392, %dma_start3A_401] : memref<100000x1024xf32, #tpu.memory_space<hbm>> -> memref<1x1024xf32, #tpu.memory_space<hbm>>
      tpu.enqueue_dma source(%dma_start3A_402 : memref<1x1024xf32, #tpu.memory_space<hbm>>) target(%dma_start3A_400 : memref<1x1024xf32, #tpu.memory_space<vmem>>) target_semaphore(%dma_start3A_396 : memref<!tpu.dma_semaphore, #tpu.memory_space<semaphore_mem>>)
      %get3A_403 = arith.constant 29 : index
      %get3A_404 = memref.load %arg1[%get3A_403] : memref<4096xi32, #tpu.memory_space<smem>>
      %dma_start3A_405 = arith.constant 1 : i32
      %dma_start3A_406 = arith.constant 1 : i32
      %dma_start3A_407 = tpu.memref_slice %arg7[%dma_start3A_406] : memref<4x!tpu.dma_semaphore, #tpu.memory_space<semaphore_mem>> -> memref<1x!tpu.dma_semaphore, #tpu.memory_space<semaphore_mem>>
      %dma_start3A_408 = tpu.memref_squeeze %dma_start3A_407 : memref<1x!tpu.dma_semaphore, #tpu.memory_space<semaphore_mem>> -> memref<!tpu.dma_semaphore, #tpu.memory_space<semaphore_mem>>
      %dma_start3A_409 = arith.constant 13 : i32
      %dma_start3A_410 = arith.constant 0 : i32
      %dma_start3A_411 = tpu.memref_slice %arg5[%dma_start3A_405, %dma_start3A_409, %dma_start3A_410] : memref<4x16x1024xf32, #tpu.memory_space<vmem>> -> memref<1x1x1024xf32, #tpu.memory_space<vmem>>
      %dma_start3A_412 = tpu.memref_squeeze %dma_start3A_411 : memref<1x1x1024xf32, #tpu.memory_space<vmem>> -> memref<1x1024xf32, #tpu.memory_space<vmem>>
      %dma_start3A_413 = arith.constant 0 : i32
      %dma_start3A_414 = tpu.memref_slice %arg2[%get3A_404, %dma_start3A_413] : memref<100000x1024xf32, #tpu.memory_space<hbm>> -> memref<1x1024xf32, #tpu.memory_space<hbm>>
      tpu.enqueue_dma source(%dma_start3A_414 : memref<1x1024xf32, #tpu.memory_space<hbm>>) target(%dma_start3A_412 : memref<1x1024xf32, #tpu.memory_space<vmem>>) target_semaphore(%dma_start3A_408 : memref<!tpu.dma_semaphore, #tpu.memory_space<semaphore_mem>>)
      %get3A_415 = arith.constant 30 : index
      %get3A_416 = memref.load %arg1[%get3A_415] : memref<4096xi32, #tpu.memory_space<smem>>
      %dma_start3A_417 = arith.constant 1 : i32
      %dma_start3A_418 = arith.constant 1 : i32
      %dma_start3A_419 = tpu.memref_slice %arg7[%dma_start3A_418] : memref<4x!tpu.dma_semaphore, #tpu.memory_space<semaphore_mem>> -> memref<1x!tpu.dma_semaphore, #tpu.memory_space<semaphore_mem>>
      %dma_start3A_420 = tpu.memref_squeeze %dma_start3A_419 : memref<1x!tpu.dma_semaphore, #tpu.memory_space<semaphore_mem>> -> memref<!tpu.dma_semaphore, #tpu.memory_space<semaphore_mem>>
      %dma_start3A_421 = arith.constant 14 : i32
      %dma_start3A_422 = arith.constant 0 : i32
      %dma_start3A_423 = tpu.memref_slice %arg5[%dma_start3A_417, %dma_start3A_421, %dma_start3A_422] : memref<4x16x1024xf32, #tpu.memory_space<vmem>> -> memref<1x1x1024xf32, #tpu.memory_space<vmem>>
      %dma_start3A_424 = tpu.memref_squeeze %dma_start3A_423 : memref<1x1x1024xf32, #tpu.memory_space<vmem>> -> memref<1x1024xf32, #tpu.memory_space<vmem>>
      %dma_start3A_425 = arith.constant 0 : i32
      %dma_start3A_426 = tpu.memref_slice %arg2[%get3A_416, %dma_start3A_425] : memref<100000x1024xf32, #tpu.memory_space<hbm>> -> memref<1x1024xf32, #tpu.memory_space<hbm>>
      tpu.enqueue_dma source(%dma_start3A_426 : memref<1x1024xf32, #tpu.memory_space<hbm>>) target(%dma_start3A_424 : memref<1x1024xf32, #tpu.memory_space<vmem>>) target_semaphore(%dma_start3A_420 : memref<!tpu.dma_semaphore, #tpu.memory_space<semaphore_mem>>)
      %get3A_427 = arith.constant 31 : index
      %get3A_428 = memref.load %arg1[%get3A_427] : memref<4096xi32, #tpu.memory_space<smem>>
      %dma_start3A_429 = arith.constant 1 : i32
      %dma_start3A_430 = arith.constant 1 : i32
      %dma_start3A_431 = tpu.memref_slice %arg7[%dma_start3A_430] : memref<4x!tpu.dma_semaphore, #tpu.memory_space<semaphore_mem>> -> memref<1x!tpu.dma_semaphore, #tpu.memory_space<semaphore_mem>>
      %dma_start3A_432 = tpu.memref_squeeze %dma_start3A_431 : memref<1x!tpu.dma_semaphore, #tpu.memory_space<semaphore_mem>> -> memref<!tpu.dma_semaphore, #tpu.memory_space<semaphore_mem>>
      %dma_start3A_433 = arith.constant 15 : i32
      %dma_start3A_434 = arith.constant 0 : i32
      %dma_start3A_435 = tpu.memref_slice %arg5[%dma_start3A_429, %dma_start3A_433, %dma_start3A_434] : memref<4x16x1024xf32, #tpu.memory_space<vmem>> -> memref<1x1x1024xf32, #tpu.memory_space<vmem>>
      %dma_start3A_436 = tpu.memref_squeeze %dma_start3A_435 : memref<1x1x1024xf32, #tpu.memory_space<vmem>> -> memref<1x1024xf32, #tpu.memory_space<vmem>>
      %dma_start3A_437 = arith.constant 0 : i32
      %dma_start3A_438 = tpu.memref_slice %arg2[%get3A_428, %dma_start3A_437] : memref<100000x1024xf32, #tpu.memory_space<hbm>> -> memref<1x1024xf32, #tpu.memory_space<hbm>>
      tpu.enqueue_dma source(%dma_start3A_438 : memref<1x1024xf32, #tpu.memory_space<hbm>>) target(%dma_start3A_436 : memref<1x1024xf32, #tpu.memory_space<vmem>>) target_semaphore(%dma_start3A_432 : memref<!tpu.dma_semaphore, #tpu.memory_space<semaphore_mem>>)
      %get3A_439 = arith.constant 32 : index
      %get3A_440 = memref.load %arg1[%get3A_439] : memref<4096xi32, #tpu.memory_space<smem>>
      %dma_start3A_441 = arith.constant 2 : i32
      %dma_start3A_442 = arith.constant 2 : i32
      %dma_start3A_443 = tpu.memref_slice %arg7[%dma_start3A_442] : memref<4x!tpu.dma_semaphore, #tpu.memory_space<semaphore_mem>> -> memref<1x!tpu.dma_semaphore, #tpu.memory_space<semaphore_mem>>
      %dma_start3A_444 = tpu.memref_squeeze %dma_start3A_443 : memref<1x!tpu.dma_semaphore, #tpu.memory_space<semaphore_mem>> -> memref<!tpu.dma_semaphore, #tpu.memory_space<semaphore_mem>>
      %dma_start3A_445 = arith.constant 0 : i32
      %dma_start3A_446 = arith.constant 0 : i32
      %dma_start3A_447 = tpu.memref_slice %arg5[%dma_start3A_441, %dma_start3A_445, %dma_start3A_446] : memref<4x16x1024xf32, #tpu.memory_space<vmem>> -> memref<1x1x1024xf32, #tpu.memory_space<vmem>>
      %dma_start3A_448 = tpu.memref_squeeze %dma_start3A_447 : memref<1x1x1024xf32, #tpu.memory_space<vmem>> -> memref<1x1024xf32, #tpu.memory_space<vmem>>
      %dma_start3A_449 = arith.constant 0 : i32
      %dma_start3A_450 = tpu.memref_slice %arg2[%get3A_440, %dma_start3A_449] : memref<100000x1024xf32, #tpu.memory_space<hbm>> -> memref<1x1024xf32, #tpu.memory_space<hbm>>
      tpu.enqueue_dma source(%dma_start3A_450 : memref<1x1024xf32, #tpu.memory_space<hbm>>) target(%dma_start3A_448 : memref<1x1024xf32, #tpu.memory_space<vmem>>) target_semaphore(%dma_start3A_444 : memref<!tpu.dma_semaphore, #tpu.memory_space<semaphore_mem>>)
      %get3A_451 = arith.constant 33 : index
      %get3A_452 = memref.load %arg1[%get3A_451] : memref<4096xi32, #tpu.memory_space<smem>>
      %dma_start3A_453 = arith.constant 2 : i32
      %dma_start3A_454 = arith.constant 2 : i32
      %dma_start3A_455 = tpu.memref_slice %arg7[%dma_start3A_454] : memref<4x!tpu.dma_semaphore, #tpu.memory_space<semaphore_mem>> -> memref<1x!tpu.dma_semaphore, #tpu.memory_space<semaphore_mem>>
      %dma_start3A_456 = tpu.memref_squeeze %dma_start3A_455 : memref<1x!tpu.dma_semaphore, #tpu.memory_space<semaphore_mem>> -> memref<!tpu.dma_semaphore, #tpu.memory_space<semaphore_mem>>
      %dma_start3A_457 = arith.constant 1 : i32
      %dma_start3A_458 = arith.constant 0 : i32
      %dma_start3A_459 = tpu.memref_slice %arg5[%dma_start3A_453, %dma_start3A_457, %dma_start3A_458] : memref<4x16x1024xf32, #tpu.memory_space<vmem>> -> memref<1x1x1024xf32, #tpu.memory_space<vmem>>
      %dma_start3A_460 = tpu.memref_squeeze %dma_start3A_459 : memref<1x1x1024xf32, #tpu.memory_space<vmem>> -> memref<1x1024xf32, #tpu.memory_space<vmem>>
      %dma_start3A_461 = arith.constant 0 : i32
      %dma_start3A_462 = tpu.memref_slice %arg2[%get3A_452, %dma_start3A_461] : memref<100000x1024xf32, #tpu.memory_space<hbm>> -> memref<1x1024xf32, #tpu.memory_space<hbm>>
      tpu.enqueue_dma source(%dma_start3A_462 : memref<1x1024xf32, #tpu.memory_space<hbm>>) target(%dma_start3A_460 : memref<1x1024xf32, #tpu.memory_space<vmem>>) target_semaphore(%dma_start3A_456 : memref<!tpu.dma_semaphore, #tpu.memory_space<semaphore_mem>>)
      %get3A_463 = arith.constant 34 : index
      %get3A_464 = memref.load %arg1[%get3A_463] : memref<4096xi32, #tpu.memory_space<smem>>
      %dma_start3A_465 = arith.constant 2 : i32
      %dma_start3A_466 = arith.constant 2 : i32
      %dma_start3A_467 = tpu.memref_slice %arg7[%dma_start3A_466] : memref<4x!tpu.dma_semaphore, #tpu.memory_space<semaphore_mem>> -> memref<1x!tpu.dma_semaphore, #tpu.memory_space<semaphore_mem>>
      %dma_start3A_468 = tpu.memref_squeeze %dma_start3A_467 : memref<1x!tpu.dma_semaphore, #tpu.memory_space<semaphore_mem>> -> memref<!tpu.dma_semaphore, #tpu.memory_space<semaphore_mem>>
      %dma_start3A_469 = arith.constant 2 : i32
      %dma_start3A_470 = arith.constant 0 : i32
      %dma_start3A_471 = tpu.memref_slice %arg5[%dma_start3A_465, %dma_start3A_469, %dma_start3A_470] : memref<4x16x1024xf32, #tpu.memory_space<vmem>> -> memref<1x1x1024xf32, #tpu.memory_space<vmem>>
      %dma_start3A_472 = tpu.memref_squeeze %dma_start3A_471 : memref<1x1x1024xf32, #tpu.memory_space<vmem>> -> memref<1x1024xf32, #tpu.memory_space<vmem>>
      %dma_start3A_473 = arith.constant 0 : i32
      %dma_start3A_474 = tpu.memref_slice %arg2[%get3A_464, %dma_start3A_473] : memref<100000x1024xf32, #tpu.memory_space<hbm>> -> memref<1x1024xf32, #tpu.memory_space<hbm>>
      tpu.enqueue_dma source(%dma_start3A_474 : memref<1x1024xf32, #tpu.memory_space<hbm>>) target(%dma_start3A_472 : memref<1x1024xf32, #tpu.memory_space<vmem>>) target_semaphore(%dma_start3A_468 : memref<!tpu.dma_semaphore, #tpu.memory_space<semaphore_mem>>)
      %get3A_475 = arith.constant 35 : index
      %get3A_476 = memref.load %arg1[%get3A_475] : memref<4096xi32, #tpu.memory_space<smem>>
      %dma_start3A_477 = arith.constant 2 : i32
      %dma_start3A_478 = arith.constant 2 : i32
      %dma_start3A_479 = tpu.memref_slice %arg7[%dma_start3A_478] : memref<4x!tpu.dma_semaphore, #tpu.memory_space<semaphore_mem>> -> memref<1x!tpu.dma_semaphore, #tpu.memory_space<semaphore_mem>>
      %dma_start3A_480 = tpu.memref_squeeze %dma_start3A_479 : memref<1x!tpu.dma_semaphore, #tpu.memory_space<semaphore_mem>> -> memref<!tpu.dma_semaphore, #tpu.memory_space<semaphore_mem>>
      %dma_start3A_481 = arith.constant 3 : i32
      %dma_start3A_482 = arith.constant 0 : i32
      %dma_start3A_483 = tpu.memref_slice %arg5[%dma_start3A_477, %dma_start3A_481, %dma_start3A_482] : memref<4x16x1024xf32, #tpu.memory_space<vmem>> -> memref<1x1x1024xf32, #tpu.memory_space<vmem>>
      %dma_start3A_484 = tpu.memref_squeeze %dma_start3A_483 : memref<1x1x1024xf32, #tpu.memory_space<vmem>> -> memref<1x1024xf32, #tpu.memory_space<vmem>>
      %dma_start3A_485 = arith.constant 0 : i32
      %dma_start3A_486 = tpu.memref_slice %arg2[%get3A_476, %dma_start3A_485] : memref<100000x1024xf32, #tpu.memory_space<hbm>> -> memref<1x1024xf32, #tpu.memory_space<hbm>>
      tpu.enqueue_dma source(%dma_start3A_486 : memref<1x1024xf32, #tpu.memory_space<hbm>>) target(%dma_start3A_484 : memref<1x1024xf32, #tpu.memory_space<vmem>>) target_semaphore(%dma_start3A_480 : memref<!tpu.dma_semaphore, #tpu.memory_space<semaphore_mem>>)
      %get3A_487 = arith.constant 36 : index
      %get3A_488 = memref.load %arg1[%get3A_487] : memref<4096xi32, #tpu.memory_space<smem>>
      %dma_start3A_489 = arith.constant 2 : i32
      %dma_start3A_490 = arith.constant 2 : i32
      %dma_start3A_491 = tpu.memref_slice %arg7[%dma_start3A_490] : memref<4x!tpu.dma_semaphore, #tpu.memory_space<semaphore_mem>> -> memref<1x!tpu.dma_semaphore, #tpu.memory_space<semaphore_mem>>
      %dma_start3A_492 = tpu.memref_squeeze %dma_start3A_491 : memref<1x!tpu.dma_semaphore, #tpu.memory_space<semaphore_mem>> -> memref<!tpu.dma_semaphore, #tpu.memory_space<semaphore_mem>>
      %dma_start3A_493 = arith.constant 4 : i32
      %dma_start3A_494 = arith.constant 0 : i32
      %dma_start3A_495 = tpu.memref_slice %arg5[%dma_start3A_489, %dma_start3A_493, %dma_start3A_494] : memref<4x16x1024xf32, #tpu.memory_space<vmem>> -> memref<1x1x1024xf32, #tpu.memory_space<vmem>>
      %dma_start3A_496 = tpu.memref_squeeze %dma_start3A_495 : memref<1x1x1024xf32, #tpu.memory_space<vmem>> -> memref<1x1024xf32, #tpu.memory_space<vmem>>
      %dma_start3A_497 = arith.constant 0 : i32
      %dma_start3A_498 = tpu.memref_slice %arg2[%get3A_488, %dma_start3A_497] : memref<100000x1024xf32, #tpu.memory_space<hbm>> -> memref<1x1024xf32, #tpu.memory_space<hbm>>
      tpu.enqueue_dma source(%dma_start3A_498 : memref<1x1024xf32, #tpu.memory_space<hbm>>) target(%dma_start3A_496 : memref<1x1024xf32, #tpu.memory_space<vmem>>) target_semaphore(%dma_start3A_492 : memref<!tpu.dma_semaphore, #tpu.memory_space<semaphore_mem>>)
      %get3A_499 = arith.constant 37 : index
      %get3A_500 = memref.load %arg1[%get3A_499] : memref<4096xi32, #tpu.memory_space<smem>>
      %dma_start3A_501 = arith.constant 2 : i32
      %dma_start3A_502 = arith.constant 2 : i32
      %dma_start3A_503 = tpu.memref_slice %arg7[%dma_start3A_502] : memref<4x!tpu.dma_semaphore, #tpu.memory_space<semaphore_mem>> -> memref<1x!tpu.dma_semaphore, #tpu.memory_space<semaphore_mem>>
      %dma_start3A_504 = tpu.memref_squeeze %dma_start3A_503 : memref<1x!tpu.dma_semaphore, #tpu.memory_space<semaphore_mem>> -> memref<!tpu.dma_semaphore, #tpu.memory_space<semaphore_mem>>
      %dma_start3A_505 = arith.constant 5 : i32
      %dma_start3A_506 = arith.constant 0 : i32
      %dma_start3A_507 = tpu.memref_slice %arg5[%dma_start3A_501, %dma_start3A_505, %dma_start3A_506] : memref<4x16x1024xf32, #tpu.memory_space<vmem>> -> memref<1x1x1024xf32, #tpu.memory_space<vmem>>
      %dma_start3A_508 = tpu.memref_squeeze %dma_start3A_507 : memref<1x1x1024xf32, #tpu.memory_space<vmem>> -> memref<1x1024xf32, #tpu.memory_space<vmem>>
      %dma_start3A_509 = arith.constant 0 : i32
      %dma_start3A_510 = tpu.memref_slice %arg2[%get3A_500, %dma_start3A_509] : memref<100000x1024xf32, #tpu.memory_space<hbm>> -> memref<1x1024xf32, #tpu.memory_space<hbm>>
      tpu.enqueue_dma source(%dma_start3A_510 : memref<1x1024xf32, #tpu.memory_space<hbm>>) target(%dma_start3A_508 : memref<1x1024xf32, #tpu.memory_space<vmem>>) target_semaphore(%dma_start3A_504 : memref<!tpu.dma_semaphore, #tpu.memory_space<semaphore_mem>>)
      %get3A_511 = arith.constant 38 : index
      %get3A_512 = memref.load %arg1[%get3A_511] : memref<4096xi32, #tpu.memory_space<smem>>
      %dma_start3A_513 = arith.constant 2 : i32
      %dma_start3A_514 = arith.constant 2 : i32
      %dma_start3A_515 = tpu.memref_slice %arg7[%dma_start3A_514] : memref<4x!tpu.dma_semaphore, #tpu.memory_space<semaphore_mem>> -> memref<1x!tpu.dma_semaphore, #tpu.memory_space<semaphore_mem>>
      %dma_start3A_516 = tpu.memref_squeeze %dma_start3A_515 : memref<1x!tpu.dma_semaphore, #tpu.memory_space<semaphore_mem>> -> memref<!tpu.dma_semaphore, #tpu.memory_space<semaphore_mem>>
      %dma_start3A_517 = arith.constant 6 : i32
      %dma_start3A_518 = arith.constant 0 : i32
      %dma_start3A_519 = tpu.memref_slice %arg5[%dma_start3A_513, %dma_start3A_517, %dma_start3A_518] : memref<4x16x1024xf32, #tpu.memory_space<vmem>> -> memref<1x1x1024xf32, #tpu.memory_space<vmem>>
      %dma_start3A_520 = tpu.memref_squeeze %dma_start3A_519 : memref<1x1x1024xf32, #tpu.memory_space<vmem>> -> memref<1x1024xf32, #tpu.memory_space<vmem>>
      %dma_start3A_521 = arith.constant 0 : i32
      %dma_start3A_522 = tpu.memref_slice %arg2[%get3A_512, %dma_start3A_521] : memref<100000x1024xf32, #tpu.memory_space<hbm>> -> memref<1x1024xf32, #tpu.memory_space<hbm>>
      tpu.enqueue_dma source(%dma_start3A_522 : memref<1x1024xf32, #tpu.memory_space<hbm>>) target(%dma_start3A_520 : memref<1x1024xf32, #tpu.memory_space<vmem>>) target_semaphore(%dma_start3A_516 : memref<!tpu.dma_semaphore, #tpu.memory_space<semaphore_mem>>)
      %get3A_523 = arith.constant 39 : index
      %get3A_524 = memref.load %arg1[%get3A_523] : memref<4096xi32, #tpu.memory_space<smem>>
      %dma_start3A_525 = arith.constant 2 : i32
      %dma_start3A_526 = arith.constant 2 : i32
      %dma_start3A_527 = tpu.memref_slice %arg7[%dma_start3A_526] : memref<4x!tpu.dma_semaphore, #tpu.memory_space<semaphore_mem>> -> memref<1x!tpu.dma_semaphore, #tpu.memory_space<semaphore_mem>>
      %dma_start3A_528 = tpu.memref_squeeze %dma_start3A_527 : memref<1x!tpu.dma_semaphore, #tpu.memory_space<semaphore_mem>> -> memref<!tpu.dma_semaphore, #tpu.memory_space<semaphore_mem>>
      %dma_start3A_529 = arith.constant 7 : i32
      %dma_start3A_530 = arith.constant 0 : i32
      %dma_start3A_531 = tpu.memref_slice %arg5[%dma_start3A_525, %dma_start3A_529, %dma_start3A_530] : memref<4x16x1024xf32, #tpu.memory_space<vmem>> -> memref<1x1x1024xf32, #tpu.memory_space<vmem>>
      %dma_start3A_532 = tpu.memref_squeeze %dma_start3A_531 : memref<1x1x1024xf32, #tpu.memory_space<vmem>> -> memref<1x1024xf32, #tpu.memory_space<vmem>>
      %dma_start3A_533 = arith.constant 0 : i32
      %dma_start3A_534 = tpu.memref_slice %arg2[%get3A_524, %dma_start3A_533] : memref<100000x1024xf32, #tpu.memory_space<hbm>> -> memref<1x1024xf32, #tpu.memory_space<hbm>>
      tpu.enqueue_dma source(%dma_start3A_534 : memref<1x1024xf32, #tpu.memory_space<hbm>>) target(%dma_start3A_532 : memref<1x1024xf32, #tpu.memory_space<vmem>>) target_semaphore(%dma_start3A_528 : memref<!tpu.dma_semaphore, #tpu.memory_space<semaphore_mem>>)
      %get3A_535 = arith.constant 40 : index
      %get3A_536 = memref.load %arg1[%get3A_535] : memref<4096xi32, #tpu.memory_space<smem>>
      %dma_start3A_537 = arith.constant 2 : i32
      %dma_start3A_538 = arith.constant 2 : i32
      %dma_start3A_539 = tpu.memref_slice %arg7[%dma_start3A_538] : memref<4x!tpu.dma_semaphore, #tpu.memory_space<semaphore_mem>> -> memref<1x!tpu.dma_semaphore, #tpu.memory_space<semaphore_mem>>
      %dma_start3A_540 = tpu.memref_squeeze %dma_start3A_539 : memref<1x!tpu.dma_semaphore, #tpu.memory_space<semaphore_mem>> -> memref<!tpu.dma_semaphore, #tpu.memory_space<semaphore_mem>>
      %dma_start3A_541 = arith.constant 8 : i32
      %dma_start3A_542 = arith.constant 0 : i32
      %dma_start3A_543 = tpu.memref_slice %arg5[%dma_start3A_537, %dma_start3A_541, %dma_start3A_542] : memref<4x16x1024xf32, #tpu.memory_space<vmem>> -> memref<1x1x1024xf32, #tpu.memory_space<vmem>>
      %dma_start3A_544 = tpu.memref_squeeze %dma_start3A_543 : memref<1x1x1024xf32, #tpu.memory_space<vmem>> -> memref<1x1024xf32, #tpu.memory_space<vmem>>
      %dma_start3A_545 = arith.constant 0 : i32
      %dma_start3A_546 = tpu.memref_slice %arg2[%get3A_536, %dma_start3A_545] : memref<100000x1024xf32, #tpu.memory_space<hbm>> -> memref<1x1024xf32, #tpu.memory_space<hbm>>
      tpu.enqueue_dma source(%dma_start3A_546 : memref<1x1024xf32, #tpu.memory_space<hbm>>) target(%dma_start3A_544 : memref<1x1024xf32, #tpu.memory_space<vmem>>) target_semaphore(%dma_start3A_540 : memref<!tpu.dma_semaphore, #tpu.memory_space<semaphore_mem>>)
      %get3A_547 = arith.constant 41 : index
      %get3A_548 = memref.load %arg1[%get3A_547] : memref<4096xi32, #tpu.memory_space<smem>>
      %dma_start3A_549 = arith.constant 2 : i32
      %dma_start3A_550 = arith.constant 2 : i32
      %dma_start3A_551 = tpu.memref_slice %arg7[%dma_start3A_550] : memref<4x!tpu.dma_semaphore, #tpu.memory_space<semaphore_mem>> -> memref<1x!tpu.dma_semaphore, #tpu.memory_space<semaphore_mem>>
      %dma_start3A_552 = tpu.memref_squeeze %dma_start3A_551 : memref<1x!tpu.dma_semaphore, #tpu.memory_space<semaphore_mem>> -> memref<!tpu.dma_semaphore, #tpu.memory_space<semaphore_mem>>
      %dma_start3A_553 = arith.constant 9 : i32
      %dma_start3A_554 = arith.constant 0 : i32
      %dma_start3A_555 = tpu.memref_slice %arg5[%dma_start3A_549, %dma_start3A_553, %dma_start3A_554] : memref<4x16x1024xf32, #tpu.memory_space<vmem>> -> memref<1x1x1024xf32, #tpu.memory_space<vmem>>
      %dma_start3A_556 = tpu.memref_squeeze %dma_start3A_555 : memref<1x1x1024xf32, #tpu.memory_space<vmem>> -> memref<1x1024xf32, #tpu.memory_space<vmem>>
      %dma_start3A_557 = arith.constant 0 : i32
      %dma_start3A_558 = tpu.memref_slice %arg2[%get3A_548, %dma_start3A_557] : memref<100000x1024xf32, #tpu.memory_space<hbm>> -> memref<1x1024xf32, #tpu.memory_space<hbm>>
      tpu.enqueue_dma source(%dma_start3A_558 : memref<1x1024xf32, #tpu.memory_space<hbm>>) target(%dma_start3A_556 : memref<1x1024xf32, #tpu.memory_space<vmem>>) target_semaphore(%dma_start3A_552 : memref<!tpu.dma_semaphore, #tpu.memory_space<semaphore_mem>>)
      %get3A_559 = arith.constant 42 : index
      %get3A_560 = memref.load %arg1[%get3A_559] : memref<4096xi32, #tpu.memory_space<smem>>
      %dma_start3A_561 = arith.constant 2 : i32
      %dma_start3A_562 = arith.constant 2 : i32
      %dma_start3A_563 = tpu.memref_slice %arg7[%dma_start3A_562] : memref<4x!tpu.dma_semaphore, #tpu.memory_space<semaphore_mem>> -> memref<1x!tpu.dma_semaphore, #tpu.memory_space<semaphore_mem>>
      %dma_start3A_564 = tpu.memref_squeeze %dma_start3A_563 : memref<1x!tpu.dma_semaphore, #tpu.memory_space<semaphore_mem>> -> memref<!tpu.dma_semaphore, #tpu.memory_space<semaphore_mem>>
      %dma_start3A_565 = arith.constant 10 : i32
      %dma_start3A_566 = arith.constant 0 : i32
      %dma_start3A_567 = tpu.memref_slice %arg5[%dma_start3A_561, %dma_start3A_565, %dma_start3A_566] : memref<4x16x1024xf32, #tpu.memory_space<vmem>> -> memref<1x1x1024xf32, #tpu.memory_space<vmem>>
      %dma_start3A_568 = tpu.memref_squeeze %dma_start3A_567 : memref<1x1x1024xf32, #tpu.memory_space<vmem>> -> memref<1x1024xf32, #tpu.memory_space<vmem>>
      %dma_start3A_569 = arith.constant 0 : i32
      %dma_start3A_570 = tpu.memref_slice %arg2[%get3A_560, %dma_start3A_569] : memref<100000x1024xf32, #tpu.memory_space<hbm>> -> memref<1x1024xf32, #tpu.memory_space<hbm>>
      tpu.enqueue_dma source(%dma_start3A_570 : memref<1x1024xf32, #tpu.memory_space<hbm>>) target(%dma_start3A_568 : memref<1x1024xf32, #tpu.memory_space<vmem>>) target_semaphore(%dma_start3A_564 : memref<!tpu.dma_semaphore, #tpu.memory_space<semaphore_mem>>)
      %get3A_571 = arith.constant 43 : index
      %get3A_572 = memref.load %arg1[%get3A_571] : memref<4096xi32, #tpu.memory_space<smem>>
      %dma_start3A_573 = arith.constant 2 : i32
      %dma_start3A_574 = arith.constant 2 : i32
      %dma_start3A_575 = tpu.memref_slice %arg7[%dma_start3A_574] : memref<4x!tpu.dma_semaphore, #tpu.memory_space<semaphore_mem>> -> memref<1x!tpu.dma_semaphore, #tpu.memory_space<semaphore_mem>>
      %dma_start3A_576 = tpu.memref_squeeze %dma_start3A_575 : memref<1x!tpu.dma_semaphore, #tpu.memory_space<semaphore_mem>> -> memref<!tpu.dma_semaphore, #tpu.memory_space<semaphore_mem>>
      %dma_start3A_577 = arith.constant 11 : i32
      %dma_start3A_578 = arith.constant 0 : i32
      %dma_start3A_579 = tpu.memref_slice %arg5[%dma_start3A_573, %dma_start3A_577, %dma_start3A_578] : memref<4x16x1024xf32, #tpu.memory_space<vmem>> -> memref<1x1x1024xf32, #tpu.memory_space<vmem>>
      %dma_start3A_580 = tpu.memref_squeeze %dma_start3A_579 : memref<1x1x1024xf32, #tpu.memory_space<vmem>> -> memref<1x1024xf32, #tpu.memory_space<vmem>>
      %dma_start3A_581 = arith.constant 0 : i32
      %dma_start3A_582 = tpu.memref_slice %arg2[%get3A_572, %dma_start3A_581] : memref<100000x1024xf32, #tpu.memory_space<hbm>> -> memref<1x1024xf32, #tpu.memory_space<hbm>>
      tpu.enqueue_dma source(%dma_start3A_582 : memref<1x1024xf32, #tpu.memory_space<hbm>>) target(%dma_start3A_580 : memref<1x1024xf32, #tpu.memory_space<vmem>>) target_semaphore(%dma_start3A_576 : memref<!tpu.dma_semaphore, #tpu.memory_space<semaphore_mem>>)
      %get3A_583 = arith.constant 44 : index
      %get3A_584 = memref.load %arg1[%get3A_583] : memref<4096xi32, #tpu.memory_space<smem>>
      %dma_start3A_585 = arith.constant 2 : i32
      %dma_start3A_586 = arith.constant 2 : i32
      %dma_start3A_587 = tpu.memref_slice %arg7[%dma_start3A_586] : memref<4x!tpu.dma_semaphore, #tpu.memory_space<semaphore_mem>> -> memref<1x!tpu.dma_semaphore, #tpu.memory_space<semaphore_mem>>
      %dma_start3A_588 = tpu.memref_squeeze %dma_start3A_587 : memref<1x!tpu.dma_semaphore, #tpu.memory_space<semaphore_mem>> -> memref<!tpu.dma_semaphore, #tpu.memory_space<semaphore_mem>>
      %dma_start3A_589 = arith.constant 12 : i32
      %dma_start3A_590 = arith.constant 0 : i32
      %dma_start3A_591 = tpu.memref_slice %arg5[%dma_start3A_585, %dma_start3A_589, %dma_start3A_590] : memref<4x16x1024xf32, #tpu.memory_space<vmem>> -> memref<1x1x1024xf32, #tpu.memory_space<vmem>>
      %dma_start3A_592 = tpu.memref_squeeze %dma_start3A_591 : memref<1x1x1024xf32, #tpu.memory_space<vmem>> -> memref<1x1024xf32, #tpu.memory_space<vmem>>
      %dma_start3A_593 = arith.constant 0 : i32
      %dma_start3A_594 = tpu.memref_slice %arg2[%get3A_584, %dma_start3A_593] : memref<100000x1024xf32, #tpu.memory_space<hbm>> -> memref<1x1024xf32, #tpu.memory_space<hbm>>
      tpu.enqueue_dma source(%dma_start3A_594 : memref<1x1024xf32, #tpu.memory_space<hbm>>) target(%dma_start3A_592 : memref<1x1024xf32, #tpu.memory_space<vmem>>) target_semaphore(%dma_start3A_588 : memref<!tpu.dma_semaphore, #tpu.memory_space<semaphore_mem>>)
      %get3A_595 = arith.constant 45 : index
      %get3A_596 = memref.load %arg1[%get3A_595] : memref<4096xi32, #tpu.memory_space<smem>>
      %dma_start3A_597 = arith.constant 2 : i32
      %dma_start3A_598 = arith.constant 2 : i32
      %dma_start3A_599 = tpu.memref_slice %arg7[%dma_start3A_598] : memref<4x!tpu.dma_semaphore, #tpu.memory_space<semaphore_mem>> -> memref<1x!tpu.dma_semaphore, #tpu.memory_space<semaphore_mem>>
      %dma_start3A_600 = tpu.memref_squeeze %dma_start3A_599 : memref<1x!tpu.dma_semaphore, #tpu.memory_space<semaphore_mem>> -> memref<!tpu.dma_semaphore, #tpu.memory_space<semaphore_mem>>
      %dma_start3A_601 = arith.constant 13 : i32
      %dma_start3A_602 = arith.constant 0 : i32
      %dma_start3A_603 = tpu.memref_slice %arg5[%dma_start3A_597, %dma_start3A_601, %dma_start3A_602] : memref<4x16x1024xf32, #tpu.memory_space<vmem>> -> memref<1x1x1024xf32, #tpu.memory_space<vmem>>
      %dma_start3A_604 = tpu.memref_squeeze %dma_start3A_603 : memref<1x1x1024xf32, #tpu.memory_space<vmem>> -> memref<1x1024xf32, #tpu.memory_space<vmem>>
      %dma_start3A_605 = arith.constant 0 : i32
      %dma_start3A_606 = tpu.memref_slice %arg2[%get3A_596, %dma_start3A_605] : memref<100000x1024xf32, #tpu.memory_space<hbm>> -> memref<1x1024xf32, #tpu.memory_space<hbm>>
      tpu.enqueue_dma source(%dma_start3A_606 : memref<1x1024xf32, #tpu.memory_space<hbm>>) target(%dma_start3A_604 : memref<1x1024xf32, #tpu.memory_space<vmem>>) target_semaphore(%dma_start3A_600 : memref<!tpu.dma_semaphore, #tpu.memory_space<semaphore_mem>>)
      %get3A_607 = arith.constant 46 : index
      %get3A_608 = memref.load %arg1[%get3A_607] : memref<4096xi32, #tpu.memory_space<smem>>
      %dma_start3A_609 = arith.constant 2 : i32
      %dma_start3A_610 = arith.constant 2 : i32
      %dma_start3A_611 = tpu.memref_slice %arg7[%dma_start3A_610] : memref<4x!tpu.dma_semaphore, #tpu.memory_space<semaphore_mem>> -> memref<1x!tpu.dma_semaphore, #tpu.memory_space<semaphore_mem>>
      %dma_start3A_612 = tpu.memref_squeeze %dma_start3A_611 : memref<1x!tpu.dma_semaphore, #tpu.memory_space<semaphore_mem>> -> memref<!tpu.dma_semaphore, #tpu.memory_space<semaphore_mem>>
      %dma_start3A_613 = arith.constant 14 : i32
      %dma_start3A_614 = arith.constant 0 : i32
      %dma_start3A_615 = tpu.memref_slice %arg5[%dma_start3A_609, %dma_start3A_613, %dma_start3A_614] : memref<4x16x1024xf32, #tpu.memory_space<vmem>> -> memref<1x1x1024xf32, #tpu.memory_space<vmem>>
      %dma_start3A_616 = tpu.memref_squeeze %dma_start3A_615 : memref<1x1x1024xf32, #tpu.memory_space<vmem>> -> memref<1x1024xf32, #tpu.memory_space<vmem>>
      %dma_start3A_617 = arith.constant 0 : i32
      %dma_start3A_618 = tpu.memref_slice %arg2[%get3A_608, %dma_start3A_617] : memref<100000x1024xf32, #tpu.memory_space<hbm>> -> memref<1x1024xf32, #tpu.memory_space<hbm>>
      tpu.enqueue_dma source(%dma_start3A_618 : memref<1x1024xf32, #tpu.memory_space<hbm>>) target(%dma_start3A_616 : memref<1x1024xf32, #tpu.memory_space<vmem>>) target_semaphore(%dma_start3A_612 : memref<!tpu.dma_semaphore, #tpu.memory_space<semaphore_mem>>)
      %get3A_619 = arith.constant 47 : index
      %get3A_620 = memref.load %arg1[%get3A_619] : memref<4096xi32, #tpu.memory_space<smem>>
      %dma_start3A_621 = arith.constant 2 : i32
      %dma_start3A_622 = arith.constant 2 : i32
      %dma_start3A_623 = tpu.memref_slice %arg7[%dma_start3A_622] : memref<4x!tpu.dma_semaphore, #tpu.memory_space<semaphore_mem>> -> memref<1x!tpu.dma_semaphore, #tpu.memory_space<semaphore_mem>>
      %dma_start3A_624 = tpu.memref_squeeze %dma_start3A_623 : memref<1x!tpu.dma_semaphore, #tpu.memory_space<semaphore_mem>> -> memref<!tpu.dma_semaphore, #tpu.memory_space<semaphore_mem>>
      %dma_start3A_625 = arith.constant 15 : i32
      %dma_start3A_626 = arith.constant 0 : i32
      %dma_start3A_627 = tpu.memref_slice %arg5[%dma_start3A_621, %dma_start3A_625, %dma_start3A_626] : memref<4x16x1024xf32, #tpu.memory_space<vmem>> -> memref<1x1x1024xf32, #tpu.memory_space<vmem>>
      %dma_start3A_628 = tpu.memref_squeeze %dma_start3A_627 : memref<1x1x1024xf32, #tpu.memory_space<vmem>> -> memref<1x1024xf32, #tpu.memory_space<vmem>>
      %dma_start3A_629 = arith.constant 0 : i32
      %dma_start3A_630 = tpu.memref_slice %arg2[%get3A_620, %dma_start3A_629] : memref<100000x1024xf32, #tpu.memory_space<hbm>> -> memref<1x1024xf32, #tpu.memory_space<hbm>>
      tpu.enqueue_dma source(%dma_start3A_630 : memref<1x1024xf32, #tpu.memory_space<hbm>>) target(%dma_start3A_628 : memref<1x1024xf32, #tpu.memory_space<vmem>>) target_semaphore(%dma_start3A_624 : memref<!tpu.dma_semaphore, #tpu.memory_space<semaphore_mem>>)
    } else {
    }
    %rem3A = arith.constant 4 : i32
    %rem3A_2 = arith.remsi %arg0, %rem3A : i32
    %dma_wait3A = tpu.memref_slice %arg7[%rem3A_2] : memref<4x!tpu.dma_semaphore, #tpu.memory_space<semaphore_mem>> -> memref<1x!tpu.dma_semaphore, #tpu.memory_space<semaphore_mem>>
    %dma_wait3A_3 = tpu.memref_squeeze %dma_wait3A : memref<1x!tpu.dma_semaphore, #tpu.memory_space<semaphore_mem>> -> memref<!tpu.dma_semaphore, #tpu.memory_space<semaphore_mem>>
    %dma_wait3A_4 = arith.constant 0 : i32
    %dma_wait3A_5 = arith.constant 0 : i32
    %dma_wait3A_6 = tpu.memref_slice %arg5[%rem3A_2, %dma_wait3A_4, %dma_wait3A_5] : memref<4x16x1024xf32, #tpu.memory_space<vmem>> -> memref<1x16x1024xf32, #tpu.memory_space<vmem>>
    %dma_wait3A_7 = tpu.memref_squeeze %dma_wait3A_6 : memref<1x16x1024xf32, #tpu.memory_space<vmem>> -> memref<16x1024xf32, #tpu.memory_space<vmem>>
    %dma_wait3A_8 = arith.constant 0 : i32
    %dma_wait3A_9 = arith.constant 0 : i32
    %dma_wait3A_10 = tpu.memref_slice %arg2[%dma_wait3A_8, %dma_wait3A_9] : memref<100000x1024xf32, #tpu.memory_space<hbm>> -> memref<16x1024xf32, #tpu.memory_space<hbm>>
    tpu.wait_dma2 semaphore(%dma_wait3A_3 : memref<!tpu.dma_semaphore, #tpu.memory_space<semaphore_mem>>) src(%dma_wait3A_10 : memref<16x1024xf32, #tpu.memory_space<hbm>>) dst(%dma_wait3A_7 : memref<16x1024xf32, #tpu.memory_space<vmem>>)
    %rem3A_11 = arith.constant 2 : i32
    %rem3A_12 = arith.remsi %arg0, %rem3A_11 : i32
    %ge3A = arith.constant 2 : i32
    %ge3A_13 = arith.cmpi sge, %arg0, %ge3A : i32
    %convert_element_type3A_14 = arith.extui %ge3A_13 : i1 to i32
    %cond3A_15 = arith.constant 0 : i32
    %cond3A_16 = arith.cmpi ne, %convert_element_type3A_14, %cond3A_15 : i32
    scf.if %cond3A_16 {
      %dma_wait3A_55 = arith.constant 0 : i32
      %dma_wait3A_56 = tpu.memref_slice %arg8[%rem3A_12] : memref<2x!tpu.dma_semaphore, #tpu.memory_space<semaphore_mem>> -> memref<1x!tpu.dma_semaphore, #tpu.memory_space<semaphore_mem>>
      %dma_wait3A_57 = tpu.memref_squeeze %dma_wait3A_56 : memref<1x!tpu.dma_semaphore, #tpu.memory_space<semaphore_mem>> -> memref<!tpu.dma_semaphore, #tpu.memory_space<semaphore_mem>>
      %dma_wait3A_58 = arith.constant 0 : i32
      %dma_wait3A_59 = arith.constant 0 : i32
      %dma_wait3A_60 = tpu.memref_slice %arg4[%dma_wait3A_58, %dma_wait3A_59] : memref<4096x1024xf32, #tpu.memory_space<hbm>> -> memref<16x1024xf32, #tpu.memory_space<hbm>>
      %dma_wait3A_61 = arith.constant 0 : i32
      %dma_wait3A_62 = arith.constant 0 : i32
      %dma_wait3A_63 = tpu.memref_slice %arg6[%dma_wait3A_55, %dma_wait3A_61, %dma_wait3A_62] : memref<2x16x1024xf32, #tpu.memory_space<vmem>> -> memref<1x16x1024xf32, #tpu.memory_space<vmem>>
      %dma_wait3A_64 = tpu.memref_squeeze %dma_wait3A_63 : memref<1x16x1024xf32, #tpu.memory_space<vmem>> -> memref<16x1024xf32, #tpu.memory_space<vmem>>
      tpu.wait_dma2 semaphore(%dma_wait3A_57 : memref<!tpu.dma_semaphore, #tpu.memory_space<semaphore_mem>>) src(%dma_wait3A_64 : memref<16x1024xf32, #tpu.memory_space<vmem>>) dst(%dma_wait3A_60 : memref<16x1024xf32, #tpu.memory_space<hbm>>)
    } else {
    }
    %mul3A = arith.constant 16 : i32
    %mul3A_17 = arith.muli %arg0, %mul3A : i32
    %rem3A_18 = arith.constant 2048 : i32
    %rem3A_19 = arith.remsi %mul3A_17, %rem3A_18 : i32
    %get3A = arith.index_cast %rem3A_2 : i32 to index
    %get3A_20 = arith.constant 0 : index
    %get3A_21 = arith.constant 0 : index
    %get3A_22 = vector.load %arg5[%get3A, %get3A_20, %get3A_21] : memref<4x16x1024xf32, #tpu.memory_space<vmem>>, vector<1x16x1024xf32>
    %get3A_23 = vector.shape_cast %get3A_22 : vector<1x16x1024xf32> to vector<16x1024xf32>
    %mul3A_24 = arith.constant 3.200000e+01 : f32
    %mul3A_25 = vector.broadcast %mul3A_24 : f32 to vector<16x1024xf32>
    %mul3A_26 = arith.mulf %get3A_23, %mul3A_25 : vector<16x1024xf32>
    %get3A_27 = arith.index_cast %rem3A_19 : i32 to index
    %get3A_28 = arith.constant 0 : index
    %get3A_29 = vector.load %arg3[%get3A_27, %get3A_28] : memref<2048x1024xf32, #tpu.memory_space<vmem>>, vector<16x1024xf32>
    %add3A = arith.addf %mul3A_26, %get3A_29 : vector<16x1024xf32>
    %swap3A = arith.index_cast %rem3A_12 : i32 to index
    %swap3A_30 = arith.constant 0 : index
    %swap3A_31 = arith.constant 0 : index
    %swap3A_32 = vector.load %arg6[%swap3A, %swap3A_30, %swap3A_31] : memref<2x16x1024xf32, #tpu.memory_space<vmem>>, vector<1x16x1024xf32>
    %swap3A_33 = vector.shape_cast %swap3A_32 : vector<1x16x1024xf32> to vector<16x1024xf32>
    %swap3A_34 = vector.shape_cast %add3A : vector<16x1024xf32> to vector<1x16x1024xf32>
    tpu.vector_store %arg6[%swap3A, %swap3A_30, %swap3A_31], %swap3A_34 {strides = array<i32>} : memref<2x16x1024xf32, #tpu.memory_space<vmem>>, vector<1x16x1024xf32>,
    %mul3A_35 = arith.constant 16 : i32
    %mul3A_36 = arith.muli %arg0, %mul3A_35 : i32
    %dma_start3A = tpu.memref_slice %arg8[%rem3A_12] : memref<2x!tpu.dma_semaphore, #tpu.memory_space<semaphore_mem>> -> memref<1x!tpu.dma_semaphore, #tpu.memory_space<semaphore_mem>>
    %dma_start3A_37 = tpu.memref_squeeze %dma_start3A : memref<1x!tpu.dma_semaphore, #tpu.memory_space<semaphore_mem>> -> memref<!tpu.dma_semaphore, #tpu.memory_space<semaphore_mem>>
    %dma_start3A_38 = arith.constant 0 : i32
    %dma_start3A_39 = tpu.memref_slice %arg4[%mul3A_36, %dma_start3A_38] : memref<4096x1024xf32, #tpu.memory_space<hbm>> -> memref<16x1024xf32, #tpu.memory_space<hbm>>
    %dma_start3A_40 = arith.constant 0 : i32
    %dma_start3A_41 = arith.constant 0 : i32
    %dma_start3A_42 = tpu.memref_slice %arg6[%rem3A_12, %dma_start3A_40, %dma_start3A_41] : memref<2x16x1024xf32, #tpu.memory_space<vmem>> -> memref<1x16x1024xf32, #tpu.memory_space<vmem>>
    %dma_start3A_43 = tpu.memref_squeeze %dma_start3A_42 : memref<1x16x1024xf32, #tpu.memory_space<vmem>> -> memref<16x1024xf32, #tpu.memory_space<vmem>>
    tpu.enqueue_dma source(%dma_start3A_43 : memref<16x1024xf32, #tpu.memory_space<vmem>>) target(%dma_start3A_39 : memref<16x1024xf32, #tpu.memory_space<hbm>>) target_semaphore(%dma_start3A_37 : memref<!tpu.dma_semaphore, #tpu.memory_space<semaphore_mem>>)
    %add3A_44 = arith.constant 3 : i32
    %add3A_45 = arith.addi %arg0, %add3A_44 : i32
    %lt3A = arith.constant 256 : i32
    %lt3A_46 = arith.cmpi slt, %add3A_45, %lt3A : i32
    %convert_element_type3A_47 = arith.extui %lt3A_46 : i1 to i32
    %cond3A_48 = arith.constant 0 : i32
    %cond3A_49 = arith.cmpi ne, %convert_element_type3A_47, %cond3A_48 : i32
    scf.if %cond3A_49 {
      %add3A_55 = arith.constant 3 : i32
      %add3A_56 = arith.addi %arg0, %add3A_55 : i32
      %add3A_57 = arith.constant 3 : i32
      %add3A_58 = arith.addi %arg0, %add3A_57 : i32
      %rem3A_59 = arith.constant 4 : i32
      %rem3A_60 = arith.remsi %add3A_58, %rem3A_59 : i32
      %mul3A_61 = arith.constant 16 : i32
      %mul3A_62 = arith.muli %add3A_56, %mul3A_61 : i32
      %add3A_63 = arith.constant 0 : i32
      %add3A_64 = arith.addi %mul3A_62, %add3A_63 : i32
      %get3A_65 = arith.index_cast %add3A_64 : i32 to index
      %get3A_66 = memref.load %arg1[%get3A_65] : memref<4096xi32, #tpu.memory_space<smem>>
      %dma_start3A_67 = tpu.memref_slice %arg7[%rem3A_60] : memref<4x!tpu.dma_semaphore, #tpu.memory_space<semaphore_mem>> -> memref<1x!tpu.dma_semaphore, #tpu.memory_space<semaphore_mem>>
      %dma_start3A_68 = tpu.memref_squeeze %dma_start3A_67 : memref<1x!tpu.dma_semaphore, #tpu.memory_space<semaphore_mem>> -> memref<!tpu.dma_semaphore, #tpu.memory_space<semaphore_mem>>
      %dma_start3A_69 = arith.constant 0 : i32
      %dma_start3A_70 = arith.constant 0 : i32
      %dma_start3A_71 = tpu.memref_slice %arg5[%rem3A_60, %dma_start3A_69, %dma_start3A_70] : memref<4x16x1024xf32, #tpu.memory_space<vmem>> -> memref<1x1x1024xf32, #tpu.memory_space<vmem>>
      %dma_start3A_72 = tpu.memref_squeeze %dma_start3A_71 : memref<1x1x1024xf32, #tpu.memory_space<vmem>> -> memref<1x1024xf32, #tpu.memory_space<vmem>>
      %dma_start3A_73 = arith.constant 0 : i32
      %dma_start3A_74 = tpu.memref_slice %arg2[%get3A_66, %dma_start3A_73] : memref<100000x1024xf32, #tpu.memory_space<hbm>> -> memref<1x1024xf32, #tpu.memory_space<hbm>>
      tpu.enqueue_dma source(%dma_start3A_74 : memref<1x1024xf32, #tpu.memory_space<hbm>>) target(%dma_start3A_72 : memref<1x1024xf32, #tpu.memory_space<vmem>>) target_semaphore(%dma_start3A_68 : memref<!tpu.dma_semaphore, #tpu.memory_space<semaphore_mem>>)
      %mul3A_75 = arith.constant 16 : i32
      %mul3A_76 = arith.muli %add3A_56, %mul3A_75 : i32
      %add3A_77 = arith.constant 1 : i32
      %add3A_78 = arith.addi %mul3A_76, %add3A_77 : i32
      %get3A_79 = arith.index_cast %add3A_78 : i32 to index
      %get3A_80 = memref.load %arg1[%get3A_79] : memref<4096xi32, #tpu.memory_space<smem>>
      %dma_start3A_81 = tpu.memref_slice %arg7[%rem3A_60] : memref<4x!tpu.dma_semaphore, #tpu.memory_space<semaphore_mem>> -> memref<1x!tpu.dma_semaphore, #tpu.memory_space<semaphore_mem>>
      %dma_start3A_82 = tpu.memref_squeeze %dma_start3A_81 : memref<1x!tpu.dma_semaphore, #tpu.memory_space<semaphore_mem>> -> memref<!tpu.dma_semaphore, #tpu.memory_space<semaphore_mem>>
      %dma_start3A_83 = arith.constant 1 : i32
      %dma_start3A_84 = arith.constant 0 : i32
      %dma_start3A_85 = tpu.memref_slice %arg5[%rem3A_60, %dma_start3A_83, %dma_start3A_84] : memref<4x16x1024xf32, #tpu.memory_space<vmem>> -> memref<1x1x1024xf32, #tpu.memory_space<vmem>>
      %dma_start3A_86 = tpu.memref_squeeze %dma_start3A_85 : memref<1x1x1024xf32, #tpu.memory_space<vmem>> -> memref<1x1024xf32, #tpu.memory_space<vmem>>
      %dma_start3A_87 = arith.constant 0 : i32
      %dma_start3A_88 = tpu.memref_slice %arg2[%get3A_80, %dma_start3A_87] : memref<100000x1024xf32, #tpu.memory_space<hbm>> -> memref<1x1024xf32, #tpu.memory_space<hbm>>
      tpu.enqueue_dma source(%dma_start3A_88 : memref<1x1024xf32, #tpu.memory_space<hbm>>) target(%dma_start3A_86 : memref<1x1024xf32, #tpu.memory_space<vmem>>) target_semaphore(%dma_start3A_82 : memref<!tpu.dma_semaphore, #tpu.memory_space<semaphore_mem>>)
      %mul3A_89 = arith.constant 16 : i32
      %mul3A_90 = arith.muli %add3A_56, %mul3A_89 : i32
      %add3A_91 = arith.constant 2 : i32
      %add3A_92 = arith.addi %mul3A_90, %add3A_91 : i32
      %get3A_93 = arith.index_cast %add3A_92 : i32 to index
      %get3A_94 = memref.load %arg1[%get3A_93] : memref<4096xi32, #tpu.memory_space<smem>>
      %dma_start3A_95 = tpu.memref_slice %arg7[%rem3A_60] : memref<4x!tpu.dma_semaphore, #tpu.memory_space<semaphore_mem>> -> memref<1x!tpu.dma_semaphore, #tpu.memory_space<semaphore_mem>>
      %dma_start3A_96 = tpu.memref_squeeze %dma_start3A_95 : memref<1x!tpu.dma_semaphore, #tpu.memory_space<semaphore_mem>> -> memref<!tpu.dma_semaphore, #tpu.memory_space<semaphore_mem>>
      %dma_start3A_97 = arith.constant 2 : i32
      %dma_start3A_98 = arith.constant 0 : i32
      %dma_start3A_99 = tpu.memref_slice %arg5[%rem3A_60, %dma_start3A_97, %dma_start3A_98] : memref<4x16x1024xf32, #tpu.memory_space<vmem>> -> memref<1x1x1024xf32, #tpu.memory_space<vmem>>
      %dma_start3A_100 = tpu.memref_squeeze %dma_start3A_99 : memref<1x1x1024xf32, #tpu.memory_space<vmem>> -> memref<1x1024xf32, #tpu.memory_space<vmem>>
      %dma_start3A_101 = arith.constant 0 : i32
      %dma_start3A_102 = tpu.memref_slice %arg2[%get3A_94, %dma_start3A_101] : memref<100000x1024xf32, #tpu.memory_space<hbm>> -> memref<1x1024xf32, #tpu.memory_space<hbm>>
      tpu.enqueue_dma source(%dma_start3A_102 : memref<1x1024xf32, #tpu.memory_space<hbm>>) target(%dma_start3A_100 : memref<1x1024xf32, #tpu.memory_space<vmem>>) target_semaphore(%dma_start3A_96 : memref<!tpu.dma_semaphore, #tpu.memory_space<semaphore_mem>>)
      %mul3A_103 = arith.constant 16 : i32
      %mul3A_104 = arith.muli %add3A_56, %mul3A_103 : i32
      %add3A_105 = arith.constant 3 : i32
      %add3A_106 = arith.addi %mul3A_104, %add3A_105 : i32
      %get3A_107 = arith.index_cast %add3A_106 : i32 to index
      %get3A_108 = memref.load %arg1[%get3A_107] : memref<4096xi32, #tpu.memory_space<smem>>
      %dma_start3A_109 = tpu.memref_slice %arg7[%rem3A_60] : memref<4x!tpu.dma_semaphore, #tpu.memory_space<semaphore_mem>> -> memref<1x!tpu.dma_semaphore, #tpu.memory_space<semaphore_mem>>
      %dma_start3A_110 = tpu.memref_squeeze %dma_start3A_109 : memref<1x!tpu.dma_semaphore, #tpu.memory_space<semaphore_mem>> -> memref<!tpu.dma_semaphore, #tpu.memory_space<semaphore_mem>>
      %dma_start3A_111 = arith.constant 3 : i32
      %dma_start3A_112 = arith.constant 0 : i32
      %dma_start3A_113 = tpu.memref_slice %arg5[%rem3A_60, %dma_start3A_111, %dma_start3A_112] : memref<4x16x1024xf32, #tpu.memory_space<vmem>> -> memref<1x1x1024xf32, #tpu.memory_space<vmem>>
      %dma_start3A_114 = tpu.memref_squeeze %dma_start3A_113 : memref<1x1x1024xf32, #tpu.memory_space<vmem>> -> memref<1x1024xf32, #tpu.memory_space<vmem>>
      %dma_start3A_115 = arith.constant 0 : i32
      %dma_start3A_116 = tpu.memref_slice %arg2[%get3A_108, %dma_start3A_115] : memref<100000x1024xf32, #tpu.memory_space<hbm>> -> memref<1x1024xf32, #tpu.memory_space<hbm>>
      tpu.enqueue_dma source(%dma_start3A_116 : memref<1x1024xf32, #tpu.memory_space<hbm>>) target(%dma_start3A_114 : memref<1x1024xf32, #tpu.memory_space<vmem>>) target_semaphore(%dma_start3A_110 : memref<!tpu.dma_semaphore, #tpu.memory_space<semaphore_mem>>)
      %mul3A_117 = arith.constant 16 : i32
      %mul3A_118 = arith.muli %add3A_56, %mul3A_117 : i32
      %add3A_119 = arith.constant 4 : i32
      %add3A_120 = arith.addi %mul3A_118, %add3A_119 : i32
      %get3A_121 = arith.index_cast %add3A_120 : i32 to index
      %get3A_122 = memref.load %arg1[%get3A_121] : memref<4096xi32, #tpu.memory_space<smem>>
      %dma_start3A_123 = tpu.memref_slice %arg7[%rem3A_60] : memref<4x!tpu.dma_semaphore, #tpu.memory_space<semaphore_mem>> -> memref<1x!tpu.dma_semaphore, #tpu.memory_space<semaphore_mem>>
      %dma_start3A_124 = tpu.memref_squeeze %dma_start3A_123 : memref<1x!tpu.dma_semaphore, #tpu.memory_space<semaphore_mem>> -> memref<!tpu.dma_semaphore, #tpu.memory_space<semaphore_mem>>
      %dma_start3A_125 = arith.constant 4 : i32
      %dma_start3A_126 = arith.constant 0 : i32
      %dma_start3A_127 = tpu.memref_slice %arg5[%rem3A_60, %dma_start3A_125, %dma_start3A_126] : memref<4x16x1024xf32, #tpu.memory_space<vmem>> -> memref<1x1x1024xf32, #tpu.memory_space<vmem>>
      %dma_start3A_128 = tpu.memref_squeeze %dma_start3A_127 : memref<1x1x1024xf32, #tpu.memory_space<vmem>> -> memref<1x1024xf32, #tpu.memory_space<vmem>>
      %dma_start3A_129 = arith.constant 0 : i32
      %dma_start3A_130 = tpu.memref_slice %arg2[%get3A_122, %dma_start3A_129] : memref<100000x1024xf32, #tpu.memory_space<hbm>> -> memref<1x1024xf32, #tpu.memory_space<hbm>>
      tpu.enqueue_dma source(%dma_start3A_130 : memref<1x1024xf32, #tpu.memory_space<hbm>>) target(%dma_start3A_128 : memref<1x1024xf32, #tpu.memory_space<vmem>>) target_semaphore(%dma_start3A_124 : memref<!tpu.dma_semaphore, #tpu.memory_space<semaphore_mem>>)
      %mul3A_131 = arith.constant 16 : i32
      %mul3A_132 = arith.muli %add3A_56, %mul3A_131 : i32
      %add3A_133 = arith.constant 5 : i32
      %add3A_134 = arith.addi %mul3A_132, %add3A_133 : i32
      %get3A_135 = arith.index_cast %add3A_134 : i32 to index
      %get3A_136 = memref.load %arg1[%get3A_135] : memref<4096xi32, #tpu.memory_space<smem>>
      %dma_start3A_137 = tpu.memref_slice %arg7[%rem3A_60] : memref<4x!tpu.dma_semaphore, #tpu.memory_space<semaphore_mem>> -> memref<1x!tpu.dma_semaphore, #tpu.memory_space<semaphore_mem>>
      %dma_start3A_138 = tpu.memref_squeeze %dma_start3A_137 : memref<1x!tpu.dma_semaphore, #tpu.memory_space<semaphore_mem>> -> memref<!tpu.dma_semaphore, #tpu.memory_space<semaphore_mem>>
      %dma_start3A_139 = arith.constant 5 : i32
      %dma_start3A_140 = arith.constant 0 : i32
      %dma_start3A_141 = tpu.memref_slice %arg5[%rem3A_60, %dma_start3A_139, %dma_start3A_140] : memref<4x16x1024xf32, #tpu.memory_space<vmem>> -> memref<1x1x1024xf32, #tpu.memory_space<vmem>>
      %dma_start3A_142 = tpu.memref_squeeze %dma_start3A_141 : memref<1x1x1024xf32, #tpu.memory_space<vmem>> -> memref<1x1024xf32, #tpu.memory_space<vmem>>
      %dma_start3A_143 = arith.constant 0 : i32
      %dma_start3A_144 = tpu.memref_slice %arg2[%get3A_136, %dma_start3A_143] : memref<100000x1024xf32, #tpu.memory_space<hbm>> -> memref<1x1024xf32, #tpu.memory_space<hbm>>
      tpu.enqueue_dma source(%dma_start3A_144 : memref<1x1024xf32, #tpu.memory_space<hbm>>) target(%dma_start3A_142 : memref<1x1024xf32, #tpu.memory_space<vmem>>) target_semaphore(%dma_start3A_138 : memref<!tpu.dma_semaphore, #tpu.memory_space<semaphore_mem>>)
      %mul3A_145 = arith.constant 16 : i32
      %mul3A_146 = arith.muli %add3A_56, %mul3A_145 : i32
      %add3A_147 = arith.constant 6 : i32
      %add3A_148 = arith.addi %mul3A_146, %add3A_147 : i32
      %get3A_149 = arith.index_cast %add3A_148 : i32 to index
      %get3A_150 = memref.load %arg1[%get3A_149] : memref<4096xi32, #tpu.memory_space<smem>>
      %dma_start3A_151 = tpu.memref_slice %arg7[%rem3A_60] : memref<4x!tpu.dma_semaphore, #tpu.memory_space<semaphore_mem>> -> memref<1x!tpu.dma_semaphore, #tpu.memory_space<semaphore_mem>>
      %dma_start3A_152 = tpu.memref_squeeze %dma_start3A_151 : memref<1x!tpu.dma_semaphore, #tpu.memory_space<semaphore_mem>> -> memref<!tpu.dma_semaphore, #tpu.memory_space<semaphore_mem>>
      %dma_start3A_153 = arith.constant 6 : i32
      %dma_start3A_154 = arith.constant 0 : i32
      %dma_start3A_155 = tpu.memref_slice %arg5[%rem3A_60, %dma_start3A_153, %dma_start3A_154] : memref<4x16x1024xf32, #tpu.memory_space<vmem>> -> memref<1x1x1024xf32, #tpu.memory_space<vmem>>
      %dma_start3A_156 = tpu.memref_squeeze %dma_start3A_155 : memref<1x1x1024xf32, #tpu.memory_space<vmem>> -> memref<1x1024xf32, #tpu.memory_space<vmem>>
      %dma_start3A_157 = arith.constant 0 : i32
      %dma_start3A_158 = tpu.memref_slice %arg2[%get3A_150, %dma_start3A_157] : memref<100000x1024xf32, #tpu.memory_space<hbm>> -> memref<1x1024xf32, #tpu.memory_space<hbm>>
      tpu.enqueue_dma source(%dma_start3A_158 : memref<1x1024xf32, #tpu.memory_space<hbm>>) target(%dma_start3A_156 : memref<1x1024xf32, #tpu.memory_space<vmem>>) target_semaphore(%dma_start3A_152 : memref<!tpu.dma_semaphore, #tpu.memory_space<semaphore_mem>>)
      %mul3A_159 = arith.constant 16 : i32
      %mul3A_160 = arith.muli %add3A_56, %mul3A_159 : i32
      %add3A_161 = arith.constant 7 : i32
      %add3A_162 = arith.addi %mul3A_160, %add3A_161 : i32
      %get3A_163 = arith.index_cast %add3A_162 : i32 to index
      %get3A_164 = memref.load %arg1[%get3A_163] : memref<4096xi32, #tpu.memory_space<smem>>
      %dma_start3A_165 = tpu.memref_slice %arg7[%rem3A_60] : memref<4x!tpu.dma_semaphore, #tpu.memory_space<semaphore_mem>> -> memref<1x!tpu.dma_semaphore, #tpu.memory_space<semaphore_mem>>
      %dma_start3A_166 = tpu.memref_squeeze %dma_start3A_165 : memref<1x!tpu.dma_semaphore, #tpu.memory_space<semaphore_mem>> -> memref<!tpu.dma_semaphore, #tpu.memory_space<semaphore_mem>>
      %dma_start3A_167 = arith.constant 7 : i32
      %dma_start3A_168 = arith.constant 0 : i32
      %dma_start3A_169 = tpu.memref_slice %arg5[%rem3A_60, %dma_start3A_167, %dma_start3A_168] : memref<4x16x1024xf32, #tpu.memory_space<vmem>> -> memref<1x1x1024xf32, #tpu.memory_space<vmem>>
      %dma_start3A_170 = tpu.memref_squeeze %dma_start3A_169 : memref<1x1x1024xf32, #tpu.memory_space<vmem>> -> memref<1x1024xf32, #tpu.memory_space<vmem>>
      %dma_start3A_171 = arith.constant 0 : i32
      %dma_start3A_172 = tpu.memref_slice %arg2[%get3A_164, %dma_start3A_171] : memref<100000x1024xf32, #tpu.memory_space<hbm>> -> memref<1x1024xf32, #tpu.memory_space<hbm>>
      tpu.enqueue_dma source(%dma_start3A_172 : memref<1x1024xf32, #tpu.memory_space<hbm>>) target(%dma_start3A_170 : memref<1x1024xf32, #tpu.memory_space<vmem>>) target_semaphore(%dma_start3A_166 : memref<!tpu.dma_semaphore, #tpu.memory_space<semaphore_mem>>)
      %mul3A_173 = arith.constant 16 : i32
      %mul3A_174 = arith.muli %add3A_56, %mul3A_173 : i32
      %add3A_175 = arith.constant 8 : i32
      %add3A_176 = arith.addi %mul3A_174, %add3A_175 : i32
      %get3A_177 = arith.index_cast %add3A_176 : i32 to index
      %get3A_178 = memref.load %arg1[%get3A_177] : memref<4096xi32, #tpu.memory_space<smem>>
      %dma_start3A_179 = tpu.memref_slice %arg7[%rem3A_60] : memref<4x!tpu.dma_semaphore, #tpu.memory_space<semaphore_mem>> -> memref<1x!tpu.dma_semaphore, #tpu.memory_space<semaphore_mem>>
      %dma_start3A_180 = tpu.memref_squeeze %dma_start3A_179 : memref<1x!tpu.dma_semaphore, #tpu.memory_space<semaphore_mem>> -> memref<!tpu.dma_semaphore, #tpu.memory_space<semaphore_mem>>
      %dma_start3A_181 = arith.constant 8 : i32
      %dma_start3A_182 = arith.constant 0 : i32
      %dma_start3A_183 = tpu.memref_slice %arg5[%rem3A_60, %dma_start3A_181, %dma_start3A_182] : memref<4x16x1024xf32, #tpu.memory_space<vmem>> -> memref<1x1x1024xf32, #tpu.memory_space<vmem>>
      %dma_start3A_184 = tpu.memref_squeeze %dma_start3A_183 : memref<1x1x1024xf32, #tpu.memory_space<vmem>> -> memref<1x1024xf32, #tpu.memory_space<vmem>>
      %dma_start3A_185 = arith.constant 0 : i32
      %dma_start3A_186 = tpu.memref_slice %arg2[%get3A_178, %dma_start3A_185] : memref<100000x1024xf32, #tpu.memory_space<hbm>> -> memref<1x1024xf32, #tpu.memory_space<hbm>>
      tpu.enqueue_dma source(%dma_start3A_186 : memref<1x1024xf32, #tpu.memory_space<hbm>>) target(%dma_start3A_184 : memref<1x1024xf32, #tpu.memory_space<vmem>>) target_semaphore(%dma_start3A_180 : memref<!tpu.dma_semaphore, #tpu.memory_space<semaphore_mem>>)
      %mul3A_187 = arith.constant 16 : i32
      %mul3A_188 = arith.muli %add3A_56, %mul3A_187 : i32
      %add3A_189 = arith.constant 9 : i32
      %add3A_190 = arith.addi %mul3A_188, %add3A_189 : i32
      %get3A_191 = arith.index_cast %add3A_190 : i32 to index
      %get3A_192 = memref.load %arg1[%get3A_191] : memref<4096xi32, #tpu.memory_space<smem>>
      %dma_start3A_193 = tpu.memref_slice %arg7[%rem3A_60] : memref<4x!tpu.dma_semaphore, #tpu.memory_space<semaphore_mem>> -> memref<1x!tpu.dma_semaphore, #tpu.memory_space<semaphore_mem>>
      %dma_start3A_194 = tpu.memref_squeeze %dma_start3A_193 : memref<1x!tpu.dma_semaphore, #tpu.memory_space<semaphore_mem>> -> memref<!tpu.dma_semaphore, #tpu.memory_space<semaphore_mem>>
      %dma_start3A_195 = arith.constant 9 : i32
      %dma_start3A_196 = arith.constant 0 : i32
      %dma_start3A_197 = tpu.memref_slice %arg5[%rem3A_60, %dma_start3A_195, %dma_start3A_196] : memref<4x16x1024xf32, #tpu.memory_space<vmem>> -> memref<1x1x1024xf32, #tpu.memory_space<vmem>>
      %dma_start3A_198 = tpu.memref_squeeze %dma_start3A_197 : memref<1x1x1024xf32, #tpu.memory_space<vmem>> -> memref<1x1024xf32, #tpu.memory_space<vmem>>
      %dma_start3A_199 = arith.constant 0 : i32
      %dma_start3A_200 = tpu.memref_slice %arg2[%get3A_192, %dma_start3A_199] : memref<100000x1024xf32, #tpu.memory_space<hbm>> -> memref<1x1024xf32, #tpu.memory_space<hbm>>
      tpu.enqueue_dma source(%dma_start3A_200 : memref<1x1024xf32, #tpu.memory_space<hbm>>) target(%dma_start3A_198 : memref<1x1024xf32, #tpu.memory_space<vmem>>) target_semaphore(%dma_start3A_194 : memref<!tpu.dma_semaphore, #tpu.memory_space<semaphore_mem>>)
      %mul3A_201 = arith.constant 16 : i32
      %mul3A_202 = arith.muli %add3A_56, %mul3A_201 : i32
      %add3A_203 = arith.constant 10 : i32
      %add3A_204 = arith.addi %mul3A_202, %add3A_203 : i32
      %get3A_205 = arith.index_cast %add3A_204 : i32 to index
      %get3A_206 = memref.load %arg1[%get3A_205] : memref<4096xi32, #tpu.memory_space<smem>>
      %dma_start3A_207 = tpu.memref_slice %arg7[%rem3A_60] : memref<4x!tpu.dma_semaphore, #tpu.memory_space<semaphore_mem>> -> memref<1x!tpu.dma_semaphore, #tpu.memory_space<semaphore_mem>>
      %dma_start3A_208 = tpu.memref_squeeze %dma_start3A_207 : memref<1x!tpu.dma_semaphore, #tpu.memory_space<semaphore_mem>> -> memref<!tpu.dma_semaphore, #tpu.memory_space<semaphore_mem>>
      %dma_start3A_209 = arith.constant 10 : i32
      %dma_start3A_210 = arith.constant 0 : i32
      %dma_start3A_211 = tpu.memref_slice %arg5[%rem3A_60, %dma_start3A_209, %dma_start3A_210] : memref<4x16x1024xf32, #tpu.memory_space<vmem>> -> memref<1x1x1024xf32, #tpu.memory_space<vmem>>
      %dma_start3A_212 = tpu.memref_squeeze %dma_start3A_211 : memref<1x1x1024xf32, #tpu.memory_space<vmem>> -> memref<1x1024xf32, #tpu.memory_space<vmem>>
      %dma_start3A_213 = arith.constant 0 : i32
      %dma_start3A_214 = tpu.memref_slice %arg2[%get3A_206, %dma_start3A_213] : memref<100000x1024xf32, #tpu.memory_space<hbm>> -> memref<1x1024xf32, #tpu.memory_space<hbm>>
      tpu.enqueue_dma source(%dma_start3A_214 : memref<1x1024xf32, #tpu.memory_space<hbm>>) target(%dma_start3A_212 : memref<1x1024xf32, #tpu.memory_space<vmem>>) target_semaphore(%dma_start3A_208 : memref<!tpu.dma_semaphore, #tpu.memory_space<semaphore_mem>>)
      %mul3A_215 = arith.constant 16 : i32
      %mul3A_216 = arith.muli %add3A_56, %mul3A_215 : i32
      %add3A_217 = arith.constant 11 : i32
      %add3A_218 = arith.addi %mul3A_216, %add3A_217 : i32
      %get3A_219 = arith.index_cast %add3A_218 : i32 to index
      %get3A_220 = memref.load %arg1[%get3A_219] : memref<4096xi32, #tpu.memory_space<smem>>
      %dma_start3A_221 = tpu.memref_slice %arg7[%rem3A_60] : memref<4x!tpu.dma_semaphore, #tpu.memory_space<semaphore_mem>> -> memref<1x!tpu.dma_semaphore, #tpu.memory_space<semaphore_mem>>
      %dma_start3A_222 = tpu.memref_squeeze %dma_start3A_221 : memref<1x!tpu.dma_semaphore, #tpu.memory_space<semaphore_mem>> -> memref<!tpu.dma_semaphore, #tpu.memory_space<semaphore_mem>>
      %dma_start3A_223 = arith.constant 11 : i32
      %dma_start3A_224 = arith.constant 0 : i32
      %dma_start3A_225 = tpu.memref_slice %arg5[%rem3A_60, %dma_start3A_223, %dma_start3A_224] : memref<4x16x1024xf32, #tpu.memory_space<vmem>> -> memref<1x1x1024xf32, #tpu.memory_space<vmem>>
      %dma_start3A_226 = tpu.memref_squeeze %dma_start3A_225 : memref<1x1x1024xf32, #tpu.memory_space<vmem>> -> memref<1x1024xf32, #tpu.memory_space<vmem>>
      %dma_start3A_227 = arith.constant 0 : i32
      %dma_start3A_228 = tpu.memref_slice %arg2[%get3A_220, %dma_start3A_227] : memref<100000x1024xf32, #tpu.memory_space<hbm>> -> memref<1x1024xf32, #tpu.memory_space<hbm>>
      tpu.enqueue_dma source(%dma_start3A_228 : memref<1x1024xf32, #tpu.memory_space<hbm>>) target(%dma_start3A_226 : memref<1x1024xf32, #tpu.memory_space<vmem>>) target_semaphore(%dma_start3A_222 : memref<!tpu.dma_semaphore, #tpu.memory_space<semaphore_mem>>)
      %mul3A_229 = arith.constant 16 : i32
      %mul3A_230 = arith.muli %add3A_56, %mul3A_229 : i32
      %add3A_231 = arith.constant 12 : i32
      %add3A_232 = arith.addi %mul3A_230, %add3A_231 : i32
      %get3A_233 = arith.index_cast %add3A_232 : i32 to index
      %get3A_234 = memref.load %arg1[%get3A_233] : memref<4096xi32, #tpu.memory_space<smem>>
      %dma_start3A_235 = tpu.memref_slice %arg7[%rem3A_60] : memref<4x!tpu.dma_semaphore, #tpu.memory_space<semaphore_mem>> -> memref<1x!tpu.dma_semaphore, #tpu.memory_space<semaphore_mem>>
      %dma_start3A_236 = tpu.memref_squeeze %dma_start3A_235 : memref<1x!tpu.dma_semaphore, #tpu.memory_space<semaphore_mem>> -> memref<!tpu.dma_semaphore, #tpu.memory_space<semaphore_mem>>
      %dma_start3A_237 = arith.constant 12 : i32
      %dma_start3A_238 = arith.constant 0 : i32
      %dma_start3A_239 = tpu.memref_slice %arg5[%rem3A_60, %dma_start3A_237, %dma_start3A_238] : memref<4x16x1024xf32, #tpu.memory_space<vmem>> -> memref<1x1x1024xf32, #tpu.memory_space<vmem>>
      %dma_start3A_240 = tpu.memref_squeeze %dma_start3A_239 : memref<1x1x1024xf32, #tpu.memory_space<vmem>> -> memref<1x1024xf32, #tpu.memory_space<vmem>>
      %dma_start3A_241 = arith.constant 0 : i32
      %dma_start3A_242 = tpu.memref_slice %arg2[%get3A_234, %dma_start3A_241] : memref<100000x1024xf32, #tpu.memory_space<hbm>> -> memref<1x1024xf32, #tpu.memory_space<hbm>>
      tpu.enqueue_dma source(%dma_start3A_242 : memref<1x1024xf32, #tpu.memory_space<hbm>>) target(%dma_start3A_240 : memref<1x1024xf32, #tpu.memory_space<vmem>>) target_semaphore(%dma_start3A_236 : memref<!tpu.dma_semaphore, #tpu.memory_space<semaphore_mem>>)
      %mul3A_243 = arith.constant 16 : i32
      %mul3A_244 = arith.muli %add3A_56, %mul3A_243 : i32
      %add3A_245 = arith.constant 13 : i32
      %add3A_246 = arith.addi %mul3A_244, %add3A_245 : i32
      %get3A_247 = arith.index_cast %add3A_246 : i32 to index
      %get3A_248 = memref.load %arg1[%get3A_247] : memref<4096xi32, #tpu.memory_space<smem>>
      %dma_start3A_249 = tpu.memref_slice %arg7[%rem3A_60] : memref<4x!tpu.dma_semaphore, #tpu.memory_space<semaphore_mem>> -> memref<1x!tpu.dma_semaphore, #tpu.memory_space<semaphore_mem>>
      %dma_start3A_250 = tpu.memref_squeeze %dma_start3A_249 : memref<1x!tpu.dma_semaphore, #tpu.memory_space<semaphore_mem>> -> memref<!tpu.dma_semaphore, #tpu.memory_space<semaphore_mem>>
      %dma_start3A_251 = arith.constant 13 : i32
      %dma_start3A_252 = arith.constant 0 : i32
      %dma_start3A_253 = tpu.memref_slice %arg5[%rem3A_60, %dma_start3A_251, %dma_start3A_252] : memref<4x16x1024xf32, #tpu.memory_space<vmem>> -> memref<1x1x1024xf32, #tpu.memory_space<vmem>>
      %dma_start3A_254 = tpu.memref_squeeze %dma_start3A_253 : memref<1x1x1024xf32, #tpu.memory_space<vmem>> -> memref<1x1024xf32, #tpu.memory_space<vmem>>
      %dma_start3A_255 = arith.constant 0 : i32
      %dma_start3A_256 = tpu.memref_slice %arg2[%get3A_248, %dma_start3A_255] : memref<100000x1024xf32, #tpu.memory_space<hbm>> -> memref<1x1024xf32, #tpu.memory_space<hbm>>
      tpu.enqueue_dma source(%dma_start3A_256 : memref<1x1024xf32, #tpu.memory_space<hbm>>) target(%dma_start3A_254 : memref<1x1024xf32, #tpu.memory_space<vmem>>) target_semaphore(%dma_start3A_250 : memref<!tpu.dma_semaphore, #tpu.memory_space<semaphore_mem>>)
      %mul3A_257 = arith.constant 16 : i32
      %mul3A_258 = arith.muli %add3A_56, %mul3A_257 : i32
      %add3A_259 = arith.constant 14 : i32
      %add3A_260 = arith.addi %mul3A_258, %add3A_259 : i32
      %get3A_261 = arith.index_cast %add3A_260 : i32 to index
      %get3A_262 = memref.load %arg1[%get3A_261] : memref<4096xi32, #tpu.memory_space<smem>>
      %dma_start3A_263 = tpu.memref_slice %arg7[%rem3A_60] : memref<4x!tpu.dma_semaphore, #tpu.memory_space<semaphore_mem>> -> memref<1x!tpu.dma_semaphore, #tpu.memory_space<semaphore_mem>>
      %dma_start3A_264 = tpu.memref_squeeze %dma_start3A_263 : memref<1x!tpu.dma_semaphore, #tpu.memory_space<semaphore_mem>> -> memref<!tpu.dma_semaphore, #tpu.memory_space<semaphore_mem>>
      %dma_start3A_265 = arith.constant 14 : i32
      %dma_start3A_266 = arith.constant 0 : i32
      %dma_start3A_267 = tpu.memref_slice %arg5[%rem3A_60, %dma_start3A_265, %dma_start3A_266] : memref<4x16x1024xf32, #tpu.memory_space<vmem>> -> memref<1x1x1024xf32, #tpu.memory_space<vmem>>
      %dma_start3A_268 = tpu.memref_squeeze %dma_start3A_267 : memref<1x1x1024xf32, #tpu.memory_space<vmem>> -> memref<1x1024xf32, #tpu.memory_space<vmem>>
      %dma_start3A_269 = arith.constant 0 : i32
      %dma_start3A_270 = tpu.memref_slice %arg2[%get3A_262, %dma_start3A_269] : memref<100000x1024xf32, #tpu.memory_space<hbm>> -> memref<1x1024xf32, #tpu.memory_space<hbm>>
      tpu.enqueue_dma source(%dma_start3A_270 : memref<1x1024xf32, #tpu.memory_space<hbm>>) target(%dma_start3A_268 : memref<1x1024xf32, #tpu.memory_space<vmem>>) target_semaphore(%dma_start3A_264 : memref<!tpu.dma_semaphore, #tpu.memory_space<semaphore_mem>>)
      %mul3A_271 = arith.constant 16 : i32
      %mul3A_272 = arith.muli %add3A_56, %mul3A_271 : i32
      %add3A_273 = arith.constant 15 : i32
      %add3A_274 = arith.addi %mul3A_272, %add3A_273 : i32
      %get3A_275 = arith.index_cast %add3A_274 : i32 to index
      %get3A_276 = memref.load %arg1[%get3A_275] : memref<4096xi32, #tpu.memory_space<smem>>
      %dma_start3A_277 = tpu.memref_slice %arg7[%rem3A_60] : memref<4x!tpu.dma_semaphore, #tpu.memory_space<semaphore_mem>> -> memref<1x!tpu.dma_semaphore, #tpu.memory_space<semaphore_mem>>
      %dma_start3A_278 = tpu.memref_squeeze %dma_start3A_277 : memref<1x!tpu.dma_semaphore, #tpu.memory_space<semaphore_mem>> -> memref<!tpu.dma_semaphore, #tpu.memory_space<semaphore_mem>>
      %dma_start3A_279 = arith.constant 15 : i32
      %dma_start3A_280 = arith.constant 0 : i32
      %dma_start3A_281 = tpu.memref_slice %arg5[%rem3A_60, %dma_start3A_279, %dma_start3A_280] : memref<4x16x1024xf32, #tpu.memory_space<vmem>> -> memref<1x1x1024xf32, #tpu.memory_space<vmem>>
      %dma_start3A_282 = tpu.memref_squeeze %dma_start3A_281 : memref<1x1x1024xf32, #tpu.memory_space<vmem>> -> memref<1x1024xf32, #tpu.memory_space<vmem>>
      %dma_start3A_283 = arith.constant 0 : i32
      %dma_start3A_284 = tpu.memref_slice %arg2[%get3A_276, %dma_start3A_283] : memref<100000x1024xf32, #tpu.memory_space<hbm>> -> memref<1x1024xf32, #tpu.memory_space<hbm>>
      tpu.enqueue_dma source(%dma_start3A_284 : memref<1x1024xf32, #tpu.memory_space<hbm>>) target(%dma_start3A_282 : memref<1x1024xf32, #tpu.memory_space<vmem>>) target_semaphore(%dma_start3A_278 : memref<!tpu.dma_semaphore, #tpu.memory_space<semaphore_mem>>)
    } else {
    }
    %eq3A_50 = arith.constant 255 : i32
    %eq3A_51 = arith.cmpi eq, %arg0, %eq3A_50 : i32
    %convert_element_type3A_52 = arith.extui %eq3A_51 : i1 to i32
    %cond3A_53 = arith.constant 0 : i32
    %cond3A_54 = arith.cmpi ne, %convert_element_type3A_52, %cond3A_53 : i32
    scf.if %cond3A_54 {
      %dma_wait3A_55 = arith.constant 0 : i32
      %dma_wait3A_56 = arith.constant 0 : i32
      %dma_wait3A_57 = tpu.memref_slice %arg8[%dma_wait3A_56] : memref<2x!tpu.dma_semaphore, #tpu.memory_space<semaphore_mem>> -> memref<1x!tpu.dma_semaphore, #tpu.memory_space<semaphore_mem>>
      %dma_wait3A_58 = tpu.memref_squeeze %dma_wait3A_57 : memref<1x!tpu.dma_semaphore, #tpu.memory_space<semaphore_mem>> -> memref<!tpu.dma_semaphore, #tpu.memory_space<semaphore_mem>>
      %dma_wait3A_59 = arith.constant 0 : i32
      %dma_wait3A_60 = arith.constant 0 : i32
      %dma_wait3A_61 = tpu.memref_slice %arg4[%dma_wait3A_59, %dma_wait3A_60] : memref<4096x1024xf32, #tpu.memory_space<hbm>> -> memref<16x1024xf32, #tpu.memory_space<hbm>>
      %dma_wait3A_62 = arith.constant 0 : i32
      %dma_wait3A_63 = arith.constant 0 : i32
      %dma_wait3A_64 = tpu.memref_slice %arg6[%dma_wait3A_55, %dma_wait3A_62, %dma_wait3A_63] : memref<2x16x1024xf32, #tpu.memory_space<vmem>> -> memref<1x16x1024xf32, #tpu.memory_space<vmem>>
      %dma_wait3A_65 = tpu.memref_squeeze %dma_wait3A_64 : memref<1x16x1024xf32, #tpu.memory_space<vmem>> -> memref<16x1024xf32, #tpu.memory_space<vmem>>
      tpu.wait_dma2 semaphore(%dma_wait3A_58 : memref<!tpu.dma_semaphore, #tpu.memory_space<semaphore_mem>>) src(%dma_wait3A_65 : memref<16x1024xf32, #tpu.memory_space<vmem>>) dst(%dma_wait3A_61 : memref<16x1024xf32, #tpu.memory_space<hbm>>)
      %dma_wait3A_66 = arith.constant 0 : i32
      %dma_wait3A_67 = arith.constant 1 : i32
      %dma_wait3A_68 = tpu.memref_slice %arg8[%dma_wait3A_67] : memref<2x!tpu.dma_semaphore, #tpu.memory_space<semaphore_mem>> -> memref<1x!tpu.dma_semaphore, #tpu.memory_space<semaphore_mem>>
      %dma_wait3A_69 = tpu.memref_squeeze %dma_wait3A_68 : memref<1x!tpu.dma_semaphore, #tpu.memory_space<semaphore_mem>> -> memref<!tpu.dma_semaphore, #tpu.memory_space<semaphore_mem>>
      %dma_wait3A_70 = arith.constant 0 : i32
      %dma_wait3A_71 = arith.constant 0 : i32
      %dma_wait3A_72 = tpu.memref_slice %arg4[%dma_wait3A_70, %dma_wait3A_71] : memref<4096x1024xf32, #tpu.memory_space<hbm>> -> memref<16x1024xf32, #tpu.memory_space<hbm>>
      %dma_wait3A_73 = arith.constant 0 : i32
      %dma_wait3A_74 = arith.constant 0 : i32
      %dma_wait3A_75 = tpu.memref_slice %arg6[%dma_wait3A_66, %dma_wait3A_73, %dma_wait3A_74] : memref<2x16x1024xf32, #tpu.memory_space<vmem>> -> memref<1x16x1024xf32, #tpu.memory_space<vmem>>
      %dma_wait3A_76 = tpu.memref_squeeze %dma_wait3A_75 : memref<1x16x1024xf32, #tpu.memory_space<vmem>> -> memref<16x1024xf32, #tpu.memory_space<vmem>>
      tpu.wait_dma2 semaphore(%dma_wait3A_69 : memref<!tpu.dma_semaphore, #tpu.memory_space<semaphore_mem>>) src(%dma_wait3A_76 : memref<16x1024xf32, #tpu.memory_space<vmem>>) dst(%dma_wait3A_72 : memref<16x1024xf32, #tpu.memory_space<hbm>>)
    } else {
    }
    return
  }
  func.func @transform_1(%arg0: i32, %arg1: memref<4096xi32, #tpu.memory_space<smem>>) -> (i32, i32) {
    %c0_i32 = arith.constant 0 : i32
    %c0_i32_0 = arith.constant 0 : i32
    %c0_i32_1 = arith.constant 0 : i32
    return %c0_i32, %c0_i32_0 : i32, i32
  }
}

</mosaic_0001>

<sc_bundles>
// kernel: kernel.4.cloned.1.call-start
scs
__scs_entry_jumppad:
0x0: {  	(pc) =	sbr.rel $0x88, $3  }
0x1: {  	(tag) =	ssettag $0x0;
	lr =	simm.s32 $0x1  }
0x2: {  	[smem:$0x3F9E] =	sst lr;
	_ =	strace $0xD0000000  }
0x3: {  	_ = 	snop  }
0x4: {  	_ = 	snop  }
0x5: {  	_ = 	snop  }
0x6: {  	_ = 	snop  }
0x7: {  	_ = 	snop  }
__scs_overlays_trampoline_lowered:
0x8: {  	[smem:$0x3FAD] =	sst s0  }
0x9: {  	[smem:$0x3FAE] =	sst s1  }
0xa: {  	[smem:$0x3FAF] =	sst s2  }
0xb: {  	[smem:$0x3FB0] =	sst s3  }
0xc: {  	[smem:$0x3FB1] =	sst s4  }
0xd: {  	[smem:$0x3FB2] =	sst s5  }
0xe: {  	[smem:$0x3FB3] =	sst s6  }
0xf: {  	[smem:$0x3FB4] =	sst s7  }
0x10: {  	[smem:$0x3FB5] =	sst s8  }
0x11: {  	[smem:$0x3FB6] =	sst s9;
	s0 =	simm.s32 @!p0 $0x0  }
0x12: {  	s1 =	sld [smem:$0x3F9C];
	s0 =	simm.s32 @p0 $0x1  }
0x13: {  	[smem:$0x3FB7] =	sst s0;
	s0 =	simm.s32 @!p1 $0x0  }
0x14: {  	s2 =	sld [smem:$0x3F9B];
	s0 =	simm.s32 @p1 $0x1  }
0x15: {  	[smem:$0x3FB8] =	sst s0;
	s0 =	simm.s32 @!p2 $0x0  }
0x16: {  	s3 =	sld [smem:$0x3FDB];
	s0 =	simm.s32 @p2 $0x1  }
0x17: {  	s4 =	simm.s32 $0x1BF5;
	[smem:$0x3FBA] =	sst s0  }
0x18: {  	s0 =	sld [smem:$0x3F9D];
	_ =	swait.ge [sflag:s4], $0x0  }
0x19: {  	s7 =	sld [smem:$0x3F9E]  }
0x1a: {  	s8 =	sadd.s32 $0xFFFFE003, lr  }
0x1b: {  	s9 =	sadd.s32 $0xFFFFFEF7, lr;
	s5 =	simm.s32 $0xFFFFFFFF;
	p2 =	slt.u32 s8, $0xFFFFF086  }
0x1c: {  	p1 =	slt.u32 s9, $0xF7A;
	s5 =	simm.s32 @!p2 $0x0  }
0x1d: {  	s5 =	simm.s32 @p1 $0x1;
	p0 =	seq.s32 s7, s2  }
0x1e: {  	s7 =	smul.u32 @!p0 $0xF7A, s2;
	p2 =	seq.s32 @!p0 s5, $0x0  }
0x1f: {  	s9 =	smul.u32 $0xF7A, s1;
	s8 =	simm.s32 @!p0 $0x1BF5;
	p2 =	por !p2, p0  }
0x20: {  	[sflag:s8] =	ssyncset.s32 @!p0 $0xFFFFF086;
	s6 =	sadd.s32 @!p0 s3, s7;
	s7 =	simm.s32 @!p0 $0x108  }
0x21: {  	s3 =	sadd.s32 s3, s9;
	s6 =	sadd.s32 @!p0 $0x88, s6;
	s7 =	simm.s32 @p2 $0x1082  }
0x22: {  	[simem:s7], [sflag:s8] =	dma.local @!p0 [hbm:s6], $0xF7A  }
0x23: {  	s9 =	sor.u32 $0xD0000000, s2;
	s6 =	simm.s32 $0x108;
	_ =	swait.ge @!p0 [sflag:s8], $0x0  }
0x24: {  	s3 =	sadd.s32 $0x88, s3;
	s6 =	simm.s32 @!p1 $0x1082;
	[sflag:s4] =	ssyncset.s32 $0xFFFFF086  }
0x25: {  	[simem:s6], [sflag:s4] =	dma.local [hbm:s3], $0xF7A  }
0x26: {  	[smem:$0x3F9E] =	sst s1;
	(tag) =	ssettag s2;
	_ =	strace s9  }
0x27: {  	s1 =	sld [smem:$0x3FAE]  }
0x28: {  	s2 =	sld [smem:$0x3FAF]  }
0x29: {  	s4 =	sld [smem:$0x3FB1]  }
0x2a: {  	p0 =	seq.s32 s5, $0x0;
	s5 =	sld [smem:$0x3FB2]  }
0x2b: {  	s6 =	sld [smem:$0x3FB3]  }
0x2c: {  	s7 =	sld [smem:$0x3FB4]  }
0x2d: {  	s3 =	simm.s32 $0x108;
	s8 =	sld [smem:$0x3FB5]  }
0x2e: {  	s3 =	simm.s32 @!p0 $0x1082;
	s9 =	sld [smem:$0x3FB6]  }
0x2f: {  	lr =	sadd.s32 s0, s3;
	s0 =	sld [smem:$0x3FAD]  }
0x30: {  	s3 =	sld [smem:$0x3FB0]  }
0x31: {  	[smem:$0x3FB9] =	sst s10  }
0x32: {  	s10 =	sld [smem:$0x3FB7];
	_ =	sdelay $0x3  }
0x33: {  	p0 =	seq.s32 s10, $0x1;
	s10 =	sld [smem:$0x3FB9];
	_ =	sdelay $0x3  }
0x34: {  	[smem:$0x3FB9] =	sst s10  }
0x35: {  	s10 =	sld [smem:$0x3FB8];
	_ =	sdelay $0x3  }
0x36: {  	p1 =	seq.s32 s10, $0x1;
	s10 =	sld [smem:$0x3FB9];
	_ =	sdelay $0x3  }
0x37: {  	[smem:$0x3FB9] =	sst s10  }
0x38: {  	s10 =	sld [smem:$0x3FBA]  }
0x39: {  	_ = 	snop;
	(pc) =	sbr.ind lr, $3  }
0x3a: {  	_ = 	snop  }
0x3b: {  	_ = 	snop  }
0x3c: {  	p2 =	seq.s32 s10, $0x1;
	s10 =	sld [smem:$0x3FB9]  }
0x3d: {  	_ =	shalt  }
0x3e: {  	_ =	shalt  }
0x3f: {  	_ =	shalt  }
0x40: {  	_ =	shalt  }
0x41: {  	_ =	shalt  }
0x42: {  	_ =	shalt  }
0x43: {  	_ =	shalt  }
0x44: {  	_ =	shalt  }
0x45: {  	_ =	shalt  }
0x46: {  	_ =	shalt  }
0x47: {  	_ =	shalt  }
0x48: {  	_ =	shalt  }
0x49: {  	_ =	shalt  }
0x4a: {  	_ =	shalt  }
0x4b: {  	_ =	shalt  }
0x4c: {  	_ =	shalt  }
0x4d: {  	_ =	shalt  }
0x4e: {  	_ =	shalt  }
0x4f: {  	_ =	shalt  }
0x50: {  	_ =	shalt  }
0x51: {  	_ =	shalt  }
0x52: {  	_ =	shalt  }
0x53: {  	_ =	shalt  }
0x54: {  	_ =	shalt  }
0x55: {  	_ =	shalt  }
0x56: {  	_ =	shalt  }
0x57: {  	_ =	shalt  }
0x58: {  	_ =	shalt  }
0x59: {  	_ =	shalt  }
0x5a: {  	_ =	shalt  }
0x5b: {  	_ =	shalt  }
0x5c: {  	_ =	shalt  }
0x5d: {  	_ =	shalt  }
0x5e: {  	_ =	shalt  }
0x5f: {  	_ =	shalt  }
0x60: {  	_ =	shalt  }
0x61: {  	_ =	shalt  }
0x62: {  	_ =	shalt  }
0x63: {  	_ =	shalt  }
0x64: {  	_ =	shalt  }
0x65: {  	_ =	shalt  }
0x66: {  	_ =	shalt  }
0x67: {  	_ =	shalt  }
0x68: {  	_ =	shalt  }
0x69: {  	_ =	shalt  }
0x6a: {  	_ =	shalt  }
0x6b: {  	_ =	shalt  }
0x6c: {  	_ =	shalt  }
0x6d: {  	_ =	shalt  }
0x6e: {  	_ =	shalt  }
0x6f: {  	_ =	shalt  }
0x70: {  	_ =	shalt  }
0x71: {  	_ =	shalt  }
0x72: {  	_ =	shalt  }
0x73: {  	_ =	shalt  }
0x74: {  	_ =	shalt  }
0x75: {  	_ =	shalt  }
0x76: {  	_ =	shalt  }
0x77: {  	_ =	shalt  }
0x78: {  	_ =	shalt  }
0x79: {  	_ =	shalt  }
0x7a: {  	_ =	shalt  }
0x7b: {  	_ =	shalt  }
0x7c: {  	_ =	shalt  }
0x7d: {  	_ =	shalt  }
0x7e: {  	_ =	shalt  }
0x7f: {  	_ =	shalt  }
0x80: {  	_ =	shalt  }
0x81: {  	_ =	shalt  }
0x82: {  	_ =	shalt  }
0x83: {  	_ =	shalt  }
0x84: {  	_ =	shalt  }
0x85: {  	_ =	shalt  }
0x86: {  	_ =	shalt  }
0x87: {  	_ =	shalt  }
.Lfunc_end0:
.L_simem_size_0:
called_computation_lowered:
.L_overlay_start_0:
0x88: {  	s2 =	sld [smem:$0x3FD9]  }
0x89: {  	s3 =	sld [smem:$0x3FFE];
	_ =	sdelay $0x1  }
0x8a: {  	s1 =	srdreg.scid  }
0x8b: {  	s0 =	sand.u32 $0x1, s1  }
0x8c: {  	s17 =	sshll.u32 s0, $0xA;
	s2 =	sadd.s32 s3, s2  }
0x8d: {  	s2 =	sadd.s32 s2, s17  }
0x8e: {  	[smem:$0x3FC5] =	sst s2  }
0x8f: {  	_ = 	snop  }
0x90: {  	s2 =	sld [smem:$0x3FC8]  }
0x91: {  	s18 =	sld [smem:$0x3FC7]  }
0x92: {  	s4 =	sld [smem:$0x3FD0];
	(tm) =	ssettm $0x1  }
0x93: {  	s5 =	sld [smem:$0x3FFB];
	_ =	sdelay $0x3  }
0x94: {  	_ =	strace s5  }
0x95: {  	s5 =	sld [smem:$0x3FFC];
	_ =	sdelay $0x3  }
0x96: {  	_ =	strace s5  }
0x97: {  	s5 =	sld [smem:$0x3FFD];
	_ =	sdelay $0x3  }
0x98: {  	_ =	strace s5  }
0x99: {  	_ =	strace $0x8FFFFFFF  }
0x9a: {  	s19 =	sld [smem:$0x3FDB];
	_ =	sdelay $0x1  }
0x9b: {  	s6 =	simm.s32 $_scs_section_size  }
0x9c: {  	s7 =	simm.s32 $_size__tile_overlayer_lowered;
	s8 =	simm.s32 $_tile_overlayer_lowered  }
0x9d: {  	s22 =	simm.s32 $0x1BFF;
	s21 =	sshll.u32 s8, $0x1;
	s5 =	sadd.s32 s6, s19  }
0x9e: {  	s9 =	simm.s32 $0x0;
	s20 =	sshll.u32 s7, $0x1;
	s7 =	sadd.s32 s21, s5  }
0x9f: {  	[timem:s9], [sflag:s22] =	dma.local [hbm:s7], s20  }
0xa0: {  	_ =	swait.ge [sflag:s22], s20  }
0xa1: {  	s6 =	ssub.s32 $0x0, s20;
	[sflag:s22] =	ssyncset.done $0x0  }
0xa2: {  	[sflag:s22] =	ssyncadd.s32 s6;
	_ =	sdelay $0x1  }
0xa3: {  	s23 =	simm.s32 $0x1B8B  }
0xa4: {  	_ =	swait.ge [sflag:s23], $0x1  }
0xa5: {  	[sflag:s23] =	ssyncset.done $0x0  }
0xa6: {  	s25 =	simm.s32 $0x1B8E;
	s24 =	sld [smem:$0x3FFE];
	[sflag:s23] =	ssyncadd.s32 $0xFFFFFFFF  }
0xa7: {  	s26 =	simm.s32 $execute0_lowered;
	[smem:$0x3FD2] =	sst s25  }
0xa8: {  	s7 =	sshll.u32 s26, $0x1;
	_ =	strace $0x80000046;
	[dreg:$0x1] =	wrdreg $0xFFFFFFFF  }
0xa9: {  	s28 =	simm.s32 $_size_execute0_lowered;
	s5 =	sadd.s32 s5, s7;
	[dreg:$0x0] =	wrdreg $0x0  }
0xaa: {  	s7 =	sshll.u32 s28, $0x1;
	[dreg:$0x2] =	wrdreg s5  }
0xab: {  	[dreg:$0x3] =	wrdreg s7  }
0xac: {  	[dreg:$0x4] =	wrdreg $0xC0  }
0xad: {  	_ =	task [dreg:s9], $0x5FFFF  }
0xae: {  	[dreg:$0x1] =	wrdreg $0xFFFFFFFF  }
0xaf: {  	[dreg:$0x0] =	wrdreg $0x60  }
0xb0: {  	[dreg:$0x2] =	wrdreg s4  }
0xb1: {  	[dreg:$0x3] =	wrdreg s2  }
0xb2: {  	[dreg:$0x4] =	wrdreg s18  }
0xb3: {  	[dreg:$0x5] =	wrdreg s24  }
0xb4: {  	[dreg:$0x6] =	wrdreg $0x9  }
0xb5: {  	_ =	task.clear_ibuf [dreg:s9], $0x7FFFF;
	_ =	strace $0x90000046  }
0xb6: {  	s29 =	simm.s32 $0x9;
	_ =	strace $0x80000048  }
0xb7: {  	_ =	swait.ge [sflag:s29], $0x1  }
0xb8: {  	[sflag:s29] =	ssyncadd.s32 $0xFFFFFFFF  }
0xb9: {  	_ =	strace $0x90000048  }
0xba: {  	_ =	sfence  }
0xbb: {  	s30 =	sld [smem:$0x0];
	_ =	sdelay $0x2  }
0xbc: {  	s31 =	sshll.u32 s1, $0xD;
	s1 =	sshrl.u32 s1, $0x2  }
0xbd: {  	s3 =	sand.u32 $0x4000, s31;
	s1 =	sadd.s32 s1, s30  }
0xbe: {  	s0 =	sor.u32 s3, s0;
	s1 =	sshll.u32 s1, $0x11  }
0xbf: {  	s0 =	sor.u32 s1, s0  }
0xc0: {  	s0 =	sadd.s32 $0x8F2B, s0  }
0xc1: {  	[sflag:s0] =	ssyncadd.remote.s32 $0x1  }
0xc2: {  	_ =	sfence.sel $0xFFFF  }
0xc3: {  	[dreg:$0x0] =	wrdreg $0xFFFFFFFF;
	(pc) =	sbr.abs _section_cstart, $3  }
0xc4: {  	[dreg:$0x1] =	wrdreg $0xFFFFFFFF  }
0xc5: {  	_ =	task.clear_ibuf [dreg:s9], $0x2FFFF;
	_ =	strace $0x9FFFFFFF  }
0xc6: {  	(tm) =	ssettm $0x7FFFFFFF  }
0xc7: {  	_ =	shalt  }
tec
execute0_lowered:
.L_overlay_start_1:
0x0: {  	(tag) =	ssettag $0x1  }
0x1: {  	s0 =	rddreg [dreg:$0x0]  }
0x2: {  	s1 =	rddreg [dreg:$0x1]  }
0x3: {  	s2 =	rddreg [dreg:$0x2]  }
0x4: {  	s4 =	rddreg [dreg:$0x3];
	s3 =	simm.s32 $0x0  }
0x5: {  	s5 =	srdreg.scid;
	s7 =	stileid.u32;
	s22 =	simm.s32 $0x4  }
0x6: {  	s30 =	simm.s32 $0x3;
	s31 =	simm.s32 $0x4100;
	[smem:$0x7FF] =	sst s3  }
0x7: {  	s5 =	sand.u32 $0x1, s5;
	s7 =	sshll.u32 s7, $0x7;
	s4 =	sadd.s32 $0x800, s4  }
0x8: {  	s9 =	sadd.s32 $0x300, s1;
	s6 =	ssub.s32 $0x2, s5;
	s5 =	sshll.u32 s5, $0x6  }
0x9: {  	_ =	strace $0x80000047;
	s8 =	sshrl.u32 s6, $0x1;
	s5 =	sor.u32 s5, s7  }
0xa: {  	s6 =	ssub.s32 s6, s8;
	s7 =	sshrl.u32 s5, $0x3;
	s10 =	sor.u32 $0x800, s5  }
0xb: {  	s5 =	sshll.u32 s5, $0x7;
	s8 =	sadd.s32 $0x200, s1;
	s7 =	sadd.s32 s0, s7  }
0xc: {  	s23 =	sshrl.u32 s10, $0x3;
	s24 =	sadd.s32 s2, s5;
	s25 =	sor.u32 $0x800, s5  }
0xd: {  	s10 =	sshll.u32 s10, $0x7;
	s12 =	sor.u32 $0x1000, s5;
	s29 =	sor.u32 $0x1800, s5  }
0xe: {  	s21 =	smax.u32 s6, $0x1;
	[dreg:$0x5] =	wrdreg s7;
	s0 =	sadd.s32 s0, s23  }
0xf: {  	[dreg:$0x7] =	wrdreg s24;
	s7 =	sadd.s32 $0x100, s1;
	s11 =	sadd.s32 s2, s25  }
0x10: {  	s10 =	sadd.s32 s4, s10;
	s26 =	sadd.s32 s2, s12;
	s16 =	sadd.s32 s2, s29  }
0x11: {  	s17 =	sadd.s32 s4, s12;
	s19 =	sadd.s32 s4, s29;
	[dreg:$0x6] =	wrdreg s0  }
0x12: {  	s23 =	simm.s32 $0xC100;
	s2 =	simm.s32 $0x18100;
	[dreg:$0x8] =	wrdreg s11  }
0x13: {  	s24 =	simm.s32 $0x2;
	s11 =	sadd.s32 s4, s5;
	[dreg:$0x9] =	wrdreg s10  }
0x14: {  	[dreg:$0xa] =	wrdreg s26;
	s0 =	sadd.s32 s4, s25;
	s25 =	simm.s32 $0x8100  }
0x15: {  	v2 =	vlaneseq.u32;
	s4 =	simm.s32 $0x10100;
	s10 =	simm.s32 $0x14100;
	s5 =	simm.s32 $0x0  }
0x16: {  	vm0 =	vmmov $0xffff;
	v1 =	vshrl.u32 v2, $0x3;
	[dreg:$0xb] =	wrdreg s0;
	s28 =	sadd.s32 $0x40800, s11;
	s18 =	sadd.s32 $0x41000, s11  }
0x17: {  	v0 =	vand.u32 $0x7, v2;
	v2 =	vor.u32 $0x8, v2;
	v1 =	vmul.u32 $0x8, v1;
	s20 =	sadd.s32 $0x41800, s11;
	s0 =	simm.s32 $0x1;
	[dreg:$0xc] =	wrdreg s28  }
.LBB2_1:
0x18: {  	s6 =	rddreg [dreg:$0x5]  }
0x19: {  	[tilespmem:s3], [sflag:$0x4] =	stream.linear.gather [hbm4b:s6+s3], $0x40, $0x38;
	[tilespmem:$0x1C100] =	vst v63  }
0x1a: {  	_ =	swait.ge [sflag:s22], $0x40  }
0x1b: {  	[sflag:s22] =	ssyncset.done $0x0  }
0x1c: {  	s12 =	simm.s32 $0x80;
	s13 =	rddreg [dreg:$0x6];
	[sflag:s22] =	ssyncadd.s32 $0xFFFFFFC0  }
0x1d: {  	[tilespmem:s12], [sflag:$0x4] =	stream.linear.gather [hbm4b:s13+s3], $0x40, $0x38;
	[tilespmem:$0x1C100] =	vst v63  }
0x1e: {  	_ =	swait.ge [sflag:s22], $0x40  }
0x1f: {  	[sflag:s22] =	ssyncset.done $0x0  }
0x20: {  	s15 =	simm.s32 $0x100;
	s14 =	rddreg [dreg:$0x7];
	[sflag:s22] =	ssyncadd.s32 $0xFFFFFFC0  }
0x21: {  	[tilespmem:s15], [sflag:$0x3] =	stream.linear.gather [hbm4b:s14+s3], $0x4000, $0x38;
	[tilespmem:$0x1C100] =	vst v63  }
0x22: {  	v3 =	vld [tilespmem:$0x0];
	_ =	sdelay $0x4  }
0x23: {  	v4 =	vshll.u32 v3, $0x3  }
0x24: {  	v3 =	vand.u32 $0x7, v3;
	v4 =	vand.u32 $0xFFFFFFC0, v4  }
0x25: {  	v3 =	vor.u32 v3, v4  }
0x26: {  	v4 =	vperm.xlane v3, v0;
	_ =	sdelay $0x1  }
0x27: {  	v4 =	vadd.s32 v1, v4;
	_ =	sdelay $0x4  }
0x28: {  	[tilespmem:s25], [sflag:$0x1] =	stream.indirect_vreg.gather [hbm4b:s1+s3], $0x80, v4, vm0, $0xb8;
	[tilespmem:$0x1C100] =	vst v63  }
0x29: {  	s26 =	simm.s32 $0x8900;
	v3 =	vperm.xlane v3, v2  }
0x2a: {  	[tilespmem:s26], [sflag:$0x1] =	stream.indirect_vreg.gather [hbm4b:s7+s3], $0x80, v4, vm0, $0xb8;
	[tilespmem:$0x1C100] =	vst v63  }
0x2b: {  	s28 =	simm.s32 $0x9100;
	v3 =	vadd.s32 v1, v3  }
0x2c: {  	[tilespmem:s28], [sflag:$0x1] =	stream.indirect_vreg.gather [hbm4b:s8+s3], $0x80, v4, vm0, $0xb8;
	[tilespmem:$0x1C100] =	vst v63  }
0x2d: {  	s29 =	simm.s32 $0x9900  }
0x2e: {  	[tilespmem:s29], [sflag:$0x1] =	stream.indirect_vreg.gather [hbm4b:s9+s3], $0x80, v4, vm0, $0xb8;
	[tilespmem:$0x1C100] =	vst v63  }
0x2f: {  	s12 =	simm.s32 $0xA100  }
0x30: {  	[tilespmem:s12], [sflag:$0x1] =	stream.indirect_vreg.gather [hbm4b:s1+s3], $0x80, v3, vm0, $0xb8;
	[tilespmem:$0x1C100] =	vst v63  }
0x31: {  	s13 =	simm.s32 $0xA900  }
0x32: {  	[tilespmem:s13], [sflag:$0x1] =	stream.indirect_vreg.gather [hbm4b:s7+s3], $0x80, v3, vm0, $0xb8;
	[tilespmem:$0x1C100] =	vst v63  }
0x33: {  	s14 =	simm.s32 $0xB100  }
0x34: {  	[tilespmem:s14], [sflag:$0x1] =	stream.indirect_vreg.gather [hbm4b:s8+s3], $0x80, v3, vm0, $0xb8;
	[tilespmem:$0x1C100] =	vst v63  }
0x35: {  	s15 =	simm.s32 $0xB900  }
0x36: {  	[tilespmem:s15], [sflag:$0x1] =	stream.indirect_vreg.gather [hbm4b:s9+s3], $0x80, v3, vm0, $0xb8;
	[tilespmem:$0x1C100] =	vst v63  }
0x37: {  	v3 =	vld [tilespmem:$0x80];
	_ =	sdelay $0x4  }
0x38: {  	v4 =	vshll.u32 v3, $0x3  }
0x39: {  	v3 =	vand.u32 $0x7, v3;
	v4 =	vand.u32 $0xFFFFFFC0, v4  }
0x3a: {  	v3 =	vor.u32 v3, v4  }
0x3b: {  	v4 =	vperm.xlane v3, v0;
	_ =	sdelay $0x1  }
0x3c: {  	v4 =	vadd.s32 v1, v4;
	_ =	sdelay $0x4  }
0x3d: {  	[tilespmem:s23], [sflag:$0x1] =	stream.indirect_vreg.gather [hbm4b:s1+s3], $0x80, v4, vm0, $0xb8;
	[tilespmem:$0x1C100] =	vst v63  }
0x3e: {  	s26 =	simm.s32 $0xC900;
	v3 =	vperm.xlane v3, v2  }
0x3f: {  	[tilespmem:s26], [sflag:$0x1] =	stream.indirect_vreg.gather [hbm4b:s7+s3], $0x80, v4, vm0, $0xb8;
	[tilespmem:$0x1C100] =	vst v63  }
0x40: {  	s28 =	simm.s32 $0xD100;
	v3 =	vadd.s32 v1, v3  }
0x41: {  	[tilespmem:s28], [sflag:$0x1] =	stream.indirect_vreg.gather [hbm4b:s8+s3], $0x80, v4, vm0, $0xb8;
	[tilespmem:$0x1C100] =	vst v63  }
0x42: {  	s29 =	simm.s32 $0xD900  }
0x43: {  	[tilespmem:s29], [sflag:$0x1] =	stream.indirect_vreg.gather [hbm4b:s9+s3], $0x80, v4, vm0, $0xb8;
	[tilespmem:$0x1C100] =	vst v63  }
0x44: {  	s12 =	simm.s32 $0xE100  }
0x45: {  	[tilespmem:s12], [sflag:$0x1] =	stream.indirect_vreg.gather [hbm4b:s1+s3], $0x80, v3, vm0, $0xb8;
	[tilespmem:$0x1C100] =	vst v63  }
0x46: {  	s13 =	simm.s32 $0xE900  }
0x47: {  	[tilespmem:s13], [sflag:$0x1] =	stream.indirect_vreg.gather [hbm4b:s7+s3], $0x80, v3, vm0, $0xb8;
	[tilespmem:$0x1C100] =	vst v63  }
0x48: {  	s14 =	simm.s32 $0xF100  }
0x49: {  	[tilespmem:s14], [sflag:$0x1] =	stream.indirect_vreg.gather [hbm4b:s8+s3], $0x80, v3, vm0, $0xb8;
	[tilespmem:$0x1C100] =	vst v63  }
0x4a: {  	s15 =	simm.s32 $0xF900  }
0x4b: {  	[tilespmem:s15], [sflag:$0x1] =	stream.indirect_vreg.gather [hbm4b:s9+s3], $0x80, v3, vm0, $0xb8;
	[tilespmem:$0x1C100] =	vst v63  }
0x4c: {  	v3 =	vld [tilespmem:$0x10];
	_ =	sdelay $0x4  }
0x4d: {  	v4 =	vshll.u32 v3, $0x3  }
0x4e: {  	v3 =	vand.u32 $0x7, v3;
	v4 =	vand.u32 $0xFFFFFFC0, v4  }
0x4f: {  	v3 =	vor.u32 v3, v4  }
0x50: {  	v4 =	vperm.xlane v3, v0;
	_ =	sdelay $0x1  }
0x51: {  	v4 =	vadd.s32 v1, v4;
	_ =	sdelay $0x4  }
0x52: {  	[tilespmem:s4], [sflag:$0x1] =	stream.indirect_vreg.gather [hbm4b:s1+s3], $0x80, v4, vm0, $0xb8;
	[tilespmem:$0x1C100] =	vst v63  }
0x53: {  	s26 =	simm.s32 $0x10900;
	v3 =	vperm.xlane v3, v2  }
0x54: {  	[tilespmem:s26], [sflag:$0x1] =	stream.indirect_vreg.gather [hbm4b:s7+s3], $0x80, v4, vm0, $0xb8;
	[tilespmem:$0x1C100] =	vst v63  }
0x55: {  	s28 =	simm.s32 $0x11100;
	v3 =	vadd.s32 v1, v3  }
0x56: {  	[tilespmem:s28], [sflag:$0x1] =	stream.indirect_vreg.gather [hbm4b:s8+s3], $0x80, v4, vm0, $0xb8;
	[tilespmem:$0x1C100] =	vst v63  }
0x57: {  	s29 =	simm.s32 $0x11900  }
0x58: {  	[tilespmem:s29], [sflag:$0x1] =	stream.indirect_vreg.gather [hbm4b:s9+s3], $0x80, v4, vm0, $0xb8;
	[tilespmem:$0x1C100] =	vst v63  }
0x59: {  	s12 =	simm.s32 $0x12100  }
0x5a: {  	[tilespmem:s12], [sflag:$0x1] =	stream.indirect_vreg.gather [hbm4b:s1+s3], $0x80, v3, vm0, $0xb8;
	[tilespmem:$0x1C100] =	vst v63  }
0x5b: {  	s13 =	simm.s32 $0x12900  }
0x5c: {  	[tilespmem:s13], [sflag:$0x1] =	stream.indirect_vreg.gather [hbm4b:s7+s3], $0x80, v3, vm0, $0xb8;
	[tilespmem:$0x1C100] =	vst v63  }
0x5d: {  	s14 =	simm.s32 $0x13100  }
0x5e: {  	[tilespmem:s14], [sflag:$0x1] =	stream.indirect_vreg.gather [hbm4b:s8+s3], $0x80, v3, vm0, $0xb8;
	[tilespmem:$0x1C100] =	vst v63  }
0x5f: {  	s15 =	simm.s32 $0x13900  }
0x60: {  	[tilespmem:s15], [sflag:$0x1] =	stream.indirect_vreg.gather [hbm4b:s9+s3], $0x80, v3, vm0, $0xb8;
	[tilespmem:$0x1C100] =	vst v63  }
0x61: {  	_ =	swait.ge [sflag:s30], $0x4000  }
0x62: {  	[sflag:s30] =	ssyncset.done $0x0  }
0x63: {  	s26 =	rddreg [dreg:$0x8];
	[sflag:s30] =	ssyncadd.s32 $0xFFFFC000  }
0x64: {  	[tilespmem:s31], [sflag:$0x3] =	stream.linear.gather [hbm4b:s26+s3], $0x4000, $0x38;
	[tilespmem:$0x1C100] =	vst v63  }
0x65: {  	_ =	swait.ge [sflag:s0], $0x4000  }
0x66: {  	s28 =	sand.u32 $0x70, s3;
	s29 =	sand.u32 $0x1C00, s3;
	[sflag:s0] =	ssyncset.done $0x0  }
0x67: {  	s12 =	sor.u32 s28, s29;
	[sflag:s0] =	ssyncadd.s32 $0xFFFFC000  }
0x68: {  	v3 =	vld [tilespmem:s12+$0x8280]  }
0x69: {  	v4 =	vld [tilespmem:s12+$0x8100]  }
0x6a: {  	v5 =	vld [tilespmem:s12+$0x8180]  }
0x6b: {  	v6 =	vld [tilespmem:s12+$0x8200]  }
0x6c: {  	v7 =	vld [tilespmem:s12+$0x8300]  }
0x6d: {  	v10 =	vld [tilespmem:s12+$0x8400]  }
0x6e: {  	v9 =	vld [tilespmem:s12+$0x8380]  }
0x6f: {  	s6 =	simm.s32 $0x0;
	s13 =	simm.s32 $0x10;
	s26 =	sor.u32 s3, s3;
	v8 =	vld [tilespmem:s12+$0x400]  }
.LBB2_2:
0x70: {  	p0 =	sne.s32 s13, $0x3F0  }
0x71: {  	v11 =	vld [tilespmem:s12+$0x380];
	s6 =	sadd.s32 $0x80, s6;
	s28 =	smov.u32 s13;
	s13 =	sadd.s32 $0x10, s13  }
0x72: {  	s14 =	sor.u32 s28, s6;
	v12 =	vld [tilespmem:s12+$0x300]  }
0x73: {  	v13 =	vld [tilespmem:s12+$0x280];
	v10 =	vmul.f32 $3.200000000e+01, v10  }
0x74: {  	v14 =	vld [tilespmem:s12+$0x200];
	v9 =	vmul.f32 $3.200000000e+01, v9  }
0x75: {  	v7 =	vmul.f32 $3.200000000e+01, v7;
	v15 =	vld [tilespmem:s12+$0x180];
	v8 =	vadd.f32 v8, v10  }
0x76: {  	v3 =	vmul.f32 $3.200000000e+01, v3;
	v10 =	vld [tilespmem:s12+$0x100];
	v9 =	vadd.f32 v11, v9  }
0x77: {  	v6 =	vmul.f32 $3.200000000e+01, v6;
	v7 =	vadd.f32 v12, v7;
	[tilespmem:s12+$0x8400] =	vst v8  }
0x78: {  	v5 =	vmul.f32 $3.200000000e+01, v5;
	v3 =	vadd.f32 v13, v3;
	[tilespmem:s12+$0x8380] =	vst v9  }
0x79: {  	v4 =	vmul.f32 $3.200000000e+01, v4;
	v6 =	vadd.f32 v14, v6;
	[tilespmem:s12+$0x8300] =	vst v7  }
0x7a: {  	v5 =	vadd.f32 v15, v5;
	[tilespmem:s12+$0x8280] =	vst v3  }
0x7b: {  	v3 =	vadd.f32 v10, v4;
	[tilespmem:s12+$0x8200] =	vst v6  }
0x7c: {  	[tilespmem:s12+$0x8180] =	vst v5  }
0x7d: {  	s15 =	sor.u32 $0x380, s26;
	[tilespmem:s12+$0x8100] =	vst v3  }
0x7e: {  	v3 =	vld [tilespmem:s15+$0x8100]  }
0x7f: {  	s28 =	sand.u32 $0x70, s28;
	s29 =	sand.u32 $0x1C00, s6;
	v4 =	vld [tilespmem:s15+$0x100]  }
0x80: {  	s28 =	sor.u32 s28, s29;
	_ =	sdelay $0x2  }
0x81: {  	v3 =	vmul.f32 $3.200000000e+01, v3;
	_ =	sdelay $0x1  }
0x82: {  	v3 =	vadd.f32 v4, v3;
	_ =	sdelay $0x1  }
0x83: {  	[tilespmem:s15+$0x8100] =	vst v3  }
0x84: {  	v3 =	vld [tilespmem:s12+$0x2400]  }
0x85: {  	v4 =	vld [tilespmem:s12+$0x2380]  }
0x86: {  	v5 =	vld [tilespmem:s12+$0xA380]  }
0x87: {  	v6 =	vld [tilespmem:s12+$0xA400]  }
0x88: {  	v7 =	vld [tilespmem:s12+$0x2300]  }
0x89: {  	v8 =	vld [tilespmem:s12+$0x2180]  }
0x8a: {  	v9 =	vld [tilespmem:s12+$0x2280]  }
0x8b: {  	v10 =	vld [tilespmem:s12+$0xA280]  }
0x8c: {  	v11 =	vld [tilespmem:s12+$0xA300];
	v6 =	vmul.f32 $3.200000000e+01, v6  }
0x8d: {  	v12 =	vld [tilespmem:s12+$0xA180]  }
0x8e: {  	v13 =	vld [tilespmem:s12+$0xA200];
	v3 =	vadd.f32 v3, v6  }
0x8f: {  	v5 =	vmul.f32 $3.200000000e+01, v5;
	v6 =	vld [tilespmem:s12+$0xA100]  }
0x90: {  	v14 =	vld [tilespmem:s12+$0x2200];
	v10 =	vmul.f32 $3.200000000e+01, v10;
	[tilespmem:s12+$0xA400] =	vst v3  }
0x91: {  	v4 =	vadd.f32 v4, v5;
	v15 =	vld [tilespmem:s12+$0x2100];
	v11 =	vmul.f32 $3.200000000e+01, v11  }
0x92: {  	v3 =	vld [tilespmem:s28+$0x8280];
	v5 =	vmul.f32 $3.200000000e+01, v12;
	v9 =	vadd.f32 v9, v10  }
0x93: {  	v10 =	vmul.f32 $3.200000000e+01, v13;
	v7 =	vadd.f32 v7, v11;
	[tilespmem:s12+$0xA380] =	vst v4  }
0x94: {  	v4 =	vmul.f32 $3.200000000e+01, v6;
	v5 =	vadd.f32 v8, v5;
	[tilespmem:s12+$0xA280] =	vst v9  }
0x95: {  	v6 =	vadd.f32 v14, v10;
	[tilespmem:s12+$0xA300] =	vst v7  }
0x96: {  	v4 =	vadd.f32 v15, v4;
	[tilespmem:s12+$0xA180] =	vst v5  }
0x97: {  	[tilespmem:s12+$0xA200] =	vst v6  }
0x98: {  	s15 =	sor.u32 $0x2380, s26;
	s26 =	smov.u32 s14;
	[tilespmem:s12+$0xA100] =	vst v4;
	s12 =	smov.u32 s28  }
0x99: {  	v6 =	vld [tilespmem:s15+$0x8100]  }
0x9a: {  	v8 =	vld [tilespmem:s15+$0x100];
	_ =	sdelay $0x2  }
0x9b: {  	v4 =	vld [tilespmem:s12+$0x8100]  }
0x9c: {  	v5 =	vld [tilespmem:s12+$0x8180];
	v9 =	vmul.f32 $3.200000000e+01, v6  }
.Ltmp0:
0x9d: {  	v6 =	vld [tilespmem:s12+$0x8200];
	(pc) =	sbr.rel @p0 .LBB2_2-.Ltmp0, $4  }
0x9e: {  	v7 =	vld [tilespmem:s12+$0x8300];
	v8 =	vadd.f32 v8, v9  }
0x9f: {  	v10 =	vld [tilespmem:s12+$0x8400]  }
0xa0: {  	v9 =	vld [tilespmem:s12+$0x8380];
	[tilespmem:s15+$0x8100] =	vst v8  }
0xa1: {  	v8 =	vld [tilespmem:s12+$0x400]  }
0xa2: {  	v11 =	vld [tilespmem:s12+$0x380]  }
0xa3: {  	v12 =	vld [tilespmem:s12+$0x300]  }
0xa4: {  	v13 =	vld [tilespmem:s12+$0x280];
	v10 =	vmul.f32 $3.200000000e+01, v10  }
0xa5: {  	v14 =	vld [tilespmem:s12+$0x200];
	v9 =	vmul.f32 $3.200000000e+01, v9  }
0xa6: {  	v15 =	vld [tilespmem:s12+$0x180];
	v7 =	vmul.f32 $3.200000000e+01, v7;
	v8 =	vadd.f32 v8, v10  }
0xa7: {  	v3 =	vmul.f32 $3.200000000e+01, v3;
	v10 =	vld [tilespmem:s12+$0x100];
	v9 =	vadd.f32 v11, v9  }
0xa8: {  	v6 =	vmul.f32 $3.200000000e+01, v6;
	v7 =	vadd.f32 v12, v7;
	[tilespmem:s12+$0x8400] =	vst v8  }
0xa9: {  	v5 =	vmul.f32 $3.200000000e+01, v5;
	v3 =	vadd.f32 v13, v3;
	[tilespmem:s12+$0x8380] =	vst v9  }
0xaa: {  	v4 =	vmul.f32 $3.200000000e+01, v4;
	v6 =	vadd.f32 v14, v6;
	[tilespmem:s12+$0x8300] =	vst v7  }
0xab: {  	v5 =	vadd.f32 v15, v5;
	[tilespmem:s12+$0x8280] =	vst v3  }
0xac: {  	[tilespmem:s12+$0x8200] =	vst v6;
	v3 =	vadd.f32 v10, v4  }
0xad: {  	[tilespmem:s12+$0x8180] =	vst v5  }
0xae: {  	s6 =	sor.u32 $0x380, s26;
	[tilespmem:s12+$0x8100] =	vst v3  }
0xaf: {  	v3 =	vld [tilespmem:s6+$0x8100];
	_ =	sdelay $0x1  }
0xb0: {  	v4 =	vld [tilespmem:s6+$0x100];
	_ =	sdelay $0x2  }
0xb1: {  	v3 =	vmul.f32 $3.200000000e+01, v3;
	_ =	sdelay $0x1  }
0xb2: {  	v3 =	vadd.f32 v4, v3;
	_ =	sdelay $0x1  }
0xb3: {  	[tilespmem:s6+$0x8100] =	vst v3  }
0xb4: {  	v3 =	vld [tilespmem:s12+$0x2400]  }
0xb5: {  	v4 =	vld [tilespmem:s12+$0x2380]  }
0xb6: {  	v5 =	vld [tilespmem:s12+$0xA380]  }
0xb7: {  	v6 =	vld [tilespmem:s12+$0xA400]  }
0xb8: {  	v7 =	vld [tilespmem:s12+$0x2300]  }
0xb9: {  	v8 =	vld [tilespmem:s12+$0x2180]  }
0xba: {  	v9 =	vld [tilespmem:s12+$0x2280]  }
0xbb: {  	v10 =	vld [tilespmem:s12+$0xA280]  }
0xbc: {  	v11 =	vld [tilespmem:s12+$0xA300]  }
0xbd: {  	v61 =	vld [tilespmem:s12+$0xA180];
	v6 =	vmul.f32 $3.200000000e+01, v6  }
0xbe: {  	v62 =	vld [tilespmem:s12+$0xA200]  }
0xbf: {  	v5 =	vmul.f32 $3.200000000e+01, v5;
	v3 =	vadd.f32 v3, v6;
	v6 =	vld [tilespmem:s12+$0xA100]  }
0xc0: {  	v63 =	vld [tilespmem:s12+$0x2200];
	v10 =	vmul.f32 $3.200000000e+01, v10  }
0xc1: {  	v11 =	vmul.f32 $3.200000000e+01, v11;
	v4 =	vadd.f32 v4, v5;
	[tilespmem:s12+$0xA400] =	vst v3;
	v3 =	vld [tilespmem:s12+$0x2100]  }
0xc2: {  	v5 =	vmul.f32 $3.200000000e+01, v61;
	v9 =	vadd.f32 v9, v10  }
0xc3: {  	v10 =	vmul.f32 $3.200000000e+01, v62;
	v7 =	vadd.f32 v7, v11;
	[tilespmem:s12+$0xA380] =	vst v4  }
0xc4: {  	v5 =	vadd.f32 v8, v5;
	[tilespmem:s12+$0xA280] =	vst v9;
	v4 =	vmul.f32 $3.200000000e+01, v6  }
0xc5: {  	[tilespmem:s12+$0xA300] =	vst v7;
	v6 =	vadd.f32 v63, v10  }
0xc6: {  	[tilespmem:s12+$0xA180] =	vst v5;
	v3 =	vadd.f32 v3, v4  }
0xc7: {  	[tilespmem:s12+$0xA200] =	vst v6  }
0xc8: {  	s15 =	sor.u32 $0x2380, s26;
	[tilespmem:s12+$0xA100] =	vst v3  }
0xc9: {  	v3 =	vld [tilespmem:s15+$0x8100];
	_ =	sdelay $0x1  }
0xca: {  	v4 =	vld [tilespmem:s15+$0x100];
	_ =	sdelay $0x2  }
0xcb: {  	v3 =	vmul.f32 $3.200000000e+01, v3;
	_ =	sdelay $0x1  }
0xcc: {  	v3 =	vadd.f32 v4, v3;
	_ =	sdelay $0x1  }
0xcd: {  	s13 =	simm.s32 $0x0;
	[tilespmem:s15+$0x8100] =	vst v3  }
0xce: {  	[hbm4b:s11+s13] =	stream.linear.scatter [tilespmem:s25], [sflag:$0x2], $0x4000, $0x38;
	[tilespmem:$0x1C100] =	vst v63  }
0xcf: {  	v3 =	vld [tilespmem:$0x90];
	_ =	sdelay $0x4  }
0xd0: {  	v4 =	vshll.u32 v3, $0x3  }
0xd1: {  	v3 =	vand.u32 $0x7, v3;
	v4 =	vand.u32 $0xFFFFFFC0, v4  }
0xd2: {  	v3 =	vor.u32 v3, v4  }
0xd3: {  	v4 =	vperm.xlane v3, v0;
	_ =	sdelay $0x1  }
0xd4: {  	v4 =	vadd.s32 v1, v4;
	_ =	sdelay $0x4  }
0xd5: {  	[tilespmem:s10], [sflag:$0x1] =	stream.indirect_vreg.gather [hbm4b:s1+s13], $0x80, v4, vm0, $0xb8;
	[tilespmem:$0x1C100] =	vst v63  }
0xd6: {  	s26 =	simm.s32 $0x14900;
	v3 =	vperm.xlane v3, v2  }
0xd7: {  	[tilespmem:s26], [sflag:$0x1] =	stream.indirect_vreg.gather [hbm4b:s7+s13], $0x80, v4, vm0, $0xb8;
	[tilespmem:$0x1C100] =	vst v63  }
0xd8: {  	s28 =	simm.s32 $0x15100;
	v3 =	vadd.s32 v1, v3  }
0xd9: {  	[tilespmem:s28], [sflag:$0x1] =	stream.indirect_vreg.gather [hbm4b:s8+s13], $0x80, v4, vm0, $0xb8;
	[tilespmem:$0x1C100] =	vst v63  }
0xda: {  	s29 =	simm.s32 $0x15900  }
0xdb: {  	[tilespmem:s29], [sflag:$0x1] =	stream.indirect_vreg.gather [hbm4b:s9+s13], $0x80, v4, vm0, $0xb8;
	[tilespmem:$0x1C100] =	vst v63  }
0xdc: {  	s12 =	simm.s32 $0x16100  }
0xdd: {  	[tilespmem:s12], [sflag:$0x1] =	stream.indirect_vreg.gather [hbm4b:s1+s13], $0x80, v3, vm0, $0xb8;
	[tilespmem:$0x1C100] =	vst v63  }
0xde: {  	s14 =	simm.s32 $0x16900  }
0xdf: {  	[tilespmem:s14], [sflag:$0x1] =	stream.indirect_vreg.gather [hbm4b:s7+s13], $0x80, v3, vm0, $0xb8;
	[tilespmem:$0x1C100] =	vst v63  }
0xe0: {  	s15 =	simm.s32 $0x17100  }
0xe1: {  	[tilespmem:s15], [sflag:$0x1] =	stream.indirect_vreg.gather [hbm4b:s8+s13], $0x80, v3, vm0, $0xb8;
	[tilespmem:$0x1C100] =	vst v63  }
0xe2: {  	s26 =	simm.s32 $0x17900  }
0xe3: {  	[tilespmem:s26], [sflag:$0x1] =	stream.indirect_vreg.gather [hbm4b:s9+s13], $0x80, v3, vm0, $0xb8;
	[tilespmem:$0x1C100] =	vst v63  }
0xe4: {  	_ =	swait.ge [sflag:s0], $0x4000  }
0xe5: {  	s28 =	sand.u32 $0x70, s13;
	s29 =	sand.u32 $0x1C00, s13;
	[sflag:s0] =	ssyncset.done $0x0  }
0xe6: {  	s12 =	sor.u32 s28, s29;
	[sflag:s0] =	ssyncadd.s32 $0xFFFFC000  }
0xe7: {  	v3 =	vld [tilespmem:s12+$0xC280]  }
0xe8: {  	v4 =	vld [tilespmem:s12+$0xC100]  }
0xe9: {  	v5 =	vld [tilespmem:s12+$0xC180]  }
0xea: {  	v6 =	vld [tilespmem:s12+$0xC200]  }
0xeb: {  	v7 =	vld [tilespmem:s12+$0xC300]  }
0xec: {  	v10 =	vld [tilespmem:s12+$0xC400]  }
0xed: {  	v9 =	vld [tilespmem:s12+$0xC380]  }
0xee: {  	s6 =	simm.s32 $0x10;
	s26 =	sor.u32 s13, s13;
	v8 =	vld [tilespmem:s12+$0x400]  }
.LBB2_4:
0xef: {  	p0 =	sne.s32 s6, $0x3F0  }
0xf0: {  	v11 =	vld [tilespmem:s12+$0x380];
	s13 =	sadd.s32 $0x80, s13;
	s15 =	smov.u32 s6;
	s6 =	sadd.s32 $0x10, s6  }
0xf1: {  	s14 =	sor.u32 s15, s13;
	v12 =	vld [tilespmem:s12+$0x300]  }
0xf2: {  	v13 =	vld [tilespmem:s12+$0x280];
	v10 =	vmul.f32 $3.200000000e+01, v10  }
0xf3: {  	v14 =	vld [tilespmem:s12+$0x200];
	v9 =	vmul.f32 $3.200000000e+01, v9  }
0xf4: {  	v7 =	vmul.f32 $3.200000000e+01, v7;
	v15 =	vld [tilespmem:s12+$0x180];
	v8 =	vadd.f32 v8, v10  }
0xf5: {  	v3 =	vmul.f32 $3.200000000e+01, v3;
	v10 =	vld [tilespmem:s12+$0x100];
	v9 =	vadd.f32 v11, v9  }
0xf6: {  	v6 =	vmul.f32 $3.200000000e+01, v6;
	v7 =	vadd.f32 v12, v7;
	[tilespmem:s12+$0xC400] =	vst v8  }
0xf7: {  	v5 =	vmul.f32 $3.200000000e+01, v5;
	v3 =	vadd.f32 v13, v3;
	[tilespmem:s12+$0xC380] =	vst v9  }
0xf8: {  	v4 =	vmul.f32 $3.200000000e+01, v4;
	v6 =	vadd.f32 v14, v6;
	[tilespmem:s12+$0xC300] =	vst v7  }
0xf9: {  	v5 =	vadd.f32 v15, v5;
	[tilespmem:s12+$0xC280] =	vst v3  }
0xfa: {  	v3 =	vadd.f32 v10, v4;
	[tilespmem:s12+$0xC200] =	vst v6  }
0xfb: {  	[tilespmem:s12+$0xC180] =	vst v5  }
0xfc: {  	s29 =	sor.u32 $0x380, s26;
	[tilespmem:s12+$0xC100] =	vst v3  }
0xfd: {  	v3 =	vld [tilespmem:s29+$0xC100]  }
0xfe: {  	s15 =	sand.u32 $0x70, s15;
	s28 =	sand.u32 $0x1C00, s13;
	v4 =	vld [tilespmem:s29+$0x100]  }
0xff: {  	s28 =	sor.u32 s15, s28;
	_ =	sdelay $0x2  }
0x100: {  	v3 =	vmul.f32 $3.200000000e+01, v3;
	_ =	sdelay $0x1  }
0x101: {  	v3 =	vadd.f32 v4, v3;
	_ =	sdelay $0x1  }
0x102: {  	[tilespmem:s29+$0xC100] =	vst v3  }
0x103: {  	v3 =	vld [tilespmem:s12+$0x2400]  }
0x104: {  	v4 =	vld [tilespmem:s12+$0x2380]  }
0x105: {  	v5 =	vld [tilespmem:s12+$0xE380]  }
0x106: {  	v6 =	vld [tilespmem:s12+$0xE400]  }
0x107: {  	v7 =	vld [tilespmem:s12+$0x2300]  }
0x108: {  	v8 =	vld [tilespmem:s12+$0x2180]  }
0x109: {  	v9 =	vld [tilespmem:s12+$0x2280]  }
0x10a: {  	v10 =	vld [tilespmem:s12+$0xE280]  }
0x10b: {  	v11 =	vld [tilespmem:s12+$0xE300];
	v6 =	vmul.f32 $3.200000000e+01, v6  }
0x10c: {  	v12 =	vld [tilespmem:s12+$0xE180]  }
0x10d: {  	v13 =	vld [tilespmem:s12+$0xE200];
	v3 =	vadd.f32 v3, v6  }
0x10e: {  	v5 =	vmul.f32 $3.200000000e+01, v5;
	v6 =	vld [tilespmem:s12+$0xE100]  }
0x10f: {  	v14 =	vld [tilespmem:s12+$0x2200];
	v10 =	vmul.f32 $3.200000000e+01, v10;
	[tilespmem:s12+$0xE400] =	vst v3  }
0x110: {  	v4 =	vadd.f32 v4, v5;
	v15 =	vld [tilespmem:s12+$0x2100];
	v11 =	vmul.f32 $3.200000000e+01, v11  }
0x111: {  	v3 =	vld [tilespmem:s28+$0xC280];
	v5 =	vmul.f32 $3.200000000e+01, v12;
	v9 =	vadd.f32 v9, v10  }
0x112: {  	v10 =	vmul.f32 $3.200000000e+01, v13;
	v7 =	vadd.f32 v7, v11;
	[tilespmem:s12+$0xE380] =	vst v4  }
0x113: {  	v4 =	vmul.f32 $3.200000000e+01, v6;
	v5 =	vadd.f32 v8, v5;
	[tilespmem:s12+$0xE280] =	vst v9  }
0x114: {  	v6 =	vadd.f32 v14, v10;
	[tilespmem:s12+$0xE300] =	vst v7  }
0x115: {  	v4 =	vadd.f32 v15, v4;
	[tilespmem:s12+$0xE180] =	vst v5  }
0x116: {  	[tilespmem:s12+$0xE200] =	vst v6  }
0x117: {  	s15 =	sor.u32 $0x2380, s26;
	s26 =	smov.u32 s14;
	[tilespmem:s12+$0xE100] =	vst v4;
	s12 =	smov.u32 s28  }
0x118: {  	v6 =	vld [tilespmem:s15+$0xC100]  }
0x119: {  	v8 =	vld [tilespmem:s15+$0x100];
	_ =	sdelay $0x2  }
0x11a: {  	v4 =	vld [tilespmem:s12+$0xC100]  }
0x11b: {  	v5 =	vld [tilespmem:s12+$0xC180];
	v9 =	vmul.f32 $3.200000000e+01, v6  }
.Ltmp1:
0x11c: {  	v6 =	vld [tilespmem:s12+$0xC200];
	(pc) =	sbr.rel @p0 .LBB2_4-.Ltmp1, $4  }
0x11d: {  	v7 =	vld [tilespmem:s12+$0xC300];
	v8 =	vadd.f32 v8, v9  }
0x11e: {  	v10 =	vld [tilespmem:s12+$0xC400]  }
0x11f: {  	v9 =	vld [tilespmem:s12+$0xC380];
	[tilespmem:s15+$0xC100] =	vst v8  }
0x120: {  	v8 =	vld [tilespmem:s12+$0x400]  }
0x121: {  	v11 =	vld [tilespmem:s12+$0x380]  }
0x122: {  	v12 =	vld [tilespmem:s12+$0x300]  }
0x123: {  	v13 =	vld [tilespmem:s12+$0x280];
	v10 =	vmul.f32 $3.200000000e+01, v10  }
0x124: {  	v14 =	vld [tilespmem:s12+$0x200];
	v9 =	vmul.f32 $3.200000000e+01, v9  }
0x125: {  	v15 =	vld [tilespmem:s12+$0x180];
	v7 =	vmul.f32 $3.200000000e+01, v7;
	v8 =	vadd.f32 v8, v10  }
0x126: {  	v3 =	vmul.f32 $3.200000000e+01, v3;
	v10 =	vld [tilespmem:s12+$0x100];
	v9 =	vadd.f32 v11, v9  }
0x127: {  	v6 =	vmul.f32 $3.200000000e+01, v6;
	v7 =	vadd.f32 v12, v7;
	[tilespmem:s12+$0xC400] =	vst v8  }
0x128: {  	v5 =	vmul.f32 $3.200000000e+01, v5;
	v3 =	vadd.f32 v13, v3;
	[tilespmem:s12+$0xC380] =	vst v9  }
0x129: {  	v4 =	vmul.f32 $3.200000000e+01, v4;
	v6 =	vadd.f32 v14, v6;
	[tilespmem:s12+$0xC300] =	vst v7  }
0x12a: {  	v5 =	vadd.f32 v15, v5;
	[tilespmem:s12+$0xC280] =	vst v3  }
0x12b: {  	[tilespmem:s12+$0xC200] =	vst v6;
	v3 =	vadd.f32 v10, v4  }
0x12c: {  	[tilespmem:s12+$0xC180] =	vst v5  }
0x12d: {  	s6 =	sor.u32 $0x380, s26;
	[tilespmem:s12+$0xC100] =	vst v3  }
0x12e: {  	v3 =	vld [tilespmem:s6+$0xC100];
	_ =	sdelay $0x1  }
0x12f: {  	v4 =	vld [tilespmem:s6+$0x100];
	_ =	sdelay $0x2  }
0x130: {  	v3 =	vmul.f32 $3.200000000e+01, v3;
	_ =	sdelay $0x1  }
0x131: {  	v3 =	vadd.f32 v4, v3;
	_ =	sdelay $0x1  }
0x132: {  	[tilespmem:s6+$0xC100] =	vst v3  }
0x133: {  	v3 =	vld [tilespmem:s12+$0x2400]  }
0x134: {  	v4 =	vld [tilespmem:s12+$0x2380]  }
0x135: {  	v5 =	vld [tilespmem:s12+$0xE380]  }
0x136: {  	v6 =	vld [tilespmem:s12+$0xE400]  }
0x137: {  	v7 =	vld [tilespmem:s12+$0x2300]  }
0x138: {  	v8 =	vld [tilespmem:s12+$0x2180]  }
0x139: {  	v9 =	vld [tilespmem:s12+$0x2280]  }
0x13a: {  	v10 =	vld [tilespmem:s12+$0xE280]  }
0x13b: {  	v11 =	vld [tilespmem:s12+$0xE300]  }
0x13c: {  	v61 =	vld [tilespmem:s12+$0xE180];
	v6 =	vmul.f32 $3.200000000e+01, v6  }
0x13d: {  	v62 =	vld [tilespmem:s12+$0xE200]  }
0x13e: {  	v5 =	vmul.f32 $3.200000000e+01, v5;
	v3 =	vadd.f32 v3, v6;
	v6 =	vld [tilespmem:s12+$0xE100]  }
0x13f: {  	v63 =	vld [tilespmem:s12+$0x2200];
	v10 =	vmul.f32 $3.200000000e+01, v10  }
0x140: {  	v11 =	vmul.f32 $3.200000000e+01, v11;
	v4 =	vadd.f32 v4, v5;
	[tilespmem:s12+$0xE400] =	vst v3;
	v3 =	vld [tilespmem:s12+$0x2100]  }
0x141: {  	v5 =	vmul.f32 $3.200000000e+01, v61;
	v9 =	vadd.f32 v9, v10  }
0x142: {  	v10 =	vmul.f32 $3.200000000e+01, v62;
	v7 =	vadd.f32 v7, v11;
	[tilespmem:s12+$0xE380] =	vst v4  }
0x143: {  	v5 =	vadd.f32 v8, v5;
	[tilespmem:s12+$0xE280] =	vst v9;
	v4 =	vmul.f32 $3.200000000e+01, v6  }
0x144: {  	[tilespmem:s12+$0xE300] =	vst v7;
	v6 =	vadd.f32 v63, v10  }
0x145: {  	[tilespmem:s12+$0xE180] =	vst v5;
	v3 =	vadd.f32 v3, v4  }
0x146: {  	[tilespmem:s12+$0xE200] =	vst v6  }
0x147: {  	s29 =	sor.u32 $0x2380, s26;
	[tilespmem:s12+$0xE100] =	vst v3  }
0x148: {  	v3 =	vld [tilespmem:s29+$0xC100];
	_ =	sdelay $0x1  }
0x149: {  	v4 =	vld [tilespmem:s29+$0x100];
	_ =	sdelay $0x2  }
0x14a: {  	v3 =	vmul.f32 $3.200000000e+01, v3;
	_ =	sdelay $0x1  }
0x14b: {  	v3 =	vadd.f32 v4, v3;
	_ =	sdelay $0x1  }
0x14c: {  	s13 =	simm.s32 $0x0;
	s12 =	rddreg [dreg:$0x9];
	[tilespmem:s29+$0xC100] =	vst v3  }
0x14d: {  	[hbm4b:s12+s13] =	stream.linear.scatter [tilespmem:s23], [sflag:$0x2], $0x4000, $0x38;
	[tilespmem:$0x1C100] =	vst v63  }
0x14e: {  	v3 =	vld [tilespmem:$0x20];
	_ =	sdelay $0x4  }
0x14f: {  	v4 =	vshll.u32 v3, $0x3  }
0x150: {  	v3 =	vand.u32 $0x7, v3;
	v4 =	vand.u32 $0xFFFFFFC0, v4  }
0x151: {  	v3 =	vor.u32 v3, v4  }
0x152: {  	v4 =	vperm.xlane v3, v0;
	_ =	sdelay $0x1  }
0x153: {  	v4 =	vadd.s32 v1, v4;
	_ =	sdelay $0x4  }
0x154: {  	[tilespmem:s2], [sflag:$0x1] =	stream.indirect_vreg.gather [hbm4b:s1+s13], $0x80, v4, vm0, $0xb8;
	[tilespmem:$0x1C100] =	vst v63  }
0x155: {  	s14 =	simm.s32 $0x18900;
	v3 =	vperm.xlane v3, v2  }
0x156: {  	[tilespmem:s14], [sflag:$0x1] =	stream.indirect_vreg.gather [hbm4b:s7+s13], $0x80, v4, vm0, $0xb8;
	[tilespmem:$0x1C100] =	vst v63  }
0x157: {  	s15 =	simm.s32 $0x19100;
	v3 =	vadd.s32 v1, v3  }
0x158: {  	[tilespmem:s15], [sflag:$0x1] =	stream.indirect_vreg.gather [hbm4b:s8+s13], $0x80, v4, vm0, $0xb8;
	[tilespmem:$0x1C100] =	vst v63  }
0x159: {  	s26 =	simm.s32 $0x19900  }
0x15a: {  	[tilespmem:s26], [sflag:$0x1] =	stream.indirect_vreg.gather [hbm4b:s9+s13], $0x80, v4, vm0, $0xb8;
	[tilespmem:$0x1C100] =	vst v63  }
0x15b: {  	s28 =	simm.s32 $0x1A100  }
0x15c: {  	[tilespmem:s28], [sflag:$0x1] =	stream.indirect_vreg.gather [hbm4b:s1+s13], $0x80, v3, vm0, $0xb8;
	[tilespmem:$0x1C100] =	vst v63  }
0x15d: {  	s29 =	simm.s32 $0x1A900  }
0x15e: {  	[tilespmem:s29], [sflag:$0x1] =	stream.indirect_vreg.gather [hbm4b:s7+s13], $0x80, v3, vm0, $0xb8;
	[tilespmem:$0x1C100] =	vst v63  }
0x15f: {  	s12 =	simm.s32 $0x1B100  }
0x160: {  	[tilespmem:s12], [sflag:$0x1] =	stream.indirect_vreg.gather [hbm4b:s8+s13], $0x80, v3, vm0, $0xb8;
	[tilespmem:$0x1C100] =	vst v63  }
0x161: {  	s14 =	simm.s32 $0x1B900  }
0x162: {  	[tilespmem:s14], [sflag:$0x1] =	stream.indirect_vreg.gather [hbm4b:s9+s13], $0x80, v3, vm0, $0xb8;
	[tilespmem:$0x1C100] =	vst v63  }
0x163: {  	_ =	swait.ge [sflag:s30], $0x4000  }
0x164: {  	[sflag:s30] =	ssyncset.done $0x0  }
0x165: {  	s26 =	simm.s32 $0x100;
	s15 =	rddreg [dreg:$0xa];
	[sflag:s30] =	ssyncadd.s32 $0xFFFFC000  }
0x166: {  	[tilespmem:s26], [sflag:$0x3] =	stream.linear.gather [hbm4b:s15+s13], $0x4000, $0x38;
	[tilespmem:$0x1C100] =	vst v63  }
0x167: {  	_ =	swait.ge [sflag:s0], $0x4000  }
0x168: {  	s28 =	sand.u32 $0x70, s13;
	s29 =	sand.u32 $0x1C00, s13;
	[sflag:s0] =	ssyncset.done $0x0  }
0x169: {  	s12 =	sor.u32 s28, s29;
	[sflag:s0] =	ssyncadd.s32 $0xFFFFC000  }
0x16a: {  	v3 =	vld [tilespmem:s12+$0x10280]  }
0x16b: {  	v4 =	vld [tilespmem:s12+$0x10100]  }
0x16c: {  	v5 =	vld [tilespmem:s12+$0x10180]  }
0x16d: {  	v6 =	vld [tilespmem:s12+$0x10200]  }
0x16e: {  	v7 =	vld [tilespmem:s12+$0x10300]  }
0x16f: {  	v10 =	vld [tilespmem:s12+$0x10400]  }
0x170: {  	v9 =	vld [tilespmem:s12+$0x10380]  }
0x171: {  	s6 =	simm.s32 $0x10;
	s26 =	sor.u32 s13, s13;
	v8 =	vld [tilespmem:s12+$0x4400]  }
.LBB2_6:
0x172: {  	p0 =	sne.s32 s6, $0x3F0  }
0x173: {  	v11 =	vld [tilespmem:s12+$0x4380];
	s13 =	sadd.s32 $0x80, s13;
	s15 =	smov.u32 s6;
	s6 =	sadd.s32 $0x10, s6  }
0x174: {  	s14 =	sor.u32 s15, s13;
	v12 =	vld [tilespmem:s12+$0x4300]  }
0x175: {  	v13 =	vld [tilespmem:s12+$0x4280];
	v10 =	vmul.f32 $3.200000000e+01, v10  }
0x176: {  	v14 =	vld [tilespmem:s12+$0x4200];
	v9 =	vmul.f32 $3.200000000e+01, v9  }
0x177: {  	v7 =	vmul.f32 $3.200000000e+01, v7;
	v15 =	vld [tilespmem:s12+$0x4180];
	v8 =	vadd.f32 v8, v10  }
0x178: {  	v3 =	vmul.f32 $3.200000000e+01, v3;
	v10 =	vld [tilespmem:s12+$0x4100];
	v9 =	vadd.f32 v11, v9  }
0x179: {  	v6 =	vmul.f32 $3.200000000e+01, v6;
	v7 =	vadd.f32 v12, v7;
	[tilespmem:s12+$0x10400] =	vst v8  }
0x17a: {  	v5 =	vmul.f32 $3.200000000e+01, v5;
	v3 =	vadd.f32 v13, v3;
	[tilespmem:s12+$0x10380] =	vst v9  }
0x17b: {  	v4 =	vmul.f32 $3.200000000e+01, v4;
	v6 =	vadd.f32 v14, v6;
	[tilespmem:s12+$0x10300] =	vst v7  }
0x17c: {  	v5 =	vadd.f32 v15, v5;
	[tilespmem:s12+$0x10280] =	vst v3  }
0x17d: {  	v3 =	vadd.f32 v10, v4;
	[tilespmem:s12+$0x10200] =	vst v6  }
0x17e: {  	[tilespmem:s12+$0x10180] =	vst v5  }
0x17f: {  	s29 =	sor.u32 $0x380, s26;
	[tilespmem:s12+$0x10100] =	vst v3  }
0x180: {  	v3 =	vld [tilespmem:s29+$0x10100]  }
0x181: {  	s15 =	sand.u32 $0x70, s15;
	s28 =	sand.u32 $0x1C00, s13;
	v4 =	vld [tilespmem:s29+$0x4100]  }
0x182: {  	s28 =	sor.u32 s15, s28;
	_ =	sdelay $0x2  }
0x183: {  	v3 =	vmul.f32 $3.200000000e+01, v3;
	_ =	sdelay $0x1  }
0x184: {  	v3 =	vadd.f32 v4, v3;
	_ =	sdelay $0x1  }
0x185: {  	[tilespmem:s29+$0x10100] =	vst v3  }
0x186: {  	v3 =	vld [tilespmem:s12+$0x6400]  }
0x187: {  	v4 =	vld [tilespmem:s12+$0x6380]  }
0x188: {  	v5 =	vld [tilespmem:s12+$0x12380]  }
0x189: {  	v6 =	vld [tilespmem:s12+$0x12400]  }
0x18a: {  	v7 =	vld [tilespmem:s12+$0x6300]  }
0x18b: {  	v8 =	vld [tilespmem:s12+$0x6180]  }
0x18c: {  	v9 =	vld [tilespmem:s12+$0x6280]  }
0x18d: {  	v10 =	vld [tilespmem:s12+$0x12280]  }
0x18e: {  	v11 =	vld [tilespmem:s12+$0x12300];
	v6 =	vmul.f32 $3.200000000e+01, v6  }
0x18f: {  	v12 =	vld [tilespmem:s12+$0x12180]  }
0x190: {  	v13 =	vld [tilespmem:s12+$0x12200];
	v3 =	vadd.f32 v3, v6  }
0x191: {  	v5 =	vmul.f32 $3.200000000e+01, v5;
	v6 =	vld [tilespmem:s12+$0x12100]  }
0x192: {  	v14 =	vld [tilespmem:s12+$0x6200];
	v10 =	vmul.f32 $3.200000000e+01, v10;
	[tilespmem:s12+$0x12400] =	vst v3  }
0x193: {  	v4 =	vadd.f32 v4, v5;
	v15 =	vld [tilespmem:s12+$0x6100];
	v11 =	vmul.f32 $3.200000000e+01, v11  }
0x194: {  	v3 =	vld [tilespmem:s28+$0x10280];
	v5 =	vmul.f32 $3.200000000e+01, v12;
	v9 =	vadd.f32 v9, v10  }
0x195: {  	v10 =	vmul.f32 $3.200000000e+01, v13;
	v7 =	vadd.f32 v7, v11;
	[tilespmem:s12+$0x12380] =	vst v4  }
0x196: {  	v4 =	vmul.f32 $3.200000000e+01, v6;
	v5 =	vadd.f32 v8, v5;
	[tilespmem:s12+$0x12280] =	vst v9  }
0x197: {  	v6 =	vadd.f32 v14, v10;
	[tilespmem:s12+$0x12300] =	vst v7  }
0x198: {  	v4 =	vadd.f32 v15, v4;
	[tilespmem:s12+$0x12180] =	vst v5  }
0x199: {  	[tilespmem:s12+$0x12200] =	vst v6  }
0x19a: {  	s15 =	sor.u32 $0x2380, s26;
	s26 =	smov.u32 s14;
	[tilespmem:s12+$0x12100] =	vst v4;
	s12 =	smov.u32 s28  }
0x19b: {  	v6 =	vld [tilespmem:s15+$0x10100]  }
0x19c: {  	v8 =	vld [tilespmem:s15+$0x4100];
	_ =	sdelay $0x2  }
0x19d: {  	v4 =	vld [tilespmem:s12+$0x10100]  }
0x19e: {  	v5 =	vld [tilespmem:s12+$0x10180];
	v9 =	vmul.f32 $3.200000000e+01, v6  }
.Ltmp2:
0x19f: {  	v6 =	vld [tilespmem:s12+$0x10200];
	(pc) =	sbr.rel @p0 .LBB2_6-.Ltmp2, $4  }
0x1a0: {  	v7 =	vld [tilespmem:s12+$0x10300];
	v8 =	vadd.f32 v8, v9  }
0x1a1: {  	v10 =	vld [tilespmem:s12+$0x10400]  }
0x1a2: {  	v9 =	vld [tilespmem:s12+$0x10380];
	[tilespmem:s15+$0x10100] =	vst v8  }
0x1a3: {  	v8 =	vld [tilespmem:s12+$0x4400]  }
0x1a4: {  	v11 =	vld [tilespmem:s12+$0x4380]  }
0x1a5: {  	v12 =	vld [tilespmem:s12+$0x4300]  }
0x1a6: {  	v13 =	vld [tilespmem:s12+$0x4280];
	v10 =	vmul.f32 $3.200000000e+01, v10  }
0x1a7: {  	v14 =	vld [tilespmem:s12+$0x4200];
	v9 =	vmul.f32 $3.200000000e+01, v9  }
0x1a8: {  	v15 =	vld [tilespmem:s12+$0x4180];
	v7 =	vmul.f32 $3.200000000e+01, v7;
	v8 =	vadd.f32 v8, v10  }
0x1a9: {  	v3 =	vmul.f32 $3.200000000e+01, v3;
	v10 =	vld [tilespmem:s12+$0x4100];
	v9 =	vadd.f32 v11, v9  }
0x1aa: {  	v6 =	vmul.f32 $3.200000000e+01, v6;
	v7 =	vadd.f32 v12, v7;
	[tilespmem:s12+$0x10400] =	vst v8  }
0x1ab: {  	v5 =	vmul.f32 $3.200000000e+01, v5;
	v3 =	vadd.f32 v13, v3;
	[tilespmem:s12+$0x10380] =	vst v9  }
0x1ac: {  	v4 =	vmul.f32 $3.200000000e+01, v4;
	v6 =	vadd.f32 v14, v6;
	[tilespmem:s12+$0x10300] =	vst v7  }
0x1ad: {  	v5 =	vadd.f32 v15, v5;
	[tilespmem:s12+$0x10280] =	vst v3  }
0x1ae: {  	[tilespmem:s12+$0x10200] =	vst v6;
	v3 =	vadd.f32 v10, v4  }
0x1af: {  	[tilespmem:s12+$0x10180] =	vst v5  }
0x1b0: {  	s6 =	sor.u32 $0x380, s26;
	[tilespmem:s12+$0x10100] =	vst v3  }
0x1b1: {  	v3 =	vld [tilespmem:s6+$0x10100];
	_ =	sdelay $0x1  }
0x1b2: {  	v4 =	vld [tilespmem:s6+$0x4100];
	_ =	sdelay $0x2  }
0x1b3: {  	v3 =	vmul.f32 $3.200000000e+01, v3;
	_ =	sdelay $0x1  }
0x1b4: {  	v3 =	vadd.f32 v4, v3;
	_ =	sdelay $0x1  }
0x1b5: {  	[tilespmem:s6+$0x10100] =	vst v3  }
0x1b6: {  	v3 =	vld [tilespmem:s12+$0x6400]  }
0x1b7: {  	v4 =	vld [tilespmem:s12+$0x6380]  }
0x1b8: {  	v5 =	vld [tilespmem:s12+$0x12380]  }
0x1b9: {  	v6 =	vld [tilespmem:s12+$0x12400]  }
0x1ba: {  	v7 =	vld [tilespmem:s12+$0x6300]  }
0x1bb: {  	v8 =	vld [tilespmem:s12+$0x6180]  }
0x1bc: {  	v9 =	vld [tilespmem:s12+$0x6280]  }
0x1bd: {  	v10 =	vld [tilespmem:s12+$0x12280]  }
0x1be: {  	v11 =	vld [tilespmem:s12+$0x12300]  }
0x1bf: {  	v61 =	vld [tilespmem:s12+$0x12180];
	v6 =	vmul.f32 $3.200000000e+01, v6  }
0x1c0: {  	v62 =	vld [tilespmem:s12+$0x12200]  }
0x1c1: {  	v5 =	vmul.f32 $3.200000000e+01, v5;
	v3 =	vadd.f32 v3, v6;
	v6 =	vld [tilespmem:s12+$0x12100]  }
0x1c2: {  	v63 =	vld [tilespmem:s12+$0x6200];
	v10 =	vmul.f32 $3.200000000e+01, v10  }
0x1c3: {  	v11 =	vmul.f32 $3.200000000e+01, v11;
	v4 =	vadd.f32 v4, v5;
	[tilespmem:s12+$0x12400] =	vst v3;
	v3 =	vld [tilespmem:s12+$0x6100]  }
0x1c4: {  	v5 =	vmul.f32 $3.200000000e+01, v61;
	v9 =	vadd.f32 v9, v10  }
0x1c5: {  	v10 =	vmul.f32 $3.200000000e+01, v62;
	v7 =	vadd.f32 v7, v11;
	[tilespmem:s12+$0x12380] =	vst v4  }
0x1c6: {  	v5 =	vadd.f32 v8, v5;
	[tilespmem:s12+$0x12280] =	vst v9;
	v4 =	vmul.f32 $3.200000000e+01, v6  }
0x1c7: {  	[tilespmem:s12+$0x12300] =	vst v7;
	v6 =	vadd.f32 v63, v10  }
0x1c8: {  	[tilespmem:s12+$0x12180] =	vst v5;
	v3 =	vadd.f32 v3, v4  }
0x1c9: {  	[tilespmem:s12+$0x12200] =	vst v6  }
0x1ca: {  	s14 =	sor.u32 $0x2380, s26;
	[tilespmem:s12+$0x12100] =	vst v3  }
0x1cb: {  	v3 =	vld [tilespmem:s14+$0x10100];
	_ =	sdelay $0x1  }
0x1cc: {  	v4 =	vld [tilespmem:s14+$0x4100];
	_ =	sdelay $0x2  }
0x1cd: {  	v3 =	vmul.f32 $3.200000000e+01, v3;
	_ =	sdelay $0x1  }
0x1ce: {  	v3 =	vadd.f32 v4, v3;
	_ =	sdelay $0x1  }
0x1cf: {  	s13 =	simm.s32 $0x0;
	s15 =	rddreg [dreg:$0xb];
	[tilespmem:s14+$0x10100] =	vst v3  }
0x1d0: {  	[hbm4b:s15+s13] =	stream.linear.scatter [tilespmem:s4], [sflag:$0x2], $0x4000, $0x38;
	[tilespmem:$0x1C100] =	vst v63  }
0x1d1: {  	_ =	swait.ge [sflag:s24], $0x4000  }
0x1d2: {  	[sflag:s24] =	ssyncset.done $0x0  }
0x1d3: {  	[sflag:s24] =	ssyncadd.s32 $0xFFFFC000  }
0x1d4: {  	v3 =	vld [tilespmem:$0xA0];
	_ =	sdelay $0x4  }
0x1d5: {  	v4 =	vshll.u32 v3, $0x3  }
0x1d6: {  	v3 =	vand.u32 $0x7, v3;
	v4 =	vand.u32 $0xFFFFFFC0, v4  }
0x1d7: {  	v3 =	vor.u32 v3, v4  }
0x1d8: {  	v4 =	vperm.xlane v3, v0;
	_ =	sdelay $0x1  }
0x1d9: {  	v4 =	vadd.s32 v1, v4;
	_ =	sdelay $0x4  }
0x1da: {  	[tilespmem:s25], [sflag:$0x1] =	stream.indirect_vreg.gather [hbm4b:s1+s13], $0x80, v4, vm0, $0xb8;
	[tilespmem:$0x1C100] =	vst v63  }
0x1db: {  	s26 =	simm.s32 $0x8900;
	v3 =	vperm.xlane v3, v2  }
0x1dc: {  	[tilespmem:s26], [sflag:$0x1] =	stream.indirect_vreg.gather [hbm4b:s7+s13], $0x80, v4, vm0, $0xb8;
	[tilespmem:$0x1C100] =	vst v63  }
0x1dd: {  	s28 =	simm.s32 $0x9100;
	v3 =	vadd.s32 v1, v3  }
0x1de: {  	[tilespmem:s28], [sflag:$0x1] =	stream.indirect_vreg.gather [hbm4b:s8+s13], $0x80, v4, vm0, $0xb8;
	[tilespmem:$0x1C100] =	vst v63  }
0x1df: {  	s29 =	simm.s32 $0x9900  }
0x1e0: {  	[tilespmem:s29], [sflag:$0x1] =	stream.indirect_vreg.gather [hbm4b:s9+s13], $0x80, v4, vm0, $0xb8;
	[tilespmem:$0x1C100] =	vst v63  }
0x1e1: {  	s12 =	simm.s32 $0xA100  }
0x1e2: {  	[tilespmem:s12], [sflag:$0x1] =	stream.indirect_vreg.gather [hbm4b:s1+s13], $0x80, v3, vm0, $0xb8;
	[tilespmem:$0x1C100] =	vst v63  }
0x1e3: {  	s14 =	simm.s32 $0xA900  }
0x1e4: {  	[tilespmem:s14], [sflag:$0x1] =	stream.indirect_vreg.gather [hbm4b:s7+s13], $0x80, v3, vm0, $0xb8;
	[tilespmem:$0x1C100] =	vst v63  }
0x1e5: {  	s15 =	simm.s32 $0xB100  }
0x1e6: {  	[tilespmem:s15], [sflag:$0x1] =	stream.indirect_vreg.gather [hbm4b:s8+s13], $0x80, v3, vm0, $0xb8;
	[tilespmem:$0x1C100] =	vst v63  }
0x1e7: {  	s26 =	simm.s32 $0xB900  }
0x1e8: {  	[tilespmem:s26], [sflag:$0x1] =	stream.indirect_vreg.gather [hbm4b:s9+s13], $0x80, v3, vm0, $0xb8;
	[tilespmem:$0x1C100] =	vst v63  }
0x1e9: {  	_ =	swait.ge [sflag:s0], $0x4000  }
0x1ea: {  	s28 =	sand.u32 $0x70, s13;
	s29 =	sand.u32 $0x1C00, s13;
	[sflag:s0] =	ssyncset.done $0x0  }
0x1eb: {  	s12 =	sor.u32 s28, s29;
	[sflag:s0] =	ssyncadd.s32 $0xFFFFC000  }
0x1ec: {  	v3 =	vld [tilespmem:s12+$0x14280]  }
0x1ed: {  	v4 =	vld [tilespmem:s12+$0x14100]  }
0x1ee: {  	v5 =	vld [tilespmem:s12+$0x14180]  }
0x1ef: {  	v6 =	vld [tilespmem:s12+$0x14200]  }
0x1f0: {  	v7 =	vld [tilespmem:s12+$0x14300]  }
0x1f1: {  	v10 =	vld [tilespmem:s12+$0x14400]  }
0x1f2: {  	v9 =	vld [tilespmem:s12+$0x14380]  }
0x1f3: {  	s6 =	simm.s32 $0x10;
	s26 =	sor.u32 s13, s13;
	v8 =	vld [tilespmem:s12+$0x4400]  }
.LBB2_8:
0x1f4: {  	p0 =	sne.s32 s6, $0x3F0  }
0x1f5: {  	v11 =	vld [tilespmem:s12+$0x4380];
	s13 =	sadd.s32 $0x80, s13;
	s15 =	smov.u32 s6;
	s6 =	sadd.s32 $0x10, s6  }
0x1f6: {  	s14 =	sor.u32 s15, s13;
	v12 =	vld [tilespmem:s12+$0x4300]  }
0x1f7: {  	v13 =	vld [tilespmem:s12+$0x4280];
	v10 =	vmul.f32 $3.200000000e+01, v10  }
0x1f8: {  	v14 =	vld [tilespmem:s12+$0x4200];
	v9 =	vmul.f32 $3.200000000e+01, v9  }
0x1f9: {  	v7 =	vmul.f32 $3.200000000e+01, v7;
	v15 =	vld [tilespmem:s12+$0x4180];
	v8 =	vadd.f32 v8, v10  }
0x1fa: {  	v3 =	vmul.f32 $3.200000000e+01, v3;
	v10 =	vld [tilespmem:s12+$0x4100];
	v9 =	vadd.f32 v11, v9  }
0x1fb: {  	v6 =	vmul.f32 $3.200000000e+01, v6;
	v7 =	vadd.f32 v12, v7;
	[tilespmem:s12+$0x14400] =	vst v8  }
0x1fc: {  	v5 =	vmul.f32 $3.200000000e+01, v5;
	v3 =	vadd.f32 v13, v3;
	[tilespmem:s12+$0x14380] =	vst v9  }
0x1fd: {  	v4 =	vmul.f32 $3.200000000e+01, v4;
	v6 =	vadd.f32 v14, v6;
	[tilespmem:s12+$0x14300] =	vst v7  }
0x1fe: {  	v5 =	vadd.f32 v15, v5;
	[tilespmem:s12+$0x14280] =	vst v3  }
0x1ff: {  	v3 =	vadd.f32 v10, v4;
	[tilespmem:s12+$0x14200] =	vst v6  }
0x200: {  	[tilespmem:s12+$0x14180] =	vst v5  }
0x201: {  	s29 =	sor.u32 $0x380, s26;
	[tilespmem:s12+$0x14100] =	vst v3  }
0x202: {  	v3 =	vld [tilespmem:s29+$0x14100]  }
0x203: {  	s15 =	sand.u32 $0x70, s15;
	s28 =	sand.u32 $0x1C00, s13;
	v4 =	vld [tilespmem:s29+$0x4100]  }
0x204: {  	s28 =	sor.u32 s15, s28;
	_ =	sdelay $0x2  }
0x205: {  	v3 =	vmul.f32 $3.200000000e+01, v3;
	_ =	sdelay $0x1  }
0x206: {  	v3 =	vadd.f32 v4, v3;
	_ =	sdelay $0x1  }
0x207: {  	[tilespmem:s29+$0x14100] =	vst v3  }
0x208: {  	v3 =	vld [tilespmem:s12+$0x6400]  }
0x209: {  	v4 =	vld [tilespmem:s12+$0x6380]  }
0x20a: {  	v5 =	vld [tilespmem:s12+$0x16380]  }
0x20b: {  	v6 =	vld [tilespmem:s12+$0x16400]  }
0x20c: {  	v7 =	vld [tilespmem:s12+$0x6300]  }
0x20d: {  	v8 =	vld [tilespmem:s12+$0x6180]  }
0x20e: {  	v9 =	vld [tilespmem:s12+$0x6280]  }
0x20f: {  	v10 =	vld [tilespmem:s12+$0x16280]  }
0x210: {  	v11 =	vld [tilespmem:s12+$0x16300];
	v6 =	vmul.f32 $3.200000000e+01, v6  }
0x211: {  	v12 =	vld [tilespmem:s12+$0x16180]  }
0x212: {  	v13 =	vld [tilespmem:s12+$0x16200];
	v3 =	vadd.f32 v3, v6  }
0x213: {  	v5 =	vmul.f32 $3.200000000e+01, v5;
	v6 =	vld [tilespmem:s12+$0x16100]  }
0x214: {  	v14 =	vld [tilespmem:s12+$0x6200];
	v10 =	vmul.f32 $3.200000000e+01, v10;
	[tilespmem:s12+$0x16400] =	vst v3  }
0x215: {  	v4 =	vadd.f32 v4, v5;
	v15 =	vld [tilespmem:s12+$0x6100];
	v11 =	vmul.f32 $3.200000000e+01, v11  }
0x216: {  	v3 =	vld [tilespmem:s28+$0x14280];
	v5 =	vmul.f32 $3.200000000e+01, v12;
	v9 =	vadd.f32 v9, v10  }
0x217: {  	v10 =	vmul.f32 $3.200000000e+01, v13;
	v7 =	vadd.f32 v7, v11;
	[tilespmem:s12+$0x16380] =	vst v4  }
0x218: {  	v4 =	vmul.f32 $3.200000000e+01, v6;
	v5 =	vadd.f32 v8, v5;
	[tilespmem:s12+$0x16280] =	vst v9  }
0x219: {  	v6 =	vadd.f32 v14, v10;
	[tilespmem:s12+$0x16300] =	vst v7  }
0x21a: {  	v4 =	vadd.f32 v15, v4;
	[tilespmem:s12+$0x16180] =	vst v5  }
0x21b: {  	[tilespmem:s12+$0x16200] =	vst v6  }
0x21c: {  	s15 =	sor.u32 $0x2380, s26;
	s26 =	smov.u32 s14;
	[tilespmem:s12+$0x16100] =	vst v4;
	s12 =	smov.u32 s28  }
0x21d: {  	v6 =	vld [tilespmem:s15+$0x14100]  }
0x21e: {  	v8 =	vld [tilespmem:s15+$0x4100];
	_ =	sdelay $0x2  }
0x21f: {  	v4 =	vld [tilespmem:s12+$0x14100]  }
0x220: {  	v5 =	vld [tilespmem:s12+$0x14180];
	v9 =	vmul.f32 $3.200000000e+01, v6  }
.Ltmp3:
0x221: {  	v6 =	vld [tilespmem:s12+$0x14200];
	(pc) =	sbr.rel @p0 .LBB2_8-.Ltmp3, $4  }
0x222: {  	v7 =	vld [tilespmem:s12+$0x14300];
	v8 =	vadd.f32 v8, v9  }
0x223: {  	v10 =	vld [tilespmem:s12+$0x14400]  }
0x224: {  	v9 =	vld [tilespmem:s12+$0x14380];
	[tilespmem:s15+$0x14100] =	vst v8  }
0x225: {  	v8 =	vld [tilespmem:s12+$0x4400]  }
0x226: {  	v11 =	vld [tilespmem:s12+$0x4380]  }
0x227: {  	v12 =	vld [tilespmem:s12+$0x4300]  }
0x228: {  	v13 =	vld [tilespmem:s12+$0x4280];
	v10 =	vmul.f32 $3.200000000e+01, v10  }
0x229: {  	v14 =	vld [tilespmem:s12+$0x4200];
	v9 =	vmul.f32 $3.200000000e+01, v9  }
0x22a: {  	v15 =	vld [tilespmem:s12+$0x4180];
	v7 =	vmul.f32 $3.200000000e+01, v7;
	v8 =	vadd.f32 v8, v10  }
0x22b: {  	v3 =	vmul.f32 $3.200000000e+01, v3;
	v10 =	vld [tilespmem:s12+$0x4100];
	v9 =	vadd.f32 v11, v9  }
0x22c: {  	v6 =	vmul.f32 $3.200000000e+01, v6;
	v7 =	vadd.f32 v12, v7;
	[tilespmem:s12+$0x14400] =	vst v8  }
0x22d: {  	v5 =	vmul.f32 $3.200000000e+01, v5;
	v3 =	vadd.f32 v13, v3;
	[tilespmem:s12+$0x14380] =	vst v9  }
0x22e: {  	v4 =	vmul.f32 $3.200000000e+01, v4;
	v6 =	vadd.f32 v14, v6;
	[tilespmem:s12+$0x14300] =	vst v7  }
0x22f: {  	v5 =	vadd.f32 v15, v5;
	[tilespmem:s12+$0x14280] =	vst v3  }
0x230: {  	[tilespmem:s12+$0x14200] =	vst v6;
	v3 =	vadd.f32 v10, v4  }
0x231: {  	[tilespmem:s12+$0x14180] =	vst v5  }
0x232: {  	s6 =	sor.u32 $0x380, s26;
	[tilespmem:s12+$0x14100] =	vst v3  }
0x233: {  	v3 =	vld [tilespmem:s6+$0x14100];
	_ =	sdelay $0x1  }
0x234: {  	v4 =	vld [tilespmem:s6+$0x4100];
	_ =	sdelay $0x2  }
0x235: {  	v3 =	vmul.f32 $3.200000000e+01, v3;
	_ =	sdelay $0x1  }
0x236: {  	v3 =	vadd.f32 v4, v3;
	_ =	sdelay $0x1  }
0x237: {  	[tilespmem:s6+$0x14100] =	vst v3  }
0x238: {  	v3 =	vld [tilespmem:s12+$0x6400]  }
0x239: {  	v4 =	vld [tilespmem:s12+$0x6380]  }
0x23a: {  	v5 =	vld [tilespmem:s12+$0x16380]  }
0x23b: {  	v6 =	vld [tilespmem:s12+$0x16400]  }
0x23c: {  	v7 =	vld [tilespmem:s12+$0x6300]  }
0x23d: {  	v8 =	vld [tilespmem:s12+$0x6180]  }
0x23e: {  	v9 =	vld [tilespmem:s12+$0x6280]  }
0x23f: {  	v10 =	vld [tilespmem:s12+$0x16280]  }
0x240: {  	v11 =	vld [tilespmem:s12+$0x16300]  }
0x241: {  	v61 =	vld [tilespmem:s12+$0x16180];
	v6 =	vmul.f32 $3.200000000e+01, v6  }
0x242: {  	v62 =	vld [tilespmem:s12+$0x16200]  }
0x243: {  	v5 =	vmul.f32 $3.200000000e+01, v5;
	v3 =	vadd.f32 v3, v6;
	v6 =	vld [tilespmem:s12+$0x16100]  }
0x244: {  	v63 =	vld [tilespmem:s12+$0x6200];
	v10 =	vmul.f32 $3.200000000e+01, v10  }
0x245: {  	v11 =	vmul.f32 $3.200000000e+01, v11;
	v4 =	vadd.f32 v4, v5;
	[tilespmem:s12+$0x16400] =	vst v3;
	v3 =	vld [tilespmem:s12+$0x6100]  }
0x246: {  	v5 =	vmul.f32 $3.200000000e+01, v61;
	v9 =	vadd.f32 v9, v10  }
0x247: {  	v10 =	vmul.f32 $3.200000000e+01, v62;
	v7 =	vadd.f32 v7, v11;
	[tilespmem:s12+$0x16380] =	vst v4  }
0x248: {  	v5 =	vadd.f32 v8, v5;
	[tilespmem:s12+$0x16280] =	vst v9;
	v4 =	vmul.f32 $3.200000000e+01, v6  }
0x249: {  	[tilespmem:s12+$0x16300] =	vst v7;
	v6 =	vadd.f32 v63, v10  }
0x24a: {  	[tilespmem:s12+$0x16180] =	vst v5;
	v3 =	vadd.f32 v3, v4  }
0x24b: {  	[tilespmem:s12+$0x16200] =	vst v6  }
0x24c: {  	s14 =	sor.u32 $0x2380, s26;
	[tilespmem:s12+$0x16100] =	vst v3  }
0x24d: {  	v3 =	vld [tilespmem:s14+$0x14100];
	_ =	sdelay $0x1  }
0x24e: {  	v4 =	vld [tilespmem:s14+$0x4100];
	_ =	sdelay $0x2  }
0x24f: {  	v3 =	vmul.f32 $3.200000000e+01, v3;
	_ =	sdelay $0x1  }
0x250: {  	v3 =	vadd.f32 v4, v3;
	_ =	sdelay $0x1  }
0x251: {  	s13 =	simm.s32 $0x0;
	s15 =	rddreg [dreg:$0xc];
	[tilespmem:s14+$0x14100] =	vst v3  }
0x252: {  	[hbm4b:s15+s13] =	stream.linear.scatter [tilespmem:s10], [sflag:$0x2], $0x4000, $0x38;
	[tilespmem:$0x1C100] =	vst v63  }
0x253: {  	_ =	swait.ge [sflag:s24], $0x4000  }
0x254: {  	[sflag:s24] =	ssyncset.done $0x0  }
0x255: {  	[sflag:s24] =	ssyncadd.s32 $0xFFFFC000  }
0x256: {  	v3 =	vld [tilespmem:$0x30];
	_ =	sdelay $0x4  }
0x257: {  	v4 =	vshll.u32 v3, $0x3  }
0x258: {  	v3 =	vand.u32 $0x7, v3;
	v4 =	vand.u32 $0xFFFFFFC0, v4  }
0x259: {  	v3 =	vor.u32 v3, v4  }
0x25a: {  	v4 =	vperm.xlane v3, v0;
	_ =	sdelay $0x1  }
0x25b: {  	v4 =	vadd.s32 v1, v4;
	_ =	sdelay $0x4  }
0x25c: {  	[tilespmem:s23], [sflag:$0x1] =	stream.indirect_vreg.gather [hbm4b:s1+s13], $0x80, v4, vm0, $0xb8;
	[tilespmem:$0x1C100] =	vst v63  }
0x25d: {  	s26 =	simm.s32 $0xC900;
	v3 =	vperm.xlane v3, v2  }
0x25e: {  	[tilespmem:s26], [sflag:$0x1] =	stream.indirect_vreg.gather [hbm4b:s7+s13], $0x80, v4, vm0, $0xb8;
	[tilespmem:$0x1C100] =	vst v63  }
0x25f: {  	s28 =	simm.s32 $0xD100;
	v3 =	vadd.s32 v1, v3  }
0x260: {  	[tilespmem:s28], [sflag:$0x1] =	stream.indirect_vreg.gather [hbm4b:s8+s13], $0x80, v4, vm0, $0xb8;
	[tilespmem:$0x1C100] =	vst v63  }
0x261: {  	s29 =	simm.s32 $0xD900  }
0x262: {  	[tilespmem:s29], [sflag:$0x1] =	stream.indirect_vreg.gather [hbm4b:s9+s13], $0x80, v4, vm0, $0xb8;
	[tilespmem:$0x1C100] =	vst v63  }
0x263: {  	s12 =	simm.s32 $0xE100  }
0x264: {  	[tilespmem:s12], [sflag:$0x1] =	stream.indirect_vreg.gather [hbm4b:s1+s13], $0x80, v3, vm0, $0xb8;
	[tilespmem:$0x1C100] =	vst v63  }
0x265: {  	s14 =	simm.s32 $0xE900  }
0x266: {  	[tilespmem:s14], [sflag:$0x1] =	stream.indirect_vreg.gather [hbm4b:s7+s13], $0x80, v3, vm0, $0xb8;
	[tilespmem:$0x1C100] =	vst v63  }
0x267: {  	s15 =	simm.s32 $0xF100  }
0x268: {  	[tilespmem:s15], [sflag:$0x1] =	stream.indirect_vreg.gather [hbm4b:s8+s13], $0x80, v3, vm0, $0xb8;
	[tilespmem:$0x1C100] =	vst v63  }
0x269: {  	s26 =	simm.s32 $0xF900  }
0x26a: {  	[tilespmem:s26], [sflag:$0x1] =	stream.indirect_vreg.gather [hbm4b:s9+s13], $0x80, v3, vm0, $0xb8;
	[tilespmem:$0x1C100] =	vst v63  }
0x26b: {  	_ =	swait.ge [sflag:s30], $0x4000  }
0x26c: {  	[sflag:s30] =	ssyncset.done $0x0  }
0x26d: {  	[sflag:s30] =	ssyncadd.s32 $0xFFFFC000  }
0x26e: {  	[tilespmem:s31], [sflag:$0x3] =	stream.linear.gather [hbm4b:s16+s13], $0x4000, $0x38;
	[tilespmem:$0x1C100] =	vst v63  }
0x26f: {  	_ =	swait.ge [sflag:s0], $0x4000  }
0x270: {  	s28 =	sand.u32 $0x70, s13;
	s29 =	sand.u32 $0x1C00, s13;
	[sflag:s0] =	ssyncset.done $0x0  }
0x271: {  	s12 =	sor.u32 s28, s29;
	[sflag:s0] =	ssyncadd.s32 $0xFFFFC000  }
0x272: {  	v3 =	vld [tilespmem:s12+$0x18280]  }
0x273: {  	v4 =	vld [tilespmem:s12+$0x18100]  }
0x274: {  	v5 =	vld [tilespmem:s12+$0x18180]  }
0x275: {  	v6 =	vld [tilespmem:s12+$0x18200]  }
0x276: {  	v7 =	vld [tilespmem:s12+$0x18300]  }
0x277: {  	v10 =	vld [tilespmem:s12+$0x18400]  }
0x278: {  	v9 =	vld [tilespmem:s12+$0x18380]  }
0x279: {  	s6 =	simm.s32 $0x10;
	s26 =	sor.u32 s13, s13;
	v8 =	vld [tilespmem:s12+$0x400]  }
.LBB2_10:
0x27a: {  	p0 =	sne.s32 s6, $0x3F0  }
0x27b: {  	v11 =	vld [tilespmem:s12+$0x380];
	s13 =	sadd.s32 $0x80, s13;
	s15 =	smov.u32 s6;
	s6 =	sadd.s32 $0x10, s6  }
0x27c: {  	s14 =	sor.u32 s15, s13;
	v12 =	vld [tilespmem:s12+$0x300]  }
0x27d: {  	v13 =	vld [tilespmem:s12+$0x280];
	v10 =	vmul.f32 $3.200000000e+01, v10  }
0x27e: {  	v14 =	vld [tilespmem:s12+$0x200];
	v9 =	vmul.f32 $3.200000000e+01, v9  }
0x27f: {  	v7 =	vmul.f32 $3.200000000e+01, v7;
	v15 =	vld [tilespmem:s12+$0x180];
	v8 =	vadd.f32 v8, v10  }
0x280: {  	v3 =	vmul.f32 $3.200000000e+01, v3;
	v10 =	vld [tilespmem:s12+$0x100];
	v9 =	vadd.f32 v11, v9  }
0x281: {  	v6 =	vmul.f32 $3.200000000e+01, v6;
	v7 =	vadd.f32 v12, v7;
	[tilespmem:s12+$0x18400] =	vst v8  }
0x282: {  	v5 =	vmul.f32 $3.200000000e+01, v5;
	v3 =	vadd.f32 v13, v3;
	[tilespmem:s12+$0x18380] =	vst v9  }
0x283: {  	v4 =	vmul.f32 $3.200000000e+01, v4;
	v6 =	vadd.f32 v14, v6;
	[tilespmem:s12+$0x18300] =	vst v7  }
0x284: {  	v5 =	vadd.f32 v15, v5;
	[tilespmem:s12+$0x18280] =	vst v3  }
0x285: {  	v3 =	vadd.f32 v10, v4;
	[tilespmem:s12+$0x18200] =	vst v6  }
0x286: {  	[tilespmem:s12+$0x18180] =	vst v5  }
0x287: {  	s29 =	sor.u32 $0x380, s26;
	[tilespmem:s12+$0x18100] =	vst v3  }
0x288: {  	v3 =	vld [tilespmem:s29+$0x18100]  }
0x289: {  	s15 =	sand.u32 $0x70, s15;
	s28 =	sand.u32 $0x1C00, s13;
	v4 =	vld [tilespmem:s29+$0x100]  }
0x28a: {  	s28 =	sor.u32 s15, s28;
	_ =	sdelay $0x2  }
0x28b: {  	v3 =	vmul.f32 $3.200000000e+01, v3;
	_ =	sdelay $0x1  }
0x28c: {  	v3 =	vadd.f32 v4, v3;
	_ =	sdelay $0x1  }
0x28d: {  	[tilespmem:s29+$0x18100] =	vst v3  }
0x28e: {  	v3 =	vld [tilespmem:s12+$0x2400]  }
0x28f: {  	v4 =	vld [tilespmem:s12+$0x2380]  }
0x290: {  	v5 =	vld [tilespmem:s12+$0x1A380]  }
0x291: {  	v6 =	vld [tilespmem:s12+$0x1A400]  }
0x292: {  	v7 =	vld [tilespmem:s12+$0x2300]  }
0x293: {  	v8 =	vld [tilespmem:s12+$0x2180]  }
0x294: {  	v9 =	vld [tilespmem:s12+$0x2280]  }
0x295: {  	v10 =	vld [tilespmem:s12+$0x1A280]  }
0x296: {  	v11 =	vld [tilespmem:s12+$0x1A300];
	v6 =	vmul.f32 $3.200000000e+01, v6  }
0x297: {  	v12 =	vld [tilespmem:s12+$0x1A180]  }
0x298: {  	v13 =	vld [tilespmem:s12+$0x1A200];
	v3 =	vadd.f32 v3, v6  }
0x299: {  	v5 =	vmul.f32 $3.200000000e+01, v5;
	v6 =	vld [tilespmem:s12+$0x1A100]  }
0x29a: {  	v14 =	vld [tilespmem:s12+$0x2200];
	v10 =	vmul.f32 $3.200000000e+01, v10;
	[tilespmem:s12+$0x1A400] =	vst v3  }
0x29b: {  	v4 =	vadd.f32 v4, v5;
	v15 =	vld [tilespmem:s12+$0x2100];
	v11 =	vmul.f32 $3.200000000e+01, v11  }
0x29c: {  	v3 =	vld [tilespmem:s28+$0x18280];
	v5 =	vmul.f32 $3.200000000e+01, v12;
	v9 =	vadd.f32 v9, v10  }
0x29d: {  	v10 =	vmul.f32 $3.200000000e+01, v13;
	v7 =	vadd.f32 v7, v11;
	[tilespmem:s12+$0x1A380] =	vst v4  }
0x29e: {  	v4 =	vmul.f32 $3.200000000e+01, v6;
	v5 =	vadd.f32 v8, v5;
	[tilespmem:s12+$0x1A280] =	vst v9  }
0x29f: {  	v6 =	vadd.f32 v14, v10;
	[tilespmem:s12+$0x1A300] =	vst v7  }
0x2a0: {  	v4 =	vadd.f32 v15, v4;
	[tilespmem:s12+$0x1A180] =	vst v5  }
0x2a1: {  	[tilespmem:s12+$0x1A200] =	vst v6  }
0x2a2: {  	s15 =	sor.u32 $0x2380, s26;
	s26 =	smov.u32 s14;
	[tilespmem:s12+$0x1A100] =	vst v4;
	s12 =	smov.u32 s28  }
0x2a3: {  	v6 =	vld [tilespmem:s15+$0x18100]  }
0x2a4: {  	v8 =	vld [tilespmem:s15+$0x100];
	_ =	sdelay $0x2  }
0x2a5: {  	v4 =	vld [tilespmem:s12+$0x18100]  }
0x2a6: {  	v5 =	vld [tilespmem:s12+$0x18180];
	v9 =	vmul.f32 $3.200000000e+01, v6  }
.Ltmp4:
0x2a7: {  	v6 =	vld [tilespmem:s12+$0x18200];
	(pc) =	sbr.rel @p0 .LBB2_10-.Ltmp4, $4  }
0x2a8: {  	v7 =	vld [tilespmem:s12+$0x18300];
	v8 =	vadd.f32 v8, v9  }
0x2a9: {  	v10 =	vld [tilespmem:s12+$0x18400]  }
0x2aa: {  	v9 =	vld [tilespmem:s12+$0x18380];
	[tilespmem:s15+$0x18100] =	vst v8  }
0x2ab: {  	v8 =	vld [tilespmem:s12+$0x400]  }
0x2ac: {  	v11 =	vld [tilespmem:s12+$0x380]  }
0x2ad: {  	v12 =	vld [tilespmem:s12+$0x300]  }
0x2ae: {  	v13 =	vld [tilespmem:s12+$0x280];
	v10 =	vmul.f32 $3.200000000e+01, v10  }
0x2af: {  	v14 =	vld [tilespmem:s12+$0x200];
	v9 =	vmul.f32 $3.200000000e+01, v9  }
0x2b0: {  	v15 =	vld [tilespmem:s12+$0x180];
	v7 =	vmul.f32 $3.200000000e+01, v7;
	v8 =	vadd.f32 v8, v10  }
0x2b1: {  	v3 =	vmul.f32 $3.200000000e+01, v3;
	v10 =	vld [tilespmem:s12+$0x100];
	v9 =	vadd.f32 v11, v9  }
0x2b2: {  	v6 =	vmul.f32 $3.200000000e+01, v6;
	v7 =	vadd.f32 v12, v7;
	[tilespmem:s12+$0x18400] =	vst v8  }
0x2b3: {  	v5 =	vmul.f32 $3.200000000e+01, v5;
	v3 =	vadd.f32 v13, v3;
	[tilespmem:s12+$0x18380] =	vst v9  }
0x2b4: {  	v4 =	vmul.f32 $3.200000000e+01, v4;
	v6 =	vadd.f32 v14, v6;
	[tilespmem:s12+$0x18300] =	vst v7  }
0x2b5: {  	v5 =	vadd.f32 v15, v5;
	[tilespmem:s12+$0x18280] =	vst v3  }
0x2b6: {  	[tilespmem:s12+$0x18200] =	vst v6;
	v3 =	vadd.f32 v10, v4  }
0x2b7: {  	[tilespmem:s12+$0x18180] =	vst v5  }
0x2b8: {  	s6 =	sor.u32 $0x380, s26;
	[tilespmem:s12+$0x18100] =	vst v3  }
0x2b9: {  	v3 =	vld [tilespmem:s6+$0x18100];
	_ =	sdelay $0x1  }
0x2ba: {  	v4 =	vld [tilespmem:s6+$0x100];
	_ =	sdelay $0x2  }
0x2bb: {  	v3 =	vmul.f32 $3.200000000e+01, v3;
	_ =	sdelay $0x1  }
0x2bc: {  	v3 =	vadd.f32 v4, v3;
	_ =	sdelay $0x1  }
0x2bd: {  	[tilespmem:s6+$0x18100] =	vst v3  }
0x2be: {  	v3 =	vld [tilespmem:s12+$0x2400]  }
0x2bf: {  	v4 =	vld [tilespmem:s12+$0x2380]  }
0x2c0: {  	v5 =	vld [tilespmem:s12+$0x1A380]  }
0x2c1: {  	v6 =	vld [tilespmem:s12+$0x1A400]  }
0x2c2: {  	v7 =	vld [tilespmem:s12+$0x2300]  }
0x2c3: {  	v8 =	vld [tilespmem:s12+$0x2180]  }
0x2c4: {  	v9 =	vld [tilespmem:s12+$0x2280]  }
0x2c5: {  	v10 =	vld [tilespmem:s12+$0x1A280]  }
0x2c6: {  	v11 =	vld [tilespmem:s12+$0x1A300]  }
0x2c7: {  	v61 =	vld [tilespmem:s12+$0x1A180];
	v6 =	vmul.f32 $3.200000000e+01, v6  }
0x2c8: {  	v62 =	vld [tilespmem:s12+$0x1A200]  }
0x2c9: {  	v5 =	vmul.f32 $3.200000000e+01, v5;
	v3 =	vadd.f32 v3, v6;
	v6 =	vld [tilespmem:s12+$0x1A100]  }
0x2ca: {  	v63 =	vld [tilespmem:s12+$0x2200];
	v10 =	vmul.f32 $3.200000000e+01, v10  }
0x2cb: {  	v11 =	vmul.f32 $3.200000000e+01, v11;
	v4 =	vadd.f32 v4, v5;
	[tilespmem:s12+$0x1A400] =	vst v3;
	v3 =	vld [tilespmem:s12+$0x2100]  }
0x2cc: {  	v5 =	vmul.f32 $3.200000000e+01, v61;
	v9 =	vadd.f32 v9, v10  }
0x2cd: {  	v10 =	vmul.f32 $3.200000000e+01, v62;
	v7 =	vadd.f32 v7, v11;
	[tilespmem:s12+$0x1A380] =	vst v4  }
0x2ce: {  	v5 =	vadd.f32 v8, v5;
	[tilespmem:s12+$0x1A280] =	vst v9;
	v4 =	vmul.f32 $3.200000000e+01, v6  }
0x2cf: {  	[tilespmem:s12+$0x1A300] =	vst v7;
	v6 =	vadd.f32 v63, v10  }
0x2d0: {  	[tilespmem:s12+$0x1A180] =	vst v5;
	v3 =	vadd.f32 v3, v4  }
0x2d1: {  	[tilespmem:s12+$0x1A200] =	vst v6  }
0x2d2: {  	s15 =	sor.u32 $0x2380, s26;
	[tilespmem:s12+$0x1A100] =	vst v3  }
0x2d3: {  	v3 =	vld [tilespmem:s15+$0x18100];
	_ =	sdelay $0x1  }
0x2d4: {  	v4 =	vld [tilespmem:s15+$0x100];
	_ =	sdelay $0x2  }
0x2d5: {  	v3 =	vmul.f32 $3.200000000e+01, v3;
	_ =	sdelay $0x1  }
0x2d6: {  	v3 =	vadd.f32 v4, v3;
	_ =	sdelay $0x1  }
0x2d7: {  	s13 =	simm.s32 $0x0;
	[tilespmem:s15+$0x18100] =	vst v3  }
0x2d8: {  	[hbm4b:s17+s13] =	stream.linear.scatter [tilespmem:s2], [sflag:$0x2], $0x4000, $0x38;
	[tilespmem:$0x1C100] =	vst v63  }
0x2d9: {  	_ =	swait.ge [sflag:s24], $0x4000  }
0x2da: {  	[sflag:s24] =	ssyncset.done $0x0  }
0x2db: {  	[sflag:s24] =	ssyncadd.s32 $0xFFFFC000  }
0x2dc: {  	v3 =	vld [tilespmem:$0xB0];
	_ =	sdelay $0x4  }
0x2dd: {  	v4 =	vshll.u32 v3, $0x3  }
0x2de: {  	v3 =	vand.u32 $0x7, v3;
	v4 =	vand.u32 $0xFFFFFFC0, v4  }
0x2df: {  	v3 =	vor.u32 v3, v4  }
0x2e0: {  	v4 =	vperm.xlane v3, v0;
	_ =	sdelay $0x1  }
0x2e1: {  	v4 =	vadd.s32 v1, v4;
	_ =	sdelay $0x4  }
0x2e2: {  	[tilespmem:s4], [sflag:$0x1] =	stream.indirect_vreg.gather [hbm4b:s1+s13], $0x80, v4, vm0, $0xb8;
	[tilespmem:$0x1C100] =	vst v63  }
0x2e3: {  	s26 =	simm.s32 $0x10900;
	v3 =	vperm.xlane v3, v2  }
0x2e4: {  	[tilespmem:s26], [sflag:$0x1] =	stream.indirect_vreg.gather [hbm4b:s7+s13], $0x80, v4, vm0, $0xb8;
	[tilespmem:$0x1C100] =	vst v63  }
0x2e5: {  	s28 =	simm.s32 $0x11100;
	v3 =	vadd.s32 v1, v3  }
0x2e6: {  	[tilespmem:s28], [sflag:$0x1] =	stream.indirect_vreg.gather [hbm4b:s8+s13], $0x80, v4, vm0, $0xb8;
	[tilespmem:$0x1C100] =	vst v63  }
0x2e7: {  	s29 =	simm.s32 $0x11900  }
0x2e8: {  	[tilespmem:s29], [sflag:$0x1] =	stream.indirect_vreg.gather [hbm4b:s9+s13], $0x80, v4, vm0, $0xb8;
	[tilespmem:$0x1C100] =	vst v63  }
0x2e9: {  	s12 =	simm.s32 $0x12100  }
0x2ea: {  	[tilespmem:s12], [sflag:$0x1] =	stream.indirect_vreg.gather [hbm4b:s1+s13], $0x80, v3, vm0, $0xb8;
	[tilespmem:$0x1C100] =	vst v63  }
0x2eb: {  	s14 =	simm.s32 $0x12900  }
0x2ec: {  	[tilespmem:s14], [sflag:$0x1] =	stream.indirect_vreg.gather [hbm4b:s7+s13], $0x80, v3, vm0, $0xb8;
	[tilespmem:$0x1C100] =	vst v63  }
0x2ed: {  	s15 =	simm.s32 $0x13100  }
0x2ee: {  	[tilespmem:s15], [sflag:$0x1] =	stream.indirect_vreg.gather [hbm4b:s8+s13], $0x80, v3, vm0, $0xb8;
	[tilespmem:$0x1C100] =	vst v63  }
0x2ef: {  	s26 =	simm.s32 $0x13900  }
0x2f0: {  	[tilespmem:s26], [sflag:$0x1] =	stream.indirect_vreg.gather [hbm4b:s9+s13], $0x80, v3, vm0, $0xb8;
	[tilespmem:$0x1C100] =	vst v63  }
0x2f1: {  	_ =	swait.ge [sflag:s0], $0x4000  }
0x2f2: {  	s28 =	sand.u32 $0x70, s13;
	s29 =	sand.u32 $0x1C00, s13;
	[sflag:s0] =	ssyncset.done $0x0  }
0x2f3: {  	s12 =	sor.u32 s28, s29;
	[sflag:s0] =	ssyncadd.s32 $0xFFFFC000  }
0x2f4: {  	v3 =	vld [tilespmem:s12+$0x8280]  }
0x2f5: {  	v4 =	vld [tilespmem:s12+$0x8100]  }
0x2f6: {  	v5 =	vld [tilespmem:s12+$0x8180]  }
0x2f7: {  	v6 =	vld [tilespmem:s12+$0x8200]  }
0x2f8: {  	v7 =	vld [tilespmem:s12+$0x8300]  }
0x2f9: {  	v10 =	vld [tilespmem:s12+$0x8400]  }
0x2fa: {  	v9 =	vld [tilespmem:s12+$0x8380]  }
0x2fb: {  	s6 =	simm.s32 $0x10;
	s26 =	sor.u32 s13, s13;
	v8 =	vld [tilespmem:s12+$0x400]  }
.LBB2_12:
0x2fc: {  	p0 =	sne.s32 s6, $0x3F0  }
0x2fd: {  	v11 =	vld [tilespmem:s12+$0x380];
	s13 =	sadd.s32 $0x80, s13;
	s15 =	smov.u32 s6;
	s6 =	sadd.s32 $0x10, s6  }
0x2fe: {  	s14 =	sor.u32 s15, s13;
	v12 =	vld [tilespmem:s12+$0x300]  }
0x2ff: {  	v13 =	vld [tilespmem:s12+$0x280];
	v10 =	vmul.f32 $3.200000000e+01, v10  }
0x300: {  	v14 =	vld [tilespmem:s12+$0x200];
	v9 =	vmul.f32 $3.200000000e+01, v9  }
0x301: {  	v7 =	vmul.f32 $3.200000000e+01, v7;
	v15 =	vld [tilespmem:s12+$0x180];
	v8 =	vadd.f32 v8, v10  }
0x302: {  	v3 =	vmul.f32 $3.200000000e+01, v3;
	v10 =	vld [tilespmem:s12+$0x100];
	v9 =	vadd.f32 v11, v9  }
0x303: {  	v6 =	vmul.f32 $3.200000000e+01, v6;
	v7 =	vadd.f32 v12, v7;
	[tilespmem:s12+$0x8400] =	vst v8  }
0x304: {  	v5 =	vmul.f32 $3.200000000e+01, v5;
	v3 =	vadd.f32 v13, v3;
	[tilespmem:s12+$0x8380] =	vst v9  }
0x305: {  	v4 =	vmul.f32 $3.200000000e+01, v4;
	v6 =	vadd.f32 v14, v6;
	[tilespmem:s12+$0x8300] =	vst v7  }
0x306: {  	v5 =	vadd.f32 v15, v5;
	[tilespmem:s12+$0x8280] =	vst v3  }
0x307: {  	v3 =	vadd.f32 v10, v4;
	[tilespmem:s12+$0x8200] =	vst v6  }
0x308: {  	[tilespmem:s12+$0x8180] =	vst v5  }
0x309: {  	s29 =	sor.u32 $0x380, s26;
	[tilespmem:s12+$0x8100] =	vst v3  }
0x30a: {  	v3 =	vld [tilespmem:s29+$0x8100]  }
0x30b: {  	s15 =	sand.u32 $0x70, s15;
	s28 =	sand.u32 $0x1C00, s13;
	v4 =	vld [tilespmem:s29+$0x100]  }
0x30c: {  	s28 =	sor.u32 s15, s28;
	_ =	sdelay $0x2  }
0x30d: {  	v3 =	vmul.f32 $3.200000000e+01, v3;
	_ =	sdelay $0x1  }
0x30e: {  	v3 =	vadd.f32 v4, v3;
	_ =	sdelay $0x1  }
0x30f: {  	[tilespmem:s29+$0x8100] =	vst v3  }
0x310: {  	v3 =	vld [tilespmem:s12+$0x2400]  }
0x311: {  	v4 =	vld [tilespmem:s12+$0x2380]  }
0x312: {  	v5 =	vld [tilespmem:s12+$0xA380]  }
0x313: {  	v6 =	vld [tilespmem:s12+$0xA400]  }
0x314: {  	v7 =	vld [tilespmem:s12+$0x2300]  }
0x315: {  	v8 =	vld [tilespmem:s12+$0x2180]  }
0x316: {  	v9 =	vld [tilespmem:s12+$0x2280]  }
0x317: {  	v10 =	vld [tilespmem:s12+$0xA280]  }
0x318: {  	v11 =	vld [tilespmem:s12+$0xA300];
	v6 =	vmul.f32 $3.200000000e+01, v6  }
0x319: {  	v12 =	vld [tilespmem:s12+$0xA180]  }
0x31a: {  	v13 =	vld [tilespmem:s12+$0xA200];
	v3 =	vadd.f32 v3, v6  }
0x31b: {  	v5 =	vmul.f32 $3.200000000e+01, v5;
	v6 =	vld [tilespmem:s12+$0xA100]  }
0x31c: {  	v14 =	vld [tilespmem:s12+$0x2200];
	v10 =	vmul.f32 $3.200000000e+01, v10;
	[tilespmem:s12+$0xA400] =	vst v3  }
0x31d: {  	v4 =	vadd.f32 v4, v5;
	v15 =	vld [tilespmem:s12+$0x2100];
	v11 =	vmul.f32 $3.200000000e+01, v11  }
0x31e: {  	v3 =	vld [tilespmem:s28+$0x8280];
	v5 =	vmul.f32 $3.200000000e+01, v12;
	v9 =	vadd.f32 v9, v10  }
0x31f: {  	v10 =	vmul.f32 $3.200000000e+01, v13;
	v7 =	vadd.f32 v7, v11;
	[tilespmem:s12+$0xA380] =	vst v4  }
0x320: {  	v4 =	vmul.f32 $3.200000000e+01, v6;
	v5 =	vadd.f32 v8, v5;
	[tilespmem:s12+$0xA280] =	vst v9  }
0x321: {  	v6 =	vadd.f32 v14, v10;
	[tilespmem:s12+$0xA300] =	vst v7  }
0x322: {  	v4 =	vadd.f32 v15, v4;
	[tilespmem:s12+$0xA180] =	vst v5  }
0x323: {  	[tilespmem:s12+$0xA200] =	vst v6  }
0x324: {  	s15 =	sor.u32 $0x2380, s26;
	s26 =	smov.u32 s14;
	[tilespmem:s12+$0xA100] =	vst v4;
	s12 =	smov.u32 s28  }
0x325: {  	v6 =	vld [tilespmem:s15+$0x8100]  }
0x326: {  	v8 =	vld [tilespmem:s15+$0x100];
	_ =	sdelay $0x2  }
0x327: {  	v4 =	vld [tilespmem:s12+$0x8100]  }
0x328: {  	v5 =	vld [tilespmem:s12+$0x8180];
	v9 =	vmul.f32 $3.200000000e+01, v6  }
.Ltmp5:
0x329: {  	v6 =	vld [tilespmem:s12+$0x8200];
	(pc) =	sbr.rel @p0 .LBB2_12-.Ltmp5, $4  }
0x32a: {  	v7 =	vld [tilespmem:s12+$0x8300];
	v8 =	vadd.f32 v8, v9  }
0x32b: {  	v10 =	vld [tilespmem:s12+$0x8400]  }
0x32c: {  	v9 =	vld [tilespmem:s12+$0x8380];
	[tilespmem:s15+$0x8100] =	vst v8  }
0x32d: {  	v8 =	vld [tilespmem:s12+$0x400]  }
0x32e: {  	v11 =	vld [tilespmem:s12+$0x380]  }
0x32f: {  	v12 =	vld [tilespmem:s12+$0x300]  }
0x330: {  	v13 =	vld [tilespmem:s12+$0x280];
	v10 =	vmul.f32 $3.200000000e+01, v10  }
0x331: {  	v14 =	vld [tilespmem:s12+$0x200];
	v9 =	vmul.f32 $3.200000000e+01, v9  }
0x332: {  	v15 =	vld [tilespmem:s12+$0x180];
	v7 =	vmul.f32 $3.200000000e+01, v7;
	v8 =	vadd.f32 v8, v10  }
0x333: {  	v3 =	vmul.f32 $3.200000000e+01, v3;
	v10 =	vld [tilespmem:s12+$0x100];
	v9 =	vadd.f32 v11, v9  }
0x334: {  	v6 =	vmul.f32 $3.200000000e+01, v6;
	v7 =	vadd.f32 v12, v7;
	[tilespmem:s12+$0x8400] =	vst v8  }
0x335: {  	v5 =	vmul.f32 $3.200000000e+01, v5;
	v3 =	vadd.f32 v13, v3;
	[tilespmem:s12+$0x8380] =	vst v9  }
0x336: {  	v4 =	vmul.f32 $3.200000000e+01, v4;
	v6 =	vadd.f32 v14, v6;
	[tilespmem:s12+$0x8300] =	vst v7  }
0x337: {  	v5 =	vadd.f32 v15, v5;
	[tilespmem:s12+$0x8280] =	vst v3  }
0x338: {  	[tilespmem:s12+$0x8200] =	vst v6;
	v3 =	vadd.f32 v10, v4  }
0x339: {  	[tilespmem:s12+$0x8180] =	vst v5  }
0x33a: {  	s6 =	sor.u32 $0x380, s26;
	[tilespmem:s12+$0x8100] =	vst v3  }
0x33b: {  	v3 =	vld [tilespmem:s6+$0x8100];
	_ =	sdelay $0x1  }
0x33c: {  	v4 =	vld [tilespmem:s6+$0x100];
	_ =	sdelay $0x2  }
0x33d: {  	v3 =	vmul.f32 $3.200000000e+01, v3;
	_ =	sdelay $0x1  }
0x33e: {  	v3 =	vadd.f32 v4, v3;
	_ =	sdelay $0x1  }
0x33f: {  	[tilespmem:s6+$0x8100] =	vst v3  }
0x340: {  	v3 =	vld [tilespmem:s12+$0x2400]  }
0x341: {  	v4 =	vld [tilespmem:s12+$0x2380]  }
0x342: {  	v5 =	vld [tilespmem:s12+$0xA380]  }
0x343: {  	v6 =	vld [tilespmem:s12+$0xA400]  }
0x344: {  	v7 =	vld [tilespmem:s12+$0x2300]  }
0x345: {  	v8 =	vld [tilespmem:s12+$0x2180]  }
0x346: {  	v9 =	vld [tilespmem:s12+$0x2280]  }
0x347: {  	v10 =	vld [tilespmem:s12+$0xA280]  }
0x348: {  	v11 =	vld [tilespmem:s12+$0xA300]  }
0x349: {  	v61 =	vld [tilespmem:s12+$0xA180];
	v6 =	vmul.f32 $3.200000000e+01, v6  }
0x34a: {  	v62 =	vld [tilespmem:s12+$0xA200]  }
0x34b: {  	v5 =	vmul.f32 $3.200000000e+01, v5;
	v3 =	vadd.f32 v3, v6;
	v6 =	vld [tilespmem:s12+$0xA100]  }
0x34c: {  	v63 =	vld [tilespmem:s12+$0x2200];
	v10 =	vmul.f32 $3.200000000e+01, v10  }
0x34d: {  	v11 =	vmul.f32 $3.200000000e+01, v11;
	v4 =	vadd.f32 v4, v5;
	[tilespmem:s12+$0xA400] =	vst v3;
	v3 =	vld [tilespmem:s12+$0x2100]  }
0x34e: {  	v5 =	vmul.f32 $3.200000000e+01, v61;
	v9 =	vadd.f32 v9, v10  }
0x34f: {  	v10 =	vmul.f32 $3.200000000e+01, v62;
	v7 =	vadd.f32 v7, v11;
	[tilespmem:s12+$0xA380] =	vst v4  }
0x350: {  	v5 =	vadd.f32 v8, v5;
	[tilespmem:s12+$0xA280] =	vst v9;
	v4 =	vmul.f32 $3.200000000e+01, v6  }
0x351: {  	[tilespmem:s12+$0xA300] =	vst v7;
	v6 =	vadd.f32 v63, v10  }
0x352: {  	[tilespmem:s12+$0xA180] =	vst v5;
	v3 =	vadd.f32 v3, v4  }
0x353: {  	[tilespmem:s12+$0xA200] =	vst v6  }
0x354: {  	s26 =	sor.u32 $0x2380, s26;
	[tilespmem:s12+$0xA100] =	vst v3  }
0x355: {  	v3 =	vld [tilespmem:s26+$0x8100];
	_ =	sdelay $0x1  }
0x356: {  	v4 =	vld [tilespmem:s26+$0x100];
	_ =	sdelay $0x2  }
0x357: {  	v3 =	vmul.f32 $3.200000000e+01, v3;
	_ =	sdelay $0x1  }
0x358: {  	v3 =	vadd.f32 v4, v3;
	_ =	sdelay $0x1  }
0x359: {  	s13 =	simm.s32 $0x0;
	[tilespmem:s26+$0x8100] =	vst v3  }
0x35a: {  	[hbm4b:s18+s13] =	stream.linear.scatter [tilespmem:s25], [sflag:$0x2], $0x4000, $0x38;
	[tilespmem:$0x1C100] =	vst v63  }
0x35b: {  	_ =	swait.ge [sflag:s30], $0x4000  }
0x35c: {  	[sflag:s30] =	ssyncset.done $0x0  }
0x35d: {  	[sflag:s30] =	ssyncadd.s32 $0xFFFFC000  }
0x35e: {  	_ =	swait.ge [sflag:s0], $0x4000  }
0x35f: {  	s28 =	sand.u32 $0x70, s13;
	s29 =	sand.u32 $0x1C00, s13;
	[sflag:s0] =	ssyncset.done $0x0  }
0x360: {  	s12 =	sor.u32 s28, s29;
	[sflag:s0] =	ssyncadd.s32 $0xFFFFC000  }
0x361: {  	v3 =	vld [tilespmem:s12+$0xC280]  }
0x362: {  	v4 =	vld [tilespmem:s12+$0xC100]  }
0x363: {  	v5 =	vld [tilespmem:s12+$0xC180]  }
0x364: {  	v6 =	vld [tilespmem:s12+$0xC200]  }
0x365: {  	v7 =	vld [tilespmem:s12+$0xC300]  }
0x366: {  	v10 =	vld [tilespmem:s12+$0xC400]  }
0x367: {  	v9 =	vld [tilespmem:s12+$0xC380]  }
0x368: {  	s6 =	simm.s32 $0x10;
	s26 =	sor.u32 s13, s13;
	v8 =	vld [tilespmem:s12+$0x4400]  }
.LBB2_14:
0x369: {  	p0 =	sne.s32 s6, $0x3F0  }
0x36a: {  	v11 =	vld [tilespmem:s12+$0x4380];
	s13 =	sadd.s32 $0x80, s13;
	s15 =	smov.u32 s6;
	s6 =	sadd.s32 $0x10, s6  }
0x36b: {  	s14 =	sor.u32 s15, s13;
	v12 =	vld [tilespmem:s12+$0x4300]  }
0x36c: {  	v13 =	vld [tilespmem:s12+$0x4280];
	v10 =	vmul.f32 $3.200000000e+01, v10  }
0x36d: {  	v14 =	vld [tilespmem:s12+$0x4200];
	v9 =	vmul.f32 $3.200000000e+01, v9  }
0x36e: {  	v7 =	vmul.f32 $3.200000000e+01, v7;
	v15 =	vld [tilespmem:s12+$0x4180];
	v8 =	vadd.f32 v8, v10  }
0x36f: {  	v3 =	vmul.f32 $3.200000000e+01, v3;
	v10 =	vld [tilespmem:s12+$0x4100];
	v9 =	vadd.f32 v11, v9  }
0x370: {  	v6 =	vmul.f32 $3.200000000e+01, v6;
	v7 =	vadd.f32 v12, v7;
	[tilespmem:s12+$0xC400] =	vst v8  }
0x371: {  	v5 =	vmul.f32 $3.200000000e+01, v5;
	v3 =	vadd.f32 v13, v3;
	[tilespmem:s12+$0xC380] =	vst v9  }
0x372: {  	v4 =	vmul.f32 $3.200000000e+01, v4;
	v6 =	vadd.f32 v14, v6;
	[tilespmem:s12+$0xC300] =	vst v7  }
0x373: {  	v5 =	vadd.f32 v15, v5;
	[tilespmem:s12+$0xC280] =	vst v3  }
0x374: {  	v3 =	vadd.f32 v10, v4;
	[tilespmem:s12+$0xC200] =	vst v6  }
0x375: {  	[tilespmem:s12+$0xC180] =	vst v5  }
0x376: {  	s29 =	sor.u32 $0x380, s26;
	[tilespmem:s12+$0xC100] =	vst v3  }
0x377: {  	v3 =	vld [tilespmem:s29+$0xC100]  }
0x378: {  	s15 =	sand.u32 $0x70, s15;
	s28 =	sand.u32 $0x1C00, s13;
	v4 =	vld [tilespmem:s29+$0x4100]  }
0x379: {  	s28 =	sor.u32 s15, s28;
	_ =	sdelay $0x2  }
0x37a: {  	v3 =	vmul.f32 $3.200000000e+01, v3;
	_ =	sdelay $0x1  }
0x37b: {  	v3 =	vadd.f32 v4, v3;
	_ =	sdelay $0x1  }
0x37c: {  	[tilespmem:s29+$0xC100] =	vst v3  }
0x37d: {  	v3 =	vld [tilespmem:s12+$0x6400]  }
0x37e: {  	v4 =	vld [tilespmem:s12+$0x6380]  }
0x37f: {  	v5 =	vld [tilespmem:s12+$0xE380]  }
0x380: {  	v6 =	vld [tilespmem:s12+$0xE400]  }
0x381: {  	v7 =	vld [tilespmem:s12+$0x6300]  }
0x382: {  	v8 =	vld [tilespmem:s12+$0x6180]  }
0x383: {  	v9 =	vld [tilespmem:s12+$0x6280]  }
0x384: {  	v10 =	vld [tilespmem:s12+$0xE280]  }
0x385: {  	v11 =	vld [tilespmem:s12+$0xE300];
	v6 =	vmul.f32 $3.200000000e+01, v6  }
0x386: {  	v12 =	vld [tilespmem:s12+$0xE180]  }
0x387: {  	v13 =	vld [tilespmem:s12+$0xE200];
	v3 =	vadd.f32 v3, v6  }
0x388: {  	v5 =	vmul.f32 $3.200000000e+01, v5;
	v6 =	vld [tilespmem:s12+$0xE100]  }
0x389: {  	v14 =	vld [tilespmem:s12+$0x6200];
	v10 =	vmul.f32 $3.200000000e+01, v10;
	[tilespmem:s12+$0xE400] =	vst v3  }
0x38a: {  	v4 =	vadd.f32 v4, v5;
	v15 =	vld [tilespmem:s12+$0x6100];
	v11 =	vmul.f32 $3.200000000e+01, v11  }
0x38b: {  	v3 =	vld [tilespmem:s28+$0xC280];
	v5 =	vmul.f32 $3.200000000e+01, v12;
	v9 =	vadd.f32 v9, v10  }
0x38c: {  	v10 =	vmul.f32 $3.200000000e+01, v13;
	v7 =	vadd.f32 v7, v11;
	[tilespmem:s12+$0xE380] =	vst v4  }
0x38d: {  	v4 =	vmul.f32 $3.200000000e+01, v6;
	v5 =	vadd.f32 v8, v5;
	[tilespmem:s12+$0xE280] =	vst v9  }
0x38e: {  	v6 =	vadd.f32 v14, v10;
	[tilespmem:s12+$0xE300] =	vst v7  }
0x38f: {  	v4 =	vadd.f32 v15, v4;
	[tilespmem:s12+$0xE180] =	vst v5  }
0x390: {  	[tilespmem:s12+$0xE200] =	vst v6  }
0x391: {  	s15 =	sor.u32 $0x2380, s26;
	s26 =	smov.u32 s14;
	[tilespmem:s12+$0xE100] =	vst v4;
	s12 =	smov.u32 s28  }
0x392: {  	v6 =	vld [tilespmem:s15+$0xC100]  }
0x393: {  	v8 =	vld [tilespmem:s15+$0x4100];
	_ =	sdelay $0x2  }
0x394: {  	v4 =	vld [tilespmem:s12+$0xC100]  }
0x395: {  	v5 =	vld [tilespmem:s12+$0xC180];
	v9 =	vmul.f32 $3.200000000e+01, v6  }
.Ltmp6:
0x396: {  	v6 =	vld [tilespmem:s12+$0xC200];
	(pc) =	sbr.rel @p0 .LBB2_14-.Ltmp6, $4  }
0x397: {  	v7 =	vld [tilespmem:s12+$0xC300];
	v8 =	vadd.f32 v8, v9  }
0x398: {  	v10 =	vld [tilespmem:s12+$0xC400]  }
0x399: {  	v9 =	vld [tilespmem:s12+$0xC380];
	[tilespmem:s15+$0xC100] =	vst v8  }
0x39a: {  	v8 =	vld [tilespmem:s12+$0x4400]  }
0x39b: {  	v11 =	vld [tilespmem:s12+$0x4380]  }
0x39c: {  	v12 =	vld [tilespmem:s12+$0x4300]  }
0x39d: {  	v13 =	vld [tilespmem:s12+$0x4280];
	v10 =	vmul.f32 $3.200000000e+01, v10  }
0x39e: {  	v14 =	vld [tilespmem:s12+$0x4200];
	v9 =	vmul.f32 $3.200000000e+01, v9  }
0x39f: {  	v15 =	vld [tilespmem:s12+$0x4180];
	v7 =	vmul.f32 $3.200000000e+01, v7;
	v8 =	vadd.f32 v8, v10  }
0x3a0: {  	v3 =	vmul.f32 $3.200000000e+01, v3;
	v10 =	vld [tilespmem:s12+$0x4100];
	v9 =	vadd.f32 v11, v9  }
0x3a1: {  	v6 =	vmul.f32 $3.200000000e+01, v6;
	v7 =	vadd.f32 v12, v7;
	[tilespmem:s12+$0xC400] =	vst v8  }
0x3a2: {  	v5 =	vmul.f32 $3.200000000e+01, v5;
	v3 =	vadd.f32 v13, v3;
	[tilespmem:s12+$0xC380] =	vst v9  }
0x3a3: {  	v4 =	vmul.f32 $3.200000000e+01, v4;
	v6 =	vadd.f32 v14, v6;
	[tilespmem:s12+$0xC300] =	vst v7  }
0x3a4: {  	v5 =	vadd.f32 v15, v5;
	[tilespmem:s12+$0xC280] =	vst v3  }
0x3a5: {  	[tilespmem:s12+$0xC200] =	vst v6;
	v3 =	vadd.f32 v10, v4  }
0x3a6: {  	[tilespmem:s12+$0xC180] =	vst v5  }
0x3a7: {  	s6 =	sor.u32 $0x380, s26;
	[tilespmem:s12+$0xC100] =	vst v3  }
0x3a8: {  	v3 =	vld [tilespmem:s6+$0xC100];
	_ =	sdelay $0x1  }
0x3a9: {  	v4 =	vld [tilespmem:s6+$0x4100];
	_ =	sdelay $0x2  }
0x3aa: {  	v3 =	vmul.f32 $3.200000000e+01, v3;
	_ =	sdelay $0x1  }
0x3ab: {  	v3 =	vadd.f32 v4, v3;
	_ =	sdelay $0x1  }
0x3ac: {  	[tilespmem:s6+$0xC100] =	vst v3  }
0x3ad: {  	v3 =	vld [tilespmem:s12+$0x6400]  }
0x3ae: {  	v4 =	vld [tilespmem:s12+$0x6380]  }
0x3af: {  	v5 =	vld [tilespmem:s12+$0xE380]  }
0x3b0: {  	v6 =	vld [tilespmem:s12+$0xE400]  }
0x3b1: {  	v7 =	vld [tilespmem:s12+$0x6300]  }
0x3b2: {  	v8 =	vld [tilespmem:s12+$0x6180]  }
0x3b3: {  	v9 =	vld [tilespmem:s12+$0x6280]  }
0x3b4: {  	v10 =	vld [tilespmem:s12+$0xE280]  }
0x3b5: {  	v11 =	vld [tilespmem:s12+$0xE300]  }
0x3b6: {  	v61 =	vld [tilespmem:s12+$0xE180];
	v6 =	vmul.f32 $3.200000000e+01, v6  }
0x3b7: {  	v62 =	vld [tilespmem:s12+$0xE200]  }
0x3b8: {  	v5 =	vmul.f32 $3.200000000e+01, v5;
	v3 =	vadd.f32 v3, v6;
	v6 =	vld [tilespmem:s12+$0xE100]  }
0x3b9: {  	v63 =	vld [tilespmem:s12+$0x6200];
	v10 =	vmul.f32 $3.200000000e+01, v10  }
0x3ba: {  	v11 =	vmul.f32 $3.200000000e+01, v11;
	v4 =	vadd.f32 v4, v5;
	[tilespmem:s12+$0xE400] =	vst v3;
	v3 =	vld [tilespmem:s12+$0x6100]  }
0x3bb: {  	v5 =	vmul.f32 $3.200000000e+01, v61;
	v9 =	vadd.f32 v9, v10  }
0x3bc: {  	v10 =	vmul.f32 $3.200000000e+01, v62;
	v7 =	vadd.f32 v7, v11;
	[tilespmem:s12+$0xE380] =	vst v4  }
0x3bd: {  	v5 =	vadd.f32 v8, v5;
	[tilespmem:s12+$0xE280] =	vst v9;
	v4 =	vmul.f32 $3.200000000e+01, v6  }
0x3be: {  	[tilespmem:s12+$0xE300] =	vst v7;
	v6 =	vadd.f32 v63, v10  }
0x3bf: {  	[tilespmem:s12+$0xE180] =	vst v5;
	v3 =	vadd.f32 v3, v4  }
0x3c0: {  	[tilespmem:s12+$0xE200] =	vst v6  }
0x3c1: {  	s26 =	sor.u32 $0x2380, s26;
	[tilespmem:s12+$0xE100] =	vst v3  }
0x3c2: {  	v3 =	vld [tilespmem:s26+$0xC100];
	_ =	sdelay $0x1  }
0x3c3: {  	v4 =	vld [tilespmem:s26+$0x4100];
	_ =	sdelay $0x2  }
0x3c4: {  	v3 =	vmul.f32 $3.200000000e+01, v3;
	_ =	sdelay $0x1  }
0x3c5: {  	v3 =	vadd.f32 v4, v3;
	_ =	sdelay $0x1  }
0x3c6: {  	s13 =	simm.s32 $0x0;
	[tilespmem:s26+$0xC100] =	vst v3  }
0x3c7: {  	[hbm4b:s19+s13] =	stream.linear.scatter [tilespmem:s23], [sflag:$0x2], $0x4000, $0x38;
	[tilespmem:$0x1C100] =	vst v63  }
0x3c8: {  	_ =	swait.ge [sflag:s0], $0x4000  }
0x3c9: {  	s28 =	sand.u32 $0x70, s13;
	s29 =	sand.u32 $0x1C00, s13;
	[sflag:s0] =	ssyncset.done $0x0  }
0x3ca: {  	s12 =	sor.u32 s28, s29;
	[sflag:s0] =	ssyncadd.s32 $0xFFFFC000  }
0x3cb: {  	v3 =	vld [tilespmem:s12+$0x10280]  }
0x3cc: {  	v4 =	vld [tilespmem:s12+$0x10100]  }
0x3cd: {  	v5 =	vld [tilespmem:s12+$0x10180]  }
0x3ce: {  	v6 =	vld [tilespmem:s12+$0x10200]  }
0x3cf: {  	v7 =	vld [tilespmem:s12+$0x10300]  }
0x3d0: {  	v10 =	vld [tilespmem:s12+$0x10400]  }
0x3d1: {  	v9 =	vld [tilespmem:s12+$0x10380]  }
0x3d2: {  	s6 =	simm.s32 $0x10;
	s26 =	sor.u32 s13, s13;
	v8 =	vld [tilespmem:s12+$0x4400]  }
.LBB2_16:
0x3d3: {  	p0 =	sne.s32 s6, $0x3F0  }
0x3d4: {  	v11 =	vld [tilespmem:s12+$0x4380];
	s13 =	sadd.s32 $0x80, s13;
	s15 =	smov.u32 s6;
	s6 =	sadd.s32 $0x10, s6  }
0x3d5: {  	s14 =	sor.u32 s15, s13;
	v12 =	vld [tilespmem:s12+$0x4300]  }
0x3d6: {  	v13 =	vld [tilespmem:s12+$0x4280];
	v10 =	vmul.f32 $3.200000000e+01, v10  }
0x3d7: {  	v14 =	vld [tilespmem:s12+$0x4200];
	v9 =	vmul.f32 $3.200000000e+01, v9  }
0x3d8: {  	v7 =	vmul.f32 $3.200000000e+01, v7;
	v15 =	vld [tilespmem:s12+$0x4180];
	v8 =	vadd.f32 v8, v10  }
0x3d9: {  	v3 =	vmul.f32 $3.200000000e+01, v3;
	v10 =	vld [tilespmem:s12+$0x4100];
	v9 =	vadd.f32 v11, v9  }
0x3da: {  	v6 =	vmul.f32 $3.200000000e+01, v6;
	v7 =	vadd.f32 v12, v7;
	[tilespmem:s12+$0x10400] =	vst v8  }
0x3db: {  	v5 =	vmul.f32 $3.200000000e+01, v5;
	v3 =	vadd.f32 v13, v3;
	[tilespmem:s12+$0x10380] =	vst v9  }
0x3dc: {  	v4 =	vmul.f32 $3.200000000e+01, v4;
	v6 =	vadd.f32 v14, v6;
	[tilespmem:s12+$0x10300] =	vst v7  }
0x3dd: {  	v5 =	vadd.f32 v15, v5;
	[tilespmem:s12+$0x10280] =	vst v3  }
0x3de: {  	v3 =	vadd.f32 v10, v4;
	[tilespmem:s12+$0x10200] =	vst v6  }
0x3df: {  	[tilespmem:s12+$0x10180] =	vst v5  }
0x3e0: {  	s29 =	sor.u32 $0x380, s26;
	[tilespmem:s12+$0x10100] =	vst v3  }
0x3e1: {  	v3 =	vld [tilespmem:s29+$0x10100]  }
0x3e2: {  	s15 =	sand.u32 $0x70, s15;
	s28 =	sand.u32 $0x1C00, s13;
	v4 =	vld [tilespmem:s29+$0x4100]  }
0x3e3: {  	s28 =	sor.u32 s15, s28;
	_ =	sdelay $0x2  }
0x3e4: {  	v3 =	vmul.f32 $3.200000000e+01, v3;
	_ =	sdelay $0x1  }
0x3e5: {  	v3 =	vadd.f32 v4, v3;
	_ =	sdelay $0x1  }
0x3e6: {  	[tilespmem:s29+$0x10100] =	vst v3  }
0x3e7: {  	v3 =	vld [tilespmem:s12+$0x6400]  }
0x3e8: {  	v4 =	vld [tilespmem:s12+$0x6380]  }
0x3e9: {  	v5 =	vld [tilespmem:s12+$0x12380]  }
0x3ea: {  	v6 =	vld [tilespmem:s12+$0x12400]  }
0x3eb: {  	v7 =	vld [tilespmem:s12+$0x6300]  }
0x3ec: {  	v8 =	vld [tilespmem:s12+$0x6180]  }
0x3ed: {  	v9 =	vld [tilespmem:s12+$0x6280]  }
0x3ee: {  	v10 =	vld [tilespmem:s12+$0x12280]  }
0x3ef: {  	v11 =	vld [tilespmem:s12+$0x12300];
	v6 =	vmul.f32 $3.200000000e+01, v6  }
0x3f0: {  	v12 =	vld [tilespmem:s12+$0x12180]  }
0x3f1: {  	v13 =	vld [tilespmem:s12+$0x12200];
	v3 =	vadd.f32 v3, v6  }
0x3f2: {  	v5 =	vmul.f32 $3.200000000e+01, v5;
	v6 =	vld [tilespmem:s12+$0x12100]  }
0x3f3: {  	v14 =	vld [tilespmem:s12+$0x6200];
	v10 =	vmul.f32 $3.200000000e+01, v10;
	[tilespmem:s12+$0x12400] =	vst v3  }
0x3f4: {  	v4 =	vadd.f32 v4, v5;
	v15 =	vld [tilespmem:s12+$0x6100];
	v11 =	vmul.f32 $3.200000000e+01, v11  }
0x3f5: {  	v3 =	vld [tilespmem:s28+$0x10280];
	v5 =	vmul.f32 $3.200000000e+01, v12;
	v9 =	vadd.f32 v9, v10  }
0x3f6: {  	v10 =	vmul.f32 $3.200000000e+01, v13;
	v7 =	vadd.f32 v7, v11;
	[tilespmem:s12+$0x12380] =	vst v4  }
0x3f7: {  	v4 =	vmul.f32 $3.200000000e+01, v6;
	v5 =	vadd.f32 v8, v5;
	[tilespmem:s12+$0x12280] =	vst v9  }
0x3f8: {  	v6 =	vadd.f32 v14, v10;
	[tilespmem:s12+$0x12300] =	vst v7  }
0x3f9: {  	v4 =	vadd.f32 v15, v4;
	[tilespmem:s12+$0x12180] =	vst v5  }
0x3fa: {  	[tilespmem:s12+$0x12200] =	vst v6  }
0x3fb: {  	s15 =	sor.u32 $0x2380, s26;
	s26 =	smov.u32 s14;
	[tilespmem:s12+$0x12100] =	vst v4;
	s12 =	smov.u32 s28  }
0x3fc: {  	v6 =	vld [tilespmem:s15+$0x10100]  }
0x3fd: {  	v8 =	vld [tilespmem:s15+$0x4100];
	_ =	sdelay $0x2  }
0x3fe: {  	v4 =	vld [tilespmem:s12+$0x10100]  }
0x3ff: {  	v5 =	vld [tilespmem:s12+$0x10180];
	v9 =	vmul.f32 $3.200000000e+01, v6  }
.Ltmp7:
0x400: {  	v6 =	vld [tilespmem:s12+$0x10200];
	(pc) =	sbr.rel @p0 .LBB2_16-.Ltmp7, $4  }
0x401: {  	v7 =	vld [tilespmem:s12+$0x10300];
	v8 =	vadd.f32 v8, v9  }
0x402: {  	v10 =	vld [tilespmem:s12+$0x10400]  }
0x403: {  	v9 =	vld [tilespmem:s12+$0x10380];
	[tilespmem:s15+$0x10100] =	vst v8  }
0x404: {  	v8 =	vld [tilespmem:s12+$0x4400]  }
0x405: {  	v11 =	vld [tilespmem:s12+$0x4380]  }
0x406: {  	v12 =	vld [tilespmem:s12+$0x4300]  }
0x407: {  	v13 =	vld [tilespmem:s12+$0x4280];
	v10 =	vmul.f32 $3.200000000e+01, v10  }
0x408: {  	v14 =	vld [tilespmem:s12+$0x4200];
	v9 =	vmul.f32 $3.200000000e+01, v9  }
0x409: {  	v15 =	vld [tilespmem:s12+$0x4180];
	v7 =	vmul.f32 $3.200000000e+01, v7;
	v8 =	vadd.f32 v8, v10  }
0x40a: {  	v45 =	vld [tilespmem:s12+$0x4100];
	v3 =	vmul.f32 $3.200000000e+01, v3;
	v9 =	vadd.f32 v11, v9  }
0x40b: {  	v6 =	vmul.f32 $3.200000000e+01, v6;
	v7 =	vadd.f32 v12, v7;
	[tilespmem:s12+$0x10400] =	vst v8  }
0x40c: {  	v5 =	vmul.f32 $3.200000000e+01, v5;
	v3 =	vadd.f32 v13, v3;
	[tilespmem:s12+$0x10380] =	vst v9  }
0x40d: {  	v4 =	vmul.f32 $3.200000000e+01, v4;
	v6 =	vadd.f32 v14, v6;
	[tilespmem:s12+$0x10300] =	vst v7  }
0x40e: {  	v5 =	vadd.f32 v15, v5;
	[tilespmem:s12+$0x10280] =	vst v3  }
0x40f: {  	v3 =	vadd.f32 v45, v4;
	[tilespmem:s12+$0x10200] =	vst v6  }
0x410: {  	[tilespmem:s12+$0x10180] =	vst v5  }
0x411: {  	s6 =	sor.u32 $0x380, s26;
	[tilespmem:s12+$0x10100] =	vst v3  }
0x412: {  	v3 =	vld [tilespmem:s6+$0x10100];
	_ =	sdelay $0x1  }
0x413: {  	v46 =	vld [tilespmem:s6+$0x4100];
	_ =	sdelay $0x2  }
0x414: {  	v3 =	vmul.f32 $3.200000000e+01, v3;
	_ =	sdelay $0x1  }
0x415: {  	v3 =	vadd.f32 v46, v3;
	_ =	sdelay $0x1  }
0x416: {  	[tilespmem:s6+$0x10100] =	vst v3  }
0x417: {  	v3 =	vld [tilespmem:s12+$0x6400]  }
0x418: {  	v47 =	vld [tilespmem:s12+$0x6380]  }
0x419: {  	v48 =	vld [tilespmem:s12+$0x12380]  }
0x41a: {  	v49 =	vld [tilespmem:s12+$0x12400]  }
0x41b: {  	v50 =	vld [tilespmem:s12+$0x6300]  }
0x41c: {  	v51 =	vld [tilespmem:s12+$0x6180]  }
0x41d: {  	v52 =	vld [tilespmem:s12+$0x6280]  }
0x41e: {  	v53 =	vld [tilespmem:s12+$0x12280]  }
0x41f: {  	v54 =	vld [tilespmem:s12+$0x12300]  }
0x420: {  	v55 =	vld [tilespmem:s12+$0x12180];
	v6 =	vmul.f32 $3.200000000e+01, v49  }
0x421: {  	v56 =	vld [tilespmem:s12+$0x12200]  }
0x422: {  	v57 =	vld [tilespmem:s12+$0x12100];
	v5 =	vmul.f32 $3.200000000e+01, v48;
	v3 =	vadd.f32 v3, v6  }
0x423: {  	v58 =	vld [tilespmem:s12+$0x6200];
	v10 =	vmul.f32 $3.200000000e+01, v53  }
0x424: {  	v11 =	vmul.f32 $3.200000000e+01, v54;
	v4 =	vadd.f32 v47, v5;
	[tilespmem:s12+$0x12400] =	vst v3;
	v3 =	vld [tilespmem:s12+$0x6100]  }
0x425: {  	v59 =	vmul.f32 $3.200000000e+01, v55;
	v9 =	vadd.f32 v52, v10  }
0x426: {  	v60 =	vmul.f32 $3.200000000e+01, v56;
	v7 =	vadd.f32 v50, v11;
	[tilespmem:s12+$0x12380] =	vst v4  }
0x427: {  	v61 =	vmul.f32 $3.200000000e+01, v57;
	v5 =	vadd.f32 v51, v59;
	[tilespmem:s12+$0x12280] =	vst v9  }
0x428: {  	v62 =	vadd.f32 v58, v60;
	[tilespmem:s12+$0x12300] =	vst v7  }
0x429: {  	[tilespmem:s12+$0x12180] =	vst v5;
	v3 =	vadd.f32 v3, v61  }
0x42a: {  	[tilespmem:s12+$0x12200] =	vst v62  }
0x42b: {  	s29 =	sor.u32 $0x2380, s26;
	[tilespmem:s12+$0x12100] =	vst v3  }
0x42c: {  	v3 =	vld [tilespmem:s29+$0x10100];
	_ =	sdelay $0x1  }
0x42d: {  	v63 =	vld [tilespmem:s29+$0x4100];
	_ =	sdelay $0x2  }
0x42e: {  	v3 =	vmul.f32 $3.200000000e+01, v3;
	_ =	sdelay $0x1  }
0x42f: {  	v3 =	vadd.f32 v63, v3;
	_ =	sdelay $0x1  }
0x430: {  	[tilespmem:s29+$0x10100] =	vst v3  }
0x431: {  	[hbm4b:s20+s3] =	stream.linear.scatter [tilespmem:s4], [sflag:$0x2], $0x4000, $0x38;
	[tilespmem:$0x1C100] =	vst v63  }
0x432: {  	_ =	swait.ge [sflag:s24], $0x4000  }
0x433: {  	[sflag:s24] =	ssyncset.done $0x0  }
0x434: {  	[sflag:s24] =	ssyncadd.s32 $0xFFFFC000  }
0x435: {  	_ =	swait.ge [sflag:s24], $0x4000  }
0x436: {  	[sflag:s24] =	ssyncset.done $0x0  }
0x437: {  	[sflag:s24] =	ssyncadd.s32 $0xFFFFC000  }
0x438: {  	_ =	swait.ge [sflag:s24], $0x4000  }
0x439: {  	[sflag:s24] =	ssyncset.done $0x0  }
0x43a: {  	s5 =	sadd.s32 $0x1, s5;
	[sflag:s24] =	ssyncadd.s32 $0xFFFFC000  }
0x43b: {  	p0 =	sne.s32 s5, s21;
	_ =	swait.ge [sflag:s24], $0x4000  }
.Ltmp8:
0x43c: {  	[sflag:s24] =	ssyncset.done $0x0;
	(pc) =	sbr.rel @p0 .LBB2_1-.Ltmp8, $4  }
0x43d: {  	[sflag:s24] =	ssyncadd.s32 $0xFFFFC000  }
0x43e: {  	_ =	swait.ge [sflag:s24], $0x4000  }
0x43f: {  	[sflag:s24] =	ssyncset.done $0x0  }
0x440: {  	[sflag:s24] =	ssyncadd.s32 $0xFFFFC000  }
0x441: {  	_ =	sfence.sel $0x180000  }
0x442: {  	[bflag:$0x0] =	sbarrier.arrive $0xFFFF  }
0x443: {  	_ =	strace $0x90000047  }
0x444: {  	s0 =	stileid.u32;
	[bflag:$0x2] =	sbarrier.arrive $0xFFFF  }
0x445: {  	p0 =	sne.s32 s0, $0x0;
	s0 =	rddreg [dreg:$0x4]  }
0x446: {  	s0 =	sadd.s32 @!p0 $0x100000, s0  }
0x447: {  	[sflag:s0] =	ssyncadd.tile.s32 @!p0 $0x1;
	_ =	shalt  }
.Lfunc_end2:
_tile_overlayer_lowered:
.L_overlay_start_2:
0x448: {  	(tag) =	ssettag $0x2  }
0x449: {  	s0 =	rddreg [dreg:$0x0];
	s2 =	stileid.u32  }
0x44a: {  	s1 =	rddreg [dreg:$0x1];
	p0 =	sne.s32 s2, $0x0  }
0x44b: {  	s3 =	rddreg [dreg:$0x2];
	[bflag:$0x3] =	sbarrier.arrive $0xFFFF;
	s2 =	simm.s32 @!p0 $0x1C04  }
0x44c: {  	[timem:s3], [sflag:s2] =	dma.local @!p0 [hbm:s0], s1  }
0x44d: {  	s0 =	simm.s32 @!p0 $0x4  }
0x44e: {  	_ =	swait.ge @!p0 [sflag:s0], s1  }
0x44f: {  	s1 =	ssub.s32 @!p0 $0x0, s1;
	[sflag:s0] =	ssyncset.done @!p0 $0x0  }
0x450: {  	[sflag:s0] =	ssyncadd.s32 @!p0 s1  }
0x451: {  	[bflag:$0x3] =	sbarrier.arrive $0xFFFF  }
0x452: {  	_ =	shalt  }

</sc_bundles>
